<compile_context>
chip_gen: v7x
topology: tpu7x:2x2x1
jax: 0.10.2.dev20260603
libtpu: 0.0.44.dev20260713+nightly
codegen_flags: <defaults>
</compile_context>

<pallas_src>
import jax
import jax.numpy as jnp
from jax import lax
from jax.experimental import pallas as pl
from jax.experimental.pallas import tpu as pltpu
from jax.experimental.pallas import tpu_sc as plsc

N = 10000
E = 160000
D = 256
H = 512

NPAD = 10240
CB = 128
NCB = H // CB
NCH = 1280
JCH = NCH // 16
JHALF = JCH // 2
EPAD = NCH * 128
ROWS_PER_TILE = NPAD // 16
EPS = 1e-5


def _gelu(v):
    return 0.5 * v * (1.0 + lax.erf(v * 0.7071067811865476))


def _hist_body(edges, hout, idxbuf, ones_v, zrow_v, hist_sh):
    c = lax.axis_index("c")
    s = lax.axis_index("s")
    for k in range(8):
        ones_v[pl.ds(16 * k, 16)] = jnp.ones((16,), jnp.float32)

    def zr(i, carry):
        zrow_v[pl.ds(16 * i, 16)] = jnp.zeros((16,), jnp.float32)
        return carry

    lax.fori_loop(0, ROWS_PER_TILE // 16, zr, 0)
    pltpu.sync_copy(zrow_v, hist_sh.at[pl.ds(s * ROWS_PER_TILE, ROWS_PER_TILE)])
    pltpu.sync_copy(edges.at[c, pl.ds(s * JCH, JCH), :], idxbuf)
    plsc.subcore_barrier()

    def chunk(j, carry):
        pltpu.sync_copy(ones_v, hist_sh.at[idxbuf.at[j]], add=True)
        return carry

    nj = jnp.where(s == 15, JCH - (EPAD - E) // 128, JCH)
    lax.fori_loop(0, nj, chunk, 0)
    plsc.subcore_barrier()
    pltpu.sync_copy(
        hist_sh.at[pl.ds(s * ROWS_PER_TILE, ROWS_PER_TILE)],
        hout.at[c, pl.ds(s * ROWS_PER_TILE, ROWS_PER_TILE)],
    )


def _sc_hist(edges):
    mesh = plsc.VectorSubcoreMesh(core_axis_name="c", subcore_axis_name="s")
    fn = pl.kernel(
        _hist_body,
        out_type=jax.ShapeDtypeStruct((2, NPAD), jnp.float32),
        mesh=mesh,
        scratch_types=[
            pltpu.VMEM((JCH, 128), jnp.int32),
            pltpu.VMEM((128,), jnp.float32),
            pltpu.VMEM((ROWS_PER_TILE,), jnp.float32),
            pltpu.VMEM_SHARED((NPAD,), jnp.float32),
        ],
    )
    return fn(edges)


def _seg_body(z0, z1, z2, z3, edges, o0, o1, o2, o3,
              dstbuf, srcbuf, rows_a, rows_b, zb, accsh,
              sem_a1, sem_a2, sem_b1, sem_b2, sem_c, sem_d):
    c = lax.axis_index("c")
    s = lax.axis_index("s")

    def zr(i, carry):
        for k in range(8):
            zb[i, pl.ds(16 * k, 16)] = jnp.zeros((16,), jnp.float32)
        return carry

    lax.fori_loop(0, zb.shape[0], zr, 0)

    def do_block(z_ref, o_ref):
        for k in range(ROWS_PER_TILE // zb.shape[0]):
            pltpu.sync_copy(
                zb,
                accsh.at[pl.ds(s * ROWS_PER_TILE + k * zb.shape[0],
                               zb.shape[0]), :])
        plsc.subcore_barrier()

        def gather2(j, rows, s1, s2):
            pltpu.async_copy(
                z_ref.at[srcbuf.at[j, pl.ds(0, 64)]],
                rows.at[pl.ds(0, 64), :], s1)
            pltpu.async_copy(
                z_ref.at[srcbuf.at[j, pl.ds(64, 64)]],
                rows.at[pl.ds(64, 64), :], s2)

        def wait2(j, rows, s1, s2):
            pltpu.make_async_copy(
                z_ref.at[srcbuf.at[j, pl.ds(0, 64)]],
                rows.at[pl.ds(0, 64), :], s1).wait()
            pltpu.make_async_copy(
                z_ref.at[srcbuf.at[j, pl.ds(64, 64)]],
                rows.at[pl.ds(64, 64), :], s2).wait()

        for half in range(2):
            base = s * JCH + half * JHALF
            pltpu.sync_copy(edges.at[0, pl.ds(base, JHALF), :], dstbuf)
            pltpu.sync_copy(edges.at[1, pl.ds(base, JHALF), :], srcbuf)
            gather2(0, rows_a, sem_a1, sem_a2)

            def step(j, carry):
                @pl.when(j % 2 == 0)
                def _():
                    wait2(j, rows_a, sem_a1, sem_a2)

                    @pl.when(j + 1 < JHALF)
                    def _():
                        @pl.when(j > 0)
                        def _():
                            pltpu.make_async_copy(
                                rows_b, accsh.at[dstbuf.at[j - 1]],
                                sem_d).wait()

                        gather2(j + 1, rows_b, sem_b1, sem_b2)

                    pltpu.async_copy(
                        rows_a, accsh.at[dstbuf.at[j]], sem_c, add=True)

                @pl.when(j % 2 == 1)
                def _():
                    wait2(j, rows_b, sem_b1, sem_b2)

                    @pl.when(j + 1 < JHALF)
                    def _():
                        pltpu.make_async_copy(
                            rows_a, accsh.at[dstbuf.at[j - 1]], sem_c).wait()

                        gather2(j + 1, rows_a, sem_a1, sem_a2)

                    pltpu.async_copy(
                        rows_b, accsh.at[dstbuf.at[j]], sem_d, add=True)

                return carry

            lax.fori_loop(0, JHALF, step, 0)
            pltpu.make_async_copy(
                rows_a, accsh.at[dstbuf.at[JHALF - 2]], sem_c).wait()
            pltpu.make_async_copy(
                rows_b, accsh.at[dstbuf.at[JHALF - 1]], sem_d).wait()
        plsc.subcore_barrier()
        pltpu.sync_copy(
            accsh.at[pl.ds(s * ROWS_PER_TILE, ROWS_PER_TILE), :],
            o_ref.at[pl.ds(s * ROWS_PER_TILE, ROWS_PER_TILE), :],
        )

    @pl.when(c == 0)
    def _():
        do_block(z0, o0)
        do_block(z1, o1)

    @pl.when(c == 1)
    def _():
        do_block(z2, o2)
        do_block(z3, o3)


def _sc_segsum(zs, edges):
    mesh = plsc.VectorSubcoreMesh(core_axis_name="c", subcore_axis_name="s")
    fn = pl.kernel(
        _seg_body,
        out_type=[jax.ShapeDtypeStruct((NPAD, CB), jnp.float32)] * NCB,
        mesh=mesh,
        scratch_types=[
            pltpu.VMEM((JHALF, 128), jnp.int32),
            pltpu.VMEM((JHALF, 128), jnp.int32),
            pltpu.VMEM((128, CB), jnp.float32),
            pltpu.VMEM((128, CB), jnp.float32),
            pltpu.VMEM((32, CB), jnp.float32),
            pltpu.VMEM_SHARED((NPAD, CB), jnp.float32),
            pltpu.SemaphoreType.DMA,
            pltpu.SemaphoreType.DMA,
            pltpu.SemaphoreType.DMA,
            pltpu.SemaphoreType.DMA,
            pltpu.SemaphoreType.DMA,
            pltpu.SemaphoreType.DMA,
        ],
    )
    return fn(zs[0], zs[1], zs[2], zs[3], edges)


def _stats_body(x_ref, cnt_ref, out_ref):
    i = pl.program_id(0)
    xb = x_ref[...]
    cb = cnt_ref[...]
    xsq = xb * xb
    s_w = jnp.sum(xb * cb, axis=0, keepdims=True)
    s_wq = jnp.sum(xsq * cb, axis=0, keepdims=True)
    s_u = jnp.sum(xb, axis=0, keepdims=True)
    s_uq = jnp.sum(xsq, axis=0, keepdims=True)
    blk = jnp.concatenate(
        [s_w, s_wq, s_u, s_uq, jnp.zeros((4, D), jnp.float32)], axis=0)

    @pl.when(i == 0)
    def _():
        out_ref[...] = blk

    @pl.when(i > 0)
    def _():
        out_ref[...] += blk


def _tc_stats(x, cnt_src):
    rb = 1000
    return pl.pallas_call(
        _stats_body,
        grid=(N // rb,),
        in_specs=[
            pl.BlockSpec((rb, D), lambda i: (i, 0)),
            pl.BlockSpec((rb, 1), lambda i: (i, 0)),
        ],
        out_specs=pl.BlockSpec((8, D), lambda i: (0, 0)),
        out_shape=jax.ShapeDtypeStruct((8, D), jnp.float32),
    )(x, cnt_src)


def _z_body(x_ref, st_ref, w1_ref, b1_ref, g1_ref, be1_ref,
            z0_ref, z1_ref, z2_ref, z3_ref):
    inv_e = 1.0 / E
    mu = st_ref[0:1, :] * inv_e
    var = st_ref[1:2, :] * inv_e - mu * mu
    sc = g1_ref[...] * lax.rsqrt(var + EPS)
    sh = be1_ref[...] - mu * sc
    xn = x_ref[...] * sc + sh
    zz = jnp.dot(xn, w1_ref[...], preferred_element_type=jnp.float32)
    zz = _gelu(zz + b1_ref[...])
    z0_ref[...] = zz[:, 0:128]
    z1_ref[...] = zz[:, 128:256]
    z2_ref[...] = zz[:, 256:384]
    z3_ref[...] = zz[:, 384:512]


def _tc_z(x, stats, w1, b1, g1, be1):
    rb = 1000
    zspec = pl.BlockSpec((rb, CB), lambda i: (i, 0))
    return pl.pallas_call(
        _z_body,
        grid=(N // rb,),
        in_specs=[
            pl.BlockSpec((rb, D), lambda i: (i, 0)),
            pl.BlockSpec((8, D), lambda i: (0, 0)),
            pl.BlockSpec((D, H), lambda i: (0, 0)),
            pl.BlockSpec((1, H), lambda i: (0, 0)),
            pl.BlockSpec((1, D), lambda i: (0, 0)),
            pl.BlockSpec((1, D), lambda i: (0, 0)),
        ],
        out_specs=[zspec] * NCB,
        out_shape=[jax.ShapeDtypeStruct((N, CB), jnp.float32)] * NCB,
    )(x, stats, w1, b1, g1, be1)


def _aggstats_body(s0_ref, s1_ref, s2_ref, s3_ref, cnt_ref, out_ref):
    i = pl.program_id(0)
    inv = 1.0 / jnp.maximum(cnt_ref[...], 1.0)
    sums = []
    sqs = []
    for ref in (s0_ref, s1_ref, s2_ref, s3_ref):
        aggb = ref[...] * inv
        sums.append(jnp.sum(aggb, axis=0, keepdims=True))
        sqs.append(jnp.sum(aggb * aggb, axis=0, keepdims=True))
    blk = jnp.concatenate(
        [jnp.concatenate(sums, axis=1),
         jnp.concatenate(sqs, axis=1),
         jnp.zeros((6, H), jnp.float32)], axis=0)

    @pl.when(i == 0)
    def _():
        out_ref[...] = blk

    @pl.when(i > 0)
    def _():
        out_ref[...] += blk


def _tc_aggstats(summed, cnt_dst):
    rb = 1000
    sspec = pl.BlockSpec((rb, CB), lambda i: (i, 0))
    return pl.pallas_call(
        _aggstats_body,
        grid=(N // rb,),
        in_specs=[sspec] * NCB + [pl.BlockSpec((rb, 1), lambda i: (i, 0))],
        out_specs=pl.BlockSpec((8, H), lambda i: (0, 0)),
        out_shape=jax.ShapeDtypeStruct((8, H), jnp.float32),
    )(*summed, cnt_dst)


def _final_body(x_ref, s0_ref, s1_ref, s2_ref, s3_ref, cnt_ref,
                stx_ref, sta_ref, w2_ref, b2_ref, g2_ref, be2_ref, out_ref):
    inv_n = 1.0 / N
    mu_x = stx_ref[2:3, :] * inv_n
    var_x = stx_ref[3:4, :] * inv_n - mu_x * mu_x
    sx = g2_ref[:, 0:D] * lax.rsqrt(var_x + EPS)
    tx = be2_ref[:, 0:D] - mu_x * sx
    mu_a = sta_ref[0:1, :] * inv_n
    var_a = sta_ref[1:2, :] * inv_n - mu_a * mu_a
    sa = g2_ref[:, D:D + H] * lax.rsqrt(var_a + EPS)
    ta = be2_ref[:, D:D + H] - mu_a * sa

    xn = x_ref[...] * sx + tx
    acc = jnp.dot(xn, w2_ref[0:D, :], preferred_element_type=jnp.float32)
    inv = 1.0 / jnp.maximum(cnt_ref[...], 1.0)
    for cbi, ref in enumerate((s0_ref, s1_ref, s2_ref, s3_ref)):
        lo = cbi * CB
        aggn = ref[...] * inv * sa[:, lo:lo + CB] + ta[:, lo:lo + CB]
        acc += jnp.dot(aggn, w2_ref[D + lo:D + lo + CB, :],
                       preferred_element_type=jnp.float32)
    out_ref[...] = _gelu(acc + b2_ref[...])


def _tc_final(x, summed, cnt_dst, stats_x, stats_a, w2, b2, g2, be2):
    rb = 1000
    sspec = pl.BlockSpec((rb, CB), lambda i: (i, 0))
    return pl.pallas_call(
        _final_body,
        grid=(N // rb,),
        in_specs=[
            pl.BlockSpec((rb, D), lambda i: (i, 0)),
            sspec, sspec, sspec, sspec,
            pl.BlockSpec((rb, 1), lambda i: (i, 0)),
            pl.BlockSpec((8, D), lambda i: (0, 0)),
            pl.BlockSpec((8, H), lambda i: (0, 0)),
            pl.BlockSpec((D + H, H), lambda i: (0, 0)),
            pl.BlockSpec((1, H), lambda i: (0, 0)),
            pl.BlockSpec((1, D + H), lambda i: (0, 0)),
            pl.BlockSpec((1, D + H), lambda i: (0, 0)),
        ],
        out_specs=pl.BlockSpec((rb, H), lambda i: (i, 0)),
        out_shape=jax.ShapeDtypeStruct((N, H), jnp.float32),
    )(x, *summed, cnt_dst, stats_x, stats_a, w2, b2, g2, be2)


def kernel(x, edge_index, bn1_gamma, bn1_beta, W1, b1, bn2_gamma, bn2_beta,
           W2, b2):
    assert x.shape == (N, D) and edge_index.shape == (2, E)

    pe = EPAD - E
    pad = jnp.stack([jnp.full((pe,), NPAD - 1, jnp.int32),
                     (jnp.arange(pe, dtype=jnp.int32) * 64) % N])
    edges = jnp.concatenate([edge_index, pad], axis=1).reshape(2, NCH, 128)

    hist = _sc_hist(edges)
    cnt_dst = hist[0].reshape(NPAD, 1)
    cnt_src = hist[1, :N].reshape(N, 1)

    stats_x = _tc_stats(x, cnt_src)
    zs = _tc_z(x, stats_x, W1, b1.reshape(1, H),
               bn1_gamma.reshape(1, D), bn1_beta.reshape(1, D))
    summed = _sc_segsum(zs, edges)
    stats_a = _tc_aggstats(summed, cnt_dst)
    out = _tc_final(x, summed, cnt_dst, stats_x, stats_a, W2,
                    b2.reshape(1, H), bn2_gamma.reshape(1, D + H),
                    bn2_beta.reshape(1, D + H))
    return out

# --- scband reference (transcript-rebuilt; emitter-appended) ---
"""Pipeline reference for scband-graph-conv-layer-78915729097324 (READ-ONLY COPY).

The authoritative reference and input builder live on the scoring server;
editing this copy changes nothing except your own understanding.
"""

import jax, jax.numpy as jnp
import numpy as np

N = 10000
E = 160000
D = 256
H = 512


def setup_inputs(seed: int = 0) -> dict:
    key = jax.random.key(seed)
    ks = jax.random.split(key, 8)
    x = jax.random.normal(ks[0], (N, D), dtype=jnp.float32)
    edge_index = jax.random.randint(ks[1], (2, E), 0, N, dtype=jnp.int32)
    # ffn_prepare params: LazyBatchNorm1d(D) -> Dropout -> LazyLinear(D->H) -> GELU
    bn1_gamma = jnp.ones((D,), dtype=jnp.float32)
    bn1_beta = jnp.zeros((D,), dtype=jnp.float32)
    W1 = jax.random.normal(ks[2], (D, H), dtype=jnp.float32) * (1.0 / np.sqrt(D))
    b1 = jnp.zeros((H,), dtype=jnp.float32)
    # update_fn params: input is concat([x, agg]) with dim D+H
    bn2_gamma = jnp.ones((D + H,), dtype=jnp.float32)
    bn2_beta = jnp.zeros((D + H,), dtype=jnp.float32)
    W2 = jax.random.normal(ks[3], (D + H, H), dtype=jnp.float32) * (1.0 / np.sqrt(D + H))
    b2 = jnp.zeros((H,), dtype=jnp.float32)
    return {
        "x": x,
        "edge_index": edge_index,
        "bn1_gamma": bn1_gamma,
        "bn1_beta": bn1_beta,
        "W1": W1,
        "b1": b1,
        "bn2_gamma": bn2_gamma,
        "bn2_beta": bn2_beta,
        "W2": W2,
        "b2": b2,
    }


def _batchnorm(h, gamma, beta, eps=1e-5):
    # training-mode BatchNorm1d: biased batch statistics over dim 0
    mu = jnp.mean(h, axis=0)
    var = jnp.mean((h - mu) ** 2, axis=0)
    return (h - mu) / jnp.sqrt(var + eps) * gamma + beta


def reference(x, edge_index, bn1_gamma, bn1_beta, W1, b1, bn2_gamma, bn2_beta, W2, b2):
    node_idx = edge_index[0]
    nbr_idx = edge_index[1]
    # gather neighbour representations
    nbr = jnp.take(x, nbr_idx, axis=0)
    # prepare: BN -> (Dropout, identity in eval) -> Linear -> GELU
    h = _batchnorm(nbr, bn1_gamma, bn1_beta)
    msg = jax.nn.gelu(h @ W1 + b1, approximate=False)
    # aggregate: scatter_mean over destination nodes
    summed = jax.ops.segment_sum(msg, node_idx, num_segments=N)
    cnt = jax.ops.segment_sum(jnp.ones((E,), dtype=msg.dtype), node_idx, num_segments=N)
    agg = summed / jnp.maximum(cnt, 1.0)[:, None]
    # update: concat -> BN -> Linear -> GELU
    hcat = jnp.concatenate([x, agg], axis=1)
    h2 = _batchnorm(hcat, bn2_gamma, bn2_beta)
    out = jax.nn.gelu(h2 @ W2 + b2, approximate=False)
    return out

if __name__ == "__main__":
    import jax
    _d = setup_inputs()
    print(jax.jit(kernel)(*tuple(_d.values())))

</pallas_src>

<mosaic_0001>
#map = affine_map<(d0, d1) -> (0, 0, 0)>
#map1 = affine_map<(d0, d1) -> (0, 0)>
module attributes {stable_mosaic.version = 14 : i64} {
  func.func @_hist_body(%arg0: i32, %arg1: i32, %arg2: memref<2x1280x128xi32, #tpu.memory_space<hbm>>, %arg3: memref<2x10240xf32, #tpu.memory_space<hbm>>, %arg4: memref<80x128xi32, #tpu.memory_space<vmem>>, %arg5: memref<128xf32, #tpu.memory_space<vmem>>, %arg6: memref<640xf32, #tpu.memory_space<vmem>>, %arg7: memref<10240xf32, #tpu.memory_space<vmem_shared>>) attributes {dimension_semantics = [#tpu.dimension_semantics<core_parallel>, #tpu.dimension_semantics<subcore_parallel>], iteration_bounds = array<i64: 2, 16>, scalar_prefetch = 0 : i64, scratch_operands = 4 : i64, tpu.core_type = #tpu.core_type<sc_vector_subcore>, window_params = [{transform_indices = #map}, {transform_indices = #map1}]} {
    %broadcast_in_dim3A = arith.constant 1.000000e+00 : f32
    %broadcast_in_dim3A_0 = vector.broadcast %broadcast_in_dim3A : f32 to vector<16xf32>
    %swap3A = arith.constant 0 : index
    %swap3A_1 = tpu.vector_load %arg5[%swap3A] {strides = array<i32>} : memref<128xf32, #tpu.memory_space<vmem>>, vector<16xf32>,
    %swap3A_2 = vector.shape_cast %swap3A_1 : vector<16xf32> to vector<16xf32>
    %swap3A_3 = vector.shape_cast %broadcast_in_dim3A_0 : vector<16xf32> to vector<16xf32>
    tpu.vector_store %arg5[%swap3A], %swap3A_3 {strides = array<i32>} : memref<128xf32, #tpu.memory_space<vmem>>, vector<16xf32>,
    %broadcast_in_dim3A_4 = arith.constant 1.000000e+00 : f32
    %broadcast_in_dim3A_5 = vector.broadcast %broadcast_in_dim3A_4 : f32 to vector<16xf32>
    %swap3A_6 = arith.constant 16 : index
    %swap3A_7 = tpu.vector_load %arg5[%swap3A_6] {strides = array<i32>} : memref<128xf32, #tpu.memory_space<vmem>>, vector<16xf32>,
    %swap3A_8 = vector.shape_cast %swap3A_7 : vector<16xf32> to vector<16xf32>
    %swap3A_9 = vector.shape_cast %broadcast_in_dim3A_5 : vector<16xf32> to vector<16xf32>
    tpu.vector_store %arg5[%swap3A_6], %swap3A_9 {strides = array<i32>} : memref<128xf32, #tpu.memory_space<vmem>>, vector<16xf32>,
    %broadcast_in_dim3A_10 = arith.constant 1.000000e+00 : f32
    %broadcast_in_dim3A_11 = vector.broadcast %broadcast_in_dim3A_10 : f32 to vector<16xf32>
    %swap3A_12 = arith.constant 32 : index
    %swap3A_13 = tpu.vector_load %arg5[%swap3A_12] {strides = array<i32>} : memref<128xf32, #tpu.memory_space<vmem>>, vector<16xf32>,
    %swap3A_14 = vector.shape_cast %swap3A_13 : vector<16xf32> to vector<16xf32>
    %swap3A_15 = vector.shape_cast %broadcast_in_dim3A_11 : vector<16xf32> to vector<16xf32>
    tpu.vector_store %arg5[%swap3A_12], %swap3A_15 {strides = array<i32>} : memref<128xf32, #tpu.memory_space<vmem>>, vector<16xf32>,
    %broadcast_in_dim3A_16 = arith.constant 1.000000e+00 : f32
    %broadcast_in_dim3A_17 = vector.broadcast %broadcast_in_dim3A_16 : f32 to vector<16xf32>
    %swap3A_18 = arith.constant 48 : index
    %swap3A_19 = tpu.vector_load %arg5[%swap3A_18] {strides = array<i32>} : memref<128xf32, #tpu.memory_space<vmem>>, vector<16xf32>,
    %swap3A_20 = vector.shape_cast %swap3A_19 : vector<16xf32> to vector<16xf32>
    %swap3A_21 = vector.shape_cast %broadcast_in_dim3A_17 : vector<16xf32> to vector<16xf32>
    tpu.vector_store %arg5[%swap3A_18], %swap3A_21 {strides = array<i32>} : memref<128xf32, #tpu.memory_space<vmem>>, vector<16xf32>,
    %broadcast_in_dim3A_22 = arith.constant 1.000000e+00 : f32
    %broadcast_in_dim3A_23 = vector.broadcast %broadcast_in_dim3A_22 : f32 to vector<16xf32>
    %swap3A_24 = arith.constant 64 : index
    %swap3A_25 = tpu.vector_load %arg5[%swap3A_24] {strides = array<i32>} : memref<128xf32, #tpu.memory_space<vmem>>, vector<16xf32>,
    %swap3A_26 = vector.shape_cast %swap3A_25 : vector<16xf32> to vector<16xf32>
    %swap3A_27 = vector.shape_cast %broadcast_in_dim3A_23 : vector<16xf32> to vector<16xf32>
    tpu.vector_store %arg5[%swap3A_24], %swap3A_27 {strides = array<i32>} : memref<128xf32, #tpu.memory_space<vmem>>, vector<16xf32>,
    %broadcast_in_dim3A_28 = arith.constant 1.000000e+00 : f32
    %broadcast_in_dim3A_29 = vector.broadcast %broadcast_in_dim3A_28 : f32 to vector<16xf32>
    %swap3A_30 = arith.constant 80 : index
    %swap3A_31 = tpu.vector_load %arg5[%swap3A_30] {strides = array<i32>} : memref<128xf32, #tpu.memory_space<vmem>>, vector<16xf32>,
    %swap3A_32 = vector.shape_cast %swap3A_31 : vector<16xf32> to vector<16xf32>
    %swap3A_33 = vector.shape_cast %broadcast_in_dim3A_29 : vector<16xf32> to vector<16xf32>
    tpu.vector_store %arg5[%swap3A_30], %swap3A_33 {strides = array<i32>} : memref<128xf32, #tpu.memory_space<vmem>>, vector<16xf32>,
    %broadcast_in_dim3A_34 = arith.constant 1.000000e+00 : f32
    %broadcast_in_dim3A_35 = vector.broadcast %broadcast_in_dim3A_34 : f32 to vector<16xf32>
    %swap3A_36 = arith.constant 96 : index
    %swap3A_37 = tpu.vector_load %arg5[%swap3A_36] {strides = array<i32>} : memref<128xf32, #tpu.memory_space<vmem>>, vector<16xf32>,
    %swap3A_38 = vector.shape_cast %swap3A_37 : vector<16xf32> to vector<16xf32>
    %swap3A_39 = vector.shape_cast %broadcast_in_dim3A_35 : vector<16xf32> to vector<16xf32>
    tpu.vector_store %arg5[%swap3A_36], %swap3A_39 {strides = array<i32>} : memref<128xf32, #tpu.memory_space<vmem>>, vector<16xf32>,
    %broadcast_in_dim3A_40 = arith.constant 1.000000e+00 : f32
    %broadcast_in_dim3A_41 = vector.broadcast %broadcast_in_dim3A_40 : f32 to vector<16xf32>
    %swap3A_42 = arith.constant 112 : index
    %swap3A_43 = tpu.vector_load %arg5[%swap3A_42] {strides = array<i32>} : memref<128xf32, #tpu.memory_space<vmem>>, vector<16xf32>,
    %swap3A_44 = vector.shape_cast %swap3A_43 : vector<16xf32> to vector<16xf32>
    %swap3A_45 = vector.shape_cast %broadcast_in_dim3A_41 : vector<16xf32> to vector<16xf32>
    tpu.vector_store %arg5[%swap3A_42], %swap3A_45 {strides = array<i32>} : memref<128xf32, #tpu.memory_space<vmem>>, vector<16xf32>,
    %scan3A = arith.constant 0 : i32
    %scan3A_46 = arith.constant 0 : i32
    %scan3A_47 = arith.constant 40 : i32
    %scan3A_48 = arith.addi %scan3A_46, %scan3A_47 : i32
    %scan3A_49 = arith.constant 1 : i32
    scf.for %scan3A_70 = %scan3A_46 to %scan3A_48 step %scan3A_49  : i32 {
      %broadcast_in_dim3A_71 = arith.constant 0.000000e+00 : f32
      %broadcast_in_dim3A_72 = vector.broadcast %broadcast_in_dim3A_71 : f32 to vector<16xf32>
      %mul3A_73 = arith.constant 16 : i32
      %mul3A_74 = arith.muli %mul3A_73, %scan3A_70 : i32
      %swap3A_75 = arith.index_cast %mul3A_74 : i32 to index
      %swap3A_76 = tpu.vector_load %arg6[%swap3A_75] {strides = array<i32>} : memref<640xf32, #tpu.memory_space<vmem>>, vector<16xf32>,
      %swap3A_77 = vector.shape_cast %swap3A_76 : vector<16xf32> to vector<16xf32>
      %swap3A_78 = vector.shape_cast %broadcast_in_dim3A_72 : vector<16xf32> to vector<16xf32>
      tpu.vector_store %arg6[%swap3A_75], %swap3A_78 {strides = array<i32>} : memref<640xf32, #tpu.memory_space<vmem>>, vector<16xf32>,
    }
    %scan3A_50 = arith.constant 40 : i32
    %mul3A = arith.constant 640 : i32
    %mul3A_51 = arith.muli %arg1, %mul3A : i32
    "tpu.region"() ({
      %run_scoped3A = tpu.sem_alloc : memref<!tpu.dma_semaphore, #tpu.memory_space<semaphore_mem>>
      %dma_start3A = tpu.memref_slice %arg7[%mul3A_51] : memref<10240xf32, #tpu.memory_space<vmem_shared>> -> memref<640xf32, #tpu.memory_space<vmem_shared>>
      %dma_start3A_70 = tpu.memref_slice %arg7[%mul3A_51] : memref<10240xf32, #tpu.memory_space<vmem_shared>> -> memref<640xf32, #tpu.memory_space<vmem_shared>>
      tpu.enqueue_dma source(%arg6 : memref<640xf32, #tpu.memory_space<vmem>>) target(%dma_start3A_70 : memref<640xf32, #tpu.memory_space<vmem_shared>>) target_semaphore(%run_scoped3A : memref<!tpu.dma_semaphore, #tpu.memory_space<semaphore_mem>>)
      %dma_wait3A = tpu.memref_slice %arg7[%mul3A_51] : memref<10240xf32, #tpu.memory_space<vmem_shared>> -> memref<640xf32, #tpu.memory_space<vmem_shared>>
      %dma_wait3A_71 = tpu.memref_slice %arg7[%mul3A_51] : memref<10240xf32, #tpu.memory_space<vmem_shared>> -> memref<640xf32, #tpu.memory_space<vmem_shared>>
      tpu.wait_dma2 semaphore(%run_scoped3A : memref<!tpu.dma_semaphore, #tpu.memory_space<semaphore_mem>>) src(%arg6 : memref<640xf32, #tpu.memory_space<vmem>>) dst(%dma_wait3A_71 : memref<640xf32, #tpu.memory_space<vmem_shared>>)
      tpu.yield
    }) : () -> ()
    %mul3A_52 = arith.constant 80 : i32
    %mul3A_53 = arith.muli %arg1, %mul3A_52 : i32
    "tpu.region"() ({
      %run_scoped3A = tpu.sem_alloc : memref<!tpu.dma_semaphore, #tpu.memory_space<semaphore_mem>>
      %dma_start3A = arith.constant 0 : i32
      %dma_start3A_70 = tpu.memref_slice %arg2[%arg0, %mul3A_53, %dma_start3A] : memref<2x1280x128xi32, #tpu.memory_space<hbm>> -> memref<1x80x128xi32, #tpu.memory_space<hbm>>
      %dma_start3A_71 = tpu.memref_squeeze %dma_start3A_70 : memref<1x80x128xi32, #tpu.memory_space<hbm>> -> memref<80x128xi32, #tpu.memory_space<hbm>>
      %dma_start3A_72 = arith.constant 0 : i32
      %dma_start3A_73 = tpu.memref_slice %arg2[%arg0, %mul3A_53, %dma_start3A_72] : memref<2x1280x128xi32, #tpu.memory_space<hbm>> -> memref<1x80x128xi32, #tpu.memory_space<hbm>>
      %dma_start3A_74 = tpu.memref_squeeze %dma_start3A_73 : memref<1x80x128xi32, #tpu.memory_space<hbm>> -> memref<80x128xi32, #tpu.memory_space<hbm>>
      tpu.enqueue_dma source(%dma_start3A_74 : memref<80x128xi32, #tpu.memory_space<hbm>>) target(%arg4 : memref<80x128xi32, #tpu.memory_space<vmem>>) target_semaphore(%run_scoped3A : memref<!tpu.dma_semaphore, #tpu.memory_space<semaphore_mem>>)
      %dma_wait3A = arith.constant 0 : i32
      %dma_wait3A_75 = tpu.memref_slice %arg2[%arg0, %mul3A_53, %dma_wait3A] : memref<2x1280x128xi32, #tpu.memory_space<hbm>> -> memref<1x80x128xi32, #tpu.memory_space<hbm>>
      %dma_wait3A_76 = tpu.memref_squeeze %dma_wait3A_75 : memref<1x80x128xi32, #tpu.memory_space<hbm>> -> memref<80x128xi32, #tpu.memory_space<hbm>>
      %dma_wait3A_77 = arith.constant 0 : i32
      %dma_wait3A_78 = tpu.memref_slice %arg2[%arg0, %mul3A_53, %dma_wait3A_77] : memref<2x1280x128xi32, #tpu.memory_space<hbm>> -> memref<1x80x128xi32, #tpu.memory_space<hbm>>
      %dma_wait3A_79 = tpu.memref_squeeze %dma_wait3A_78 : memref<1x80x128xi32, #tpu.memory_space<hbm>> -> memref<80x128xi32, #tpu.memory_space<hbm>>
      tpu.wait_dma2 semaphore(%run_scoped3A : memref<!tpu.dma_semaphore, #tpu.memory_space<semaphore_mem>>) src(%dma_wait3A_79 : memref<80x128xi32, #tpu.memory_space<hbm>>) dst(%arg4 : memref<80x128xi32, #tpu.memory_space<vmem>>)
      tpu.yield
    }) : () -> ()
    %barrier3A = arith.constant 0 : index
    tpu.barrier barrier_id(%barrier3A)
    %eq3A = arith.constant 15 : i32
    %eq3A_54 = arith.cmpi eq, %arg1, %eq3A : i32
    %jit3A = arith.constant 50 : i32
    %jit3A_55 = arith.constant 80 : i32
    %select_n3A = arith.select %eq3A_54, %jit3A, %jit3A_55 : i32
    %while3A = arith.constant 0 : i32
    %while3A_56 = arith.constant 0 : i32
    %while3A_57 = arith.subi %select_n3A, %while3A_56 : i32
    %while3A_58 = arith.addi %while3A_56, %while3A_57 : i32
    %while3A_59 = arith.constant 1 : i32
    %while3A_60 = arith.divsi %while3A_57, %while3A_59 : i32
    %while3A_61 = arith.muli %while3A_60, %while3A_59 : i32
    %while3A_62 = arith.addi %while3A_56, %while3A_61 : i32
    %while3A_63 = arith.constant 1 : i32
    scf.for %while3A_70 = %while3A_56 to %while3A_62 step %while3A_63  : i32 {
      "tpu.region"() ({
        %run_scoped3A = tpu.sem_alloc : memref<!tpu.dma_semaphore, #tpu.memory_space<semaphore_mem>>
        %dma_start3A = arith.constant 0 : i32
        %dma_start3A_71 = tpu.memref_slice %arg4[%while3A_70, %dma_start3A] : memref<80x128xi32, #tpu.memory_space<vmem>> -> memref<1x128xi32, #tpu.memory_space<vmem>>
        %dma_start3A_72 = tpu.memref_squeeze %dma_start3A_71 : memref<1x128xi32, #tpu.memory_space<vmem>> -> memref<128xi32, #tpu.memory_space<vmem>>
        %dma_start3A_73 = arith.constant 0 : i32
        %dma_start3A_74 = tpu.memref_slice %arg7[%dma_start3A_73] : memref<10240xf32, #tpu.memory_space<vmem_shared>> -> memref<10240xf32, #tpu.memory_space<vmem_shared>>
        tpu.enqueue_indirect_dma source(%arg5 : memref<128xf32, #tpu.memory_space<vmem>>) target(%dma_start3A_74 : memref<10240xf32, #tpu.memory_space<vmem_shared>>) offsets(%dma_start3A_72 : memref<128xi32, #tpu.memory_space<vmem>>) semaphore(%run_scoped3A : memref<!tpu.dma_semaphore, #tpu.memory_space<semaphore_mem>>) {add = true}
        %dma_wait3A = arith.constant 0 : i32
        %dma_wait3A_75 = tpu.memref_slice %arg4[%while3A_70, %dma_wait3A] : memref<80x128xi32, #tpu.memory_space<vmem>> -> memref<1x128xi32, #tpu.memory_space<vmem>>
        %dma_wait3A_76 = tpu.memref_squeeze %dma_wait3A_75 : memref<1x128xi32, #tpu.memory_space<vmem>> -> memref<128xi32, #tpu.memory_space<vmem>>
        %dma_wait3A_77 = arith.constant 0 : i32
        %dma_wait3A_78 = tpu.memref_slice %arg7[%dma_wait3A_77] : memref<10240xf32, #tpu.memory_space<vmem_shared>> -> memref<10240xf32, #tpu.memory_space<vmem_shared>>
        tpu.wait_indirect_dma semaphore(%run_scoped3A : memref<!tpu.dma_semaphore, #tpu.memory_space<semaphore_mem>>) src(%arg5 : memref<128xf32, #tpu.memory_space<vmem>>) dst(%dma_wait3A_78 : memref<10240xf32, #tpu.memory_space<vmem_shared>>)
        tpu.yield
      }) : () -> ()
    }
    %while3A_64 = arith.constant 1 : i32
    scf.for %while3A_70 = %while3A_62 to %while3A_58 step %while3A_64  : i32 {
      "tpu.region"() ({
        %run_scoped3A = tpu.sem_alloc : memref<!tpu.dma_semaphore, #tpu.memory_space<semaphore_mem>>
        %dma_start3A = arith.constant 0 : i32
        %dma_start3A_71 = tpu.memref_slice %arg4[%while3A_70, %dma_start3A] : memref<80x128xi32, #tpu.memory_space<vmem>> -> memref<1x128xi32, #tpu.memory_space<vmem>>
        %dma_start3A_72 = tpu.memref_squeeze %dma_start3A_71 : memref<1x128xi32, #tpu.memory_space<vmem>> -> memref<128xi32, #tpu.memory_space<vmem>>
        %dma_start3A_73 = arith.constant 0 : i32
        %dma_start3A_74 = tpu.memref_slice %arg7[%dma_start3A_73] : memref<10240xf32, #tpu.memory_space<vmem_shared>> -> memref<10240xf32, #tpu.memory_space<vmem_shared>>
        tpu.enqueue_indirect_dma source(%arg5 : memref<128xf32, #tpu.memory_space<vmem>>) target(%dma_start3A_74 : memref<10240xf32, #tpu.memory_space<vmem_shared>>) offsets(%dma_start3A_72 : memref<128xi32, #tpu.memory_space<vmem>>) semaphore(%run_scoped3A : memref<!tpu.dma_semaphore, #tpu.memory_space<semaphore_mem>>) {add = true}
        %dma_wait3A = arith.constant 0 : i32
        %dma_wait3A_75 = tpu.memref_slice %arg4[%while3A_70, %dma_wait3A] : memref<80x128xi32, #tpu.memory_space<vmem>> -> memref<1x128xi32, #tpu.memory_space<vmem>>
        %dma_wait3A_76 = tpu.memref_squeeze %dma_wait3A_75 : memref<1x128xi32, #tpu.memory_space<vmem>> -> memref<128xi32, #tpu.memory_space<vmem>>
        %dma_wait3A_77 = arith.constant 0 : i32
        %dma_wait3A_78 = tpu.memref_slice %arg7[%dma_wait3A_77] : memref<10240xf32, #tpu.memory_space<vmem_shared>> -> memref<10240xf32, #tpu.memory_space<vmem_shared>>
        tpu.wait_indirect_dma semaphore(%run_scoped3A : memref<!tpu.dma_semaphore, #tpu.memory_space<semaphore_mem>>) src(%arg5 : memref<128xf32, #tpu.memory_space<vmem>>) dst(%dma_wait3A_78 : memref<10240xf32, #tpu.memory_space<vmem_shared>>)
        tpu.yield
      }) : () -> ()
    }
    %barrier3A_65 = arith.constant 0 : index
    tpu.barrier barrier_id(%barrier3A_65)
    %mul3A_66 = arith.constant 640 : i32
    %mul3A_67 = arith.muli %arg1, %mul3A_66 : i32
    %mul3A_68 = arith.constant 640 : i32
    %mul3A_69 = arith.muli %arg1, %mul3A_68 : i32
    "tpu.region"() ({
      %run_scoped3A = tpu.sem_alloc : memref<!tpu.dma_semaphore, #tpu.memory_space<semaphore_mem>>
      %dma_start3A = tpu.memref_slice %arg3[%arg0, %mul3A_69] : memref<2x10240xf32, #tpu.memory_space<hbm>> -> memref<1x640xf32, #tpu.memory_space<hbm>>
      %dma_start3A_70 = tpu.memref_squeeze %dma_start3A : memref<1x640xf32, #tpu.memory_space<hbm>> -> memref<640xf32, #tpu.memory_space<hbm>>
      %dma_start3A_71 = tpu.memref_slice %arg7[%mul3A_67] : memref<10240xf32, #tpu.memory_space<vmem_shared>> -> memref<640xf32, #tpu.memory_space<vmem_shared>>
      tpu.enqueue_dma source(%dma_start3A_71 : memref<640xf32, #tpu.memory_space<vmem_shared>>) target(%dma_start3A_70 : memref<640xf32, #tpu.memory_space<hbm>>) target_semaphore(%run_scoped3A : memref<!tpu.dma_semaphore, #tpu.memory_space<semaphore_mem>>)
      %dma_wait3A = tpu.memref_slice %arg3[%arg0, %mul3A_69] : memref<2x10240xf32, #tpu.memory_space<hbm>> -> memref<1x640xf32, #tpu.memory_space<hbm>>
      %dma_wait3A_72 = tpu.memref_squeeze %dma_wait3A : memref<1x640xf32, #tpu.memory_space<hbm>> -> memref<640xf32, #tpu.memory_space<hbm>>
      %dma_wait3A_73 = tpu.memref_slice %arg7[%mul3A_67] : memref<10240xf32, #tpu.memory_space<vmem_shared>> -> memref<640xf32, #tpu.memory_space<vmem_shared>>
      tpu.wait_dma2 semaphore(%run_scoped3A : memref<!tpu.dma_semaphore, #tpu.memory_space<semaphore_mem>>) src(%dma_wait3A_73 : memref<640xf32, #tpu.memory_space<vmem_shared>>) dst(%dma_wait3A_72 : memref<640xf32, #tpu.memory_space<hbm>>)
      tpu.yield
    }) : () -> ()
    return
  }
}

#map = affine_map<(d0, d1) -> (0, 0)>
#map1 = affine_map<(d0, d1) -> (0, 0, 0)>
module attributes {stable_mosaic.version = 14 : i64} {
  func.func @_seg_body(%arg0: i32, %arg1: i32, %arg2: memref<10000x128xf32, #tpu.memory_space<hbm>>, %arg3: memref<10000x128xf32, #tpu.memory_space<hbm>>, %arg4: memref<10000x128xf32, #tpu.memory_space<hbm>>, %arg5: memref<10000x128xf32, #tpu.memory_space<hbm>>, %arg6: memref<2x1280x128xi32, #tpu.memory_space<hbm>>, %arg7: memref<10240x128xf32, #tpu.memory_space<hbm>>, %arg8: memref<10240x128xf32, #tpu.memory_space<hbm>>, %arg9: memref<10240x128xf32, #tpu.memory_space<hbm>>, %arg10: memref<10240x128xf32, #tpu.memory_space<hbm>>, %arg11: memref<40x128xi32, #tpu.memory_space<vmem>>, %arg12: memref<40x128xi32, #tpu.memory_space<vmem>>, %arg13: memref<128x128xf32, #tpu.memory_space<vmem>>, %arg14: memref<128x128xf32, #tpu.memory_space<vmem>>, %arg15: memref<32x128xf32, #tpu.memory_space<vmem>>, %arg16: memref<10240x128xf32, #tpu.memory_space<vmem_shared>>, %arg17: memref<!tpu.dma_semaphore, #tpu.memory_space<semaphore_mem>>, %arg18: memref<!tpu.dma_semaphore, #tpu.memory_space<semaphore_mem>>, %arg19: memref<!tpu.dma_semaphore, #tpu.memory_space<semaphore_mem>>, %arg20: memref<!tpu.dma_semaphore, #tpu.memory_space<semaphore_mem>>, %arg21: memref<!tpu.dma_semaphore, #tpu.memory_space<semaphore_mem>>, %arg22: memref<!tpu.dma_semaphore, #tpu.memory_space<semaphore_mem>>) attributes {dimension_semantics = [#tpu.dimension_semantics<core_parallel>, #tpu.dimension_semantics<subcore_parallel>], iteration_bounds = array<i64: 2, 16>, scalar_prefetch = 0 : i64, scratch_operands = 12 : i64, tpu.core_type = #tpu.core_type<sc_vector_subcore>, window_params = [{transform_indices = #map}, {transform_indices = #map}, {transform_indices = #map}, {transform_indices = #map}, {transform_indices = #map1}, {transform_indices = #map}, {transform_indices = #map}, {transform_indices = #map}, {transform_indices = #map}]} {
    %scan3A = arith.constant 0 : i32
    %scan3A_0 = arith.constant 0 : i32
    %scan3A_1 = arith.constant 32 : i32
    %scan3A_2 = arith.addi %scan3A_0, %scan3A_1 : i32
    %scan3A_3 = arith.constant 1 : i32
    scf.for %scan3A_12 = %scan3A_0 to %scan3A_2 step %scan3A_3  : i32 {
      %broadcast_in_dim3A = arith.constant 0.000000e+00 : f32
      %broadcast_in_dim3A_13 = vector.broadcast %broadcast_in_dim3A : f32 to vector<16xf32>
      %swap3A = arith.index_cast %scan3A_12 : i32 to index
      %swap3A_14 = arith.constant 0 : index
      %swap3A_15 = tpu.vector_load %arg15[%swap3A, %swap3A_14] {strides = array<i32>} : memref<32x128xf32, #tpu.memory_space<vmem>>, vector<1x16xf32>,
      %swap3A_16 = vector.shape_cast %swap3A_15 : vector<1x16xf32> to vector<16xf32>
      %swap3A_17 = vector.shape_cast %broadcast_in_dim3A_13 : vector<16xf32> to vector<1x16xf32>
      tpu.vector_store %arg15[%swap3A, %swap3A_14], %swap3A_17 {strides = array<i32>} : memref<32x128xf32, #tpu.memory_space<vmem>>, vector<1x16xf32>,
      %broadcast_in_dim3A_18 = arith.constant 0.000000e+00 : f32
      %broadcast_in_dim3A_19 = vector.broadcast %broadcast_in_dim3A_18 : f32 to vector<16xf32>
      %swap3A_20 = arith.index_cast %scan3A_12 : i32 to index
      %swap3A_21 = arith.constant 16 : index
      %swap3A_22 = tpu.vector_load %arg15[%swap3A_20, %swap3A_21] {strides = array<i32>} : memref<32x128xf32, #tpu.memory_space<vmem>>, vector<1x16xf32>,
      %swap3A_23 = vector.shape_cast %swap3A_22 : vector<1x16xf32> to vector<16xf32>
      %swap3A_24 = vector.shape_cast %broadcast_in_dim3A_19 : vector<16xf32> to vector<1x16xf32>
      tpu.vector_store %arg15[%swap3A_20, %swap3A_21], %swap3A_24 {strides = array<i32>} : memref<32x128xf32, #tpu.memory_space<vmem>>, vector<1x16xf32>,
      %broadcast_in_dim3A_25 = arith.constant 0.000000e+00 : f32
      %broadcast_in_dim3A_26 = vector.broadcast %broadcast_in_dim3A_25 : f32 to vector<16xf32>
      %swap3A_27 = arith.index_cast %scan3A_12 : i32 to index
      %swap3A_28 = arith.constant 32 : index
      %swap3A_29 = tpu.vector_load %arg15[%swap3A_27, %swap3A_28] {strides = array<i32>} : memref<32x128xf32, #tpu.memory_space<vmem>>, vector<1x16xf32>,
      %swap3A_30 = vector.shape_cast %swap3A_29 : vector<1x16xf32> to vector<16xf32>
      %swap3A_31 = vector.shape_cast %broadcast_in_dim3A_26 : vector<16xf32> to vector<1x16xf32>
      tpu.vector_store %arg15[%swap3A_27, %swap3A_28], %swap3A_31 {strides = array<i32>} : memref<32x128xf32, #tpu.memory_space<vmem>>, vector<1x16xf32>,
      %broadcast_in_dim3A_32 = arith.constant 0.000000e+00 : f32
      %broadcast_in_dim3A_33 = vector.broadcast %broadcast_in_dim3A_32 : f32 to vector<16xf32>
      %swap3A_34 = arith.index_cast %scan3A_12 : i32 to index
      %swap3A_35 = arith.constant 48 : index
      %swap3A_36 = tpu.vector_load %arg15[%swap3A_34, %swap3A_35] {strides = array<i32>} : memref<32x128xf32, #tpu.memory_space<vmem>>, vector<1x16xf32>,
      %swap3A_37 = vector.shape_cast %swap3A_36 : vector<1x16xf32> to vector<16xf32>
      %swap3A_38 = vector.shape_cast %broadcast_in_dim3A_33 : vector<16xf32> to vector<1x16xf32>
      tpu.vector_store %arg15[%swap3A_34, %swap3A_35], %swap3A_38 {strides = array<i32>} : memref<32x128xf32, #tpu.memory_space<vmem>>, vector<1x16xf32>,
      %broadcast_in_dim3A_39 = arith.constant 0.000000e+00 : f32
      %broadcast_in_dim3A_40 = vector.broadcast %broadcast_in_dim3A_39 : f32 to vector<16xf32>
      %swap3A_41 = arith.index_cast %scan3A_12 : i32 to index
      %swap3A_42 = arith.constant 64 : index
      %swap3A_43 = tpu.vector_load %arg15[%swap3A_41, %swap3A_42] {strides = array<i32>} : memref<32x128xf32, #tpu.memory_space<vmem>>, vector<1x16xf32>,
      %swap3A_44 = vector.shape_cast %swap3A_43 : vector<1x16xf32> to vector<16xf32>
      %swap3A_45 = vector.shape_cast %broadcast_in_dim3A_40 : vector<16xf32> to vector<1x16xf32>
      tpu.vector_store %arg15[%swap3A_41, %swap3A_42], %swap3A_45 {strides = array<i32>} : memref<32x128xf32, #tpu.memory_space<vmem>>, vector<1x16xf32>,
      %broadcast_in_dim3A_46 = arith.constant 0.000000e+00 : f32
      %broadcast_in_dim3A_47 = vector.broadcast %broadcast_in_dim3A_46 : f32 to vector<16xf32>
      %swap3A_48 = arith.index_cast %scan3A_12 : i32 to index
      %swap3A_49 = arith.constant 80 : index
      %swap3A_50 = tpu.vector_load %arg15[%swap3A_48, %swap3A_49] {strides = array<i32>} : memref<32x128xf32, #tpu.memory_space<vmem>>, vector<1x16xf32>,
      %swap3A_51 = vector.shape_cast %swap3A_50 : vector<1x16xf32> to vector<16xf32>
      %swap3A_52 = vector.shape_cast %broadcast_in_dim3A_47 : vector<16xf32> to vector<1x16xf32>
      tpu.vector_store %arg15[%swap3A_48, %swap3A_49], %swap3A_52 {strides = array<i32>} : memref<32x128xf32, #tpu.memory_space<vmem>>, vector<1x16xf32>,
      %broadcast_in_dim3A_53 = arith.constant 0.000000e+00 : f32
      %broadcast_in_dim3A_54 = vector.broadcast %broadcast_in_dim3A_53 : f32 to vector<16xf32>
      %swap3A_55 = arith.index_cast %scan3A_12 : i32 to index
      %swap3A_56 = arith.constant 96 : index
      %swap3A_57 = tpu.vector_load %arg15[%swap3A_55, %swap3A_56] {strides = array<i32>} : memref<32x128xf32, #tpu.memory_space<vmem>>, vector<1x16xf32>,
      %swap3A_58 = vector.shape_cast %swap3A_57 : vector<1x16xf32> to vector<16xf32>
      %swap3A_59 = vector.shape_cast %broadcast_in_dim3A_54 : vector<16xf32> to vector<1x16xf32>
      tpu.vector_store %arg15[%swap3A_55, %swap3A_56], %swap3A_59 {strides = array<i32>} : memref<32x128xf32, #tpu.memory_space<vmem>>, vector<1x16xf32>,
      %broadcast_in_dim3A_60 = arith.constant 0.000000e+00 : f32
      %broadcast_in_dim3A_61 = vector.broadcast %broadcast_in_dim3A_60 : f32 to vector<16xf32>
      %swap3A_62 = arith.index_cast %scan3A_12 : i32 to index
      %swap3A_63 = arith.constant 112 : index
      %swap3A_64 = tpu.vector_load %arg15[%swap3A_62, %swap3A_63] {strides = array<i32>} : memref<32x128xf32, #tpu.memory_space<vmem>>, vector<1x16xf32>,
      %swap3A_65 = vector.shape_cast %swap3A_64 : vector<1x16xf32> to vector<16xf32>
      %swap3A_66 = vector.shape_cast %broadcast_in_dim3A_61 : vector<16xf32> to vector<1x16xf32>
      tpu.vector_store %arg15[%swap3A_62, %swap3A_63], %swap3A_66 {strides = array<i32>} : memref<32x128xf32, #tpu.memory_space<vmem>>, vector<1x16xf32>,
    }
    %scan3A_4 = arith.constant 32 : i32
    %eq3A = arith.constant 0 : i32
    %eq3A_5 = arith.cmpi eq, %arg0, %eq3A : i32
    %convert_element_type3A = arith.extui %eq3A_5 : i1 to i32
    %cond3A = arith.constant 0 : i32
    %cond3A_6 = arith.cmpi ne, %convert_element_type3A, %cond3A : i32
    scf.if %cond3A_6 {
      %mul3A = arith.constant 640 : i32
      %mul3A_12 = arith.muli %arg1, %mul3A : i32
      %add3A = arith.constant 0 : i32
      %add3A_13 = arith.addi %mul3A_12, %add3A : i32
      "tpu.region"() ({
        %run_scoped3A_362 = tpu.sem_alloc : memref<!tpu.dma_semaphore, #tpu.memory_space<semaphore_mem>>
        %dma_start3A_363 = arith.constant 0 : i32
        %dma_start3A_364 = tpu.memref_slice %arg16[%add3A_13, %dma_start3A_363] : memref<10240x128xf32, #tpu.memory_space<vmem_shared>> -> memref<32x128xf32, #tpu.memory_space<vmem_shared>>
        %dma_start3A_365 = arith.constant 0 : i32
        %dma_start3A_366 = tpu.memref_slice %arg16[%add3A_13, %dma_start3A_365] : memref<10240x128xf32, #tpu.memory_space<vmem_shared>> -> memref<32x128xf32, #tpu.memory_space<vmem_shared>>
        tpu.enqueue_dma source(%arg15 : memref<32x128xf32, #tpu.memory_space<vmem>>) target(%dma_start3A_366 : memref<32x128xf32, #tpu.memory_space<vmem_shared>>) target_semaphore(%run_scoped3A_362 : memref<!tpu.dma_semaphore, #tpu.memory_space<semaphore_mem>>)
        %dma_wait3A_367 = arith.constant 0 : i32
        %dma_wait3A_368 = tpu.memref_slice %arg16[%add3A_13, %dma_wait3A_367] : memref<10240x128xf32, #tpu.memory_space<vmem_shared>> -> memref<32x128xf32, #tpu.memory_space<vmem_shared>>
        %dma_wait3A_369 = arith.constant 0 : i32
        %dma_wait3A_370 = tpu.memref_slice %arg16[%add3A_13, %dma_wait3A_369] : memref<10240x128xf32, #tpu.memory_space<vmem_shared>> -> memref<32x128xf32, #tpu.memory_space<vmem_shared>>
        tpu.wait_dma2 semaphore(%run_scoped3A_362 : memref<!tpu.dma_semaphore, #tpu.memory_space<semaphore_mem>>) src(%arg15 : memref<32x128xf32, #tpu.memory_space<vmem>>) dst(%dma_wait3A_370 : memref<32x128xf32, #tpu.memory_space<vmem_shared>>)
        tpu.yield
      }) : () -> ()
      %mul3A_14 = arith.constant 640 : i32
      %mul3A_15 = arith.muli %arg1, %mul3A_14 : i32
      %add3A_16 = arith.constant 32 : i32
      %add3A_17 = arith.addi %mul3A_15, %add3A_16 : i32
      "tpu.region"() ({
        %run_scoped3A_362 = tpu.sem_alloc : memref<!tpu.dma_semaphore, #tpu.memory_space<semaphore_mem>>
        %dma_start3A_363 = arith.constant 0 : i32
        %dma_start3A_364 = tpu.memref_slice %arg16[%add3A_17, %dma_start3A_363] : memref<10240x128xf32, #tpu.memory_space<vmem_shared>> -> memref<32x128xf32, #tpu.memory_space<vmem_shared>>
        %dma_start3A_365 = arith.constant 0 : i32
        %dma_start3A_366 = tpu.memref_slice %arg16[%add3A_17, %dma_start3A_365] : memref<10240x128xf32, #tpu.memory_space<vmem_shared>> -> memref<32x128xf32, #tpu.memory_space<vmem_shared>>
        tpu.enqueue_dma source(%arg15 : memref<32x128xf32, #tpu.memory_space<vmem>>) target(%dma_start3A_366 : memref<32x128xf32, #tpu.memory_space<vmem_shared>>) target_semaphore(%run_scoped3A_362 : memref<!tpu.dma_semaphore, #tpu.memory_space<semaphore_mem>>)
        %dma_wait3A_367 = arith.constant 0 : i32
        %dma_wait3A_368 = tpu.memref_slice %arg16[%add3A_17, %dma_wait3A_367] : memref<10240x128xf32, #tpu.memory_space<vmem_shared>> -> memref<32x128xf32, #tpu.memory_space<vmem_shared>>
        %dma_wait3A_369 = arith.constant 0 : i32
        %dma_wait3A_370 = tpu.memref_slice %arg16[%add3A_17, %dma_wait3A_369] : memref<10240x128xf32, #tpu.memory_space<vmem_shared>> -> memref<32x128xf32, #tpu.memory_space<vmem_shared>>
        tpu.wait_dma2 semaphore(%run_scoped3A_362 : memref<!tpu.dma_semaphore, #tpu.memory_space<semaphore_mem>>) src(%arg15 : memref<32x128xf32, #tpu.memory_space<vmem>>) dst(%dma_wait3A_370 : memref<32x128xf32, #tpu.memory_space<vmem_shared>>)
        tpu.yield
      }) : () -> ()
      %mul3A_18 = arith.constant 640 : i32
      %mul3A_19 = arith.muli %arg1, %mul3A_18 : i32
      %add3A_20 = arith.constant 64 : i32
      %add3A_21 = arith.addi %mul3A_19, %add3A_20 : i32
      "tpu.region"() ({
        %run_scoped3A_362 = tpu.sem_alloc : memref<!tpu.dma_semaphore, #tpu.memory_space<semaphore_mem>>
        %dma_start3A_363 = arith.constant 0 : i32
        %dma_start3A_364 = tpu.memref_slice %arg16[%add3A_21, %dma_start3A_363] : memref<10240x128xf32, #tpu.memory_space<vmem_shared>> -> memref<32x128xf32, #tpu.memory_space<vmem_shared>>
        %dma_start3A_365 = arith.constant 0 : i32
        %dma_start3A_366 = tpu.memref_slice %arg16[%add3A_21, %dma_start3A_365] : memref<10240x128xf32, #tpu.memory_space<vmem_shared>> -> memref<32x128xf32, #tpu.memory_space<vmem_shared>>
        tpu.enqueue_dma source(%arg15 : memref<32x128xf32, #tpu.memory_space<vmem>>) target(%dma_start3A_366 : memref<32x128xf32, #tpu.memory_space<vmem_shared>>) target_semaphore(%run_scoped3A_362 : memref<!tpu.dma_semaphore, #tpu.memory_space<semaphore_mem>>)
        %dma_wait3A_367 = arith.constant 0 : i32
        %dma_wait3A_368 = tpu.memref_slice %arg16[%add3A_21, %dma_wait3A_367] : memref<10240x128xf32, #tpu.memory_space<vmem_shared>> -> memref<32x128xf32, #tpu.memory_space<vmem_shared>>
        %dma_wait3A_369 = arith.constant 0 : i32
        %dma_wait3A_370 = tpu.memref_slice %arg16[%add3A_21, %dma_wait3A_369] : memref<10240x128xf32, #tpu.memory_space<vmem_shared>> -> memref<32x128xf32, #tpu.memory_space<vmem_shared>>
        tpu.wait_dma2 semaphore(%run_scoped3A_362 : memref<!tpu.dma_semaphore, #tpu.memory_space<semaphore_mem>>) src(%arg15 : memref<32x128xf32, #tpu.memory_space<vmem>>) dst(%dma_wait3A_370 : memref<32x128xf32, #tpu.memory_space<vmem_shared>>)
        tpu.yield
      }) : () -> ()
      %mul3A_22 = arith.constant 640 : i32
      %mul3A_23 = arith.muli %arg1, %mul3A_22 : i32
      %add3A_24 = arith.constant 96 : i32
      %add3A_25 = arith.addi %mul3A_23, %add3A_24 : i32
      "tpu.region"() ({
        %run_scoped3A_362 = tpu.sem_alloc : memref<!tpu.dma_semaphore, #tpu.memory_space<semaphore_mem>>
        %dma_start3A_363 = arith.constant 0 : i32
        %dma_start3A_364 = tpu.memref_slice %arg16[%add3A_25, %dma_start3A_363] : memref<10240x128xf32, #tpu.memory_space<vmem_shared>> -> memref<32x128xf32, #tpu.memory_space<vmem_shared>>
        %dma_start3A_365 = arith.constant 0 : i32
        %dma_start3A_366 = tpu.memref_slice %arg16[%add3A_25, %dma_start3A_365] : memref<10240x128xf32, #tpu.memory_space<vmem_shared>> -> memref<32x128xf32, #tpu.memory_space<vmem_shared>>
        tpu.enqueue_dma source(%arg15 : memref<32x128xf32, #tpu.memory_space<vmem>>) target(%dma_start3A_366 : memref<32x128xf32, #tpu.memory_space<vmem_shared>>) target_semaphore(%run_scoped3A_362 : memref<!tpu.dma_semaphore, #tpu.memory_space<semaphore_mem>>)
        %dma_wait3A_367 = arith.constant 0 : i32
        %dma_wait3A_368 = tpu.memref_slice %arg16[%add3A_25, %dma_wait3A_367] : memref<10240x128xf32, #tpu.memory_space<vmem_shared>> -> memref<32x128xf32, #tpu.memory_space<vmem_shared>>
        %dma_wait3A_369 = arith.constant 0 : i32
        %dma_wait3A_370 = tpu.memref_slice %arg16[%add3A_25, %dma_wait3A_369] : memref<10240x128xf32, #tpu.memory_space<vmem_shared>> -> memref<32x128xf32, #tpu.memory_space<vmem_shared>>
        tpu.wait_dma2 semaphore(%run_scoped3A_362 : memref<!tpu.dma_semaphore, #tpu.memory_space<semaphore_mem>>) src(%arg15 : memref<32x128xf32, #tpu.memory_space<vmem>>) dst(%dma_wait3A_370 : memref<32x128xf32, #tpu.memory_space<vmem_shared>>)
        tpu.yield
      }) : () -> ()
      %mul3A_26 = arith.constant 640 : i32
      %mul3A_27 = arith.muli %arg1, %mul3A_26 : i32
      %add3A_28 = arith.constant 128 : i32
      %add3A_29 = arith.addi %mul3A_27, %add3A_28 : i32
      "tpu.region"() ({
        %run_scoped3A_362 = tpu.sem_alloc : memref<!tpu.dma_semaphore, #tpu.memory_space<semaphore_mem>>
        %dma_start3A_363 = arith.constant 0 : i32
        %dma_start3A_364 = tpu.memref_slice %arg16[%add3A_29, %dma_start3A_363] : memref<10240x128xf32, #tpu.memory_space<vmem_shared>> -> memref<32x128xf32, #tpu.memory_space<vmem_shared>>
        %dma_start3A_365 = arith.constant 0 : i32
        %dma_start3A_366 = tpu.memref_slice %arg16[%add3A_29, %dma_start3A_365] : memref<10240x128xf32, #tpu.memory_space<vmem_shared>> -> memref<32x128xf32, #tpu.memory_space<vmem_shared>>
        tpu.enqueue_dma source(%arg15 : memref<32x128xf32, #tpu.memory_space<vmem>>) target(%dma_start3A_366 : memref<32x128xf32, #tpu.memory_space<vmem_shared>>) target_semaphore(%run_scoped3A_362 : memref<!tpu.dma_semaphore, #tpu.memory_space<semaphore_mem>>)
        %dma_wait3A_367 = arith.constant 0 : i32
        %dma_wait3A_368 = tpu.memref_slice %arg16[%add3A_29, %dma_wait3A_367] : memref<10240x128xf32, #tpu.memory_space<vmem_shared>> -> memref<32x128xf32, #tpu.memory_space<vmem_shared>>
        %dma_wait3A_369 = arith.constant 0 : i32
        %dma_wait3A_370 = tpu.memref_slice %arg16[%add3A_29, %dma_wait3A_369] : memref<10240x128xf32, #tpu.memory_space<vmem_shared>> -> memref<32x128xf32, #tpu.memory_space<vmem_shared>>
        tpu.wait_dma2 semaphore(%run_scoped3A_362 : memref<!tpu.dma_semaphore, #tpu.memory_space<semaphore_mem>>) src(%arg15 : memref<32x128xf32, #tpu.memory_space<vmem>>) dst(%dma_wait3A_370 : memref<32x128xf32, #tpu.memory_space<vmem_shared>>)
        tpu.yield
      }) : () -> ()
      %mul3A_30 = arith.constant 640 : i32
      %mul3A_31 = arith.muli %arg1, %mul3A_30 : i32
      %add3A_32 = arith.constant 160 : i32
      %add3A_33 = arith.addi %mul3A_31, %add3A_32 : i32
      "tpu.region"() ({
        %run_scoped3A_362 = tpu.sem_alloc : memref<!tpu.dma_semaphore, #tpu.memory_space<semaphore_mem>>
        %dma_start3A_363 = arith.constant 0 : i32
        %dma_start3A_364 = tpu.memref_slice %arg16[%add3A_33, %dma_start3A_363] : memref<10240x128xf32, #tpu.memory_space<vmem_shared>> -> memref<32x128xf32, #tpu.memory_space<vmem_shared>>
        %dma_start3A_365 = arith.constant 0 : i32
        %dma_start3A_366 = tpu.memref_slice %arg16[%add3A_33, %dma_start3A_365] : memref<10240x128xf32, #tpu.memory_space<vmem_shared>> -> memref<32x128xf32, #tpu.memory_space<vmem_shared>>
        tpu.enqueue_dma source(%arg15 : memref<32x128xf32, #tpu.memory_space<vmem>>) target(%dma_start3A_366 : memref<32x128xf32, #tpu.memory_space<vmem_shared>>) target_semaphore(%run_scoped3A_362 : memref<!tpu.dma_semaphore, #tpu.memory_space<semaphore_mem>>)
        %dma_wait3A_367 = arith.constant 0 : i32
        %dma_wait3A_368 = tpu.memref_slice %arg16[%add3A_33, %dma_wait3A_367] : memref<10240x128xf32, #tpu.memory_space<vmem_shared>> -> memref<32x128xf32, #tpu.memory_space<vmem_shared>>
        %dma_wait3A_369 = arith.constant 0 : i32
        %dma_wait3A_370 = tpu.memref_slice %arg16[%add3A_33, %dma_wait3A_369] : memref<10240x128xf32, #tpu.memory_space<vmem_shared>> -> memref<32x128xf32, #tpu.memory_space<vmem_shared>>
        tpu.wait_dma2 semaphore(%run_scoped3A_362 : memref<!tpu.dma_semaphore, #tpu.memory_space<semaphore_mem>>) src(%arg15 : memref<32x128xf32, #tpu.memory_space<vmem>>) dst(%dma_wait3A_370 : memref<32x128xf32, #tpu.memory_space<vmem_shared>>)
        tpu.yield
      }) : () -> ()
      %mul3A_34 = arith.constant 640 : i32
      %mul3A_35 = arith.muli %arg1, %mul3A_34 : i32
      %add3A_36 = arith.constant 192 : i32
      %add3A_37 = arith.addi %mul3A_35, %add3A_36 : i32
      "tpu.region"() ({
        %run_scoped3A_362 = tpu.sem_alloc : memref<!tpu.dma_semaphore, #tpu.memory_space<semaphore_mem>>
        %dma_start3A_363 = arith.constant 0 : i32
        %dma_start3A_364 = tpu.memref_slice %arg16[%add3A_37, %dma_start3A_363] : memref<10240x128xf32, #tpu.memory_space<vmem_shared>> -> memref<32x128xf32, #tpu.memory_space<vmem_shared>>
        %dma_start3A_365 = arith.constant 0 : i32
        %dma_start3A_366 = tpu.memref_slice %arg16[%add3A_37, %dma_start3A_365] : memref<10240x128xf32, #tpu.memory_space<vmem_shared>> -> memref<32x128xf32, #tpu.memory_space<vmem_shared>>
        tpu.enqueue_dma source(%arg15 : memref<32x128xf32, #tpu.memory_space<vmem>>) target(%dma_start3A_366 : memref<32x128xf32, #tpu.memory_space<vmem_shared>>) target_semaphore(%run_scoped3A_362 : memref<!tpu.dma_semaphore, #tpu.memory_space<semaphore_mem>>)
        %dma_wait3A_367 = arith.constant 0 : i32
        %dma_wait3A_368 = tpu.memref_slice %arg16[%add3A_37, %dma_wait3A_367] : memref<10240x128xf32, #tpu.memory_space<vmem_shared>> -> memref<32x128xf32, #tpu.memory_space<vmem_shared>>
        %dma_wait3A_369 = arith.constant 0 : i32
        %dma_wait3A_370 = tpu.memref_slice %arg16[%add3A_37, %dma_wait3A_369] : memref<10240x128xf32, #tpu.memory_space<vmem_shared>> -> memref<32x128xf32, #tpu.memory_space<vmem_shared>>
        tpu.wait_dma2 semaphore(%run_scoped3A_362 : memref<!tpu.dma_semaphore, #tpu.memory_space<semaphore_mem>>) src(%arg15 : memref<32x128xf32, #tpu.memory_space<vmem>>) dst(%dma_wait3A_370 : memref<32x128xf32, #tpu.memory_space<vmem_shared>>)
        tpu.yield
      }) : () -> ()
      %mul3A_38 = arith.constant 640 : i32
      %mul3A_39 = arith.muli %arg1, %mul3A_38 : i32
      %add3A_40 = arith.constant 224 : i32
      %add3A_41 = arith.addi %mul3A_39, %add3A_40 : i32
      "tpu.region"() ({
        %run_scoped3A_362 = tpu.sem_alloc : memref<!tpu.dma_semaphore, #tpu.memory_space<semaphore_mem>>
        %dma_start3A_363 = arith.constant 0 : i32
        %dma_start3A_364 = tpu.memref_slice %arg16[%add3A_41, %dma_start3A_363] : memref<10240x128xf32, #tpu.memory_space<vmem_shared>> -> memref<32x128xf32, #tpu.memory_space<vmem_shared>>
        %dma_start3A_365 = arith.constant 0 : i32
        %dma_start3A_366 = tpu.memref_slice %arg16[%add3A_41, %dma_start3A_365] : memref<10240x128xf32, #tpu.memory_space<vmem_shared>> -> memref<32x128xf32, #tpu.memory_space<vmem_shared>>
        tpu.enqueue_dma source(%arg15 : memref<32x128xf32, #tpu.memory_space<vmem>>) target(%dma_start3A_366 : memref<32x128xf32, #tpu.memory_space<vmem_shared>>) target_semaphore(%run_scoped3A_362 : memref<!tpu.dma_semaphore, #tpu.memory_space<semaphore_mem>>)
        %dma_wait3A_367 = arith.constant 0 : i32
        %dma_wait3A_368 = tpu.memref_slice %arg16[%add3A_41, %dma_wait3A_367] : memref<10240x128xf32, #tpu.memory_space<vmem_shared>> -> memref<32x128xf32, #tpu.memory_space<vmem_shared>>
        %dma_wait3A_369 = arith.constant 0 : i32
        %dma_wait3A_370 = tpu.memref_slice %arg16[%add3A_41, %dma_wait3A_369] : memref<10240x128xf32, #tpu.memory_space<vmem_shared>> -> memref<32x128xf32, #tpu.memory_space<vmem_shared>>
        tpu.wait_dma2 semaphore(%run_scoped3A_362 : memref<!tpu.dma_semaphore, #tpu.memory_space<semaphore_mem>>) src(%arg15 : memref<32x128xf32, #tpu.memory_space<vmem>>) dst(%dma_wait3A_370 : memref<32x128xf32, #tpu.memory_space<vmem_shared>>)
        tpu.yield
      }) : () -> ()
      %mul3A_42 = arith.constant 640 : i32
      %mul3A_43 = arith.muli %arg1, %mul3A_42 : i32
      %add3A_44 = arith.constant 256 : i32
      %add3A_45 = arith.addi %mul3A_43, %add3A_44 : i32
      "tpu.region"() ({
        %run_scoped3A_362 = tpu.sem_alloc : memref<!tpu.dma_semaphore, #tpu.memory_space<semaphore_mem>>
        %dma_start3A_363 = arith.constant 0 : i32
        %dma_start3A_364 = tpu.memref_slice %arg16[%add3A_45, %dma_start3A_363] : memref<10240x128xf32, #tpu.memory_space<vmem_shared>> -> memref<32x128xf32, #tpu.memory_space<vmem_shared>>
        %dma_start3A_365 = arith.constant 0 : i32
        %dma_start3A_366 = tpu.memref_slice %arg16[%add3A_45, %dma_start3A_365] : memref<10240x128xf32, #tpu.memory_space<vmem_shared>> -> memref<32x128xf32, #tpu.memory_space<vmem_shared>>
        tpu.enqueue_dma source(%arg15 : memref<32x128xf32, #tpu.memory_space<vmem>>) target(%dma_start3A_366 : memref<32x128xf32, #tpu.memory_space<vmem_shared>>) target_semaphore(%run_scoped3A_362 : memref<!tpu.dma_semaphore, #tpu.memory_space<semaphore_mem>>)
        %dma_wait3A_367 = arith.constant 0 : i32
        %dma_wait3A_368 = tpu.memref_slice %arg16[%add3A_45, %dma_wait3A_367] : memref<10240x128xf32, #tpu.memory_space<vmem_shared>> -> memref<32x128xf32, #tpu.memory_space<vmem_shared>>
        %dma_wait3A_369 = arith.constant 0 : i32
        %dma_wait3A_370 = tpu.memref_slice %arg16[%add3A_45, %dma_wait3A_369] : memref<10240x128xf32, #tpu.memory_space<vmem_shared>> -> memref<32x128xf32, #tpu.memory_space<vmem_shared>>
        tpu.wait_dma2 semaphore(%run_scoped3A_362 : memref<!tpu.dma_semaphore, #tpu.memory_space<semaphore_mem>>) src(%arg15 : memref<32x128xf32, #tpu.memory_space<vmem>>) dst(%dma_wait3A_370 : memref<32x128xf32, #tpu.memory_space<vmem_shared>>)
        tpu.yield
      }) : () -> ()
      %mul3A_46 = arith.constant 640 : i32
      %mul3A_47 = arith.muli %arg1, %mul3A_46 : i32
      %add3A_48 = arith.constant 288 : i32
      %add3A_49 = arith.addi %mul3A_47, %add3A_48 : i32
      "tpu.region"() ({
        %run_scoped3A_362 = tpu.sem_alloc : memref<!tpu.dma_semaphore, #tpu.memory_space<semaphore_mem>>
        %dma_start3A_363 = arith.constant 0 : i32
        %dma_start3A_364 = tpu.memref_slice %arg16[%add3A_49, %dma_start3A_363] : memref<10240x128xf32, #tpu.memory_space<vmem_shared>> -> memref<32x128xf32, #tpu.memory_space<vmem_shared>>
        %dma_start3A_365 = arith.constant 0 : i32
        %dma_start3A_366 = tpu.memref_slice %arg16[%add3A_49, %dma_start3A_365] : memref<10240x128xf32, #tpu.memory_space<vmem_shared>> -> memref<32x128xf32, #tpu.memory_space<vmem_shared>>
        tpu.enqueue_dma source(%arg15 : memref<32x128xf32, #tpu.memory_space<vmem>>) target(%dma_start3A_366 : memref<32x128xf32, #tpu.memory_space<vmem_shared>>) target_semaphore(%run_scoped3A_362 : memref<!tpu.dma_semaphore, #tpu.memory_space<semaphore_mem>>)
        %dma_wait3A_367 = arith.constant 0 : i32
        %dma_wait3A_368 = tpu.memref_slice %arg16[%add3A_49, %dma_wait3A_367] : memref<10240x128xf32, #tpu.memory_space<vmem_shared>> -> memref<32x128xf32, #tpu.memory_space<vmem_shared>>
        %dma_wait3A_369 = arith.constant 0 : i32
        %dma_wait3A_370 = tpu.memref_slice %arg16[%add3A_49, %dma_wait3A_369] : memref<10240x128xf32, #tpu.memory_space<vmem_shared>> -> memref<32x128xf32, #tpu.memory_space<vmem_shared>>
        tpu.wait_dma2 semaphore(%run_scoped3A_362 : memref<!tpu.dma_semaphore, #tpu.memory_space<semaphore_mem>>) src(%arg15 : memref<32x128xf32, #tpu.memory_space<vmem>>) dst(%dma_wait3A_370 : memref<32x128xf32, #tpu.memory_space<vmem_shared>>)
        tpu.yield
      }) : () -> ()
      %mul3A_50 = arith.constant 640 : i32
      %mul3A_51 = arith.muli %arg1, %mul3A_50 : i32
      %add3A_52 = arith.constant 320 : i32
      %add3A_53 = arith.addi %mul3A_51, %add3A_52 : i32
      "tpu.region"() ({
        %run_scoped3A_362 = tpu.sem_alloc : memref<!tpu.dma_semaphore, #tpu.memory_space<semaphore_mem>>
        %dma_start3A_363 = arith.constant 0 : i32
        %dma_start3A_364 = tpu.memref_slice %arg16[%add3A_53, %dma_start3A_363] : memref<10240x128xf32, #tpu.memory_space<vmem_shared>> -> memref<32x128xf32, #tpu.memory_space<vmem_shared>>
        %dma_start3A_365 = arith.constant 0 : i32
        %dma_start3A_366 = tpu.memref_slice %arg16[%add3A_53, %dma_start3A_365] : memref<10240x128xf32, #tpu.memory_space<vmem_shared>> -> memref<32x128xf32, #tpu.memory_space<vmem_shared>>
        tpu.enqueue_dma source(%arg15 : memref<32x128xf32, #tpu.memory_space<vmem>>) target(%dma_start3A_366 : memref<32x128xf32, #tpu.memory_space<vmem_shared>>) target_semaphore(%run_scoped3A_362 : memref<!tpu.dma_semaphore, #tpu.memory_space<semaphore_mem>>)
        %dma_wait3A_367 = arith.constant 0 : i32
        %dma_wait3A_368 = tpu.memref_slice %arg16[%add3A_53, %dma_wait3A_367] : memref<10240x128xf32, #tpu.memory_space<vmem_shared>> -> memref<32x128xf32, #tpu.memory_space<vmem_shared>>
        %dma_wait3A_369 = arith.constant 0 : i32
        %dma_wait3A_370 = tpu.memref_slice %arg16[%add3A_53, %dma_wait3A_369] : memref<10240x128xf32, #tpu.memory_space<vmem_shared>> -> memref<32x128xf32, #tpu.memory_space<vmem_shared>>
        tpu.wait_dma2 semaphore(%run_scoped3A_362 : memref<!tpu.dma_semaphore, #tpu.memory_space<semaphore_mem>>) src(%arg15 : memref<32x128xf32, #tpu.memory_space<vmem>>) dst(%dma_wait3A_370 : memref<32x128xf32, #tpu.memory_space<vmem_shared>>)
        tpu.yield
      }) : () -> ()
      %mul3A_54 = arith.constant 640 : i32
      %mul3A_55 = arith.muli %arg1, %mul3A_54 : i32
      %add3A_56 = arith.constant 352 : i32
      %add3A_57 = arith.addi %mul3A_55, %add3A_56 : i32
      "tpu.region"() ({
        %run_scoped3A_362 = tpu.sem_alloc : memref<!tpu.dma_semaphore, #tpu.memory_space<semaphore_mem>>
        %dma_start3A_363 = arith.constant 0 : i32
        %dma_start3A_364 = tpu.memref_slice %arg16[%add3A_57, %dma_start3A_363] : memref<10240x128xf32, #tpu.memory_space<vmem_shared>> -> memref<32x128xf32, #tpu.memory_space<vmem_shared>>
        %dma_start3A_365 = arith.constant 0 : i32
        %dma_start3A_366 = tpu.memref_slice %arg16[%add3A_57, %dma_start3A_365] : memref<10240x128xf32, #tpu.memory_space<vmem_shared>> -> memref<32x128xf32, #tpu.memory_space<vmem_shared>>
        tpu.enqueue_dma source(%arg15 : memref<32x128xf32, #tpu.memory_space<vmem>>) target(%dma_start3A_366 : memref<32x128xf32, #tpu.memory_space<vmem_shared>>) target_semaphore(%run_scoped3A_362 : memref<!tpu.dma_semaphore, #tpu.memory_space<semaphore_mem>>)
        %dma_wait3A_367 = arith.constant 0 : i32
        %dma_wait3A_368 = tpu.memref_slice %arg16[%add3A_57, %dma_wait3A_367] : memref<10240x128xf32, #tpu.memory_space<vmem_shared>> -> memref<32x128xf32, #tpu.memory_space<vmem_shared>>
        %dma_wait3A_369 = arith.constant 0 : i32
        %dma_wait3A_370 = tpu.memref_slice %arg16[%add3A_57, %dma_wait3A_369] : memref<10240x128xf32, #tpu.memory_space<vmem_shared>> -> memref<32x128xf32, #tpu.memory_space<vmem_shared>>
        tpu.wait_dma2 semaphore(%run_scoped3A_362 : memref<!tpu.dma_semaphore, #tpu.memory_space<semaphore_mem>>) src(%arg15 : memref<32x128xf32, #tpu.memory_space<vmem>>) dst(%dma_wait3A_370 : memref<32x128xf32, #tpu.memory_space<vmem_shared>>)
        tpu.yield
      }) : () -> ()
      %mul3A_58 = arith.constant 640 : i32
      %mul3A_59 = arith.muli %arg1, %mul3A_58 : i32
      %add3A_60 = arith.constant 384 : i32
      %add3A_61 = arith.addi %mul3A_59, %add3A_60 : i32
      "tpu.region"() ({
        %run_scoped3A_362 = tpu.sem_alloc : memref<!tpu.dma_semaphore, #tpu.memory_space<semaphore_mem>>
        %dma_start3A_363 = arith.constant 0 : i32
        %dma_start3A_364 = tpu.memref_slice %arg16[%add3A_61, %dma_start3A_363] : memref<10240x128xf32, #tpu.memory_space<vmem_shared>> -> memref<32x128xf32, #tpu.memory_space<vmem_shared>>
        %dma_start3A_365 = arith.constant 0 : i32
        %dma_start3A_366 = tpu.memref_slice %arg16[%add3A_61, %dma_start3A_365] : memref<10240x128xf32, #tpu.memory_space<vmem_shared>> -> memref<32x128xf32, #tpu.memory_space<vmem_shared>>
        tpu.enqueue_dma source(%arg15 : memref<32x128xf32, #tpu.memory_space<vmem>>) target(%dma_start3A_366 : memref<32x128xf32, #tpu.memory_space<vmem_shared>>) target_semaphore(%run_scoped3A_362 : memref<!tpu.dma_semaphore, #tpu.memory_space<semaphore_mem>>)
        %dma_wait3A_367 = arith.constant 0 : i32
        %dma_wait3A_368 = tpu.memref_slice %arg16[%add3A_61, %dma_wait3A_367] : memref<10240x128xf32, #tpu.memory_space<vmem_shared>> -> memref<32x128xf32, #tpu.memory_space<vmem_shared>>
        %dma_wait3A_369 = arith.constant 0 : i32
        %dma_wait3A_370 = tpu.memref_slice %arg16[%add3A_61, %dma_wait3A_369] : memref<10240x128xf32, #tpu.memory_space<vmem_shared>> -> memref<32x128xf32, #tpu.memory_space<vmem_shared>>
        tpu.wait_dma2 semaphore(%run_scoped3A_362 : memref<!tpu.dma_semaphore, #tpu.memory_space<semaphore_mem>>) src(%arg15 : memref<32x128xf32, #tpu.memory_space<vmem>>) dst(%dma_wait3A_370 : memref<32x128xf32, #tpu.memory_space<vmem_shared>>)
        tpu.yield
      }) : () -> ()
      %mul3A_62 = arith.constant 640 : i32
      %mul3A_63 = arith.muli %arg1, %mul3A_62 : i32
      %add3A_64 = arith.constant 416 : i32
      %add3A_65 = arith.addi %mul3A_63, %add3A_64 : i32
      "tpu.region"() ({
        %run_scoped3A_362 = tpu.sem_alloc : memref<!tpu.dma_semaphore, #tpu.memory_space<semaphore_mem>>
        %dma_start3A_363 = arith.constant 0 : i32
        %dma_start3A_364 = tpu.memref_slice %arg16[%add3A_65, %dma_start3A_363] : memref<10240x128xf32, #tpu.memory_space<vmem_shared>> -> memref<32x128xf32, #tpu.memory_space<vmem_shared>>
        %dma_start3A_365 = arith.constant 0 : i32
        %dma_start3A_366 = tpu.memref_slice %arg16[%add3A_65, %dma_start3A_365] : memref<10240x128xf32, #tpu.memory_space<vmem_shared>> -> memref<32x128xf32, #tpu.memory_space<vmem_shared>>
        tpu.enqueue_dma source(%arg15 : memref<32x128xf32, #tpu.memory_space<vmem>>) target(%dma_start3A_366 : memref<32x128xf32, #tpu.memory_space<vmem_shared>>) target_semaphore(%run_scoped3A_362 : memref<!tpu.dma_semaphore, #tpu.memory_space<semaphore_mem>>)
        %dma_wait3A_367 = arith.constant 0 : i32
        %dma_wait3A_368 = tpu.memref_slice %arg16[%add3A_65, %dma_wait3A_367] : memref<10240x128xf32, #tpu.memory_space<vmem_shared>> -> memref<32x128xf32, #tpu.memory_space<vmem_shared>>
        %dma_wait3A_369 = arith.constant 0 : i32
        %dma_wait3A_370 = tpu.memref_slice %arg16[%add3A_65, %dma_wait3A_369] : memref<10240x128xf32, #tpu.memory_space<vmem_shared>> -> memref<32x128xf32, #tpu.memory_space<vmem_shared>>
        tpu.wait_dma2 semaphore(%run_scoped3A_362 : memref<!tpu.dma_semaphore, #tpu.memory_space<semaphore_mem>>) src(%arg15 : memref<32x128xf32, #tpu.memory_space<vmem>>) dst(%dma_wait3A_370 : memref<32x128xf32, #tpu.memory_space<vmem_shared>>)
        tpu.yield
      }) : () -> ()
      %mul3A_66 = arith.constant 640 : i32
      %mul3A_67 = arith.muli %arg1, %mul3A_66 : i32
      %add3A_68 = arith.constant 448 : i32
      %add3A_69 = arith.addi %mul3A_67, %add3A_68 : i32
      "tpu.region"() ({
        %run_scoped3A_362 = tpu.sem_alloc : memref<!tpu.dma_semaphore, #tpu.memory_space<semaphore_mem>>
        %dma_start3A_363 = arith.constant 0 : i32
        %dma_start3A_364 = tpu.memref_slice %arg16[%add3A_69, %dma_start3A_363] : memref<10240x128xf32, #tpu.memory_space<vmem_shared>> -> memref<32x128xf32, #tpu.memory_space<vmem_shared>>
        %dma_start3A_365 = arith.constant 0 : i32
        %dma_start3A_366 = tpu.memref_slice %arg16[%add3A_69, %dma_start3A_365] : memref<10240x128xf32, #tpu.memory_space<vmem_shared>> -> memref<32x128xf32, #tpu.memory_space<vmem_shared>>
        tpu.enqueue_dma source(%arg15 : memref<32x128xf32, #tpu.memory_space<vmem>>) target(%dma_start3A_366 : memref<32x128xf32, #tpu.memory_space<vmem_shared>>) target_semaphore(%run_scoped3A_362 : memref<!tpu.dma_semaphore, #tpu.memory_space<semaphore_mem>>)
        %dma_wait3A_367 = arith.constant 0 : i32
        %dma_wait3A_368 = tpu.memref_slice %arg16[%add3A_69, %dma_wait3A_367] : memref<10240x128xf32, #tpu.memory_space<vmem_shared>> -> memref<32x128xf32, #tpu.memory_space<vmem_shared>>
        %dma_wait3A_369 = arith.constant 0 : i32
        %dma_wait3A_370 = tpu.memref_slice %arg16[%add3A_69, %dma_wait3A_369] : memref<10240x128xf32, #tpu.memory_space<vmem_shared>> -> memref<32x128xf32, #tpu.memory_space<vmem_shared>>
        tpu.wait_dma2 semaphore(%run_scoped3A_362 : memref<!tpu.dma_semaphore, #tpu.memory_space<semaphore_mem>>) src(%arg15 : memref<32x128xf32, #tpu.memory_space<vmem>>) dst(%dma_wait3A_370 : memref<32x128xf32, #tpu.memory_space<vmem_shared>>)
        tpu.yield
      }) : () -> ()
      %mul3A_70 = arith.constant 640 : i32
      %mul3A_71 = arith.muli %arg1, %mul3A_70 : i32
      %add3A_72 = arith.constant 480 : i32
      %add3A_73 = arith.addi %mul3A_71, %add3A_72 : i32
      "tpu.region"() ({
        %run_scoped3A_362 = tpu.sem_alloc : memref<!tpu.dma_semaphore, #tpu.memory_space<semaphore_mem>>
        %dma_start3A_363 = arith.constant 0 : i32
        %dma_start3A_364 = tpu.memref_slice %arg16[%add3A_73, %dma_start3A_363] : memref<10240x128xf32, #tpu.memory_space<vmem_shared>> -> memref<32x128xf32, #tpu.memory_space<vmem_shared>>
        %dma_start3A_365 = arith.constant 0 : i32
        %dma_start3A_366 = tpu.memref_slice %arg16[%add3A_73, %dma_start3A_365] : memref<10240x128xf32, #tpu.memory_space<vmem_shared>> -> memref<32x128xf32, #tpu.memory_space<vmem_shared>>
        tpu.enqueue_dma source(%arg15 : memref<32x128xf32, #tpu.memory_space<vmem>>) target(%dma_start3A_366 : memref<32x128xf32, #tpu.memory_space<vmem_shared>>) target_semaphore(%run_scoped3A_362 : memref<!tpu.dma_semaphore, #tpu.memory_space<semaphore_mem>>)
        %dma_wait3A_367 = arith.constant 0 : i32
        %dma_wait3A_368 = tpu.memref_slice %arg16[%add3A_73, %dma_wait3A_367] : memref<10240x128xf32, #tpu.memory_space<vmem_shared>> -> memref<32x128xf32, #tpu.memory_space<vmem_shared>>
        %dma_wait3A_369 = arith.constant 0 : i32
        %dma_wait3A_370 = tpu.memref_slice %arg16[%add3A_73, %dma_wait3A_369] : memref<10240x128xf32, #tpu.memory_space<vmem_shared>> -> memref<32x128xf32, #tpu.memory_space<vmem_shared>>
        tpu.wait_dma2 semaphore(%run_scoped3A_362 : memref<!tpu.dma_semaphore, #tpu.memory_space<semaphore_mem>>) src(%arg15 : memref<32x128xf32, #tpu.memory_space<vmem>>) dst(%dma_wait3A_370 : memref<32x128xf32, #tpu.memory_space<vmem_shared>>)
        tpu.yield
      }) : () -> ()
      %mul3A_74 = arith.constant 640 : i32
      %mul3A_75 = arith.muli %arg1, %mul3A_74 : i32
      %add3A_76 = arith.constant 512 : i32
      %add3A_77 = arith.addi %mul3A_75, %add3A_76 : i32
      "tpu.region"() ({
        %run_scoped3A_362 = tpu.sem_alloc : memref<!tpu.dma_semaphore, #tpu.memory_space<semaphore_mem>>
        %dma_start3A_363 = arith.constant 0 : i32
        %dma_start3A_364 = tpu.memref_slice %arg16[%add3A_77, %dma_start3A_363] : memref<10240x128xf32, #tpu.memory_space<vmem_shared>> -> memref<32x128xf32, #tpu.memory_space<vmem_shared>>
        %dma_start3A_365 = arith.constant 0 : i32
        %dma_start3A_366 = tpu.memref_slice %arg16[%add3A_77, %dma_start3A_365] : memref<10240x128xf32, #tpu.memory_space<vmem_shared>> -> memref<32x128xf32, #tpu.memory_space<vmem_shared>>
        tpu.enqueue_dma source(%arg15 : memref<32x128xf32, #tpu.memory_space<vmem>>) target(%dma_start3A_366 : memref<32x128xf32, #tpu.memory_space<vmem_shared>>) target_semaphore(%run_scoped3A_362 : memref<!tpu.dma_semaphore, #tpu.memory_space<semaphore_mem>>)
        %dma_wait3A_367 = arith.constant 0 : i32
        %dma_wait3A_368 = tpu.memref_slice %arg16[%add3A_77, %dma_wait3A_367] : memref<10240x128xf32, #tpu.memory_space<vmem_shared>> -> memref<32x128xf32, #tpu.memory_space<vmem_shared>>
        %dma_wait3A_369 = arith.constant 0 : i32
        %dma_wait3A_370 = tpu.memref_slice %arg16[%add3A_77, %dma_wait3A_369] : memref<10240x128xf32, #tpu.memory_space<vmem_shared>> -> memref<32x128xf32, #tpu.memory_space<vmem_shared>>
        tpu.wait_dma2 semaphore(%run_scoped3A_362 : memref<!tpu.dma_semaphore, #tpu.memory_space<semaphore_mem>>) src(%arg15 : memref<32x128xf32, #tpu.memory_space<vmem>>) dst(%dma_wait3A_370 : memref<32x128xf32, #tpu.memory_space<vmem_shared>>)
        tpu.yield
      }) : () -> ()
      %mul3A_78 = arith.constant 640 : i32
      %mul3A_79 = arith.muli %arg1, %mul3A_78 : i32
      %add3A_80 = arith.constant 544 : i32
      %add3A_81 = arith.addi %mul3A_79, %add3A_80 : i32
      "tpu.region"() ({
        %run_scoped3A_362 = tpu.sem_alloc : memref<!tpu.dma_semaphore, #tpu.memory_space<semaphore_mem>>
        %dma_start3A_363 = arith.constant 0 : i32
        %dma_start3A_364 = tpu.memref_slice %arg16[%add3A_81, %dma_start3A_363] : memref<10240x128xf32, #tpu.memory_space<vmem_shared>> -> memref<32x128xf32, #tpu.memory_space<vmem_shared>>
        %dma_start3A_365 = arith.constant 0 : i32
        %dma_start3A_366 = tpu.memref_slice %arg16[%add3A_81, %dma_start3A_365] : memref<10240x128xf32, #tpu.memory_space<vmem_shared>> -> memref<32x128xf32, #tpu.memory_space<vmem_shared>>
        tpu.enqueue_dma source(%arg15 : memref<32x128xf32, #tpu.memory_space<vmem>>) target(%dma_start3A_366 : memref<32x128xf32, #tpu.memory_space<vmem_shared>>) target_semaphore(%run_scoped3A_362 : memref<!tpu.dma_semaphore, #tpu.memory_space<semaphore_mem>>)
        %dma_wait3A_367 = arith.constant 0 : i32
        %dma_wait3A_368 = tpu.memref_slice %arg16[%add3A_81, %dma_wait3A_367] : memref<10240x128xf32, #tpu.memory_space<vmem_shared>> -> memref<32x128xf32, #tpu.memory_space<vmem_shared>>
        %dma_wait3A_369 = arith.constant 0 : i32
        %dma_wait3A_370 = tpu.memref_slice %arg16[%add3A_81, %dma_wait3A_369] : memref<10240x128xf32, #tpu.memory_space<vmem_shared>> -> memref<32x128xf32, #tpu.memory_space<vmem_shared>>
        tpu.wait_dma2 semaphore(%run_scoped3A_362 : memref<!tpu.dma_semaphore, #tpu.memory_space<semaphore_mem>>) src(%arg15 : memref<32x128xf32, #tpu.memory_space<vmem>>) dst(%dma_wait3A_370 : memref<32x128xf32, #tpu.memory_space<vmem_shared>>)
        tpu.yield
      }) : () -> ()
      %mul3A_82 = arith.constant 640 : i32
      %mul3A_83 = arith.muli %arg1, %mul3A_82 : i32
      %add3A_84 = arith.constant 576 : i32
      %add3A_85 = arith.addi %mul3A_83, %add3A_84 : i32
      "tpu.region"() ({
        %run_scoped3A_362 = tpu.sem_alloc : memref<!tpu.dma_semaphore, #tpu.memory_space<semaphore_mem>>
        %dma_start3A_363 = arith.constant 0 : i32
        %dma_start3A_364 = tpu.memref_slice %arg16[%add3A_85, %dma_start3A_363] : memref<10240x128xf32, #tpu.memory_space<vmem_shared>> -> memref<32x128xf32, #tpu.memory_space<vmem_shared>>
        %dma_start3A_365 = arith.constant 0 : i32
        %dma_start3A_366 = tpu.memref_slice %arg16[%add3A_85, %dma_start3A_365] : memref<10240x128xf32, #tpu.memory_space<vmem_shared>> -> memref<32x128xf32, #tpu.memory_space<vmem_shared>>
        tpu.enqueue_dma source(%arg15 : memref<32x128xf32, #tpu.memory_space<vmem>>) target(%dma_start3A_366 : memref<32x128xf32, #tpu.memory_space<vmem_shared>>) target_semaphore(%run_scoped3A_362 : memref<!tpu.dma_semaphore, #tpu.memory_space<semaphore_mem>>)
        %dma_wait3A_367 = arith.constant 0 : i32
        %dma_wait3A_368 = tpu.memref_slice %arg16[%add3A_85, %dma_wait3A_367] : memref<10240x128xf32, #tpu.memory_space<vmem_shared>> -> memref<32x128xf32, #tpu.memory_space<vmem_shared>>
        %dma_wait3A_369 = arith.constant 0 : i32
        %dma_wait3A_370 = tpu.memref_slice %arg16[%add3A_85, %dma_wait3A_369] : memref<10240x128xf32, #tpu.memory_space<vmem_shared>> -> memref<32x128xf32, #tpu.memory_space<vmem_shared>>
        tpu.wait_dma2 semaphore(%run_scoped3A_362 : memref<!tpu.dma_semaphore, #tpu.memory_space<semaphore_mem>>) src(%arg15 : memref<32x128xf32, #tpu.memory_space<vmem>>) dst(%dma_wait3A_370 : memref<32x128xf32, #tpu.memory_space<vmem_shared>>)
        tpu.yield
      }) : () -> ()
      %mul3A_86 = arith.constant 640 : i32
      %mul3A_87 = arith.muli %arg1, %mul3A_86 : i32
      %add3A_88 = arith.constant 608 : i32
      %add3A_89 = arith.addi %mul3A_87, %add3A_88 : i32
      "tpu.region"() ({
        %run_scoped3A_362 = tpu.sem_alloc : memref<!tpu.dma_semaphore, #tpu.memory_space<semaphore_mem>>
        %dma_start3A_363 = arith.constant 0 : i32
        %dma_start3A_364 = tpu.memref_slice %arg16[%add3A_89, %dma_start3A_363] : memref<10240x128xf32, #tpu.memory_space<vmem_shared>> -> memref<32x128xf32, #tpu.memory_space<vmem_shared>>
        %dma_start3A_365 = arith.constant 0 : i32
        %dma_start3A_366 = tpu.memref_slice %arg16[%add3A_89, %dma_start3A_365] : memref<10240x128xf32, #tpu.memory_space<vmem_shared>> -> memref<32x128xf32, #tpu.memory_space<vmem_shared>>
        tpu.enqueue_dma source(%arg15 : memref<32x128xf32, #tpu.memory_space<vmem>>) target(%dma_start3A_366 : memref<32x128xf32, #tpu.memory_space<vmem_shared>>) target_semaphore(%run_scoped3A_362 : memref<!tpu.dma_semaphore, #tpu.memory_space<semaphore_mem>>)
        %dma_wait3A_367 = arith.constant 0 : i32
        %dma_wait3A_368 = tpu.memref_slice %arg16[%add3A_89, %dma_wait3A_367] : memref<10240x128xf32, #tpu.memory_space<vmem_shared>> -> memref<32x128xf32, #tpu.memory_space<vmem_shared>>
        %dma_wait3A_369 = arith.constant 0 : i32
        %dma_wait3A_370 = tpu.memref_slice %arg16[%add3A_89, %dma_wait3A_369] : memref<10240x128xf32, #tpu.memory_space<vmem_shared>> -> memref<32x128xf32, #tpu.memory_space<vmem_shared>>
        tpu.wait_dma2 semaphore(%run_scoped3A_362 : memref<!tpu.dma_semaphore, #tpu.memory_space<semaphore_mem>>) src(%arg15 : memref<32x128xf32, #tpu.memory_space<vmem>>) dst(%dma_wait3A_370 : memref<32x128xf32, #tpu.memory_space<vmem_shared>>)
        tpu.yield
      }) : () -> ()
      %barrier3A = arith.constant 0 : index
      tpu.barrier barrier_id(%barrier3A)
      %mul3A_90 = arith.constant 80 : i32
      %mul3A_91 = arith.muli %arg1, %mul3A_90 : i32
      %add3A_92 = arith.constant 0 : i32
      %add3A_93 = arith.addi %mul3A_91, %add3A_92 : i32
      %run_scoped3A = arith.constant 0 : i32
      "tpu.region"() ({
        %run_scoped3A_362 = tpu.sem_alloc : memref<!tpu.dma_semaphore, #tpu.memory_space<semaphore_mem>>
        %dma_start3A_363 = arith.constant 0 : i32
        %dma_start3A_364 = tpu.memref_slice %arg6[%run_scoped3A, %add3A_93, %dma_start3A_363] : memref<2x1280x128xi32, #tpu.memory_space<hbm>> -> memref<1x40x128xi32, #tpu.memory_space<hbm>>
        %dma_start3A_365 = tpu.memref_squeeze %dma_start3A_364 : memref<1x40x128xi32, #tpu.memory_space<hbm>> -> memref<40x128xi32, #tpu.memory_space<hbm>>
        %dma_start3A_366 = arith.constant 0 : i32
        %dma_start3A_367 = tpu.memref_slice %arg6[%run_scoped3A, %add3A_93, %dma_start3A_366] : memref<2x1280x128xi32, #tpu.memory_space<hbm>> -> memref<1x40x128xi32, #tpu.memory_space<hbm>>
        %dma_start3A_368 = tpu.memref_squeeze %dma_start3A_367 : memref<1x40x128xi32, #tpu.memory_space<hbm>> -> memref<40x128xi32, #tpu.memory_space<hbm>>
        tpu.enqueue_dma source(%dma_start3A_368 : memref<40x128xi32, #tpu.memory_space<hbm>>) target(%arg11 : memref<40x128xi32, #tpu.memory_space<vmem>>) target_semaphore(%run_scoped3A_362 : memref<!tpu.dma_semaphore, #tpu.memory_space<semaphore_mem>>)
        %dma_wait3A_369 = arith.constant 0 : i32
        %dma_wait3A_370 = tpu.memref_slice %arg6[%run_scoped3A, %add3A_93, %dma_wait3A_369] : memref<2x1280x128xi32, #tpu.memory_space<hbm>> -> memref<1x40x128xi32, #tpu.memory_space<hbm>>
        %dma_wait3A_371 = tpu.memref_squeeze %dma_wait3A_370 : memref<1x40x128xi32, #tpu.memory_space<hbm>> -> memref<40x128xi32, #tpu.memory_space<hbm>>
        %dma_wait3A_372 = arith.constant 0 : i32
        %dma_wait3A_373 = tpu.memref_slice %arg6[%run_scoped3A, %add3A_93, %dma_wait3A_372] : memref<2x1280x128xi32, #tpu.memory_space<hbm>> -> memref<1x40x128xi32, #tpu.memory_space<hbm>>
        %dma_wait3A_374 = tpu.memref_squeeze %dma_wait3A_373 : memref<1x40x128xi32, #tpu.memory_space<hbm>> -> memref<40x128xi32, #tpu.memory_space<hbm>>
        tpu.wait_dma2 semaphore(%run_scoped3A_362 : memref<!tpu.dma_semaphore, #tpu.memory_space<semaphore_mem>>) src(%dma_wait3A_374 : memref<40x128xi32, #tpu.memory_space<hbm>>) dst(%arg11 : memref<40x128xi32, #tpu.memory_space<vmem>>)
        tpu.yield
      }) : () -> ()
      %run_scoped3A_94 = arith.constant 1 : i32
      "tpu.region"() ({
        %run_scoped3A_362 = tpu.sem_alloc : memref<!tpu.dma_semaphore, #tpu.memory_space<semaphore_mem>>
        %dma_start3A_363 = arith.constant 0 : i32
        %dma_start3A_364 = tpu.memref_slice %arg6[%run_scoped3A_94, %add3A_93, %dma_start3A_363] : memref<2x1280x128xi32, #tpu.memory_space<hbm>> -> memref<1x40x128xi32, #tpu.memory_space<hbm>>
        %dma_start3A_365 = tpu.memref_squeeze %dma_start3A_364 : memref<1x40x128xi32, #tpu.memory_space<hbm>> -> memref<40x128xi32, #tpu.memory_space<hbm>>
        %dma_start3A_366 = arith.constant 0 : i32
        %dma_start3A_367 = tpu.memref_slice %arg6[%run_scoped3A_94, %add3A_93, %dma_start3A_366] : memref<2x1280x128xi32, #tpu.memory_space<hbm>> -> memref<1x40x128xi32, #tpu.memory_space<hbm>>
        %dma_start3A_368 = tpu.memref_squeeze %dma_start3A_367 : memref<1x40x128xi32, #tpu.memory_space<hbm>> -> memref<40x128xi32, #tpu.memory_space<hbm>>
        tpu.enqueue_dma source(%dma_start3A_368 : memref<40x128xi32, #tpu.memory_space<hbm>>) target(%arg12 : memref<40x128xi32, #tpu.memory_space<vmem>>) target_semaphore(%run_scoped3A_362 : memref<!tpu.dma_semaphore, #tpu.memory_space<semaphore_mem>>)
        %dma_wait3A_369 = arith.constant 0 : i32
        %dma_wait3A_370 = tpu.memref_slice %arg6[%run_scoped3A_94, %add3A_93, %dma_wait3A_369] : memref<2x1280x128xi32, #tpu.memory_space<hbm>> -> memref<1x40x128xi32, #tpu.memory_space<hbm>>
        %dma_wait3A_371 = tpu.memref_squeeze %dma_wait3A_370 : memref<1x40x128xi32, #tpu.memory_space<hbm>> -> memref<40x128xi32, #tpu.memory_space<hbm>>
        %dma_wait3A_372 = arith.constant 0 : i32
        %dma_wait3A_373 = tpu.memref_slice %arg6[%run_scoped3A_94, %add3A_93, %dma_wait3A_372] : memref<2x1280x128xi32, #tpu.memory_space<hbm>> -> memref<1x40x128xi32, #tpu.memory_space<hbm>>
        %dma_wait3A_374 = tpu.memref_squeeze %dma_wait3A_373 : memref<1x40x128xi32, #tpu.memory_space<hbm>> -> memref<40x128xi32, #tpu.memory_space<hbm>>
        tpu.wait_dma2 semaphore(%run_scoped3A_362 : memref<!tpu.dma_semaphore, #tpu.memory_space<semaphore_mem>>) src(%dma_wait3A_374 : memref<40x128xi32, #tpu.memory_space<hbm>>) dst(%arg12 : memref<40x128xi32, #tpu.memory_space<vmem>>)
        tpu.yield
      }) : () -> ()
      %dma_start3A = arith.constant 0 : i32
      %dma_start3A_95 = arith.constant 0 : i32
      %dma_start3A_96 = arith.constant 0 : i32
      %dma_start3A_97 = tpu.memref_slice %arg13[%dma_start3A_95, %dma_start3A_96] : memref<128x128xf32, #tpu.memory_space<vmem>> -> memref<64x128xf32, #tpu.memory_space<vmem>>
      %dma_start3A_98 = arith.constant 0 : i32
      %dma_start3A_99 = tpu.memref_slice %arg12[%dma_start3A, %dma_start3A_98] : memref<40x128xi32, #tpu.memory_space<vmem>> -> memref<1x64xi32, #tpu.memory_space<vmem>>
      %dma_start3A_100 = tpu.memref_squeeze %dma_start3A_99 : memref<1x64xi32, #tpu.memory_space<vmem>> -> memref<64xi32, #tpu.memory_space<vmem>>
      %dma_start3A_101 = arith.constant 0 : i32
      %dma_start3A_102 = arith.constant 0 : i32
      %dma_start3A_103 = tpu.memref_slice %arg2[%dma_start3A_101, %dma_start3A_102] : memref<10000x128xf32, #tpu.memory_space<hbm>> -> memref<10000x128xf32, #tpu.memory_space<hbm>>
      tpu.enqueue_indirect_dma source(%dma_start3A_103 : memref<10000x128xf32, #tpu.memory_space<hbm>>) target(%dma_start3A_97 : memref<64x128xf32, #tpu.memory_space<vmem>>) offsets(%dma_start3A_100 : memref<64xi32, #tpu.memory_space<vmem>>) semaphore(%arg17 : memref<!tpu.dma_semaphore, #tpu.memory_space<semaphore_mem>>)
      %dma_start3A_104 = arith.constant 0 : i32
      %dma_start3A_105 = arith.constant 64 : i32
      %dma_start3A_106 = arith.constant 0 : i32
      %dma_start3A_107 = tpu.memref_slice %arg13[%dma_start3A_105, %dma_start3A_106] : memref<128x128xf32, #tpu.memory_space<vmem>> -> memref<64x128xf32, #tpu.memory_space<vmem>>
      %dma_start3A_108 = arith.constant 64 : i32
      %dma_start3A_109 = tpu.memref_slice %arg12[%dma_start3A_104, %dma_start3A_108] : memref<40x128xi32, #tpu.memory_space<vmem>> -> memref<1x64xi32, #tpu.memory_space<vmem>>
      %dma_start3A_110 = tpu.memref_squeeze %dma_start3A_109 : memref<1x64xi32, #tpu.memory_space<vmem>> -> memref<64xi32, #tpu.memory_space<vmem>>
      %dma_start3A_111 = arith.constant 0 : i32
      %dma_start3A_112 = arith.constant 0 : i32
      %dma_start3A_113 = tpu.memref_slice %arg2[%dma_start3A_111, %dma_start3A_112] : memref<10000x128xf32, #tpu.memory_space<hbm>> -> memref<10000x128xf32, #tpu.memory_space<hbm>>
      tpu.enqueue_indirect_dma source(%dma_start3A_113 : memref<10000x128xf32, #tpu.memory_space<hbm>>) target(%dma_start3A_107 : memref<64x128xf32, #tpu.memory_space<vmem>>) offsets(%dma_start3A_110 : memref<64xi32, #tpu.memory_space<vmem>>) semaphore(%arg18 : memref<!tpu.dma_semaphore, #tpu.memory_space<semaphore_mem>>)
      %scan3A_114 = arith.constant 0 : i32
      %scan3A_115 = arith.constant 0 : i32
      %scan3A_116 = arith.constant 40 : i32
      %scan3A_117 = arith.addi %scan3A_115, %scan3A_116 : i32
      %scan3A_118 = arith.constant 1 : i32
      scf.for %scan3A_362 = %scan3A_115 to %scan3A_117 step %scan3A_118  : i32 {
        %jit3A = arith.constant 2 : i32
        %eq3A_363 = arith.constant 0 : i32
        %eq3A_364 = arith.cmpi eq, %jit3A, %eq3A_363 : i32
        %jit3A_365 = arith.constant 1 : i32
        %select_n3A = arith.select %eq3A_364, %jit3A_365, %jit3A : i32
        %rem3A = arith.remsi %scan3A_362, %select_n3A : i32
        %ne3A = arith.constant 0 : i32
        %ne3A_366 = arith.cmpi ne, %rem3A, %ne3A : i32
        %lt3A = arith.constant 0 : i32
        %lt3A_367 = arith.cmpi slt, %rem3A, %lt3A : i32
        %lt3A_368 = arith.constant 0 : i32
        %lt3A_369 = arith.cmpi slt, %select_n3A, %lt3A_368 : i32
        %ne3A_370 = arith.xori %lt3A_367, %lt3A_369 : i1
        %and3A = arith.andi %ne3A_370, %ne3A_366 : i1
        %add3A_371 = arith.addi %rem3A, %select_n3A : i32
        %select_n3A_372 = arith.select %and3A, %add3A_371, %rem3A : i32
        %eq3A_373 = arith.constant 0 : i32
        %eq3A_374 = arith.cmpi eq, %select_n3A_372, %eq3A_373 : i32
        %convert_element_type3A_375 = arith.extui %eq3A_374 : i1 to i32
        %cond3A_376 = arith.constant 0 : i32
        %cond3A_377 = arith.cmpi ne, %convert_element_type3A_375, %cond3A_376 : i32
        scf.if %cond3A_377 {
          %dma_wait3A_399 = arith.constant 0 : i32
          %dma_wait3A_400 = arith.constant 0 : i32
          %dma_wait3A_401 = tpu.memref_slice %arg13[%dma_wait3A_399, %dma_wait3A_400] : memref<128x128xf32, #tpu.memory_space<vmem>> -> memref<64x128xf32, #tpu.memory_space<vmem>>
          %dma_wait3A_402 = arith.constant 0 : i32
          %dma_wait3A_403 = tpu.memref_slice %arg12[%scan3A_362, %dma_wait3A_402] : memref<40x128xi32, #tpu.memory_space<vmem>> -> memref<1x64xi32, #tpu.memory_space<vmem>>
          %dma_wait3A_404 = tpu.memref_squeeze %dma_wait3A_403 : memref<1x64xi32, #tpu.memory_space<vmem>> -> memref<64xi32, #tpu.memory_space<vmem>>
          %dma_wait3A_405 = arith.constant 0 : i32
          %dma_wait3A_406 = arith.constant 0 : i32
          %dma_wait3A_407 = tpu.memref_slice %arg2[%dma_wait3A_405, %dma_wait3A_406] : memref<10000x128xf32, #tpu.memory_space<hbm>> -> memref<10000x128xf32, #tpu.memory_space<hbm>>
          tpu.wait_indirect_dma semaphore(%arg17 : memref<!tpu.dma_semaphore, #tpu.memory_space<semaphore_mem>>) src(%dma_wait3A_407 : memref<10000x128xf32, #tpu.memory_space<hbm>>) dst(%dma_wait3A_401 : memref<64x128xf32, #tpu.memory_space<vmem>>)
          %dma_wait3A_408 = arith.constant 64 : i32
          %dma_wait3A_409 = arith.constant 0 : i32
          %dma_wait3A_410 = tpu.memref_slice %arg13[%dma_wait3A_408, %dma_wait3A_409] : memref<128x128xf32, #tpu.memory_space<vmem>> -> memref<64x128xf32, #tpu.memory_space<vmem>>
          %dma_wait3A_411 = arith.constant 64 : i32
          %dma_wait3A_412 = tpu.memref_slice %arg12[%scan3A_362, %dma_wait3A_411] : memref<40x128xi32, #tpu.memory_space<vmem>> -> memref<1x64xi32, #tpu.memory_space<vmem>>
          %dma_wait3A_413 = tpu.memref_squeeze %dma_wait3A_412 : memref<1x64xi32, #tpu.memory_space<vmem>> -> memref<64xi32, #tpu.memory_space<vmem>>
          %dma_wait3A_414 = arith.constant 0 : i32
          %dma_wait3A_415 = arith.constant 0 : i32
          %dma_wait3A_416 = tpu.memref_slice %arg2[%dma_wait3A_414, %dma_wait3A_415] : memref<10000x128xf32, #tpu.memory_space<hbm>> -> memref<10000x128xf32, #tpu.memory_space<hbm>>
          tpu.wait_indirect_dma semaphore(%arg18 : memref<!tpu.dma_semaphore, #tpu.memory_space<semaphore_mem>>) src(%dma_wait3A_416 : memref<10000x128xf32, #tpu.memory_space<hbm>>) dst(%dma_wait3A_410 : memref<64x128xf32, #tpu.memory_space<vmem>>)
          %add3A_417 = arith.constant 1 : i32
          %add3A_418 = arith.addi %scan3A_362, %add3A_417 : i32
          %lt3A_419 = arith.constant 40 : i32
          %lt3A_420 = arith.cmpi slt, %add3A_418, %lt3A_419 : i32
          %convert_element_type3A_421 = arith.extui %lt3A_420 : i1 to i32
          %cond3A_422 = arith.constant 0 : i32
          %cond3A_423 = arith.cmpi ne, %convert_element_type3A_421, %cond3A_422 : i32
          scf.if %cond3A_423 {
            %gt3A = arith.constant 0 : i32
            %gt3A_430 = arith.cmpi sgt, %scan3A_362, %gt3A : i32
            %convert_element_type3A_431 = arith.extui %gt3A_430 : i1 to i32
            %cond3A_432 = arith.constant 0 : i32
            %cond3A_433 = arith.cmpi ne, %convert_element_type3A_431, %cond3A_432 : i32
            scf.if %cond3A_433 {
              %sub3A = arith.constant 1 : i32
              %sub3A_454 = arith.subi %scan3A_362, %sub3A : i32
              %dma_wait3A_455 = arith.constant 0 : i32
              %dma_wait3A_456 = tpu.memref_slice %arg11[%sub3A_454, %dma_wait3A_455] : memref<40x128xi32, #tpu.memory_space<vmem>> -> memref<1x128xi32, #tpu.memory_space<vmem>>
              %dma_wait3A_457 = tpu.memref_squeeze %dma_wait3A_456 : memref<1x128xi32, #tpu.memory_space<vmem>> -> memref<128xi32, #tpu.memory_space<vmem>>
              %dma_wait3A_458 = arith.constant 0 : i32
              %dma_wait3A_459 = arith.constant 0 : i32
              %dma_wait3A_460 = tpu.memref_slice %arg16[%dma_wait3A_458, %dma_wait3A_459] : memref<10240x128xf32, #tpu.memory_space<vmem_shared>> -> memref<10240x128xf32, #tpu.memory_space<vmem_shared>>
              tpu.wait_indirect_dma semaphore(%arg22 : memref<!tpu.dma_semaphore, #tpu.memory_space<semaphore_mem>>) src(%arg14 : memref<128x128xf32, #tpu.memory_space<vmem>>) dst(%dma_wait3A_460 : memref<10240x128xf32, #tpu.memory_space<vmem_shared>>)
            } else {
            }
            %add3A_434 = arith.constant 1 : i32
            %add3A_435 = arith.addi %scan3A_362, %add3A_434 : i32
            %dma_start3A_436 = arith.constant 0 : i32
            %dma_start3A_437 = arith.constant 0 : i32
            %dma_start3A_438 = tpu.memref_slice %arg14[%dma_start3A_436, %dma_start3A_437] : memref<128x128xf32, #tpu.memory_space<vmem>> -> memref<64x128xf32, #tpu.memory_space<vmem>>
            %dma_start3A_439 = arith.constant 0 : i32
            %dma_start3A_440 = tpu.memref_slice %arg12[%add3A_435, %dma_start3A_439] : memref<40x128xi32, #tpu.memory_space<vmem>> -> memref<1x64xi32, #tpu.memory_space<vmem>>
            %dma_start3A_441 = tpu.memref_squeeze %dma_start3A_440 : memref<1x64xi32, #tpu.memory_space<vmem>> -> memref<64xi32, #tpu.memory_space<vmem>>
            %dma_start3A_442 = arith.constant 0 : i32
            %dma_start3A_443 = arith.constant 0 : i32
            %dma_start3A_444 = tpu.memref_slice %arg2[%dma_start3A_442, %dma_start3A_443] : memref<10000x128xf32, #tpu.memory_space<hbm>> -> memref<10000x128xf32, #tpu.memory_space<hbm>>
            tpu.enqueue_indirect_dma source(%dma_start3A_444 : memref<10000x128xf32, #tpu.memory_space<hbm>>) target(%dma_start3A_438 : memref<64x128xf32, #tpu.memory_space<vmem>>) offsets(%dma_start3A_441 : memref<64xi32, #tpu.memory_space<vmem>>) semaphore(%arg19 : memref<!tpu.dma_semaphore, #tpu.memory_space<semaphore_mem>>)
            %dma_start3A_445 = arith.constant 64 : i32
            %dma_start3A_446 = arith.constant 0 : i32
            %dma_start3A_447 = tpu.memref_slice %arg14[%dma_start3A_445, %dma_start3A_446] : memref<128x128xf32, #tpu.memory_space<vmem>> -> memref<64x128xf32, #tpu.memory_space<vmem>>
            %dma_start3A_448 = arith.constant 64 : i32
            %dma_start3A_449 = tpu.memref_slice %arg12[%add3A_435, %dma_start3A_448] : memref<40x128xi32, #tpu.memory_space<vmem>> -> memref<1x64xi32, #tpu.memory_space<vmem>>
            %dma_start3A_450 = tpu.memref_squeeze %dma_start3A_449 : memref<1x64xi32, #tpu.memory_space<vmem>> -> memref<64xi32, #tpu.memory_space<vmem>>
            %dma_start3A_451 = arith.constant 0 : i32
            %dma_start3A_452 = arith.constant 0 : i32
            %dma_start3A_453 = tpu.memref_slice %arg2[%dma_start3A_451, %dma_start3A_452] : memref<10000x128xf32, #tpu.memory_space<hbm>> -> memref<10000x128xf32, #tpu.memory_space<hbm>>
            tpu.enqueue_indirect_dma source(%dma_start3A_453 : memref<10000x128xf32, #tpu.memory_space<hbm>>) target(%dma_start3A_447 : memref<64x128xf32, #tpu.memory_space<vmem>>) offsets(%dma_start3A_450 : memref<64xi32, #tpu.memory_space<vmem>>) semaphore(%arg20 : memref<!tpu.dma_semaphore, #tpu.memory_space<semaphore_mem>>)
          } else {
          }
          %dma_start3A_424 = arith.constant 0 : i32
          %dma_start3A_425 = tpu.memref_slice %arg11[%scan3A_362, %dma_start3A_424] : memref<40x128xi32, #tpu.memory_space<vmem>> -> memref<1x128xi32, #tpu.memory_space<vmem>>
          %dma_start3A_426 = tpu.memref_squeeze %dma_start3A_425 : memref<1x128xi32, #tpu.memory_space<vmem>> -> memref<128xi32, #tpu.memory_space<vmem>>
          %dma_start3A_427 = arith.constant 0 : i32
          %dma_start3A_428 = arith.constant 0 : i32
          %dma_start3A_429 = tpu.memref_slice %arg16[%dma_start3A_427, %dma_start3A_428] : memref<10240x128xf32, #tpu.memory_space<vmem_shared>> -> memref<10240x128xf32, #tpu.memory_space<vmem_shared>>
          tpu.enqueue_indirect_dma source(%arg13 : memref<128x128xf32, #tpu.memory_space<vmem>>) target(%dma_start3A_429 : memref<10240x128xf32, #tpu.memory_space<vmem_shared>>) offsets(%dma_start3A_426 : memref<128xi32, #tpu.memory_space<vmem>>) semaphore(%arg21 : memref<!tpu.dma_semaphore, #tpu.memory_space<semaphore_mem>>) {add = true}
        } else {
        }
        %jit3A_378 = arith.constant 2 : i32
        %eq3A_379 = arith.constant 0 : i32
        %eq3A_380 = arith.cmpi eq, %jit3A_378, %eq3A_379 : i32
        %jit3A_381 = arith.constant 1 : i32
        %select_n3A_382 = arith.select %eq3A_380, %jit3A_381, %jit3A_378 : i32
        %rem3A_383 = arith.remsi %scan3A_362, %select_n3A_382 : i32
        %ne3A_384 = arith.constant 0 : i32
        %ne3A_385 = arith.cmpi ne, %rem3A_383, %ne3A_384 : i32
        %lt3A_386 = arith.constant 0 : i32
        %lt3A_387 = arith.cmpi slt, %rem3A_383, %lt3A_386 : i32
        %lt3A_388 = arith.constant 0 : i32
        %lt3A_389 = arith.cmpi slt, %select_n3A_382, %lt3A_388 : i32
        %ne3A_390 = arith.xori %lt3A_387, %lt3A_389 : i1
        %and3A_391 = arith.andi %ne3A_390, %ne3A_385 : i1
        %add3A_392 = arith.addi %rem3A_383, %select_n3A_382 : i32
        %select_n3A_393 = arith.select %and3A_391, %add3A_392, %rem3A_383 : i32
        %eq3A_394 = arith.constant 1 : i32
        %eq3A_395 = arith.cmpi eq, %select_n3A_393, %eq3A_394 : i32
        %convert_element_type3A_396 = arith.extui %eq3A_395 : i1 to i32
        %cond3A_397 = arith.constant 0 : i32
        %cond3A_398 = arith.cmpi ne, %convert_element_type3A_396, %cond3A_397 : i32
        scf.if %cond3A_398 {
          %dma_wait3A_399 = arith.constant 0 : i32
          %dma_wait3A_400 = arith.constant 0 : i32
          %dma_wait3A_401 = tpu.memref_slice %arg14[%dma_wait3A_399, %dma_wait3A_400] : memref<128x128xf32, #tpu.memory_space<vmem>> -> memref<64x128xf32, #tpu.memory_space<vmem>>
          %dma_wait3A_402 = arith.constant 0 : i32
          %dma_wait3A_403 = tpu.memref_slice %arg12[%scan3A_362, %dma_wait3A_402] : memref<40x128xi32, #tpu.memory_space<vmem>> -> memref<1x64xi32, #tpu.memory_space<vmem>>
          %dma_wait3A_404 = tpu.memref_squeeze %dma_wait3A_403 : memref<1x64xi32, #tpu.memory_space<vmem>> -> memref<64xi32, #tpu.memory_space<vmem>>
          %dma_wait3A_405 = arith.constant 0 : i32
          %dma_wait3A_406 = arith.constant 0 : i32
          %dma_wait3A_407 = tpu.memref_slice %arg2[%dma_wait3A_405, %dma_wait3A_406] : memref<10000x128xf32, #tpu.memory_space<hbm>> -> memref<10000x128xf32, #tpu.memory_space<hbm>>
          tpu.wait_indirect_dma semaphore(%arg19 : memref<!tpu.dma_semaphore, #tpu.memory_space<semaphore_mem>>) src(%dma_wait3A_407 : memref<10000x128xf32, #tpu.memory_space<hbm>>) dst(%dma_wait3A_401 : memref<64x128xf32, #tpu.memory_space<vmem>>)
          %dma_wait3A_408 = arith.constant 64 : i32
          %dma_wait3A_409 = arith.constant 0 : i32
          %dma_wait3A_410 = tpu.memref_slice %arg14[%dma_wait3A_408, %dma_wait3A_409] : memref<128x128xf32, #tpu.memory_space<vmem>> -> memref<64x128xf32, #tpu.memory_space<vmem>>
          %dma_wait3A_411 = arith.constant 64 : i32
          %dma_wait3A_412 = tpu.memref_slice %arg12[%scan3A_362, %dma_wait3A_411] : memref<40x128xi32, #tpu.memory_space<vmem>> -> memref<1x64xi32, #tpu.memory_space<vmem>>
          %dma_wait3A_413 = tpu.memref_squeeze %dma_wait3A_412 : memref<1x64xi32, #tpu.memory_space<vmem>> -> memref<64xi32, #tpu.memory_space<vmem>>
          %dma_wait3A_414 = arith.constant 0 : i32
          %dma_wait3A_415 = arith.constant 0 : i32
          %dma_wait3A_416 = tpu.memref_slice %arg2[%dma_wait3A_414, %dma_wait3A_415] : memref<10000x128xf32, #tpu.memory_space<hbm>> -> memref<10000x128xf32, #tpu.memory_space<hbm>>
          tpu.wait_indirect_dma semaphore(%arg20 : memref<!tpu.dma_semaphore, #tpu.memory_space<semaphore_mem>>) src(%dma_wait3A_416 : memref<10000x128xf32, #tpu.memory_space<hbm>>) dst(%dma_wait3A_410 : memref<64x128xf32, #tpu.memory_space<vmem>>)
          %add3A_417 = arith.constant 1 : i32
          %add3A_418 = arith.addi %scan3A_362, %add3A_417 : i32
          %lt3A_419 = arith.constant 40 : i32
          %lt3A_420 = arith.cmpi slt, %add3A_418, %lt3A_419 : i32
          %convert_element_type3A_421 = arith.extui %lt3A_420 : i1 to i32
          %cond3A_422 = arith.constant 0 : i32
          %cond3A_423 = arith.cmpi ne, %convert_element_type3A_421, %cond3A_422 : i32
          scf.if %cond3A_423 {
            %sub3A = arith.constant 1 : i32
            %sub3A_430 = arith.subi %scan3A_362, %sub3A : i32
            %dma_wait3A_431 = arith.constant 0 : i32
            %dma_wait3A_432 = tpu.memref_slice %arg11[%sub3A_430, %dma_wait3A_431] : memref<40x128xi32, #tpu.memory_space<vmem>> -> memref<1x128xi32, #tpu.memory_space<vmem>>
            %dma_wait3A_433 = tpu.memref_squeeze %dma_wait3A_432 : memref<1x128xi32, #tpu.memory_space<vmem>> -> memref<128xi32, #tpu.memory_space<vmem>>
            %dma_wait3A_434 = arith.constant 0 : i32
            %dma_wait3A_435 = arith.constant 0 : i32
            %dma_wait3A_436 = tpu.memref_slice %arg16[%dma_wait3A_434, %dma_wait3A_435] : memref<10240x128xf32, #tpu.memory_space<vmem_shared>> -> memref<10240x128xf32, #tpu.memory_space<vmem_shared>>
            tpu.wait_indirect_dma semaphore(%arg21 : memref<!tpu.dma_semaphore, #tpu.memory_space<semaphore_mem>>) src(%arg13 : memref<128x128xf32, #tpu.memory_space<vmem>>) dst(%dma_wait3A_436 : memref<10240x128xf32, #tpu.memory_space<vmem_shared>>)
            %add3A_437 = arith.constant 1 : i32
            %add3A_438 = arith.addi %scan3A_362, %add3A_437 : i32
            %dma_start3A_439 = arith.constant 0 : i32
            %dma_start3A_440 = arith.constant 0 : i32
            %dma_start3A_441 = tpu.memref_slice %arg13[%dma_start3A_439, %dma_start3A_440] : memref<128x128xf32, #tpu.memory_space<vmem>> -> memref<64x128xf32, #tpu.memory_space<vmem>>
            %dma_start3A_442 = arith.constant 0 : i32
            %dma_start3A_443 = tpu.memref_slice %arg12[%add3A_438, %dma_start3A_442] : memref<40x128xi32, #tpu.memory_space<vmem>> -> memref<1x64xi32, #tpu.memory_space<vmem>>
            %dma_start3A_444 = tpu.memref_squeeze %dma_start3A_443 : memref<1x64xi32, #tpu.memory_space<vmem>> -> memref<64xi32, #tpu.memory_space<vmem>>
            %dma_start3A_445 = arith.constant 0 : i32
            %dma_start3A_446 = arith.constant 0 : i32
            %dma_start3A_447 = tpu.memref_slice %arg2[%dma_start3A_445, %dma_start3A_446] : memref<10000x128xf32, #tpu.memory_space<hbm>> -> memref<10000x128xf32, #tpu.memory_space<hbm>>
            tpu.enqueue_indirect_dma source(%dma_start3A_447 : memref<10000x128xf32, #tpu.memory_space<hbm>>) target(%dma_start3A_441 : memref<64x128xf32, #tpu.memory_space<vmem>>) offsets(%dma_start3A_444 : memref<64xi32, #tpu.memory_space<vmem>>) semaphore(%arg17 : memref<!tpu.dma_semaphore, #tpu.memory_space<semaphore_mem>>)
            %dma_start3A_448 = arith.constant 64 : i32
            %dma_start3A_449 = arith.constant 0 : i32
            %dma_start3A_450 = tpu.memref_slice %arg13[%dma_start3A_448, %dma_start3A_449] : memref<128x128xf32, #tpu.memory_space<vmem>> -> memref<64x128xf32, #tpu.memory_space<vmem>>
            %dma_start3A_451 = arith.constant 64 : i32
            %dma_start3A_452 = tpu.memref_slice %arg12[%add3A_438, %dma_start3A_451] : memref<40x128xi32, #tpu.memory_space<vmem>> -> memref<1x64xi32, #tpu.memory_space<vmem>>
            %dma_start3A_453 = tpu.memref_squeeze %dma_start3A_452 : memref<1x64xi32, #tpu.memory_space<vmem>> -> memref<64xi32, #tpu.memory_space<vmem>>
            %dma_start3A_454 = arith.constant 0 : i32
            %dma_start3A_455 = arith.constant 0 : i32
            %dma_start3A_456 = tpu.memref_slice %arg2[%dma_start3A_454, %dma_start3A_455] : memref<10000x128xf32, #tpu.memory_space<hbm>> -> memref<10000x128xf32, #tpu.memory_space<hbm>>
            tpu.enqueue_indirect_dma source(%dma_start3A_456 : memref<10000x128xf32, #tpu.memory_space<hbm>>) target(%dma_start3A_450 : memref<64x128xf32, #tpu.memory_space<vmem>>) offsets(%dma_start3A_453 : memref<64xi32, #tpu.memory_space<vmem>>) semaphore(%arg18 : memref<!tpu.dma_semaphore, #tpu.memory_space<semaphore_mem>>)
          } else {
          }
          %dma_start3A_424 = arith.constant 0 : i32
          %dma_start3A_425 = tpu.memref_slice %arg11[%scan3A_362, %dma_start3A_424] : memref<40x128xi32, #tpu.memory_space<vmem>> -> memref<1x128xi32, #tpu.memory_space<vmem>>
          %dma_start3A_426 = tpu.memref_squeeze %dma_start3A_425 : memref<1x128xi32, #tpu.memory_space<vmem>> -> memref<128xi32, #tpu.memory_space<vmem>>
          %dma_start3A_427 = arith.constant 0 : i32
          %dma_start3A_428 = arith.constant 0 : i32
          %dma_start3A_429 = tpu.memref_slice %arg16[%dma_start3A_427, %dma_start3A_428] : memref<10240x128xf32, #tpu.memory_space<vmem_shared>> -> memref<10240x128xf32, #tpu.memory_space<vmem_shared>>
          tpu.enqueue_indirect_dma source(%arg14 : memref<128x128xf32, #tpu.memory_space<vmem>>) target(%dma_start3A_429 : memref<10240x128xf32, #tpu.memory_space<vmem_shared>>) offsets(%dma_start3A_426 : memref<128xi32, #tpu.memory_space<vmem>>) semaphore(%arg22 : memref<!tpu.dma_semaphore, #tpu.memory_space<semaphore_mem>>) {add = true}
        } else {
        }
      }
      %scan3A_119 = arith.constant 40 : i32
      %dma_wait3A = arith.constant 38 : i32
      %dma_wait3A_120 = arith.constant 0 : i32
      %dma_wait3A_121 = tpu.memref_slice %arg11[%dma_wait3A, %dma_wait3A_120] : memref<40x128xi32, #tpu.memory_space<vmem>> -> memref<1x128xi32, #tpu.memory_space<vmem>>
      %dma_wait3A_122 = tpu.memref_squeeze %dma_wait3A_121 : memref<1x128xi32, #tpu.memory_space<vmem>> -> memref<128xi32, #tpu.memory_space<vmem>>
      %dma_wait3A_123 = arith.constant 0 : i32
      %dma_wait3A_124 = arith.constant 0 : i32
      %dma_wait3A_125 = tpu.memref_slice %arg16[%dma_wait3A_123, %dma_wait3A_124] : memref<10240x128xf32, #tpu.memory_space<vmem_shared>> -> memref<10240x128xf32, #tpu.memory_space<vmem_shared>>
      tpu.wait_indirect_dma semaphore(%arg21 : memref<!tpu.dma_semaphore, #tpu.memory_space<semaphore_mem>>) src(%arg13 : memref<128x128xf32, #tpu.memory_space<vmem>>) dst(%dma_wait3A_125 : memref<10240x128xf32, #tpu.memory_space<vmem_shared>>)
      %dma_wait3A_126 = arith.constant 39 : i32
      %dma_wait3A_127 = arith.constant 0 : i32
      %dma_wait3A_128 = tpu.memref_slice %arg11[%dma_wait3A_126, %dma_wait3A_127] : memref<40x128xi32, #tpu.memory_space<vmem>> -> memref<1x128xi32, #tpu.memory_space<vmem>>
      %dma_wait3A_129 = tpu.memref_squeeze %dma_wait3A_128 : memref<1x128xi32, #tpu.memory_space<vmem>> -> memref<128xi32, #tpu.memory_space<vmem>>
      %dma_wait3A_130 = arith.constant 0 : i32
      %dma_wait3A_131 = arith.constant 0 : i32
      %dma_wait3A_132 = tpu.memref_slice %arg16[%dma_wait3A_130, %dma_wait3A_131] : memref<10240x128xf32, #tpu.memory_space<vmem_shared>> -> memref<10240x128xf32, #tpu.memory_space<vmem_shared>>
      tpu.wait_indirect_dma semaphore(%arg22 : memref<!tpu.dma_semaphore, #tpu.memory_space<semaphore_mem>>) src(%arg14 : memref<128x128xf32, #tpu.memory_space<vmem>>) dst(%dma_wait3A_132 : memref<10240x128xf32, #tpu.memory_space<vmem_shared>>)
      %mul3A_133 = arith.constant 80 : i32
      %mul3A_134 = arith.muli %arg1, %mul3A_133 : i32
      %add3A_135 = arith.constant 40 : i32
      %add3A_136 = arith.addi %mul3A_134, %add3A_135 : i32
      %run_scoped3A_137 = arith.constant 0 : i32
      "tpu.region"() ({
        %run_scoped3A_362 = tpu.sem_alloc : memref<!tpu.dma_semaphore, #tpu.memory_space<semaphore_mem>>
        %dma_start3A_363 = arith.constant 0 : i32
        %dma_start3A_364 = tpu.memref_slice %arg6[%run_scoped3A_137, %add3A_136, %dma_start3A_363] : memref<2x1280x128xi32, #tpu.memory_space<hbm>> -> memref<1x40x128xi32, #tpu.memory_space<hbm>>
        %dma_start3A_365 = tpu.memref_squeeze %dma_start3A_364 : memref<1x40x128xi32, #tpu.memory_space<hbm>> -> memref<40x128xi32, #tpu.memory_space<hbm>>
        %dma_start3A_366 = arith.constant 0 : i32
        %dma_start3A_367 = tpu.memref_slice %arg6[%run_scoped3A_137, %add3A_136, %dma_start3A_366] : memref<2x1280x128xi32, #tpu.memory_space<hbm>> -> memref<1x40x128xi32, #tpu.memory_space<hbm>>
        %dma_start3A_368 = tpu.memref_squeeze %dma_start3A_367 : memref<1x40x128xi32, #tpu.memory_space<hbm>> -> memref<40x128xi32, #tpu.memory_space<hbm>>
        tpu.enqueue_dma source(%dma_start3A_368 : memref<40x128xi32, #tpu.memory_space<hbm>>) target(%arg11 : memref<40x128xi32, #tpu.memory_space<vmem>>) target_semaphore(%run_scoped3A_362 : memref<!tpu.dma_semaphore, #tpu.memory_space<semaphore_mem>>)
        %dma_wait3A_369 = arith.constant 0 : i32
        %dma_wait3A_370 = tpu.memref_slice %arg6[%run_scoped3A_137, %add3A_136, %dma_wait3A_369] : memref<2x1280x128xi32, #tpu.memory_space<hbm>> -> memref<1x40x128xi32, #tpu.memory_space<hbm>>
        %dma_wait3A_371 = tpu.memref_squeeze %dma_wait3A_370 : memref<1x40x128xi32, #tpu.memory_space<hbm>> -> memref<40x128xi32, #tpu.memory_space<hbm>>
        %dma_wait3A_372 = arith.constant 0 : i32
        %dma_wait3A_373 = tpu.memref_slice %arg6[%run_scoped3A_137, %add3A_136, %dma_wait3A_372] : memref<2x1280x128xi32, #tpu.memory_space<hbm>> -> memref<1x40x128xi32, #tpu.memory_space<hbm>>
        %dma_wait3A_374 = tpu.memref_squeeze %dma_wait3A_373 : memref<1x40x128xi32, #tpu.memory_space<hbm>> -> memref<40x128xi32, #tpu.memory_space<hbm>>
        tpu.wait_dma2 semaphore(%run_scoped3A_362 : memref<!tpu.dma_semaphore, #tpu.memory_space<semaphore_mem>>) src(%dma_wait3A_374 : memref<40x128xi32, #tpu.memory_space<hbm>>) dst(%arg11 : memref<40x128xi32, #tpu.memory_space<vmem>>)
        tpu.yield
      }) : () -> ()
      %run_scoped3A_138 = arith.constant 1 : i32
      "tpu.region"() ({
        %run_scoped3A_362 = tpu.sem_alloc : memref<!tpu.dma_semaphore, #tpu.memory_space<semaphore_mem>>
        %dma_start3A_363 = arith.constant 0 : i32
        %dma_start3A_364 = tpu.memref_slice %arg6[%run_scoped3A_138, %add3A_136, %dma_start3A_363] : memref<2x1280x128xi32, #tpu.memory_space<hbm>> -> memref<1x40x128xi32, #tpu.memory_space<hbm>>
        %dma_start3A_365 = tpu.memref_squeeze %dma_start3A_364 : memref<1x40x128xi32, #tpu.memory_space<hbm>> -> memref<40x128xi32, #tpu.memory_space<hbm>>
        %dma_start3A_366 = arith.constant 0 : i32
        %dma_start3A_367 = tpu.memref_slice %arg6[%run_scoped3A_138, %add3A_136, %dma_start3A_366] : memref<2x1280x128xi32, #tpu.memory_space<hbm>> -> memref<1x40x128xi32, #tpu.memory_space<hbm>>
        %dma_start3A_368 = tpu.memref_squeeze %dma_start3A_367 : memref<1x40x128xi32, #tpu.memory_space<hbm>> -> memref<40x128xi32, #tpu.memory_space<hbm>>
        tpu.enqueue_dma source(%dma_start3A_368 : memref<40x128xi32, #tpu.memory_space<hbm>>) target(%arg12 : memref<40x128xi32, #tpu.memory_space<vmem>>) target_semaphore(%run_scoped3A_362 : memref<!tpu.dma_semaphore, #tpu.memory_space<semaphore_mem>>)
        %dma_wait3A_369 = arith.constant 0 : i32
        %dma_wait3A_370 = tpu.memref_slice %arg6[%run_scoped3A_138, %add3A_136, %dma_wait3A_369] : memref<2x1280x128xi32, #tpu.memory_space<hbm>> -> memref<1x40x128xi32, #tpu.memory_space<hbm>>
        %dma_wait3A_371 = tpu.memref_squeeze %dma_wait3A_370 : memref<1x40x128xi32, #tpu.memory_space<hbm>> -> memref<40x128xi32, #tpu.memory_space<hbm>>
        %dma_wait3A_372 = arith.constant 0 : i32
        %dma_wait3A_373 = tpu.memref_slice %arg6[%run_scoped3A_138, %add3A_136, %dma_wait3A_372] : memref<2x1280x128xi32, #tpu.memory_space<hbm>> -> memref<1x40x128xi32, #tpu.memory_space<hbm>>
        %dma_wait3A_374 = tpu.memref_squeeze %dma_wait3A_373 : memref<1x40x128xi32, #tpu.memory_space<hbm>> -> memref<40x128xi32, #tpu.memory_space<hbm>>
        tpu.wait_dma2 semaphore(%run_scoped3A_362 : memref<!tpu.dma_semaphore, #tpu.memory_space<semaphore_mem>>) src(%dma_wait3A_374 : memref<40x128xi32, #tpu.memory_space<hbm>>) dst(%arg12 : memref<40x128xi32, #tpu.memory_space<vmem>>)
        tpu.yield
      }) : () -> ()
      %dma_start3A_139 = arith.constant 0 : i32
      %dma_start3A_140 = arith.constant 0 : i32
      %dma_start3A_141 = arith.constant 0 : i32
      %dma_start3A_142 = tpu.memref_slice %arg13[%dma_start3A_140, %dma_start3A_141] : memref<128x128xf32, #tpu.memory_space<vmem>> -> memref<64x128xf32, #tpu.memory_space<vmem>>
      %dma_start3A_143 = arith.constant 0 : i32
      %dma_start3A_144 = tpu.memref_slice %arg12[%dma_start3A_139, %dma_start3A_143] : memref<40x128xi32, #tpu.memory_space<vmem>> -> memref<1x64xi32, #tpu.memory_space<vmem>>
      %dma_start3A_145 = tpu.memref_squeeze %dma_start3A_144 : memref<1x64xi32, #tpu.memory_space<vmem>> -> memref<64xi32, #tpu.memory_space<vmem>>
      %dma_start3A_146 = arith.constant 0 : i32
      %dma_start3A_147 = arith.constant 0 : i32
      %dma_start3A_148 = tpu.memref_slice %arg2[%dma_start3A_146, %dma_start3A_147] : memref<10000x128xf32, #tpu.memory_space<hbm>> -> memref<10000x128xf32, #tpu.memory_space<hbm>>
      tpu.enqueue_indirect_dma source(%dma_start3A_148 : memref<10000x128xf32, #tpu.memory_space<hbm>>) target(%dma_start3A_142 : memref<64x128xf32, #tpu.memory_space<vmem>>) offsets(%dma_start3A_145 : memref<64xi32, #tpu.memory_space<vmem>>) semaphore(%arg17 : memref<!tpu.dma_semaphore, #tpu.memory_space<semaphore_mem>>)
      %dma_start3A_149 = arith.constant 0 : i32
      %dma_start3A_150 = arith.constant 64 : i32
      %dma_start3A_151 = arith.constant 0 : i32
      %dma_start3A_152 = tpu.memref_slice %arg13[%dma_start3A_150, %dma_start3A_151] : memref<128x128xf32, #tpu.memory_space<vmem>> -> memref<64x128xf32, #tpu.memory_space<vmem>>
      %dma_start3A_153 = arith.constant 64 : i32
      %dma_start3A_154 = tpu.memref_slice %arg12[%dma_start3A_149, %dma_start3A_153] : memref<40x128xi32, #tpu.memory_space<vmem>> -> memref<1x64xi32, #tpu.memory_space<vmem>>
      %dma_start3A_155 = tpu.memref_squeeze %dma_start3A_154 : memref<1x64xi32, #tpu.memory_space<vmem>> -> memref<64xi32, #tpu.memory_space<vmem>>
      %dma_start3A_156 = arith.constant 0 : i32
      %dma_start3A_157 = arith.constant 0 : i32
      %dma_start3A_158 = tpu.memref_slice %arg2[%dma_start3A_156, %dma_start3A_157] : memref<10000x128xf32, #tpu.memory_space<hbm>> -> memref<10000x128xf32, #tpu.memory_space<hbm>>
      tpu.enqueue_indirect_dma source(%dma_start3A_158 : memref<10000x128xf32, #tpu.memory_space<hbm>>) target(%dma_start3A_152 : memref<64x128xf32, #tpu.memory_space<vmem>>) offsets(%dma_start3A_155 : memref<64xi32, #tpu.memory_space<vmem>>) semaphore(%arg18 : memref<!tpu.dma_semaphore, #tpu.memory_space<semaphore_mem>>)
      %scan3A_159 = arith.constant 0 : i32
      %scan3A_160 = arith.constant 0 : i32
      %scan3A_161 = arith.constant 40 : i32
      %scan3A_162 = arith.addi %scan3A_160, %scan3A_161 : i32
      %scan3A_163 = arith.constant 1 : i32
      scf.for %scan3A_362 = %scan3A_160 to %scan3A_162 step %scan3A_163  : i32 {
        %jit3A = arith.constant 2 : i32
        %eq3A_363 = arith.constant 0 : i32
        %eq3A_364 = arith.cmpi eq, %jit3A, %eq3A_363 : i32
        %jit3A_365 = arith.constant 1 : i32
        %select_n3A = arith.select %eq3A_364, %jit3A_365, %jit3A : i32
        %rem3A = arith.remsi %scan3A_362, %select_n3A : i32
        %ne3A = arith.constant 0 : i32
        %ne3A_366 = arith.cmpi ne, %rem3A, %ne3A : i32
        %lt3A = arith.constant 0 : i32
        %lt3A_367 = arith.cmpi slt, %rem3A, %lt3A : i32
        %lt3A_368 = arith.constant 0 : i32
        %lt3A_369 = arith.cmpi slt, %select_n3A, %lt3A_368 : i32
        %ne3A_370 = arith.xori %lt3A_367, %lt3A_369 : i1
        %and3A = arith.andi %ne3A_370, %ne3A_366 : i1
        %add3A_371 = arith.addi %rem3A, %select_n3A : i32
        %select_n3A_372 = arith.select %and3A, %add3A_371, %rem3A : i32
        %eq3A_373 = arith.constant 0 : i32
        %eq3A_374 = arith.cmpi eq, %select_n3A_372, %eq3A_373 : i32
        %convert_element_type3A_375 = arith.extui %eq3A_374 : i1 to i32
        %cond3A_376 = arith.constant 0 : i32
        %cond3A_377 = arith.cmpi ne, %convert_element_type3A_375, %cond3A_376 : i32
        scf.if %cond3A_377 {
          %dma_wait3A_399 = arith.constant 0 : i32
          %dma_wait3A_400 = arith.constant 0 : i32
          %dma_wait3A_401 = tpu.memref_slice %arg13[%dma_wait3A_399, %dma_wait3A_400] : memref<128x128xf32, #tpu.memory_space<vmem>> -> memref<64x128xf32, #tpu.memory_space<vmem>>
          %dma_wait3A_402 = arith.constant 0 : i32
          %dma_wait3A_403 = tpu.memref_slice %arg12[%scan3A_362, %dma_wait3A_402] : memref<40x128xi32, #tpu.memory_space<vmem>> -> memref<1x64xi32, #tpu.memory_space<vmem>>
          %dma_wait3A_404 = tpu.memref_squeeze %dma_wait3A_403 : memref<1x64xi32, #tpu.memory_space<vmem>> -> memref<64xi32, #tpu.memory_space<vmem>>
          %dma_wait3A_405 = arith.constant 0 : i32
          %dma_wait3A_406 = arith.constant 0 : i32
          %dma_wait3A_407 = tpu.memref_slice %arg2[%dma_wait3A_405, %dma_wait3A_406] : memref<10000x128xf32, #tpu.memory_space<hbm>> -> memref<10000x128xf32, #tpu.memory_space<hbm>>
          tpu.wait_indirect_dma semaphore(%arg17 : memref<!tpu.dma_semaphore, #tpu.memory_space<semaphore_mem>>) src(%dma_wait3A_407 : memref<10000x128xf32, #tpu.memory_space<hbm>>) dst(%dma_wait3A_401 : memref<64x128xf32, #tpu.memory_space<vmem>>)
          %dma_wait3A_408 = arith.constant 64 : i32
          %dma_wait3A_409 = arith.constant 0 : i32
          %dma_wait3A_410 = tpu.memref_slice %arg13[%dma_wait3A_408, %dma_wait3A_409] : memref<128x128xf32, #tpu.memory_space<vmem>> -> memref<64x128xf32, #tpu.memory_space<vmem>>
          %dma_wait3A_411 = arith.constant 64 : i32
          %dma_wait3A_412 = tpu.memref_slice %arg12[%scan3A_362, %dma_wait3A_411] : memref<40x128xi32, #tpu.memory_space<vmem>> -> memref<1x64xi32, #tpu.memory_space<vmem>>
          %dma_wait3A_413 = tpu.memref_squeeze %dma_wait3A_412 : memref<1x64xi32, #tpu.memory_space<vmem>> -> memref<64xi32, #tpu.memory_space<vmem>>
          %dma_wait3A_414 = arith.constant 0 : i32
          %dma_wait3A_415 = arith.constant 0 : i32
          %dma_wait3A_416 = tpu.memref_slice %arg2[%dma_wait3A_414, %dma_wait3A_415] : memref<10000x128xf32, #tpu.memory_space<hbm>> -> memref<10000x128xf32, #tpu.memory_space<hbm>>
          tpu.wait_indirect_dma semaphore(%arg18 : memref<!tpu.dma_semaphore, #tpu.memory_space<semaphore_mem>>) src(%dma_wait3A_416 : memref<10000x128xf32, #tpu.memory_space<hbm>>) dst(%dma_wait3A_410 : memref<64x128xf32, #tpu.memory_space<vmem>>)
          %add3A_417 = arith.constant 1 : i32
          %add3A_418 = arith.addi %scan3A_362, %add3A_417 : i32
          %lt3A_419 = arith.constant 40 : i32
          %lt3A_420 = arith.cmpi slt, %add3A_418, %lt3A_419 : i32
          %convert_element_type3A_421 = arith.extui %lt3A_420 : i1 to i32
          %cond3A_422 = arith.constant 0 : i32
          %cond3A_423 = arith.cmpi ne, %convert_element_type3A_421, %cond3A_422 : i32
          scf.if %cond3A_423 {
            %gt3A = arith.constant 0 : i32
            %gt3A_430 = arith.cmpi sgt, %scan3A_362, %gt3A : i32
            %convert_element_type3A_431 = arith.extui %gt3A_430 : i1 to i32
            %cond3A_432 = arith.constant 0 : i32
            %cond3A_433 = arith.cmpi ne, %convert_element_type3A_431, %cond3A_432 : i32
            scf.if %cond3A_433 {
              %sub3A = arith.constant 1 : i32
              %sub3A_454 = arith.subi %scan3A_362, %sub3A : i32
              %dma_wait3A_455 = arith.constant 0 : i32
              %dma_wait3A_456 = tpu.memref_slice %arg11[%sub3A_454, %dma_wait3A_455] : memref<40x128xi32, #tpu.memory_space<vmem>> -> memref<1x128xi32, #tpu.memory_space<vmem>>
              %dma_wait3A_457 = tpu.memref_squeeze %dma_wait3A_456 : memref<1x128xi32, #tpu.memory_space<vmem>> -> memref<128xi32, #tpu.memory_space<vmem>>
              %dma_wait3A_458 = arith.constant 0 : i32
              %dma_wait3A_459 = arith.constant 0 : i32
              %dma_wait3A_460 = tpu.memref_slice %arg16[%dma_wait3A_458, %dma_wait3A_459] : memref<10240x128xf32, #tpu.memory_space<vmem_shared>> -> memref<10240x128xf32, #tpu.memory_space<vmem_shared>>
              tpu.wait_indirect_dma semaphore(%arg22 : memref<!tpu.dma_semaphore, #tpu.memory_space<semaphore_mem>>) src(%arg14 : memref<128x128xf32, #tpu.memory_space<vmem>>) dst(%dma_wait3A_460 : memref<10240x128xf32, #tpu.memory_space<vmem_shared>>)
            } else {
            }
            %add3A_434 = arith.constant 1 : i32
            %add3A_435 = arith.addi %scan3A_362, %add3A_434 : i32
            %dma_start3A_436 = arith.constant 0 : i32
            %dma_start3A_437 = arith.constant 0 : i32
            %dma_start3A_438 = tpu.memref_slice %arg14[%dma_start3A_436, %dma_start3A_437] : memref<128x128xf32, #tpu.memory_space<vmem>> -> memref<64x128xf32, #tpu.memory_space<vmem>>
            %dma_start3A_439 = arith.constant 0 : i32
            %dma_start3A_440 = tpu.memref_slice %arg12[%add3A_435, %dma_start3A_439] : memref<40x128xi32, #tpu.memory_space<vmem>> -> memref<1x64xi32, #tpu.memory_space<vmem>>
            %dma_start3A_441 = tpu.memref_squeeze %dma_start3A_440 : memref<1x64xi32, #tpu.memory_space<vmem>> -> memref<64xi32, #tpu.memory_space<vmem>>
            %dma_start3A_442 = arith.constant 0 : i32
            %dma_start3A_443 = arith.constant 0 : i32
            %dma_start3A_444 = tpu.memref_slice %arg2[%dma_start3A_442, %dma_start3A_443] : memref<10000x128xf32, #tpu.memory_space<hbm>> -> memref<10000x128xf32, #tpu.memory_space<hbm>>
            tpu.enqueue_indirect_dma source(%dma_start3A_444 : memref<10000x128xf32, #tpu.memory_space<hbm>>) target(%dma_start3A_438 : memref<64x128xf32, #tpu.memory_space<vmem>>) offsets(%dma_start3A_441 : memref<64xi32, #tpu.memory_space<vmem>>) semaphore(%arg19 : memref<!tpu.dma_semaphore, #tpu.memory_space<semaphore_mem>>)
            %dma_start3A_445 = arith.constant 64 : i32
            %dma_start3A_446 = arith.constant 0 : i32
            %dma_start3A_447 = tpu.memref_slice %arg14[%dma_start3A_445, %dma_start3A_446] : memref<128x128xf32, #tpu.memory_space<vmem>> -> memref<64x128xf32, #tpu.memory_space<vmem>>
            %dma_start3A_448 = arith.constant 64 : i32
            %dma_start3A_449 = tpu.memref_slice %arg12[%add3A_435, %dma_start3A_448] : memref<40x128xi32, #tpu.memory_space<vmem>> -> memref<1x64xi32, #tpu.memory_space<vmem>>
            %dma_start3A_450 = tpu.memref_squeeze %dma_start3A_449 : memref<1x64xi32, #tpu.memory_space<vmem>> -> memref<64xi32, #tpu.memory_space<vmem>>
            %dma_start3A_451 = arith.constant 0 : i32
            %dma_start3A_452 = arith.constant 0 : i32
            %dma_start3A_453 = tpu.memref_slice %arg2[%dma_start3A_451, %dma_start3A_452] : memref<10000x128xf32, #tpu.memory_space<hbm>> -> memref<10000x128xf32, #tpu.memory_space<hbm>>
            tpu.enqueue_indirect_dma source(%dma_start3A_453 : memref<10000x128xf32, #tpu.memory_space<hbm>>) target(%dma_start3A_447 : memref<64x128xf32, #tpu.memory_space<vmem>>) offsets(%dma_start3A_450 : memref<64xi32, #tpu.memory_space<vmem>>) semaphore(%arg20 : memref<!tpu.dma_semaphore, #tpu.memory_space<semaphore_mem>>)
          } else {
          }
          %dma_start3A_424 = arith.constant 0 : i32
          %dma_start3A_425 = tpu.memref_slice %arg11[%scan3A_362, %dma_start3A_424] : memref<40x128xi32, #tpu.memory_space<vmem>> -> memref<1x128xi32, #tpu.memory_space<vmem>>
          %dma_start3A_426 = tpu.memref_squeeze %dma_start3A_425 : memref<1x128xi32, #tpu.memory_space<vmem>> -> memref<128xi32, #tpu.memory_space<vmem>>
          %dma_start3A_427 = arith.constant 0 : i32
          %dma_start3A_428 = arith.constant 0 : i32
          %dma_start3A_429 = tpu.memref_slice %arg16[%dma_start3A_427, %dma_start3A_428] : memref<10240x128xf32, #tpu.memory_space<vmem_shared>> -> memref<10240x128xf32, #tpu.memory_space<vmem_shared>>
          tpu.enqueue_indirect_dma source(%arg13 : memref<128x128xf32, #tpu.memory_space<vmem>>) target(%dma_start3A_429 : memref<10240x128xf32, #tpu.memory_space<vmem_shared>>) offsets(%dma_start3A_426 : memref<128xi32, #tpu.memory_space<vmem>>) semaphore(%arg21 : memref<!tpu.dma_semaphore, #tpu.memory_space<semaphore_mem>>) {add = true}
        } else {
        }
        %jit3A_378 = arith.constant 2 : i32
        %eq3A_379 = arith.constant 0 : i32
        %eq3A_380 = arith.cmpi eq, %jit3A_378, %eq3A_379 : i32
        %jit3A_381 = arith.constant 1 : i32
        %select_n3A_382 = arith.select %eq3A_380, %jit3A_381, %jit3A_378 : i32
        %rem3A_383 = arith.remsi %scan3A_362, %select_n3A_382 : i32
        %ne3A_384 = arith.constant 0 : i32
        %ne3A_385 = arith.cmpi ne, %rem3A_383, %ne3A_384 : i32
        %lt3A_386 = arith.constant 0 : i32
        %lt3A_387 = arith.cmpi slt, %rem3A_383, %lt3A_386 : i32
        %lt3A_388 = arith.constant 0 : i32
        %lt3A_389 = arith.cmpi slt, %select_n3A_382, %lt3A_388 : i32
        %ne3A_390 = arith.xori %lt3A_387, %lt3A_389 : i1
        %and3A_391 = arith.andi %ne3A_390, %ne3A_385 : i1
        %add3A_392 = arith.addi %rem3A_383, %select_n3A_382 : i32
        %select_n3A_393 = arith.select %and3A_391, %add3A_392, %rem3A_383 : i32
        %eq3A_394 = arith.constant 1 : i32
        %eq3A_395 = arith.cmpi eq, %select_n3A_393, %eq3A_394 : i32
        %convert_element_type3A_396 = arith.extui %eq3A_395 : i1 to i32
        %cond3A_397 = arith.constant 0 : i32
        %cond3A_398 = arith.cmpi ne, %convert_element_type3A_396, %cond3A_397 : i32
        scf.if %cond3A_398 {
          %dma_wait3A_399 = arith.constant 0 : i32
          %dma_wait3A_400 = arith.constant 0 : i32
          %dma_wait3A_401 = tpu.memref_slice %arg14[%dma_wait3A_399, %dma_wait3A_400] : memref<128x128xf32, #tpu.memory_space<vmem>> -> memref<64x128xf32, #tpu.memory_space<vmem>>
          %dma_wait3A_402 = arith.constant 0 : i32
          %dma_wait3A_403 = tpu.memref_slice %arg12[%scan3A_362, %dma_wait3A_402] : memref<40x128xi32, #tpu.memory_space<vmem>> -> memref<1x64xi32, #tpu.memory_space<vmem>>
          %dma_wait3A_404 = tpu.memref_squeeze %dma_wait3A_403 : memref<1x64xi32, #tpu.memory_space<vmem>> -> memref<64xi32, #tpu.memory_space<vmem>>
          %dma_wait3A_405 = arith.constant 0 : i32
          %dma_wait3A_406 = arith.constant 0 : i32
          %dma_wait3A_407 = tpu.memref_slice %arg2[%dma_wait3A_405, %dma_wait3A_406] : memref<10000x128xf32, #tpu.memory_space<hbm>> -> memref<10000x128xf32, #tpu.memory_space<hbm>>
          tpu.wait_indirect_dma semaphore(%arg19 : memref<!tpu.dma_semaphore, #tpu.memory_space<semaphore_mem>>) src(%dma_wait3A_407 : memref<10000x128xf32, #tpu.memory_space<hbm>>) dst(%dma_wait3A_401 : memref<64x128xf32, #tpu.memory_space<vmem>>)
          %dma_wait3A_408 = arith.constant 64 : i32
          %dma_wait3A_409 = arith.constant 0 : i32
          %dma_wait3A_410 = tpu.memref_slice %arg14[%dma_wait3A_408, %dma_wait3A_409] : memref<128x128xf32, #tpu.memory_space<vmem>> -> memref<64x128xf32, #tpu.memory_space<vmem>>
          %dma_wait3A_411 = arith.constant 64 : i32
          %dma_wait3A_412 = tpu.memref_slice %arg12[%scan3A_362, %dma_wait3A_411] : memref<40x128xi32, #tpu.memory_space<vmem>> -> memref<1x64xi32, #tpu.memory_space<vmem>>
          %dma_wait3A_413 = tpu.memref_squeeze %dma_wait3A_412 : memref<1x64xi32, #tpu.memory_space<vmem>> -> memref<64xi32, #tpu.memory_space<vmem>>
          %dma_wait3A_414 = arith.constant 0 : i32
          %dma_wait3A_415 = arith.constant 0 : i32
          %dma_wait3A_416 = tpu.memref_slice %arg2[%dma_wait3A_414, %dma_wait3A_415] : memref<10000x128xf32, #tpu.memory_space<hbm>> -> memref<10000x128xf32, #tpu.memory_space<hbm>>
          tpu.wait_indirect_dma semaphore(%arg20 : memref<!tpu.dma_semaphore, #tpu.memory_space<semaphore_mem>>) src(%dma_wait3A_416 : memref<10000x128xf32, #tpu.memory_space<hbm>>) dst(%dma_wait3A_410 : memref<64x128xf32, #tpu.memory_space<vmem>>)
          %add3A_417 = arith.constant 1 : i32
          %add3A_418 = arith.addi %scan3A_362, %add3A_417 : i32
          %lt3A_419 = arith.constant 40 : i32
          %lt3A_420 = arith.cmpi slt, %add3A_418, %lt3A_419 : i32
          %convert_element_type3A_421 = arith.extui %lt3A_420 : i1 to i32
          %cond3A_422 = arith.constant 0 : i32
          %cond3A_423 = arith.cmpi ne, %convert_element_type3A_421, %cond3A_422 : i32
          scf.if %cond3A_423 {
            %sub3A = arith.constant 1 : i32
            %sub3A_430 = arith.subi %scan3A_362, %sub3A : i32
            %dma_wait3A_431 = arith.constant 0 : i32
            %dma_wait3A_432 = tpu.memref_slice %arg11[%sub3A_430, %dma_wait3A_431] : memref<40x128xi32, #tpu.memory_space<vmem>> -> memref<1x128xi32, #tpu.memory_space<vmem>>
            %dma_wait3A_433 = tpu.memref_squeeze %dma_wait3A_432 : memref<1x128xi32, #tpu.memory_space<vmem>> -> memref<128xi32, #tpu.memory_space<vmem>>
            %dma_wait3A_434 = arith.constant 0 : i32
            %dma_wait3A_435 = arith.constant 0 : i32
            %dma_wait3A_436 = tpu.memref_slice %arg16[%dma_wait3A_434, %dma_wait3A_435] : memref<10240x128xf32, #tpu.memory_space<vmem_shared>> -> memref<10240x128xf32, #tpu.memory_space<vmem_shared>>
            tpu.wait_indirect_dma semaphore(%arg21 : memref<!tpu.dma_semaphore, #tpu.memory_space<semaphore_mem>>) src(%arg13 : memref<128x128xf32, #tpu.memory_space<vmem>>) dst(%dma_wait3A_436 : memref<10240x128xf32, #tpu.memory_space<vmem_shared>>)
            %add3A_437 = arith.constant 1 : i32
            %add3A_438 = arith.addi %scan3A_362, %add3A_437 : i32
            %dma_start3A_439 = arith.constant 0 : i32
            %dma_start3A_440 = arith.constant 0 : i32
            %dma_start3A_441 = tpu.memref_slice %arg13[%dma_start3A_439, %dma_start3A_440] : memref<128x128xf32, #tpu.memory_space<vmem>> -> memref<64x128xf32, #tpu.memory_space<vmem>>
            %dma_start3A_442 = arith.constant 0 : i32
            %dma_start3A_443 = tpu.memref_slice %arg12[%add3A_438, %dma_start3A_442] : memref<40x128xi32, #tpu.memory_space<vmem>> -> memref<1x64xi32, #tpu.memory_space<vmem>>
            %dma_start3A_444 = tpu.memref_squeeze %dma_start3A_443 : memref<1x64xi32, #tpu.memory_space<vmem>> -> memref<64xi32, #tpu.memory_space<vmem>>
            %dma_start3A_445 = arith.constant 0 : i32
            %dma_start3A_446 = arith.constant 0 : i32
            %dma_start3A_447 = tpu.memref_slice %arg2[%dma_start3A_445, %dma_start3A_446] : memref<10000x128xf32, #tpu.memory_space<hbm>> -> memref<10000x128xf32, #tpu.memory_space<hbm>>
            tpu.enqueue_indirect_dma source(%dma_start3A_447 : memref<10000x128xf32, #tpu.memory_space<hbm>>) target(%dma_start3A_441 : memref<64x128xf32, #tpu.memory_space<vmem>>) offsets(%dma_start3A_444 : memref<64xi32, #tpu.memory_space<vmem>>) semaphore(%arg17 : memref<!tpu.dma_semaphore, #tpu.memory_space<semaphore_mem>>)
            %dma_start3A_448 = arith.constant 64 : i32
            %dma_start3A_449 = arith.constant 0 : i32
            %dma_start3A_450 = tpu.memref_slice %arg13[%dma_start3A_448, %dma_start3A_449] : memref<128x128xf32, #tpu.memory_space<vmem>> -> memref<64x128xf32, #tpu.memory_space<vmem>>
            %dma_start3A_451 = arith.constant 64 : i32
            %dma_start3A_452 = tpu.memref_slice %arg12[%add3A_438, %dma_start3A_451] : memref<40x128xi32, #tpu.memory_space<vmem>> -> memref<1x64xi32, #tpu.memory_space<vmem>>
            %dma_start3A_453 = tpu.memref_squeeze %dma_start3A_452 : memref<1x64xi32, #tpu.memory_space<vmem>> -> memref<64xi32, #tpu.memory_space<vmem>>
            %dma_start3A_454 = arith.constant 0 : i32
            %dma_start3A_455 = arith.constant 0 : i32
            %dma_start3A_456 = tpu.memref_slice %arg2[%dma_start3A_454, %dma_start3A_455] : memref<10000x128xf32, #tpu.memory_space<hbm>> -> memref<10000x128xf32, #tpu.memory_space<hbm>>
            tpu.enqueue_indirect_dma source(%dma_start3A_456 : memref<10000x128xf32, #tpu.memory_space<hbm>>) target(%dma_start3A_450 : memref<64x128xf32, #tpu.memory_space<vmem>>) offsets(%dma_start3A_453 : memref<64xi32, #tpu.memory_space<vmem>>) semaphore(%arg18 : memref<!tpu.dma_semaphore, #tpu.memory_space<semaphore_mem>>)
          } else {
          }
          %dma_start3A_424 = arith.constant 0 : i32
          %dma_start3A_425 = tpu.memref_slice %arg11[%scan3A_362, %dma_start3A_424] : memref<40x128xi32, #tpu.memory_space<vmem>> -> memref<1x128xi32, #tpu.memory_space<vmem>>
          %dma_start3A_426 = tpu.memref_squeeze %dma_start3A_425 : memref<1x128xi32, #tpu.memory_space<vmem>> -> memref<128xi32, #tpu.memory_space<vmem>>
          %dma_start3A_427 = arith.constant 0 : i32
          %dma_start3A_428 = arith.constant 0 : i32
          %dma_start3A_429 = tpu.memref_slice %arg16[%dma_start3A_427, %dma_start3A_428] : memref<10240x128xf32, #tpu.memory_space<vmem_shared>> -> memref<10240x128xf32, #tpu.memory_space<vmem_shared>>
          tpu.enqueue_indirect_dma source(%arg14 : memref<128x128xf32, #tpu.memory_space<vmem>>) target(%dma_start3A_429 : memref<10240x128xf32, #tpu.memory_space<vmem_shared>>) offsets(%dma_start3A_426 : memref<128xi32, #tpu.memory_space<vmem>>) semaphore(%arg22 : memref<!tpu.dma_semaphore, #tpu.memory_space<semaphore_mem>>) {add = true}
        } else {
        }
      }
      %scan3A_164 = arith.constant 40 : i32
      %dma_wait3A_165 = arith.constant 38 : i32
      %dma_wait3A_166 = arith.constant 0 : i32
      %dma_wait3A_167 = tpu.memref_slice %arg11[%dma_wait3A_165, %dma_wait3A_166] : memref<40x128xi32, #tpu.memory_space<vmem>> -> memref<1x128xi32, #tpu.memory_space<vmem>>
      %dma_wait3A_168 = tpu.memref_squeeze %dma_wait3A_167 : memref<1x128xi32, #tpu.memory_space<vmem>> -> memref<128xi32, #tpu.memory_space<vmem>>
      %dma_wait3A_169 = arith.constant 0 : i32
      %dma_wait3A_170 = arith.constant 0 : i32
      %dma_wait3A_171 = tpu.memref_slice %arg16[%dma_wait3A_169, %dma_wait3A_170] : memref<10240x128xf32, #tpu.memory_space<vmem_shared>> -> memref<10240x128xf32, #tpu.memory_space<vmem_shared>>
      tpu.wait_indirect_dma semaphore(%arg21 : memref<!tpu.dma_semaphore, #tpu.memory_space<semaphore_mem>>) src(%arg13 : memref<128x128xf32, #tpu.memory_space<vmem>>) dst(%dma_wait3A_171 : memref<10240x128xf32, #tpu.memory_space<vmem_shared>>)
      %dma_wait3A_172 = arith.constant 39 : i32
      %dma_wait3A_173 = arith.constant 0 : i32
      %dma_wait3A_174 = tpu.memref_slice %arg11[%dma_wait3A_172, %dma_wait3A_173] : memref<40x128xi32, #tpu.memory_space<vmem>> -> memref<1x128xi32, #tpu.memory_space<vmem>>
      %dma_wait3A_175 = tpu.memref_squeeze %dma_wait3A_174 : memref<1x128xi32, #tpu.memory_space<vmem>> -> memref<128xi32, #tpu.memory_space<vmem>>
      %dma_wait3A_176 = arith.constant 0 : i32
      %dma_wait3A_177 = arith.constant 0 : i32
      %dma_wait3A_178 = tpu.memref_slice %arg16[%dma_wait3A_176, %dma_wait3A_177] : memref<10240x128xf32, #tpu.memory_space<vmem_shared>> -> memref<10240x128xf32, #tpu.memory_space<vmem_shared>>
      tpu.wait_indirect_dma semaphore(%arg22 : memref<!tpu.dma_semaphore, #tpu.memory_space<semaphore_mem>>) src(%arg14 : memref<128x128xf32, #tpu.memory_space<vmem>>) dst(%dma_wait3A_178 : memref<10240x128xf32, #tpu.memory_space<vmem_shared>>)
      %barrier3A_179 = arith.constant 0 : index
      tpu.barrier barrier_id(%barrier3A_179)
      %mul3A_180 = arith.constant 640 : i32
      %mul3A_181 = arith.muli %arg1, %mul3A_180 : i32
      %mul3A_182 = arith.constant 640 : i32
      %mul3A_183 = arith.muli %arg1, %mul3A_182 : i32
      "tpu.region"() ({
        %run_scoped3A_362 = tpu.sem_alloc : memref<!tpu.dma_semaphore, #tpu.memory_space<semaphore_mem>>
        %dma_start3A_363 = arith.constant 0 : i32
        %dma_start3A_364 = tpu.memref_slice %arg7[%mul3A_183, %dma_start3A_363] : memref<10240x128xf32, #tpu.memory_space<hbm>> -> memref<640x128xf32, #tpu.memory_space<hbm>>
        %dma_start3A_365 = arith.constant 0 : i32
        %dma_start3A_366 = tpu.memref_slice %arg16[%mul3A_181, %dma_start3A_365] : memref<10240x128xf32, #tpu.memory_space<vmem_shared>> -> memref<640x128xf32, #tpu.memory_space<vmem_shared>>
        tpu.enqueue_dma source(%dma_start3A_366 : memref<640x128xf32, #tpu.memory_space<vmem_shared>>) target(%dma_start3A_364 : memref<640x128xf32, #tpu.memory_space<hbm>>) target_semaphore(%run_scoped3A_362 : memref<!tpu.dma_semaphore, #tpu.memory_space<semaphore_mem>>)
        %dma_wait3A_367 = arith.constant 0 : i32
        %dma_wait3A_368 = tpu.memref_slice %arg7[%mul3A_183, %dma_wait3A_367] : memref<10240x128xf32, #tpu.memory_space<hbm>> -> memref<640x128xf32, #tpu.memory_space<hbm>>
        %dma_wait3A_369 = arith.constant 0 : i32
        %dma_wait3A_370 = tpu.memref_slice %arg16[%mul3A_181, %dma_wait3A_369] : memref<10240x128xf32, #tpu.memory_space<vmem_shared>> -> memref<640x128xf32, #tpu.memory_space<vmem_shared>>
        tpu.wait_dma2 semaphore(%run_scoped3A_362 : memref<!tpu.dma_semaphore, #tpu.memory_space<semaphore_mem>>) src(%dma_wait3A_370 : memref<640x128xf32, #tpu.memory_space<vmem_shared>>) dst(%dma_wait3A_368 : memref<640x128xf32, #tpu.memory_space<hbm>>)
        tpu.yield
      }) : () -> ()
      %mul3A_184 = arith.constant 640 : i32
      %mul3A_185 = arith.muli %arg1, %mul3A_184 : i32
      %add3A_186 = arith.constant 0 : i32
      %add3A_187 = arith.addi %mul3A_185, %add3A_186 : i32
      "tpu.region"() ({
        %run_scoped3A_362 = tpu.sem_alloc : memref<!tpu.dma_semaphore, #tpu.memory_space<semaphore_mem>>
        %dma_start3A_363 = arith.constant 0 : i32
        %dma_start3A_364 = tpu.memref_slice %arg16[%add3A_187, %dma_start3A_363] : memref<10240x128xf32, #tpu.memory_space<vmem_shared>> -> memref<32x128xf32, #tpu.memory_space<vmem_shared>>
        %dma_start3A_365 = arith.constant 0 : i32
        %dma_start3A_366 = tpu.memref_slice %arg16[%add3A_187, %dma_start3A_365] : memref<10240x128xf32, #tpu.memory_space<vmem_shared>> -> memref<32x128xf32, #tpu.memory_space<vmem_shared>>
        tpu.enqueue_dma source(%arg15 : memref<32x128xf32, #tpu.memory_space<vmem>>) target(%dma_start3A_366 : memref<32x128xf32, #tpu.memory_space<vmem_shared>>) target_semaphore(%run_scoped3A_362 : memref<!tpu.dma_semaphore, #tpu.memory_space<semaphore_mem>>)
        %dma_wait3A_367 = arith.constant 0 : i32
        %dma_wait3A_368 = tpu.memref_slice %arg16[%add3A_187, %dma_wait3A_367] : memref<10240x128xf32, #tpu.memory_space<vmem_shared>> -> memref<32x128xf32, #tpu.memory_space<vmem_shared>>
        %dma_wait3A_369 = arith.constant 0 : i32
        %dma_wait3A_370 = tpu.memref_slice %arg16[%add3A_187, %dma_wait3A_369] : memref<10240x128xf32, #tpu.memory_space<vmem_shared>> -> memref<32x128xf32, #tpu.memory_space<vmem_shared>>
        tpu.wait_dma2 semaphore(%run_scoped3A_362 : memref<!tpu.dma_semaphore, #tpu.memory_space<semaphore_mem>>) src(%arg15 : memref<32x128xf32, #tpu.memory_space<vmem>>) dst(%dma_wait3A_370 : memref<32x128xf32, #tpu.memory_space<vmem_shared>>)
        tpu.yield
      }) : () -> ()
      %mul3A_188 = arith.constant 640 : i32
      %mul3A_189 = arith.muli %arg1, %mul3A_188 : i32
      %add3A_190 = arith.constant 32 : i32
      %add3A_191 = arith.addi %mul3A_189, %add3A_190 : i32
      "tpu.region"() ({
        %run_scoped3A_362 = tpu.sem_alloc : memref<!tpu.dma_semaphore, #tpu.memory_space<semaphore_mem>>
        %dma_start3A_363 = arith.constant 0 : i32
        %dma_start3A_364 = tpu.memref_slice %arg16[%add3A_191, %dma_start3A_363] : memref<10240x128xf32, #tpu.memory_space<vmem_shared>> -> memref<32x128xf32, #tpu.memory_space<vmem_shared>>
        %dma_start3A_365 = arith.constant 0 : i32
        %dma_start3A_366 = tpu.memref_slice %arg16[%add3A_191, %dma_start3A_365] : memref<10240x128xf32, #tpu.memory_space<vmem_shared>> -> memref<32x128xf32, #tpu.memory_space<vmem_shared>>
        tpu.enqueue_dma source(%arg15 : memref<32x128xf32, #tpu.memory_space<vmem>>) target(%dma_start3A_366 : memref<32x128xf32, #tpu.memory_space<vmem_shared>>) target_semaphore(%run_scoped3A_362 : memref<!tpu.dma_semaphore, #tpu.memory_space<semaphore_mem>>)
        %dma_wait3A_367 = arith.constant 0 : i32
        %dma_wait3A_368 = tpu.memref_slice %arg16[%add3A_191, %dma_wait3A_367] : memref<10240x128xf32, #tpu.memory_space<vmem_shared>> -> memref<32x128xf32, #tpu.memory_space<vmem_shared>>
        %dma_wait3A_369 = arith.constant 0 : i32
        %dma_wait3A_370 = tpu.memref_slice %arg16[%add3A_191, %dma_wait3A_369] : memref<10240x128xf32, #tpu.memory_space<vmem_shared>> -> memref<32x128xf32, #tpu.memory_space<vmem_shared>>
        tpu.wait_dma2 semaphore(%run_scoped3A_362 : memref<!tpu.dma_semaphore, #tpu.memory_space<semaphore_mem>>) src(%arg15 : memref<32x128xf32, #tpu.memory_space<vmem>>) dst(%dma_wait3A_370 : memref<32x128xf32, #tpu.memory_space<vmem_shared>>)
        tpu.yield
      }) : () -> ()
      %mul3A_192 = arith.constant 640 : i32
      %mul3A_193 = arith.muli %arg1, %mul3A_192 : i32
      %add3A_194 = arith.constant 64 : i32
      %add3A_195 = arith.addi %mul3A_193, %add3A_194 : i32
      "tpu.region"() ({
        %run_scoped3A_362 = tpu.sem_alloc : memref<!tpu.dma_semaphore, #tpu.memory_space<semaphore_mem>>
        %dma_start3A_363 = arith.constant 0 : i32
        %dma_start3A_364 = tpu.memref_slice %arg16[%add3A_195, %dma_start3A_363] : memref<10240x128xf32, #tpu.memory_space<vmem_shared>> -> memref<32x128xf32, #tpu.memory_space<vmem_shared>>
        %dma_start3A_365 = arith.constant 0 : i32
        %dma_start3A_366 = tpu.memref_slice %arg16[%add3A_195, %dma_start3A_365] : memref<10240x128xf32, #tpu.memory_space<vmem_shared>> -> memref<32x128xf32, #tpu.memory_space<vmem_shared>>
        tpu.enqueue_dma source(%arg15 : memref<32x128xf32, #tpu.memory_space<vmem>>) target(%dma_start3A_366 : memref<32x128xf32, #tpu.memory_space<vmem_shared>>) target_semaphore(%run_scoped3A_362 : memref<!tpu.dma_semaphore, #tpu.memory_space<semaphore_mem>>)
        %dma_wait3A_367 = arith.constant 0 : i32
        %dma_wait3A_368 = tpu.memref_slice %arg16[%add3A_195, %dma_wait3A_367] : memref<10240x128xf32, #tpu.memory_space<vmem_shared>> -> memref<32x128xf32, #tpu.memory_space<vmem_shared>>
        %dma_wait3A_369 = arith.constant 0 : i32
        %dma_wait3A_370 = tpu.memref_slice %arg16[%add3A_195, %dma_wait3A_369] : memref<10240x128xf32, #tpu.memory_space<vmem_shared>> -> memref<32x128xf32, #tpu.memory_space<vmem_shared>>
        tpu.wait_dma2 semaphore(%run_scoped3A_362 : memref<!tpu.dma_semaphore, #tpu.memory_space<semaphore_mem>>) src(%arg15 : memref<32x128xf32, #tpu.memory_space<vmem>>) dst(%dma_wait3A_370 : memref<32x128xf32, #tpu.memory_space<vmem_shared>>)
        tpu.yield
      }) : () -> ()
      %mul3A_196 = arith.constant 640 : i32
      %mul3A_197 = arith.muli %arg1, %mul3A_196 : i32
      %add3A_198 = arith.constant 96 : i32
      %add3A_199 = arith.addi %mul3A_197, %add3A_198 : i32
      "tpu.region"() ({
        %run_scoped3A_362 = tpu.sem_alloc : memref<!tpu.dma_semaphore, #tpu.memory_space<semaphore_mem>>
        %dma_start3A_363 = arith.constant 0 : i32
        %dma_start3A_364 = tpu.memref_slice %arg16[%add3A_199, %dma_start3A_363] : memref<10240x128xf32, #tpu.memory_space<vmem_shared>> -> memref<32x128xf32, #tpu.memory_space<vmem_shared>>
        %dma_start3A_365 = arith.constant 0 : i32
        %dma_start3A_366 = tpu.memref_slice %arg16[%add3A_199, %dma_start3A_365] : memref<10240x128xf32, #tpu.memory_space<vmem_shared>> -> memref<32x128xf32, #tpu.memory_space<vmem_shared>>
        tpu.enqueue_dma source(%arg15 : memref<32x128xf32, #tpu.memory_space<vmem>>) target(%dma_start3A_366 : memref<32x128xf32, #tpu.memory_space<vmem_shared>>) target_semaphore(%run_scoped3A_362 : memref<!tpu.dma_semaphore, #tpu.memory_space<semaphore_mem>>)
        %dma_wait3A_367 = arith.constant 0 : i32
        %dma_wait3A_368 = tpu.memref_slice %arg16[%add3A_199, %dma_wait3A_367] : memref<10240x128xf32, #tpu.memory_space<vmem_shared>> -> memref<32x128xf32, #tpu.memory_space<vmem_shared>>
        %dma_wait3A_369 = arith.constant 0 : i32
        %dma_wait3A_370 = tpu.memref_slice %arg16[%add3A_199, %dma_wait3A_369] : memref<10240x128xf32, #tpu.memory_space<vmem_shared>> -> memref<32x128xf32, #tpu.memory_space<vmem_shared>>
        tpu.wait_dma2 semaphore(%run_scoped3A_362 : memref<!tpu.dma_semaphore, #tpu.memory_space<semaphore_mem>>) src(%arg15 : memref<32x128xf32, #tpu.memory_space<vmem>>) dst(%dma_wait3A_370 : memref<32x128xf32, #tpu.memory_space<vmem_shared>>)
        tpu.yield
      }) : () -> ()
      %mul3A_200 = arith.constant 640 : i32
      %mul3A_201 = arith.muli %arg1, %mul3A_200 : i32
      %add3A_202 = arith.constant 128 : i32
      %add3A_203 = arith.addi %mul3A_201, %add3A_202 : i32
      "tpu.region"() ({
        %run_scoped3A_362 = tpu.sem_alloc : memref<!tpu.dma_semaphore, #tpu.memory_space<semaphore_mem>>
        %dma_start3A_363 = arith.constant 0 : i32
        %dma_start3A_364 = tpu.memref_slice %arg16[%add3A_203, %dma_start3A_363] : memref<10240x128xf32, #tpu.memory_space<vmem_shared>> -> memref<32x128xf32, #tpu.memory_space<vmem_shared>>
        %dma_start3A_365 = arith.constant 0 : i32
        %dma_start3A_366 = tpu.memref_slice %arg16[%add3A_203, %dma_start3A_365] : memref<10240x128xf32, #tpu.memory_space<vmem_shared>> -> memref<32x128xf32, #tpu.memory_space<vmem_shared>>
        tpu.enqueue_dma source(%arg15 : memref<32x128xf32, #tpu.memory_space<vmem>>) target(%dma_start3A_366 : memref<32x128xf32, #tpu.memory_space<vmem_shared>>) target_semaphore(%run_scoped3A_362 : memref<!tpu.dma_semaphore, #tpu.memory_space<semaphore_mem>>)
        %dma_wait3A_367 = arith.constant 0 : i32
        %dma_wait3A_368 = tpu.memref_slice %arg16[%add3A_203, %dma_wait3A_367] : memref<10240x128xf32, #tpu.memory_space<vmem_shared>> -> memref<32x128xf32, #tpu.memory_space<vmem_shared>>
        %dma_wait3A_369 = arith.constant 0 : i32
        %dma_wait3A_370 = tpu.memref_slice %arg16[%add3A_203, %dma_wait3A_369] : memref<10240x128xf32, #tpu.memory_space<vmem_shared>> -> memref<32x128xf32, #tpu.memory_space<vmem_shared>>
        tpu.wait_dma2 semaphore(%run_scoped3A_362 : memref<!tpu.dma_semaphore, #tpu.memory_space<semaphore_mem>>) src(%arg15 : memref<32x128xf32, #tpu.memory_space<vmem>>) dst(%dma_wait3A_370 : memref<32x128xf32, #tpu.memory_space<vmem_shared>>)
        tpu.yield
      }) : () -> ()
      %mul3A_204 = arith.constant 640 : i32
      %mul3A_205 = arith.muli %arg1, %mul3A_204 : i32
      %add3A_206 = arith.constant 160 : i32
      %add3A_207 = arith.addi %mul3A_205, %add3A_206 : i32
      "tpu.region"() ({
        %run_scoped3A_362 = tpu.sem_alloc : memref<!tpu.dma_semaphore, #tpu.memory_space<semaphore_mem>>
        %dma_start3A_363 = arith.constant 0 : i32
        %dma_start3A_364 = tpu.memref_slice %arg16[%add3A_207, %dma_start3A_363] : memref<10240x128xf32, #tpu.memory_space<vmem_shared>> -> memref<32x128xf32, #tpu.memory_space<vmem_shared>>
        %dma_start3A_365 = arith.constant 0 : i32
        %dma_start3A_366 = tpu.memref_slice %arg16[%add3A_207, %dma_start3A_365] : memref<10240x128xf32, #tpu.memory_space<vmem_shared>> -> memref<32x128xf32, #tpu.memory_space<vmem_shared>>
        tpu.enqueue_dma source(%arg15 : memref<32x128xf32, #tpu.memory_space<vmem>>) target(%dma_start3A_366 : memref<32x128xf32, #tpu.memory_space<vmem_shared>>) target_semaphore(%run_scoped3A_362 : memref<!tpu.dma_semaphore, #tpu.memory_space<semaphore_mem>>)
        %dma_wait3A_367 = arith.constant 0 : i32
        %dma_wait3A_368 = tpu.memref_slice %arg16[%add3A_207, %dma_wait3A_367] : memref<10240x128xf32, #tpu.memory_space<vmem_shared>> -> memref<32x128xf32, #tpu.memory_space<vmem_shared>>
        %dma_wait3A_369 = arith.constant 0 : i32
        %dma_wait3A_370 = tpu.memref_slice %arg16[%add3A_207, %dma_wait3A_369] : memref<10240x128xf32, #tpu.memory_space<vmem_shared>> -> memref<32x128xf32, #tpu.memory_space<vmem_shared>>
        tpu.wait_dma2 semaphore(%run_scoped3A_362 : memref<!tpu.dma_semaphore, #tpu.memory_space<semaphore_mem>>) src(%arg15 : memref<32x128xf32, #tpu.memory_space<vmem>>) dst(%dma_wait3A_370 : memref<32x128xf32, #tpu.memory_space<vmem_shared>>)
        tpu.yield
      }) : () -> ()
      %mul3A_208 = arith.constant 640 : i32
      %mul3A_209 = arith.muli %arg1, %mul3A_208 : i32
      %add3A_210 = arith.constant 192 : i32
      %add3A_211 = arith.addi %mul3A_209, %add3A_210 : i32
      "tpu.region"() ({
        %run_scoped3A_362 = tpu.sem_alloc : memref<!tpu.dma_semaphore, #tpu.memory_space<semaphore_mem>>
        %dma_start3A_363 = arith.constant 0 : i32
        %dma_start3A_364 = tpu.memref_slice %arg16[%add3A_211, %dma_start3A_363] : memref<10240x128xf32, #tpu.memory_space<vmem_shared>> -> memref<32x128xf32, #tpu.memory_space<vmem_shared>>
        %dma_start3A_365 = arith.constant 0 : i32
        %dma_start3A_366 = tpu.memref_slice %arg16[%add3A_211, %dma_start3A_365] : memref<10240x128xf32, #tpu.memory_space<vmem_shared>> -> memref<32x128xf32, #tpu.memory_space<vmem_shared>>
        tpu.enqueue_dma source(%arg15 : memref<32x128xf32, #tpu.memory_space<vmem>>) target(%dma_start3A_366 : memref<32x128xf32, #tpu.memory_space<vmem_shared>>) target_semaphore(%run_scoped3A_362 : memref<!tpu.dma_semaphore, #tpu.memory_space<semaphore_mem>>)
        %dma_wait3A_367 = arith.constant 0 : i32
        %dma_wait3A_368 = tpu.memref_slice %arg16[%add3A_211, %dma_wait3A_367] : memref<10240x128xf32, #tpu.memory_space<vmem_shared>> -> memref<32x128xf32, #tpu.memory_space<vmem_shared>>
        %dma_wait3A_369 = arith.constant 0 : i32
        %dma_wait3A_370 = tpu.memref_slice %arg16[%add3A_211, %dma_wait3A_369] : memref<10240x128xf32, #tpu.memory_space<vmem_shared>> -> memref<32x128xf32, #tpu.memory_space<vmem_shared>>
        tpu.wait_dma2 semaphore(%run_scoped3A_362 : memref<!tpu.dma_semaphore, #tpu.memory_space<semaphore_mem>>) src(%arg15 : memref<32x128xf32, #tpu.memory_space<vmem>>) dst(%dma_wait3A_370 : memref<32x128xf32, #tpu.memory_space<vmem_shared>>)
        tpu.yield
      }) : () -> ()
      %mul3A_212 = arith.constant 640 : i32
      %mul3A_213 = arith.muli %arg1, %mul3A_212 : i32
      %add3A_214 = arith.constant 224 : i32
      %add3A_215 = arith.addi %mul3A_213, %add3A_214 : i32
      "tpu.region"() ({
        %run_scoped3A_362 = tpu.sem_alloc : memref<!tpu.dma_semaphore, #tpu.memory_space<semaphore_mem>>
        %dma_start3A_363 = arith.constant 0 : i32
        %dma_start3A_364 = tpu.memref_slice %arg16[%add3A_215, %dma_start3A_363] : memref<10240x128xf32, #tpu.memory_space<vmem_shared>> -> memref<32x128xf32, #tpu.memory_space<vmem_shared>>
        %dma_start3A_365 = arith.constant 0 : i32
        %dma_start3A_366 = tpu.memref_slice %arg16[%add3A_215, %dma_start3A_365] : memref<10240x128xf32, #tpu.memory_space<vmem_shared>> -> memref<32x128xf32, #tpu.memory_space<vmem_shared>>
        tpu.enqueue_dma source(%arg15 : memref<32x128xf32, #tpu.memory_space<vmem>>) target(%dma_start3A_366 : memref<32x128xf32, #tpu.memory_space<vmem_shared>>) target_semaphore(%run_scoped3A_362 : memref<!tpu.dma_semaphore, #tpu.memory_space<semaphore_mem>>)
        %dma_wait3A_367 = arith.constant 0 : i32
        %dma_wait3A_368 = tpu.memref_slice %arg16[%add3A_215, %dma_wait3A_367] : memref<10240x128xf32, #tpu.memory_space<vmem_shared>> -> memref<32x128xf32, #tpu.memory_space<vmem_shared>>
        %dma_wait3A_369 = arith.constant 0 : i32
        %dma_wait3A_370 = tpu.memref_slice %arg16[%add3A_215, %dma_wait3A_369] : memref<10240x128xf32, #tpu.memory_space<vmem_shared>> -> memref<32x128xf32, #tpu.memory_space<vmem_shared>>
        tpu.wait_dma2 semaphore(%run_scoped3A_362 : memref<!tpu.dma_semaphore, #tpu.memory_space<semaphore_mem>>) src(%arg15 : memref<32x128xf32, #tpu.memory_space<vmem>>) dst(%dma_wait3A_370 : memref<32x128xf32, #tpu.memory_space<vmem_shared>>)
        tpu.yield
      }) : () -> ()
      %mul3A_216 = arith.constant 640 : i32
      %mul3A_217 = arith.muli %arg1, %mul3A_216 : i32
      %add3A_218 = arith.constant 256 : i32
      %add3A_219 = arith.addi %mul3A_217, %add3A_218 : i32
      "tpu.region"() ({
        %run_scoped3A_362 = tpu.sem_alloc : memref<!tpu.dma_semaphore, #tpu.memory_space<semaphore_mem>>
        %dma_start3A_363 = arith.constant 0 : i32
        %dma_start3A_364 = tpu.memref_slice %arg16[%add3A_219, %dma_start3A_363] : memref<10240x128xf32, #tpu.memory_space<vmem_shared>> -> memref<32x128xf32, #tpu.memory_space<vmem_shared>>
        %dma_start3A_365 = arith.constant 0 : i32
        %dma_start3A_366 = tpu.memref_slice %arg16[%add3A_219, %dma_start3A_365] : memref<10240x128xf32, #tpu.memory_space<vmem_shared>> -> memref<32x128xf32, #tpu.memory_space<vmem_shared>>
        tpu.enqueue_dma source(%arg15 : memref<32x128xf32, #tpu.memory_space<vmem>>) target(%dma_start3A_366 : memref<32x128xf32, #tpu.memory_space<vmem_shared>>) target_semaphore(%run_scoped3A_362 : memref<!tpu.dma_semaphore, #tpu.memory_space<semaphore_mem>>)
        %dma_wait3A_367 = arith.constant 0 : i32
        %dma_wait3A_368 = tpu.memref_slice %arg16[%add3A_219, %dma_wait3A_367] : memref<10240x128xf32, #tpu.memory_space<vmem_shared>> -> memref<32x128xf32, #tpu.memory_space<vmem_shared>>
        %dma_wait3A_369 = arith.constant 0 : i32
        %dma_wait3A_370 = tpu.memref_slice %arg16[%add3A_219, %dma_wait3A_369] : memref<10240x128xf32, #tpu.memory_space<vmem_shared>> -> memref<32x128xf32, #tpu.memory_space<vmem_shared>>
        tpu.wait_dma2 semaphore(%run_scoped3A_362 : memref<!tpu.dma_semaphore, #tpu.memory_space<semaphore_mem>>) src(%arg15 : memref<32x128xf32, #tpu.memory_space<vmem>>) dst(%dma_wait3A_370 : memref<32x128xf32, #tpu.memory_space<vmem_shared>>)
        tpu.yield
      }) : () -> ()
      %mul3A_220 = arith.constant 640 : i32
      %mul3A_221 = arith.muli %arg1, %mul3A_220 : i32
      %add3A_222 = arith.constant 288 : i32
      %add3A_223 = arith.addi %mul3A_221, %add3A_222 : i32
      "tpu.region"() ({
        %run_scoped3A_362 = tpu.sem_alloc : memref<!tpu.dma_semaphore, #tpu.memory_space<semaphore_mem>>
        %dma_start3A_363 = arith.constant 0 : i32
        %dma_start3A_364 = tpu.memref_slice %arg16[%add3A_223, %dma_start3A_363] : memref<10240x128xf32, #tpu.memory_space<vmem_shared>> -> memref<32x128xf32, #tpu.memory_space<vmem_shared>>
        %dma_start3A_365 = arith.constant 0 : i32
        %dma_start3A_366 = tpu.memref_slice %arg16[%add3A_223, %dma_start3A_365] : memref<10240x128xf32, #tpu.memory_space<vmem_shared>> -> memref<32x128xf32, #tpu.memory_space<vmem_shared>>
        tpu.enqueue_dma source(%arg15 : memref<32x128xf32, #tpu.memory_space<vmem>>) target(%dma_start3A_366 : memref<32x128xf32, #tpu.memory_space<vmem_shared>>) target_semaphore(%run_scoped3A_362 : memref<!tpu.dma_semaphore, #tpu.memory_space<semaphore_mem>>)
        %dma_wait3A_367 = arith.constant 0 : i32
        %dma_wait3A_368 = tpu.memref_slice %arg16[%add3A_223, %dma_wait3A_367] : memref<10240x128xf32, #tpu.memory_space<vmem_shared>> -> memref<32x128xf32, #tpu.memory_space<vmem_shared>>
        %dma_wait3A_369 = arith.constant 0 : i32
        %dma_wait3A_370 = tpu.memref_slice %arg16[%add3A_223, %dma_wait3A_369] : memref<10240x128xf32, #tpu.memory_space<vmem_shared>> -> memref<32x128xf32, #tpu.memory_space<vmem_shared>>
        tpu.wait_dma2 semaphore(%run_scoped3A_362 : memref<!tpu.dma_semaphore, #tpu.memory_space<semaphore_mem>>) src(%arg15 : memref<32x128xf32, #tpu.memory_space<vmem>>) dst(%dma_wait3A_370 : memref<32x128xf32, #tpu.memory_space<vmem_shared>>)
        tpu.yield
      }) : () -> ()
      %mul3A_224 = arith.constant 640 : i32
      %mul3A_225 = arith.muli %arg1, %mul3A_224 : i32
      %add3A_226 = arith.constant 320 : i32
      %add3A_227 = arith.addi %mul3A_225, %add3A_226 : i32
      "tpu.region"() ({
        %run_scoped3A_362 = tpu.sem_alloc : memref<!tpu.dma_semaphore, #tpu.memory_space<semaphore_mem>>
        %dma_start3A_363 = arith.constant 0 : i32
        %dma_start3A_364 = tpu.memref_slice %arg16[%add3A_227, %dma_start3A_363] : memref<10240x128xf32, #tpu.memory_space<vmem_shared>> -> memref<32x128xf32, #tpu.memory_space<vmem_shared>>
        %dma_start3A_365 = arith.constant 0 : i32
        %dma_start3A_366 = tpu.memref_slice %arg16[%add3A_227, %dma_start3A_365] : memref<10240x128xf32, #tpu.memory_space<vmem_shared>> -> memref<32x128xf32, #tpu.memory_space<vmem_shared>>
        tpu.enqueue_dma source(%arg15 : memref<32x128xf32, #tpu.memory_space<vmem>>) target(%dma_start3A_366 : memref<32x128xf32, #tpu.memory_space<vmem_shared>>) target_semaphore(%run_scoped3A_362 : memref<!tpu.dma_semaphore, #tpu.memory_space<semaphore_mem>>)
        %dma_wait3A_367 = arith.constant 0 : i32
        %dma_wait3A_368 = tpu.memref_slice %arg16[%add3A_227, %dma_wait3A_367] : memref<10240x128xf32, #tpu.memory_space<vmem_shared>> -> memref<32x128xf32, #tpu.memory_space<vmem_shared>>
        %dma_wait3A_369 = arith.constant 0 : i32
        %dma_wait3A_370 = tpu.memref_slice %arg16[%add3A_227, %dma_wait3A_369] : memref<10240x128xf32, #tpu.memory_space<vmem_shared>> -> memref<32x128xf32, #tpu.memory_space<vmem_shared>>
        tpu.wait_dma2 semaphore(%run_scoped3A_362 : memref<!tpu.dma_semaphore, #tpu.memory_space<semaphore_mem>>) src(%arg15 : memref<32x128xf32, #tpu.memory_space<vmem>>) dst(%dma_wait3A_370 : memref<32x128xf32, #tpu.memory_space<vmem_shared>>)
        tpu.yield
      }) : () -> ()
      %mul3A_228 = arith.constant 640 : i32
      %mul3A_229 = arith.muli %arg1, %mul3A_228 : i32
      %add3A_230 = arith.constant 352 : i32
      %add3A_231 = arith.addi %mul3A_229, %add3A_230 : i32
      "tpu.region"() ({
        %run_scoped3A_362 = tpu.sem_alloc : memref<!tpu.dma_semaphore, #tpu.memory_space<semaphore_mem>>
        %dma_start3A_363 = arith.constant 0 : i32
        %dma_start3A_364 = tpu.memref_slice %arg16[%add3A_231, %dma_start3A_363] : memref<10240x128xf32, #tpu.memory_space<vmem_shared>> -> memref<32x128xf32, #tpu.memory_space<vmem_shared>>
        %dma_start3A_365 = arith.constant 0 : i32
        %dma_start3A_366 = tpu.memref_slice %arg16[%add3A_231, %dma_start3A_365] : memref<10240x128xf32, #tpu.memory_space<vmem_shared>> -> memref<32x128xf32, #tpu.memory_space<vmem_shared>>
        tpu.enqueue_dma source(%arg15 : memref<32x128xf32, #tpu.memory_space<vmem>>) target(%dma_start3A_366 : memref<32x128xf32, #tpu.memory_space<vmem_shared>>) target_semaphore(%run_scoped3A_362 : memref<!tpu.dma_semaphore, #tpu.memory_space<semaphore_mem>>)
        %dma_wait3A_367 = arith.constant 0 : i32
        %dma_wait3A_368 = tpu.memref_slice %arg16[%add3A_231, %dma_wait3A_367] : memref<10240x128xf32, #tpu.memory_space<vmem_shared>> -> memref<32x128xf32, #tpu.memory_space<vmem_shared>>
        %dma_wait3A_369 = arith.constant 0 : i32
        %dma_wait3A_370 = tpu.memref_slice %arg16[%add3A_231, %dma_wait3A_369] : memref<10240x128xf32, #tpu.memory_space<vmem_shared>> -> memref<32x128xf32, #tpu.memory_space<vmem_shared>>
        tpu.wait_dma2 semaphore(%run_scoped3A_362 : memref<!tpu.dma_semaphore, #tpu.memory_space<semaphore_mem>>) src(%arg15 : memref<32x128xf32, #tpu.memory_space<vmem>>) dst(%dma_wait3A_370 : memref<32x128xf32, #tpu.memory_space<vmem_shared>>)
        tpu.yield
      }) : () -> ()
      %mul3A_232 = arith.constant 640 : i32
      %mul3A_233 = arith.muli %arg1, %mul3A_232 : i32
      %add3A_234 = arith.constant 384 : i32
      %add3A_235 = arith.addi %mul3A_233, %add3A_234 : i32
      "tpu.region"() ({
        %run_scoped3A_362 = tpu.sem_alloc : memref<!tpu.dma_semaphore, #tpu.memory_space<semaphore_mem>>
        %dma_start3A_363 = arith.constant 0 : i32
        %dma_start3A_364 = tpu.memref_slice %arg16[%add3A_235, %dma_start3A_363] : memref<10240x128xf32, #tpu.memory_space<vmem_shared>> -> memref<32x128xf32, #tpu.memory_space<vmem_shared>>
        %dma_start3A_365 = arith.constant 0 : i32
        %dma_start3A_366 = tpu.memref_slice %arg16[%add3A_235, %dma_start3A_365] : memref<10240x128xf32, #tpu.memory_space<vmem_shared>> -> memref<32x128xf32, #tpu.memory_space<vmem_shared>>
        tpu.enqueue_dma source(%arg15 : memref<32x128xf32, #tpu.memory_space<vmem>>) target(%dma_start3A_366 : memref<32x128xf32, #tpu.memory_space<vmem_shared>>) target_semaphore(%run_scoped3A_362 : memref<!tpu.dma_semaphore, #tpu.memory_space<semaphore_mem>>)
        %dma_wait3A_367 = arith.constant 0 : i32
        %dma_wait3A_368 = tpu.memref_slice %arg16[%add3A_235, %dma_wait3A_367] : memref<10240x128xf32, #tpu.memory_space<vmem_shared>> -> memref<32x128xf32, #tpu.memory_space<vmem_shared>>
        %dma_wait3A_369 = arith.constant 0 : i32
        %dma_wait3A_370 = tpu.memref_slice %arg16[%add3A_235, %dma_wait3A_369] : memref<10240x128xf32, #tpu.memory_space<vmem_shared>> -> memref<32x128xf32, #tpu.memory_space<vmem_shared>>
        tpu.wait_dma2 semaphore(%run_scoped3A_362 : memref<!tpu.dma_semaphore, #tpu.memory_space<semaphore_mem>>) src(%arg15 : memref<32x128xf32, #tpu.memory_space<vmem>>) dst(%dma_wait3A_370 : memref<32x128xf32, #tpu.memory_space<vmem_shared>>)
        tpu.yield
      }) : () -> ()
      %mul3A_236 = arith.constant 640 : i32
      %mul3A_237 = arith.muli %arg1, %mul3A_236 : i32
      %add3A_238 = arith.constant 416 : i32
      %add3A_239 = arith.addi %mul3A_237, %add3A_238 : i32
      "tpu.region"() ({
        %run_scoped3A_362 = tpu.sem_alloc : memref<!tpu.dma_semaphore, #tpu.memory_space<semaphore_mem>>
        %dma_start3A_363 = arith.constant 0 : i32
        %dma_start3A_364 = tpu.memref_slice %arg16[%add3A_239, %dma_start3A_363] : memref<10240x128xf32, #tpu.memory_space<vmem_shared>> -> memref<32x128xf32, #tpu.memory_space<vmem_shared>>
        %dma_start3A_365 = arith.constant 0 : i32
        %dma_start3A_366 = tpu.memref_slice %arg16[%add3A_239, %dma_start3A_365] : memref<10240x128xf32, #tpu.memory_space<vmem_shared>> -> memref<32x128xf32, #tpu.memory_space<vmem_shared>>
        tpu.enqueue_dma source(%arg15 : memref<32x128xf32, #tpu.memory_space<vmem>>) target(%dma_start3A_366 : memref<32x128xf32, #tpu.memory_space<vmem_shared>>) target_semaphore(%run_scoped3A_362 : memref<!tpu.dma_semaphore, #tpu.memory_space<semaphore_mem>>)
        %dma_wait3A_367 = arith.constant 0 : i32
        %dma_wait3A_368 = tpu.memref_slice %arg16[%add3A_239, %dma_wait3A_367] : memref<10240x128xf32, #tpu.memory_space<vmem_shared>> -> memref<32x128xf32, #tpu.memory_space<vmem_shared>>
        %dma_wait3A_369 = arith.constant 0 : i32
        %dma_wait3A_370 = tpu.memref_slice %arg16[%add3A_239, %dma_wait3A_369] : memref<10240x128xf32, #tpu.memory_space<vmem_shared>> -> memref<32x128xf32, #tpu.memory_space<vmem_shared>>
        tpu.wait_dma2 semaphore(%run_scoped3A_362 : memref<!tpu.dma_semaphore, #tpu.memory_space<semaphore_mem>>) src(%arg15 : memref<32x128xf32, #tpu.memory_space<vmem>>) dst(%dma_wait3A_370 : memref<32x128xf32, #tpu.memory_space<vmem_shared>>)
        tpu.yield
      }) : () -> ()
      %mul3A_240 = arith.constant 640 : i32
      %mul3A_241 = arith.muli %arg1, %mul3A_240 : i32
      %add3A_242 = arith.constant 448 : i32
      %add3A_243 = arith.addi %mul3A_241, %add3A_242 : i32
      "tpu.region"() ({
        %run_scoped3A_362 = tpu.sem_alloc : memref<!tpu.dma_semaphore, #tpu.memory_space<semaphore_mem>>
        %dma_start3A_363 = arith.constant 0 : i32
        %dma_start3A_364 = tpu.memref_slice %arg16[%add3A_243, %dma_start3A_363] : memref<10240x128xf32, #tpu.memory_space<vmem_shared>> -> memref<32x128xf32, #tpu.memory_space<vmem_shared>>
        %dma_start3A_365 = arith.constant 0 : i32
        %dma_start3A_366 = tpu.memref_slice %arg16[%add3A_243, %dma_start3A_365] : memref<10240x128xf32, #tpu.memory_space<vmem_shared>> -> memref<32x128xf32, #tpu.memory_space<vmem_shared>>
        tpu.enqueue_dma source(%arg15 : memref<32x128xf32, #tpu.memory_space<vmem>>) target(%dma_start3A_366 : memref<32x128xf32, #tpu.memory_space<vmem_shared>>) target_semaphore(%run_scoped3A_362 : memref<!tpu.dma_semaphore, #tpu.memory_space<semaphore_mem>>)
        %dma_wait3A_367 = arith.constant 0 : i32
        %dma_wait3A_368 = tpu.memref_slice %arg16[%add3A_243, %dma_wait3A_367] : memref<10240x128xf32, #tpu.memory_space<vmem_shared>> -> memref<32x128xf32, #tpu.memory_space<vmem_shared>>
        %dma_wait3A_369 = arith.constant 0 : i32
        %dma_wait3A_370 = tpu.memref_slice %arg16[%add3A_243, %dma_wait3A_369] : memref<10240x128xf32, #tpu.memory_space<vmem_shared>> -> memref<32x128xf32, #tpu.memory_space<vmem_shared>>
        tpu.wait_dma2 semaphore(%run_scoped3A_362 : memref<!tpu.dma_semaphore, #tpu.memory_space<semaphore_mem>>) src(%arg15 : memref<32x128xf32, #tpu.memory_space<vmem>>) dst(%dma_wait3A_370 : memref<32x128xf32, #tpu.memory_space<vmem_shared>>)
        tpu.yield
      }) : () -> ()
      %mul3A_244 = arith.constant 640 : i32
      %mul3A_245 = arith.muli %arg1, %mul3A_244 : i32
      %add3A_246 = arith.constant 480 : i32
      %add3A_247 = arith.addi %mul3A_245, %add3A_246 : i32
      "tpu.region"() ({
        %run_scoped3A_362 = tpu.sem_alloc : memref<!tpu.dma_semaphore, #tpu.memory_space<semaphore_mem>>
        %dma_start3A_363 = arith.constant 0 : i32
        %dma_start3A_364 = tpu.memref_slice %arg16[%add3A_247, %dma_start3A_363] : memref<10240x128xf32, #tpu.memory_space<vmem_shared>> -> memref<32x128xf32, #tpu.memory_space<vmem_shared>>
        %dma_start3A_365 = arith.constant 0 : i32
        %dma_start3A_366 = tpu.memref_slice %arg16[%add3A_247, %dma_start3A_365] : memref<10240x128xf32, #tpu.memory_space<vmem_shared>> -> memref<32x128xf32, #tpu.memory_space<vmem_shared>>
        tpu.enqueue_dma source(%arg15 : memref<32x128xf32, #tpu.memory_space<vmem>>) target(%dma_start3A_366 : memref<32x128xf32, #tpu.memory_space<vmem_shared>>) target_semaphore(%run_scoped3A_362 : memref<!tpu.dma_semaphore, #tpu.memory_space<semaphore_mem>>)
        %dma_wait3A_367 = arith.constant 0 : i32
        %dma_wait3A_368 = tpu.memref_slice %arg16[%add3A_247, %dma_wait3A_367] : memref<10240x128xf32, #tpu.memory_space<vmem_shared>> -> memref<32x128xf32, #tpu.memory_space<vmem_shared>>
        %dma_wait3A_369 = arith.constant 0 : i32
        %dma_wait3A_370 = tpu.memref_slice %arg16[%add3A_247, %dma_wait3A_369] : memref<10240x128xf32, #tpu.memory_space<vmem_shared>> -> memref<32x128xf32, #tpu.memory_space<vmem_shared>>
        tpu.wait_dma2 semaphore(%run_scoped3A_362 : memref<!tpu.dma_semaphore, #tpu.memory_space<semaphore_mem>>) src(%arg15 : memref<32x128xf32, #tpu.memory_space<vmem>>) dst(%dma_wait3A_370 : memref<32x128xf32, #tpu.memory_space<vmem_shared>>)
        tpu.yield
      }) : () -> ()
      %mul3A_248 = arith.constant 640 : i32
      %mul3A_249 = arith.muli %arg1, %mul3A_248 : i32
      %add3A_250 = arith.constant 512 : i32
      %add3A_251 = arith.addi %mul3A_249, %add3A_250 : i32
      "tpu.region"() ({
        %run_scoped3A_362 = tpu.sem_alloc : memref<!tpu.dma_semaphore, #tpu.memory_space<semaphore_mem>>
        %dma_start3A_363 = arith.constant 0 : i32
        %dma_start3A_364 = tpu.memref_slice %arg16[%add3A_251, %dma_start3A_363] : memref<10240x128xf32, #tpu.memory_space<vmem_shared>> -> memref<32x128xf32, #tpu.memory_space<vmem_shared>>
        %dma_start3A_365 = arith.constant 0 : i32
        %dma_start3A_366 = tpu.memref_slice %arg16[%add3A_251, %dma_start3A_365] : memref<10240x128xf32, #tpu.memory_space<vmem_shared>> -> memref<32x128xf32, #tpu.memory_space<vmem_shared>>
        tpu.enqueue_dma source(%arg15 : memref<32x128xf32, #tpu.memory_space<vmem>>) target(%dma_start3A_366 : memref<32x128xf32, #tpu.memory_space<vmem_shared>>) target_semaphore(%run_scoped3A_362 : memref<!tpu.dma_semaphore, #tpu.memory_space<semaphore_mem>>)
        %dma_wait3A_367 = arith.constant 0 : i32
        %dma_wait3A_368 = tpu.memref_slice %arg16[%add3A_251, %dma_wait3A_367] : memref<10240x128xf32, #tpu.memory_space<vmem_shared>> -> memref<32x128xf32, #tpu.memory_space<vmem_shared>>
        %dma_wait3A_369 = arith.constant 0 : i32
        %dma_wait3A_370 = tpu.memref_slice %arg16[%add3A_251, %dma_wait3A_369] : memref<10240x128xf32, #tpu.memory_space<vmem_shared>> -> memref<32x128xf32, #tpu.memory_space<vmem_shared>>
        tpu.wait_dma2 semaphore(%run_scoped3A_362 : memref<!tpu.dma_semaphore, #tpu.memory_space<semaphore_mem>>) src(%arg15 : memref<32x128xf32, #tpu.memory_space<vmem>>) dst(%dma_wait3A_370 : memref<32x128xf32, #tpu.memory_space<vmem_shared>>)
        tpu.yield
      }) : () -> ()
      %mul3A_252 = arith.constant 640 : i32
      %mul3A_253 = arith.muli %arg1, %mul3A_252 : i32
      %add3A_254 = arith.constant 544 : i32
      %add3A_255 = arith.addi %mul3A_253, %add3A_254 : i32
      "tpu.region"() ({
        %run_scoped3A_362 = tpu.sem_alloc : memref<!tpu.dma_semaphore, #tpu.memory_space<semaphore_mem>>
        %dma_start3A_363 = arith.constant 0 : i32
        %dma_start3A_364 = tpu.memref_slice %arg16[%add3A_255, %dma_start3A_363] : memref<10240x128xf32, #tpu.memory_space<vmem_shared>> -> memref<32x128xf32, #tpu.memory_space<vmem_shared>>
        %dma_start3A_365 = arith.constant 0 : i32
        %dma_start3A_366 = tpu.memref_slice %arg16[%add3A_255, %dma_start3A_365] : memref<10240x128xf32, #tpu.memory_space<vmem_shared>> -> memref<32x128xf32, #tpu.memory_space<vmem_shared>>
        tpu.enqueue_dma source(%arg15 : memref<32x128xf32, #tpu.memory_space<vmem>>) target(%dma_start3A_366 : memref<32x128xf32, #tpu.memory_space<vmem_shared>>) target_semaphore(%run_scoped3A_362 : memref<!tpu.dma_semaphore, #tpu.memory_space<semaphore_mem>>)
        %dma_wait3A_367 = arith.constant 0 : i32
        %dma_wait3A_368 = tpu.memref_slice %arg16[%add3A_255, %dma_wait3A_367] : memref<10240x128xf32, #tpu.memory_space<vmem_shared>> -> memref<32x128xf32, #tpu.memory_space<vmem_shared>>
        %dma_wait3A_369 = arith.constant 0 : i32
        %dma_wait3A_370 = tpu.memref_slice %arg16[%add3A_255, %dma_wait3A_369] : memref<10240x128xf32, #tpu.memory_space<vmem_shared>> -> memref<32x128xf32, #tpu.memory_space<vmem_shared>>
        tpu.wait_dma2 semaphore(%run_scoped3A_362 : memref<!tpu.dma_semaphore, #tpu.memory_space<semaphore_mem>>) src(%arg15 : memref<32x128xf32, #tpu.memory_space<vmem>>) dst(%dma_wait3A_370 : memref<32x128xf32, #tpu.memory_space<vmem_shared>>)
        tpu.yield
      }) : () -> ()
      %mul3A_256 = arith.constant 640 : i32
      %mul3A_257 = arith.muli %arg1, %mul3A_256 : i32
      %add3A_258 = arith.constant 576 : i32
      %add3A_259 = arith.addi %mul3A_257, %add3A_258 : i32
      "tpu.region"() ({
        %run_scoped3A_362 = tpu.sem_alloc : memref<!tpu.dma_semaphore, #tpu.memory_space<semaphore_mem>>
        %dma_start3A_363 = arith.constant 0 : i32
        %dma_start3A_364 = tpu.memref_slice %arg16[%add3A_259, %dma_start3A_363] : memref<10240x128xf32, #tpu.memory_space<vmem_shared>> -> memref<32x128xf32, #tpu.memory_space<vmem_shared>>
        %dma_start3A_365 = arith.constant 0 : i32
        %dma_start3A_366 = tpu.memref_slice %arg16[%add3A_259, %dma_start3A_365] : memref<10240x128xf32, #tpu.memory_space<vmem_shared>> -> memref<32x128xf32, #tpu.memory_space<vmem_shared>>
        tpu.enqueue_dma source(%arg15 : memref<32x128xf32, #tpu.memory_space<vmem>>) target(%dma_start3A_366 : memref<32x128xf32, #tpu.memory_space<vmem_shared>>) target_semaphore(%run_scoped3A_362 : memref<!tpu.dma_semaphore, #tpu.memory_space<semaphore_mem>>)
        %dma_wait3A_367 = arith.constant 0 : i32
        %dma_wait3A_368 = tpu.memref_slice %arg16[%add3A_259, %dma_wait3A_367] : memref<10240x128xf32, #tpu.memory_space<vmem_shared>> -> memref<32x128xf32, #tpu.memory_space<vmem_shared>>
        %dma_wait3A_369 = arith.constant 0 : i32
        %dma_wait3A_370 = tpu.memref_slice %arg16[%add3A_259, %dma_wait3A_369] : memref<10240x128xf32, #tpu.memory_space<vmem_shared>> -> memref<32x128xf32, #tpu.memory_space<vmem_shared>>
        tpu.wait_dma2 semaphore(%run_scoped3A_362 : memref<!tpu.dma_semaphore, #tpu.memory_space<semaphore_mem>>) src(%arg15 : memref<32x128xf32, #tpu.memory_space<vmem>>) dst(%dma_wait3A_370 : memref<32x128xf32, #tpu.memory_space<vmem_shared>>)
        tpu.yield
      }) : () -> ()
      %mul3A_260 = arith.constant 640 : i32
      %mul3A_261 = arith.muli %arg1, %mul3A_260 : i32
      %add3A_262 = arith.constant 608 : i32
      %add3A_263 = arith.addi %mul3A_261, %add3A_262 : i32
      "tpu.region"() ({
        %run_scoped3A_362 = tpu.sem_alloc : memref<!tpu.dma_semaphore, #tpu.memory_space<semaphore_mem>>
        %dma_start3A_363 = arith.constant 0 : i32
        %dma_start3A_364 = tpu.memref_slice %arg16[%add3A_263, %dma_start3A_363] : memref<10240x128xf32, #tpu.memory_space<vmem_shared>> -> memref<32x128xf32, #tpu.memory_space<vmem_shared>>
        %dma_start3A_365 = arith.constant 0 : i32
        %dma_start3A_366 = tpu.memref_slice %arg16[%add3A_263, %dma_start3A_365] : memref<10240x128xf32, #tpu.memory_space<vmem_shared>> -> memref<32x128xf32, #tpu.memory_space<vmem_shared>>
        tpu.enqueue_dma source(%arg15 : memref<32x128xf32, #tpu.memory_space<vmem>>) target(%dma_start3A_366 : memref<32x128xf32, #tpu.memory_space<vmem_shared>>) target_semaphore(%run_scoped3A_362 : memref<!tpu.dma_semaphore, #tpu.memory_space<semaphore_mem>>)
        %dma_wait3A_367 = arith.constant 0 : i32
        %dma_wait3A_368 = tpu.memref_slice %arg16[%add3A_263, %dma_wait3A_367] : memref<10240x128xf32, #tpu.memory_space<vmem_shared>> -> memref<32x128xf32, #tpu.memory_space<vmem_shared>>
        %dma_wait3A_369 = arith.constant 0 : i32
        %dma_wait3A_370 = tpu.memref_slice %arg16[%add3A_263, %dma_wait3A_369] : memref<10240x128xf32, #tpu.memory_space<vmem_shared>> -> memref<32x128xf32, #tpu.memory_space<vmem_shared>>
        tpu.wait_dma2 semaphore(%run_scoped3A_362 : memref<!tpu.dma_semaphore, #tpu.memory_space<semaphore_mem>>) src(%arg15 : memref<32x128xf32, #tpu.memory_space<vmem>>) dst(%dma_wait3A_370 : memref<32x128xf32, #tpu.memory_space<vmem_shared>>)
        tpu.yield
      }) : () -> ()
      %barrier3A_264 = arith.constant 0 : index
      tpu.barrier barrier_id(%barrier3A_264)
      %mul3A_265 = arith.constant 80 : i32
      %mul3A_266 = arith.muli %arg1, %mul3A_265 : i32
      %add3A_267 = arith.constant 0 : i32
      %add3A_268 = arith.addi %mul3A_266, %add3A_267 : i32
      %run_scoped3A_269 = arith.constant 0 : i32
      "tpu.region"() ({
        %run_scoped3A_362 = tpu.sem_alloc : memref<!tpu.dma_semaphore, #tpu.memory_space<semaphore_mem>>
        %dma_start3A_363 = arith.constant 0 : i32
        %dma_start3A_364 = tpu.memref_slice %arg6[%run_scoped3A_269, %add3A_268, %dma_start3A_363] : memref<2x1280x128xi32, #tpu.memory_space<hbm>> -> memref<1x40x128xi32, #tpu.memory_space<hbm>>
        %dma_start3A_365 = tpu.memref_squeeze %dma_start3A_364 : memref<1x40x128xi32, #tpu.memory_space<hbm>> -> memref<40x128xi32, #tpu.memory_space<hbm>>
        %dma_start3A_366 = arith.constant 0 : i32
        %dma_start3A_367 = tpu.memref_slice %arg6[%run_scoped3A_269, %add3A_268, %dma_start3A_366] : memref<2x1280x128xi32, #tpu.memory_space<hbm>> -> memref<1x40x128xi32, #tpu.memory_space<hbm>>
        %dma_start3A_368 = tpu.memref_squeeze %dma_start3A_367 : memref<1x40x128xi32, #tpu.memory_space<hbm>> -> memref<40x128xi32, #tpu.memory_space<hbm>>
        tpu.enqueue_dma source(%dma_start3A_368 : memref<40x128xi32, #tpu.memory_space<hbm>>) target(%arg11 : memref<40x128xi32, #tpu.memory_space<vmem>>) target_semaphore(%run_scoped3A_362 : memref<!tpu.dma_semaphore, #tpu.memory_space<semaphore_mem>>)
        %dma_wait3A_369 = arith.constant 0 : i32
        %dma_wait3A_370 = tpu.memref_slice %arg6[%run_scoped3A_269, %add3A_268, %dma_wait3A_369] : memref<2x1280x128xi32, #tpu.memory_space<hbm>> -> memref<1x40x128xi32, #tpu.memory_space<hbm>>
        %dma_wait3A_371 = tpu.memref_squeeze %dma_wait3A_370 : memref<1x40x128xi32, #tpu.memory_space<hbm>> -> memref<40x128xi32, #tpu.memory_space<hbm>>
        %dma_wait3A_372 = arith.constant 0 : i32
        %dma_wait3A_373 = tpu.memref_slice %arg6[%run_scoped3A_269, %add3A_268, %dma_wait3A_372] : memref<2x1280x128xi32, #tpu.memory_space<hbm>> -> memref<1x40x128xi32, #tpu.memory_space<hbm>>
        %dma_wait3A_374 = tpu.memref_squeeze %dma_wait3A_373 : memref<1x40x128xi32, #tpu.memory_space<hbm>> -> memref<40x128xi32, #tpu.memory_space<hbm>>
        tpu.wait_dma2 semaphore(%run_scoped3A_362 : memref<!tpu.dma_semaphore, #tpu.memory_space<semaphore_mem>>) src(%dma_wait3A_374 : memref<40x128xi32, #tpu.memory_space<hbm>>) dst(%arg11 : memref<40x128xi32, #tpu.memory_space<vmem>>)
        tpu.yield
      }) : () -> ()
      %run_scoped3A_270 = arith.constant 1 : i32
      "tpu.region"() ({
        %run_scoped3A_362 = tpu.sem_alloc : memref<!tpu.dma_semaphore, #tpu.memory_space<semaphore_mem>>
        %dma_start3A_363 = arith.constant 0 : i32
        %dma_start3A_364 = tpu.memref_slice %arg6[%run_scoped3A_270, %add3A_268, %dma_start3A_363] : memref<2x1280x128xi32, #tpu.memory_space<hbm>> -> memref<1x40x128xi32, #tpu.memory_space<hbm>>
        %dma_start3A_365 = tpu.memref_squeeze %dma_start3A_364 : memref<1x40x128xi32, #tpu.memory_space<hbm>> -> memref<40x128xi32, #tpu.memory_space<hbm>>
        %dma_start3A_366 = arith.constant 0 : i32
        %dma_start3A_367 = tpu.memref_slice %arg6[%run_scoped3A_270, %add3A_268, %dma_start3A_366] : memref<2x1280x128xi32, #tpu.memory_space<hbm>> -> memref<1x40x128xi32, #tpu.memory_space<hbm>>
        %dma_start3A_368 = tpu.memref_squeeze %dma_start3A_367 : memref<1x40x128xi32, #tpu.memory_space<hbm>> -> memref<40x128xi32, #tpu.memory_space<hbm>>
        tpu.enqueue_dma source(%dma_start3A_368 : memref<40x128xi32, #tpu.memory_space<hbm>>) target(%arg12 : memref<40x128xi32, #tpu.memory_space<vmem>>) target_semaphore(%run_scoped3A_362 : memref<!tpu.dma_semaphore, #tpu.memory_space<semaphore_mem>>)
        %dma_wait3A_369 = arith.constant 0 : i32
        %dma_wait3A_370 = tpu.memref_slice %arg6[%run_scoped3A_270, %add3A_268, %dma_wait3A_369] : memref<2x1280x128xi32, #tpu.memory_space<hbm>> -> memref<1x40x128xi32, #tpu.memory_space<hbm>>
        %dma_wait3A_371 = tpu.memref_squeeze %dma_wait3A_370 : memref<1x40x128xi32, #tpu.memory_space<hbm>> -> memref<40x128xi32, #tpu.memory_space<hbm>>
        %dma_wait3A_372 = arith.constant 0 : i32
        %dma_wait3A_373 = tpu.memref_slice %arg6[%run_scoped3A_270, %add3A_268, %dma_wait3A_372] : memref<2x1280x128xi32, #tpu.memory_space<hbm>> -> memref<1x40x128xi32, #tpu.memory_space<hbm>>
        %dma_wait3A_374 = tpu.memref_squeeze %dma_wait3A_373 : memref<1x40x128xi32, #tpu.memory_space<hbm>> -> memref<40x128xi32, #tpu.memory_space<hbm>>
        tpu.wait_dma2 semaphore(%run_scoped3A_362 : memref<!tpu.dma_semaphore, #tpu.memory_space<semaphore_mem>>) src(%dma_wait3A_374 : memref<40x128xi32, #tpu.memory_space<hbm>>) dst(%arg12 : memref<40x128xi32, #tpu.memory_space<vmem>>)
        tpu.yield
      }) : () -> ()
      %dma_start3A_271 = arith.constant 0 : i32
      %dma_start3A_272 = arith.constant 0 : i32
      %dma_start3A_273 = arith.constant 0 : i32
      %dma_start3A_274 = tpu.memref_slice %arg13[%dma_start3A_272, %dma_start3A_273] : memref<128x128xf32, #tpu.memory_space<vmem>> -> memref<64x128xf32, #tpu.memory_space<vmem>>
      %dma_start3A_275 = arith.constant 0 : i32
      %dma_start3A_276 = tpu.memref_slice %arg12[%dma_start3A_271, %dma_start3A_275] : memref<40x128xi32, #tpu.memory_space<vmem>> -> memref<1x64xi32, #tpu.memory_space<vmem>>
      %dma_start3A_277 = tpu.memref_squeeze %dma_start3A_276 : memref<1x64xi32, #tpu.memory_space<vmem>> -> memref<64xi32, #tpu.memory_space<vmem>>
      %dma_start3A_278 = arith.constant 0 : i32
      %dma_start3A_279 = arith.constant 0 : i32
      %dma_start3A_280 = tpu.memref_slice %arg3[%dma_start3A_278, %dma_start3A_279] : memref<10000x128xf32, #tpu.memory_space<hbm>> -> memref<10000x128xf32, #tpu.memory_space<hbm>>
      tpu.enqueue_indirect_dma source(%dma_start3A_280 : memref<10000x128xf32, #tpu.memory_space<hbm>>) target(%dma_start3A_274 : memref<64x128xf32, #tpu.memory_space<vmem>>) offsets(%dma_start3A_277 : memref<64xi32, #tpu.memory_space<vmem>>) semaphore(%arg17 : memref<!tpu.dma_semaphore, #tpu.memory_space<semaphore_mem>>)
      %dma_start3A_281 = arith.constant 0 : i32
      %dma_start3A_282 = arith.constant 64 : i32
      %dma_start3A_283 = arith.constant 0 : i32
      %dma_start3A_284 = tpu.memref_slice %arg13[%dma_start3A_282, %dma_start3A_283] : memref<128x128xf32, #tpu.memory_space<vmem>> -> memref<64x128xf32, #tpu.memory_space<vmem>>
      %dma_start3A_285 = arith.constant 64 : i32
      %dma_start3A_286 = tpu.memref_slice %arg12[%dma_start3A_281, %dma_start3A_285] : memref<40x128xi32, #tpu.memory_space<vmem>> -> memref<1x64xi32, #tpu.memory_space<vmem>>
      %dma_start3A_287 = tpu.memref_squeeze %dma_start3A_286 : memref<1x64xi32, #tpu.memory_space<vmem>> -> memref<64xi32, #tpu.memory_space<vmem>>
      %dma_start3A_288 = arith.constant 0 : i32
      %dma_start3A_289 = arith.constant 0 : i32
      %dma_start3A_290 = tpu.memref_slice %arg3[%dma_start3A_288, %dma_start3A_289] : memref<10000x128xf32, #tpu.memory_space<hbm>> -> memref<10000x128xf32, #tpu.memory_space<hbm>>
      tpu.enqueue_indirect_dma source(%dma_start3A_290 : memref<10000x128xf32, #tpu.memory_space<hbm>>) target(%dma_start3A_284 : memref<64x128xf32, #tpu.memory_space<vmem>>) offsets(%dma_start3A_287 : memref<64xi32, #tpu.memory_space<vmem>>) semaphore(%arg18 : memref<!tpu.dma_semaphore, #tpu.memory_space<semaphore_mem>>)
      %scan3A_291 = arith.constant 0 : i32
      %scan3A_292 = arith.constant 0 : i32
      %scan3A_293 = arith.constant 40 : i32
      %scan3A_294 = arith.addi %scan3A_292, %scan3A_293 : i32
      %scan3A_295 = arith.constant 1 : i32
      scf.for %scan3A_362 = %scan3A_292 to %scan3A_294 step %scan3A_295  : i32 {
        %jit3A = arith.constant 2 : i32
        %eq3A_363 = arith.constant 0 : i32
        %eq3A_364 = arith.cmpi eq, %jit3A, %eq3A_363 : i32
        %jit3A_365 = arith.constant 1 : i32
        %select_n3A = arith.select %eq3A_364, %jit3A_365, %jit3A : i32
        %rem3A = arith.remsi %scan3A_362, %select_n3A : i32
        %ne3A = arith.constant 0 : i32
        %ne3A_366 = arith.cmpi ne, %rem3A, %ne3A : i32
        %lt3A = arith.constant 0 : i32
        %lt3A_367 = arith.cmpi slt, %rem3A, %lt3A : i32
        %lt3A_368 = arith.constant 0 : i32
        %lt3A_369 = arith.cmpi slt, %select_n3A, %lt3A_368 : i32
        %ne3A_370 = arith.xori %lt3A_367, %lt3A_369 : i1
        %and3A = arith.andi %ne3A_370, %ne3A_366 : i1
        %add3A_371 = arith.addi %rem3A, %select_n3A : i32
        %select_n3A_372 = arith.select %and3A, %add3A_371, %rem3A : i32
        %eq3A_373 = arith.constant 0 : i32
        %eq3A_374 = arith.cmpi eq, %select_n3A_372, %eq3A_373 : i32
        %convert_element_type3A_375 = arith.extui %eq3A_374 : i1 to i32
        %cond3A_376 = arith.constant 0 : i32
        %cond3A_377 = arith.cmpi ne, %convert_element_type3A_375, %cond3A_376 : i32
        scf.if %cond3A_377 {
          %dma_wait3A_399 = arith.constant 0 : i32
          %dma_wait3A_400 = arith.constant 0 : i32
          %dma_wait3A_401 = tpu.memref_slice %arg13[%dma_wait3A_399, %dma_wait3A_400] : memref<128x128xf32, #tpu.memory_space<vmem>> -> memref<64x128xf32, #tpu.memory_space<vmem>>
          %dma_wait3A_402 = arith.constant 0 : i32
          %dma_wait3A_403 = tpu.memref_slice %arg12[%scan3A_362, %dma_wait3A_402] : memref<40x128xi32, #tpu.memory_space<vmem>> -> memref<1x64xi32, #tpu.memory_space<vmem>>
          %dma_wait3A_404 = tpu.memref_squeeze %dma_wait3A_403 : memref<1x64xi32, #tpu.memory_space<vmem>> -> memref<64xi32, #tpu.memory_space<vmem>>
          %dma_wait3A_405 = arith.constant 0 : i32
          %dma_wait3A_406 = arith.constant 0 : i32
          %dma_wait3A_407 = tpu.memref_slice %arg3[%dma_wait3A_405, %dma_wait3A_406] : memref<10000x128xf32, #tpu.memory_space<hbm>> -> memref<10000x128xf32, #tpu.memory_space<hbm>>
          tpu.wait_indirect_dma semaphore(%arg17 : memref<!tpu.dma_semaphore, #tpu.memory_space<semaphore_mem>>) src(%dma_wait3A_407 : memref<10000x128xf32, #tpu.memory_space<hbm>>) dst(%dma_wait3A_401 : memref<64x128xf32, #tpu.memory_space<vmem>>)
          %dma_wait3A_408 = arith.constant 64 : i32
          %dma_wait3A_409 = arith.constant 0 : i32
          %dma_wait3A_410 = tpu.memref_slice %arg13[%dma_wait3A_408, %dma_wait3A_409] : memref<128x128xf32, #tpu.memory_space<vmem>> -> memref<64x128xf32, #tpu.memory_space<vmem>>
          %dma_wait3A_411 = arith.constant 64 : i32
          %dma_wait3A_412 = tpu.memref_slice %arg12[%scan3A_362, %dma_wait3A_411] : memref<40x128xi32, #tpu.memory_space<vmem>> -> memref<1x64xi32, #tpu.memory_space<vmem>>
          %dma_wait3A_413 = tpu.memref_squeeze %dma_wait3A_412 : memref<1x64xi32, #tpu.memory_space<vmem>> -> memref<64xi32, #tpu.memory_space<vmem>>
          %dma_wait3A_414 = arith.constant 0 : i32
          %dma_wait3A_415 = arith.constant 0 : i32
          %dma_wait3A_416 = tpu.memref_slice %arg3[%dma_wait3A_414, %dma_wait3A_415] : memref<10000x128xf32, #tpu.memory_space<hbm>> -> memref<10000x128xf32, #tpu.memory_space<hbm>>
          tpu.wait_indirect_dma semaphore(%arg18 : memref<!tpu.dma_semaphore, #tpu.memory_space<semaphore_mem>>) src(%dma_wait3A_416 : memref<10000x128xf32, #tpu.memory_space<hbm>>) dst(%dma_wait3A_410 : memref<64x128xf32, #tpu.memory_space<vmem>>)
          %add3A_417 = arith.constant 1 : i32
          %add3A_418 = arith.addi %scan3A_362, %add3A_417 : i32
          %lt3A_419 = arith.constant 40 : i32
          %lt3A_420 = arith.cmpi slt, %add3A_418, %lt3A_419 : i32
          %convert_element_type3A_421 = arith.extui %lt3A_420 : i1 to i32
          %cond3A_422 = arith.constant 0 : i32
          %cond3A_423 = arith.cmpi ne, %convert_element_type3A_421, %cond3A_422 : i32
          scf.if %cond3A_423 {
            %gt3A = arith.constant 0 : i32
            %gt3A_430 = arith.cmpi sgt, %scan3A_362, %gt3A : i32
            %convert_element_type3A_431 = arith.extui %gt3A_430 : i1 to i32
            %cond3A_432 = arith.constant 0 : i32
            %cond3A_433 = arith.cmpi ne, %convert_element_type3A_431, %cond3A_432 : i32
            scf.if %cond3A_433 {
              %sub3A = arith.constant 1 : i32
              %sub3A_454 = arith.subi %scan3A_362, %sub3A : i32
              %dma_wait3A_455 = arith.constant 0 : i32
              %dma_wait3A_456 = tpu.memref_slice %arg11[%sub3A_454, %dma_wait3A_455] : memref<40x128xi32, #tpu.memory_space<vmem>> -> memref<1x128xi32, #tpu.memory_space<vmem>>
              %dma_wait3A_457 = tpu.memref_squeeze %dma_wait3A_456 : memref<1x128xi32, #tpu.memory_space<vmem>> -> memref<128xi32, #tpu.memory_space<vmem>>
              %dma_wait3A_458 = arith.constant 0 : i32
              %dma_wait3A_459 = arith.constant 0 : i32
              %dma_wait3A_460 = tpu.memref_slice %arg16[%dma_wait3A_458, %dma_wait3A_459] : memref<10240x128xf32, #tpu.memory_space<vmem_shared>> -> memref<10240x128xf32, #tpu.memory_space<vmem_shared>>
              tpu.wait_indirect_dma semaphore(%arg22 : memref<!tpu.dma_semaphore, #tpu.memory_space<semaphore_mem>>) src(%arg14 : memref<128x128xf32, #tpu.memory_space<vmem>>) dst(%dma_wait3A_460 : memref<10240x128xf32, #tpu.memory_space<vmem_shared>>)
            } else {
            }
            %add3A_434 = arith.constant 1 : i32
            %add3A_435 = arith.addi %scan3A_362, %add3A_434 : i32
            %dma_start3A_436 = arith.constant 0 : i32
            %dma_start3A_437 = arith.constant 0 : i32
            %dma_start3A_438 = tpu.memref_slice %arg14[%dma_start3A_436, %dma_start3A_437] : memref<128x128xf32, #tpu.memory_space<vmem>> -> memref<64x128xf32, #tpu.memory_space<vmem>>
            %dma_start3A_439 = arith.constant 0 : i32
            %dma_start3A_440 = tpu.memref_slice %arg12[%add3A_435, %dma_start3A_439] : memref<40x128xi32, #tpu.memory_space<vmem>> -> memref<1x64xi32, #tpu.memory_space<vmem>>
            %dma_start3A_441 = tpu.memref_squeeze %dma_start3A_440 : memref<1x64xi32, #tpu.memory_space<vmem>> -> memref<64xi32, #tpu.memory_space<vmem>>
            %dma_start3A_442 = arith.constant 0 : i32
            %dma_start3A_443 = arith.constant 0 : i32
            %dma_start3A_444 = tpu.memref_slice %arg3[%dma_start3A_442, %dma_start3A_443] : memref<10000x128xf32, #tpu.memory_space<hbm>> -> memref<10000x128xf32, #tpu.memory_space<hbm>>
            tpu.enqueue_indirect_dma source(%dma_start3A_444 : memref<10000x128xf32, #tpu.memory_space<hbm>>) target(%dma_start3A_438 : memref<64x128xf32, #tpu.memory_space<vmem>>) offsets(%dma_start3A_441 : memref<64xi32, #tpu.memory_space<vmem>>) semaphore(%arg19 : memref<!tpu.dma_semaphore, #tpu.memory_space<semaphore_mem>>)
            %dma_start3A_445 = arith.constant 64 : i32
            %dma_start3A_446 = arith.constant 0 : i32
            %dma_start3A_447 = tpu.memref_slice %arg14[%dma_start3A_445, %dma_start3A_446] : memref<128x128xf32, #tpu.memory_space<vmem>> -> memref<64x128xf32, #tpu.memory_space<vmem>>
            %dma_start3A_448 = arith.constant 64 : i32
            %dma_start3A_449 = tpu.memref_slice %arg12[%add3A_435, %dma_start3A_448] : memref<40x128xi32, #tpu.memory_space<vmem>> -> memref<1x64xi32, #tpu.memory_space<vmem>>
            %dma_start3A_450 = tpu.memref_squeeze %dma_start3A_449 : memref<1x64xi32, #tpu.memory_space<vmem>> -> memref<64xi32, #tpu.memory_space<vmem>>
            %dma_start3A_451 = arith.constant 0 : i32
            %dma_start3A_452 = arith.constant 0 : i32
            %dma_start3A_453 = tpu.memref_slice %arg3[%dma_start3A_451, %dma_start3A_452] : memref<10000x128xf32, #tpu.memory_space<hbm>> -> memref<10000x128xf32, #tpu.memory_space<hbm>>
            tpu.enqueue_indirect_dma source(%dma_start3A_453 : memref<10000x128xf32, #tpu.memory_space<hbm>>) target(%dma_start3A_447 : memref<64x128xf32, #tpu.memory_space<vmem>>) offsets(%dma_start3A_450 : memref<64xi32, #tpu.memory_space<vmem>>) semaphore(%arg20 : memref<!tpu.dma_semaphore, #tpu.memory_space<semaphore_mem>>)
          } else {
          }
          %dma_start3A_424 = arith.constant 0 : i32
          %dma_start3A_425 = tpu.memref_slice %arg11[%scan3A_362, %dma_start3A_424] : memref<40x128xi32, #tpu.memory_space<vmem>> -> memref<1x128xi32, #tpu.memory_space<vmem>>
          %dma_start3A_426 = tpu.memref_squeeze %dma_start3A_425 : memref<1x128xi32, #tpu.memory_space<vmem>> -> memref<128xi32, #tpu.memory_space<vmem>>
          %dma_start3A_427 = arith.constant 0 : i32
          %dma_start3A_428 = arith.constant 0 : i32
          %dma_start3A_429 = tpu.memref_slice %arg16[%dma_start3A_427, %dma_start3A_428] : memref<10240x128xf32, #tpu.memory_space<vmem_shared>> -> memref<10240x128xf32, #tpu.memory_space<vmem_shared>>
          tpu.enqueue_indirect_dma source(%arg13 : memref<128x128xf32, #tpu.memory_space<vmem>>) target(%dma_start3A_429 : memref<10240x128xf32, #tpu.memory_space<vmem_shared>>) offsets(%dma_start3A_426 : memref<128xi32, #tpu.memory_space<vmem>>) semaphore(%arg21 : memref<!tpu.dma_semaphore, #tpu.memory_space<semaphore_mem>>) {add = true}
        } else {
        }
        %jit3A_378 = arith.constant 2 : i32
        %eq3A_379 = arith.constant 0 : i32
        %eq3A_380 = arith.cmpi eq, %jit3A_378, %eq3A_379 : i32
        %jit3A_381 = arith.constant 1 : i32
        %select_n3A_382 = arith.select %eq3A_380, %jit3A_381, %jit3A_378 : i32
        %rem3A_383 = arith.remsi %scan3A_362, %select_n3A_382 : i32
        %ne3A_384 = arith.constant 0 : i32
        %ne3A_385 = arith.cmpi ne, %rem3A_383, %ne3A_384 : i32
        %lt3A_386 = arith.constant 0 : i32
        %lt3A_387 = arith.cmpi slt, %rem3A_383, %lt3A_386 : i32
        %lt3A_388 = arith.constant 0 : i32
        %lt3A_389 = arith.cmpi slt, %select_n3A_382, %lt3A_388 : i32
        %ne3A_390 = arith.xori %lt3A_387, %lt3A_389 : i1
        %and3A_391 = arith.andi %ne3A_390, %ne3A_385 : i1
        %add3A_392 = arith.addi %rem3A_383, %select_n3A_382 : i32
        %select_n3A_393 = arith.select %and3A_391, %add3A_392, %rem3A_383 : i32
        %eq3A_394 = arith.constant 1 : i32
        %eq3A_395 = arith.cmpi eq, %select_n3A_393, %eq3A_394 : i32
        %convert_element_type3A_396 = arith.extui %eq3A_395 : i1 to i32
        %cond3A_397 = arith.constant 0 : i32
        %cond3A_398 = arith.cmpi ne, %convert_element_type3A_396, %cond3A_397 : i32
        scf.if %cond3A_398 {
          %dma_wait3A_399 = arith.constant 0 : i32
          %dma_wait3A_400 = arith.constant 0 : i32
          %dma_wait3A_401 = tpu.memref_slice %arg14[%dma_wait3A_399, %dma_wait3A_400] : memref<128x128xf32, #tpu.memory_space<vmem>> -> memref<64x128xf32, #tpu.memory_space<vmem>>
          %dma_wait3A_402 = arith.constant 0 : i32
          %dma_wait3A_403 = tpu.memref_slice %arg12[%scan3A_362, %dma_wait3A_402] : memref<40x128xi32, #tpu.memory_space<vmem>> -> memref<1x64xi32, #tpu.memory_space<vmem>>
          %dma_wait3A_404 = tpu.memref_squeeze %dma_wait3A_403 : memref<1x64xi32, #tpu.memory_space<vmem>> -> memref<64xi32, #tpu.memory_space<vmem>>
          %dma_wait3A_405 = arith.constant 0 : i32
          %dma_wait3A_406 = arith.constant 0 : i32
          %dma_wait3A_407 = tpu.memref_slice %arg3[%dma_wait3A_405, %dma_wait3A_406] : memref<10000x128xf32, #tpu.memory_space<hbm>> -> memref<10000x128xf32, #tpu.memory_space<hbm>>
          tpu.wait_indirect_dma semaphore(%arg19 : memref<!tpu.dma_semaphore, #tpu.memory_space<semaphore_mem>>) src(%dma_wait3A_407 : memref<10000x128xf32, #tpu.memory_space<hbm>>) dst(%dma_wait3A_401 : memref<64x128xf32, #tpu.memory_space<vmem>>)
          %dma_wait3A_408 = arith.constant 64 : i32
          %dma_wait3A_409 = arith.constant 0 : i32
          %dma_wait3A_410 = tpu.memref_slice %arg14[%dma_wait3A_408, %dma_wait3A_409] : memref<128x128xf32, #tpu.memory_space<vmem>> -> memref<64x128xf32, #tpu.memory_space<vmem>>
          %dma_wait3A_411 = arith.constant 64 : i32
          %dma_wait3A_412 = tpu.memref_slice %arg12[%scan3A_362, %dma_wait3A_411] : memref<40x128xi32, #tpu.memory_space<vmem>> -> memref<1x64xi32, #tpu.memory_space<vmem>>
          %dma_wait3A_413 = tpu.memref_squeeze %dma_wait3A_412 : memref<1x64xi32, #tpu.memory_space<vmem>> -> memref<64xi32, #tpu.memory_space<vmem>>
          %dma_wait3A_414 = arith.constant 0 : i32
          %dma_wait3A_415 = arith.constant 0 : i32
          %dma_wait3A_416 = tpu.memref_slice %arg3[%dma_wait3A_414, %dma_wait3A_415] : memref<10000x128xf32, #tpu.memory_space<hbm>> -> memref<10000x128xf32, #tpu.memory_space<hbm>>
          tpu.wait_indirect_dma semaphore(%arg20 : memref<!tpu.dma_semaphore, #tpu.memory_space<semaphore_mem>>) src(%dma_wait3A_416 : memref<10000x128xf32, #tpu.memory_space<hbm>>) dst(%dma_wait3A_410 : memref<64x128xf32, #tpu.memory_space<vmem>>)
          %add3A_417 = arith.constant 1 : i32
          %add3A_418 = arith.addi %scan3A_362, %add3A_417 : i32
          %lt3A_419 = arith.constant 40 : i32
          %lt3A_420 = arith.cmpi slt, %add3A_418, %lt3A_419 : i32
          %convert_element_type3A_421 = arith.extui %lt3A_420 : i1 to i32
          %cond3A_422 = arith.constant 0 : i32
          %cond3A_423 = arith.cmpi ne, %convert_element_type3A_421, %cond3A_422 : i32
          scf.if %cond3A_423 {
            %sub3A = arith.constant 1 : i32
            %sub3A_430 = arith.subi %scan3A_362, %sub3A : i32
            %dma_wait3A_431 = arith.constant 0 : i32
            %dma_wait3A_432 = tpu.memref_slice %arg11[%sub3A_430, %dma_wait3A_431] : memref<40x128xi32, #tpu.memory_space<vmem>> -> memref<1x128xi32, #tpu.memory_space<vmem>>
            %dma_wait3A_433 = tpu.memref_squeeze %dma_wait3A_432 : memref<1x128xi32, #tpu.memory_space<vmem>> -> memref<128xi32, #tpu.memory_space<vmem>>
            %dma_wait3A_434 = arith.constant 0 : i32
            %dma_wait3A_435 = arith.constant 0 : i32
            %dma_wait3A_436 = tpu.memref_slice %arg16[%dma_wait3A_434, %dma_wait3A_435] : memref<10240x128xf32, #tpu.memory_space<vmem_shared>> -> memref<10240x128xf32, #tpu.memory_space<vmem_shared>>
            tpu.wait_indirect_dma semaphore(%arg21 : memref<!tpu.dma_semaphore, #tpu.memory_space<semaphore_mem>>) src(%arg13 : memref<128x128xf32, #tpu.memory_space<vmem>>) dst(%dma_wait3A_436 : memref<10240x128xf32, #tpu.memory_space<vmem_shared>>)
            %add3A_437 = arith.constant 1 : i32
            %add3A_438 = arith.addi %scan3A_362, %add3A_437 : i32
            %dma_start3A_439 = arith.constant 0 : i32
            %dma_start3A_440 = arith.constant 0 : i32
            %dma_start3A_441 = tpu.memref_slice %arg13[%dma_start3A_439, %dma_start3A_440] : memref<128x128xf32, #tpu.memory_space<vmem>> -> memref<64x128xf32, #tpu.memory_space<vmem>>
            %dma_start3A_442 = arith.constant 0 : i32
            %dma_start3A_443 = tpu.memref_slice %arg12[%add3A_438, %dma_start3A_442] : memref<40x128xi32, #tpu.memory_space<vmem>> -> memref<1x64xi32, #tpu.memory_space<vmem>>
            %dma_start3A_444 = tpu.memref_squeeze %dma_start3A_443 : memref<1x64xi32, #tpu.memory_space<vmem>> -> memref<64xi32, #tpu.memory_space<vmem>>
            %dma_start3A_445 = arith.constant 0 : i32
            %dma_start3A_446 = arith.constant 0 : i32
            %dma_start3A_447 = tpu.memref_slice %arg3[%dma_start3A_445, %dma_start3A_446] : memref<10000x128xf32, #tpu.memory_space<hbm>> -> memref<10000x128xf32, #tpu.memory_space<hbm>>
            tpu.enqueue_indirect_dma source(%dma_start3A_447 : memref<10000x128xf32, #tpu.memory_space<hbm>>) target(%dma_start3A_441 : memref<64x128xf32, #tpu.memory_space<vmem>>) offsets(%dma_start3A_444 : memref<64xi32, #tpu.memory_space<vmem>>) semaphore(%arg17 : memref<!tpu.dma_semaphore, #tpu.memory_space<semaphore_mem>>)
            %dma_start3A_448 = arith.constant 64 : i32
            %dma_start3A_449 = arith.constant 0 : i32
            %dma_start3A_450 = tpu.memref_slice %arg13[%dma_start3A_448, %dma_start3A_449] : memref<128x128xf32, #tpu.memory_space<vmem>> -> memref<64x128xf32, #tpu.memory_space<vmem>>
            %dma_start3A_451 = arith.constant 64 : i32
            %dma_start3A_452 = tpu.memref_slice %arg12[%add3A_438, %dma_start3A_451] : memref<40x128xi32, #tpu.memory_space<vmem>> -> memref<1x64xi32, #tpu.memory_space<vmem>>
            %dma_start3A_453 = tpu.memref_squeeze %dma_start3A_452 : memref<1x64xi32, #tpu.memory_space<vmem>> -> memref<64xi32, #tpu.memory_space<vmem>>
            %dma_start3A_454 = arith.constant 0 : i32
            %dma_start3A_455 = arith.constant 0 : i32
            %dma_start3A_456 = tpu.memref_slice %arg3[%dma_start3A_454, %dma_start3A_455] : memref<10000x128xf32, #tpu.memory_space<hbm>> -> memref<10000x128xf32, #tpu.memory_space<hbm>>
            tpu.enqueue_indirect_dma source(%dma_start3A_456 : memref<10000x128xf32, #tpu.memory_space<hbm>>) target(%dma_start3A_450 : memref<64x128xf32, #tpu.memory_space<vmem>>) offsets(%dma_start3A_453 : memref<64xi32, #tpu.memory_space<vmem>>) semaphore(%arg18 : memref<!tpu.dma_semaphore, #tpu.memory_space<semaphore_mem>>)
          } else {
          }
          %dma_start3A_424 = arith.constant 0 : i32
          %dma_start3A_425 = tpu.memref_slice %arg11[%scan3A_362, %dma_start3A_424] : memref<40x128xi32, #tpu.memory_space<vmem>> -> memref<1x128xi32, #tpu.memory_space<vmem>>
          %dma_start3A_426 = tpu.memref_squeeze %dma_start3A_425 : memref<1x128xi32, #tpu.memory_space<vmem>> -> memref<128xi32, #tpu.memory_space<vmem>>
          %dma_start3A_427 = arith.constant 0 : i32
          %dma_start3A_428 = arith.constant 0 : i32
          %dma_start3A_429 = tpu.memref_slice %arg16[%dma_start3A_427, %dma_start3A_428] : memref<10240x128xf32, #tpu.memory_space<vmem_shared>> -> memref<10240x128xf32, #tpu.memory_space<vmem_shared>>
          tpu.enqueue_indirect_dma source(%arg14 : memref<128x128xf32, #tpu.memory_space<vmem>>) target(%dma_start3A_429 : memref<10240x128xf32, #tpu.memory_space<vmem_shared>>) offsets(%dma_start3A_426 : memref<128xi32, #tpu.memory_space<vmem>>) semaphore(%arg22 : memref<!tpu.dma_semaphore, #tpu.memory_space<semaphore_mem>>) {add = true}
        } else {
        }
      }
      %scan3A_296 = arith.constant 40 : i32
      %dma_wait3A_297 = arith.constant 38 : i32
      %dma_wait3A_298 = arith.constant 0 : i32
      %dma_wait3A_299 = tpu.memref_slice %arg11[%dma_wait3A_297, %dma_wait3A_298] : memref<40x128xi32, #tpu.memory_space<vmem>> -> memref<1x128xi32, #tpu.memory_space<vmem>>
      %dma_wait3A_300 = tpu.memref_squeeze %dma_wait3A_299 : memref<1x128xi32, #tpu.memory_space<vmem>> -> memref<128xi32, #tpu.memory_space<vmem>>
      %dma_wait3A_301 = arith.constant 0 : i32
      %dma_wait3A_302 = arith.constant 0 : i32
      %dma_wait3A_303 = tpu.memref_slice %arg16[%dma_wait3A_301, %dma_wait3A_302] : memref<10240x128xf32, #tpu.memory_space<vmem_shared>> -> memref<10240x128xf32, #tpu.memory_space<vmem_shared>>
      tpu.wait_indirect_dma semaphore(%arg21 : memref<!tpu.dma_semaphore, #tpu.memory_space<semaphore_mem>>) src(%arg13 : memref<128x128xf32, #tpu.memory_space<vmem>>) dst(%dma_wait3A_303 : memref<10240x128xf32, #tpu.memory_space<vmem_shared>>)
      %dma_wait3A_304 = arith.constant 39 : i32
      %dma_wait3A_305 = arith.constant 0 : i32
      %dma_wait3A_306 = tpu.memref_slice %arg11[%dma_wait3A_304, %dma_wait3A_305] : memref<40x128xi32, #tpu.memory_space<vmem>> -> memref<1x128xi32, #tpu.memory_space<vmem>>
      %dma_wait3A_307 = tpu.memref_squeeze %dma_wait3A_306 : memref<1x128xi32, #tpu.memory_space<vmem>> -> memref<128xi32, #tpu.memory_space<vmem>>
      %dma_wait3A_308 = arith.constant 0 : i32
      %dma_wait3A_309 = arith.constant 0 : i32
      %dma_wait3A_310 = tpu.memref_slice %arg16[%dma_wait3A_308, %dma_wait3A_309] : memref<10240x128xf32, #tpu.memory_space<vmem_shared>> -> memref<10240x128xf32, #tpu.memory_space<vmem_shared>>
      tpu.wait_indirect_dma semaphore(%arg22 : memref<!tpu.dma_semaphore, #tpu.memory_space<semaphore_mem>>) src(%arg14 : memref<128x128xf32, #tpu.memory_space<vmem>>) dst(%dma_wait3A_310 : memref<10240x128xf32, #tpu.memory_space<vmem_shared>>)
      %mul3A_311 = arith.constant 80 : i32
      %mul3A_312 = arith.muli %arg1, %mul3A_311 : i32
      %add3A_313 = arith.constant 40 : i32
      %add3A_314 = arith.addi %mul3A_312, %add3A_313 : i32
      %run_scoped3A_315 = arith.constant 0 : i32
      "tpu.region"() ({
        %run_scoped3A_362 = tpu.sem_alloc : memref<!tpu.dma_semaphore, #tpu.memory_space<semaphore_mem>>
        %dma_start3A_363 = arith.constant 0 : i32
        %dma_start3A_364 = tpu.memref_slice %arg6[%run_scoped3A_315, %add3A_314, %dma_start3A_363] : memref<2x1280x128xi32, #tpu.memory_space<hbm>> -> memref<1x40x128xi32, #tpu.memory_space<hbm>>
        %dma_start3A_365 = tpu.memref_squeeze %dma_start3A_364 : memref<1x40x128xi32, #tpu.memory_space<hbm>> -> memref<40x128xi32, #tpu.memory_space<hbm>>
        %dma_start3A_366 = arith.constant 0 : i32
        %dma_start3A_367 = tpu.memref_slice %arg6[%run_scoped3A_315, %add3A_314, %dma_start3A_366] : memref<2x1280x128xi32, #tpu.memory_space<hbm>> -> memref<1x40x128xi32, #tpu.memory_space<hbm>>
        %dma_start3A_368 = tpu.memref_squeeze %dma_start3A_367 : memref<1x40x128xi32, #tpu.memory_space<hbm>> -> memref<40x128xi32, #tpu.memory_space<hbm>>
        tpu.enqueue_dma source(%dma_start3A_368 : memref<40x128xi32, #tpu.memory_space<hbm>>) target(%arg11 : memref<40x128xi32, #tpu.memory_space<vmem>>) target_semaphore(%run_scoped3A_362 : memref<!tpu.dma_semaphore, #tpu.memory_space<semaphore_mem>>)
        %dma_wait3A_369 = arith.constant 0 : i32
        %dma_wait3A_370 = tpu.memref_slice %arg6[%run_scoped3A_315, %add3A_314, %dma_wait3A_369] : memref<2x1280x128xi32, #tpu.memory_space<hbm>> -> memref<1x40x128xi32, #tpu.memory_space<hbm>>
        %dma_wait3A_371 = tpu.memref_squeeze %dma_wait3A_370 : memref<1x40x128xi32, #tpu.memory_space<hbm>> -> memref<40x128xi32, #tpu.memory_space<hbm>>
        %dma_wait3A_372 = arith.constant 0 : i32
        %dma_wait3A_373 = tpu.memref_slice %arg6[%run_scoped3A_315, %add3A_314, %dma_wait3A_372] : memref<2x1280x128xi32, #tpu.memory_space<hbm>> -> memref<1x40x128xi32, #tpu.memory_space<hbm>>
        %dma_wait3A_374 = tpu.memref_squeeze %dma_wait3A_373 : memref<1x40x128xi32, #tpu.memory_space<hbm>> -> memref<40x128xi32, #tpu.memory_space<hbm>>
        tpu.wait_dma2 semaphore(%run_scoped3A_362 : memref<!tpu.dma_semaphore, #tpu.memory_space<semaphore_mem>>) src(%dma_wait3A_374 : memref<40x128xi32, #tpu.memory_space<hbm>>) dst(%arg11 : memref<40x128xi32, #tpu.memory_space<vmem>>)
        tpu.yield
      }) : () -> ()
      %run_scoped3A_316 = arith.constant 1 : i32
      "tpu.region"() ({
        %run_scoped3A_362 = tpu.sem_alloc : memref<!tpu.dma_semaphore, #tpu.memory_space<semaphore_mem>>
        %dma_start3A_363 = arith.constant 0 : i32
        %dma_start3A_364 = tpu.memref_slice %arg6[%run_scoped3A_316, %add3A_314, %dma_start3A_363] : memref<2x1280x128xi32, #tpu.memory_space<hbm>> -> memref<1x40x128xi32, #tpu.memory_space<hbm>>
        %dma_start3A_365 = tpu.memref_squeeze %dma_start3A_364 : memref<1x40x128xi32, #tpu.memory_space<hbm>> -> memref<40x128xi32, #tpu.memory_space<hbm>>
        %dma_start3A_366 = arith.constant 0 : i32
        %dma_start3A_367 = tpu.memref_slice %arg6[%run_scoped3A_316, %add3A_314, %dma_start3A_366] : memref<2x1280x128xi32, #tpu.memory_space<hbm>> -> memref<1x40x128xi32, #tpu.memory_space<hbm>>
        %dma_start3A_368 = tpu.memref_squeeze %dma_start3A_367 : memref<1x40x128xi32, #tpu.memory_space<hbm>> -> memref<40x128xi32, #tpu.memory_space<hbm>>
        tpu.enqueue_dma source(%dma_start3A_368 : memref<40x128xi32, #tpu.memory_space<hbm>>) target(%arg12 : memref<40x128xi32, #tpu.memory_space<vmem>>) target_semaphore(%run_scoped3A_362 : memref<!tpu.dma_semaphore, #tpu.memory_space<semaphore_mem>>)
        %dma_wait3A_369 = arith.constant 0 : i32
        %dma_wait3A_370 = tpu.memref_slice %arg6[%run_scoped3A_316, %add3A_314, %dma_wait3A_369] : memref<2x1280x128xi32, #tpu.memory_space<hbm>> -> memref<1x40x128xi32, #tpu.memory_space<hbm>>
        %dma_wait3A_371 = tpu.memref_squeeze %dma_wait3A_370 : memref<1x40x128xi32, #tpu.memory_space<hbm>> -> memref<40x128xi32, #tpu.memory_space<hbm>>
        %dma_wait3A_372 = arith.constant 0 : i32
        %dma_wait3A_373 = tpu.memref_slice %arg6[%run_scoped3A_316, %add3A_314, %dma_wait3A_372] : memref<2x1280x128xi32, #tpu.memory_space<hbm>> -> memref<1x40x128xi32, #tpu.memory_space<hbm>>
        %dma_wait3A_374 = tpu.memref_squeeze %dma_wait3A_373 : memref<1x40x128xi32, #tpu.memory_space<hbm>> -> memref<40x128xi32, #tpu.memory_space<hbm>>
        tpu.wait_dma2 semaphore(%run_scoped3A_362 : memref<!tpu.dma_semaphore, #tpu.memory_space<semaphore_mem>>) src(%dma_wait3A_374 : memref<40x128xi32, #tpu.memory_space<hbm>>) dst(%arg12 : memref<40x128xi32, #tpu.memory_space<vmem>>)
        tpu.yield
      }) : () -> ()
      %dma_start3A_317 = arith.constant 0 : i32
      %dma_start3A_318 = arith.constant 0 : i32
      %dma_start3A_319 = arith.constant 0 : i32
      %dma_start3A_320 = tpu.memref_slice %arg13[%dma_start3A_318, %dma_start3A_319] : memref<128x128xf32, #tpu.memory_space<vmem>> -> memref<64x128xf32, #tpu.memory_space<vmem>>
      %dma_start3A_321 = arith.constant 0 : i32
      %dma_start3A_322 = tpu.memref_slice %arg12[%dma_start3A_317, %dma_start3A_321] : memref<40x128xi32, #tpu.memory_space<vmem>> -> memref<1x64xi32, #tpu.memory_space<vmem>>
      %dma_start3A_323 = tpu.memref_squeeze %dma_start3A_322 : memref<1x64xi32, #tpu.memory_space<vmem>> -> memref<64xi32, #tpu.memory_space<vmem>>
      %dma_start3A_324 = arith.constant 0 : i32
      %dma_start3A_325 = arith.constant 0 : i32
      %dma_start3A_326 = tpu.memref_slice %arg3[%dma_start3A_324, %dma_start3A_325] : memref<10000x128xf32, #tpu.memory_space<hbm>> -> memref<10000x128xf32, #tpu.memory_space<hbm>>
      tpu.enqueue_indirect_dma source(%dma_start3A_326 : memref<10000x128xf32, #tpu.memory_space<hbm>>) target(%dma_start3A_320 : memref<64x128xf32, #tpu.memory_space<vmem>>) offsets(%dma_start3A_323 : memref<64xi32, #tpu.memory_space<vmem>>) semaphore(%arg17 : memref<!tpu.dma_semaphore, #tpu.memory_space<semaphore_mem>>)
      %dma_start3A_327 = arith.constant 0 : i32
      %dma_start3A_328 = arith.constant 64 : i32
      %dma_start3A_329 = arith.constant 0 : i32
      %dma_start3A_330 = tpu.memref_slice %arg13[%dma_start3A_328, %dma_start3A_329] : memref<128x128xf32, #tpu.memory_space<vmem>> -> memref<64x128xf32, #tpu.memory_space<vmem>>
      %dma_start3A_331 = arith.constant 64 : i32
      %dma_start3A_332 = tpu.memref_slice %arg12[%dma_start3A_327, %dma_start3A_331] : memref<40x128xi32, #tpu.memory_space<vmem>> -> memref<1x64xi32, #tpu.memory_space<vmem>>
      %dma_start3A_333 = tpu.memref_squeeze %dma_start3A_332 : memref<1x64xi32, #tpu.memory_space<vmem>> -> memref<64xi32, #tpu.memory_space<vmem>>
      %dma_start3A_334 = arith.constant 0 : i32
      %dma_start3A_335 = arith.constant 0 : i32
      %dma_start3A_336 = tpu.memref_slice %arg3[%dma_start3A_334, %dma_start3A_335] : memref<10000x128xf32, #tpu.memory_space<hbm>> -> memref<10000x128xf32, #tpu.memory_space<hbm>>
      tpu.enqueue_indirect_dma source(%dma_start3A_336 : memref<10000x128xf32, #tpu.memory_space<hbm>>) target(%dma_start3A_330 : memref<64x128xf32, #tpu.memory_space<vmem>>) offsets(%dma_start3A_333 : memref<64xi32, #tpu.memory_space<vmem>>) semaphore(%arg18 : memref<!tpu.dma_semaphore, #tpu.memory_space<semaphore_mem>>)
      %scan3A_337 = arith.constant 0 : i32
      %scan3A_338 = arith.constant 0 : i32
      %scan3A_339 = arith.constant 40 : i32
      %scan3A_340 = arith.addi %scan3A_338, %scan3A_339 : i32
      %scan3A_341 = arith.constant 1 : i32
      scf.for %scan3A_362 = %scan3A_338 to %scan3A_340 step %scan3A_341  : i32 {
        %jit3A = arith.constant 2 : i32
        %eq3A_363 = arith.constant 0 : i32
        %eq3A_364 = arith.cmpi eq, %jit3A, %eq3A_363 : i32
        %jit3A_365 = arith.constant 1 : i32
        %select_n3A = arith.select %eq3A_364, %jit3A_365, %jit3A : i32
        %rem3A = arith.remsi %scan3A_362, %select_n3A : i32
        %ne3A = arith.constant 0 : i32
        %ne3A_366 = arith.cmpi ne, %rem3A, %ne3A : i32
        %lt3A = arith.constant 0 : i32
        %lt3A_367 = arith.cmpi slt, %rem3A, %lt3A : i32
        %lt3A_368 = arith.constant 0 : i32
        %lt3A_369 = arith.cmpi slt, %select_n3A, %lt3A_368 : i32
        %ne3A_370 = arith.xori %lt3A_367, %lt3A_369 : i1
        %and3A = arith.andi %ne3A_370, %ne3A_366 : i1
        %add3A_371 = arith.addi %rem3A, %select_n3A : i32
        %select_n3A_372 = arith.select %and3A, %add3A_371, %rem3A : i32
        %eq3A_373 = arith.constant 0 : i32
        %eq3A_374 = arith.cmpi eq, %select_n3A_372, %eq3A_373 : i32
        %convert_element_type3A_375 = arith.extui %eq3A_374 : i1 to i32
        %cond3A_376 = arith.constant 0 : i32
        %cond3A_377 = arith.cmpi ne, %convert_element_type3A_375, %cond3A_376 : i32
        scf.if %cond3A_377 {
          %dma_wait3A_399 = arith.constant 0 : i32
          %dma_wait3A_400 = arith.constant 0 : i32
          %dma_wait3A_401 = tpu.memref_slice %arg13[%dma_wait3A_399, %dma_wait3A_400] : memref<128x128xf32, #tpu.memory_space<vmem>> -> memref<64x128xf32, #tpu.memory_space<vmem>>
          %dma_wait3A_402 = arith.constant 0 : i32
          %dma_wait3A_403 = tpu.memref_slice %arg12[%scan3A_362, %dma_wait3A_402] : memref<40x128xi32, #tpu.memory_space<vmem>> -> memref<1x64xi32, #tpu.memory_space<vmem>>
          %dma_wait3A_404 = tpu.memref_squeeze %dma_wait3A_403 : memref<1x64xi32, #tpu.memory_space<vmem>> -> memref<64xi32, #tpu.memory_space<vmem>>
          %dma_wait3A_405 = arith.constant 0 : i32
          %dma_wait3A_406 = arith.constant 0 : i32
          %dma_wait3A_407 = tpu.memref_slice %arg3[%dma_wait3A_405, %dma_wait3A_406] : memref<10000x128xf32, #tpu.memory_space<hbm>> -> memref<10000x128xf32, #tpu.memory_space<hbm>>
          tpu.wait_indirect_dma semaphore(%arg17 : memref<!tpu.dma_semaphore, #tpu.memory_space<semaphore_mem>>) src(%dma_wait3A_407 : memref<10000x128xf32, #tpu.memory_space<hbm>>) dst(%dma_wait3A_401 : memref<64x128xf32, #tpu.memory_space<vmem>>)
          %dma_wait3A_408 = arith.constant 64 : i32
          %dma_wait3A_409 = arith.constant 0 : i32
          %dma_wait3A_410 = tpu.memref_slice %arg13[%dma_wait3A_408, %dma_wait3A_409] : memref<128x128xf32, #tpu.memory_space<vmem>> -> memref<64x128xf32, #tpu.memory_space<vmem>>
          %dma_wait3A_411 = arith.constant 64 : i32
          %dma_wait3A_412 = tpu.memref_slice %arg12[%scan3A_362, %dma_wait3A_411] : memref<40x128xi32, #tpu.memory_space<vmem>> -> memref<1x64xi32, #tpu.memory_space<vmem>>
          %dma_wait3A_413 = tpu.memref_squeeze %dma_wait3A_412 : memref<1x64xi32, #tpu.memory_space<vmem>> -> memref<64xi32, #tpu.memory_space<vmem>>
          %dma_wait3A_414 = arith.constant 0 : i32
          %dma_wait3A_415 = arith.constant 0 : i32
          %dma_wait3A_416 = tpu.memref_slice %arg3[%dma_wait3A_414, %dma_wait3A_415] : memref<10000x128xf32, #tpu.memory_space<hbm>> -> memref<10000x128xf32, #tpu.memory_space<hbm>>
          tpu.wait_indirect_dma semaphore(%arg18 : memref<!tpu.dma_semaphore, #tpu.memory_space<semaphore_mem>>) src(%dma_wait3A_416 : memref<10000x128xf32, #tpu.memory_space<hbm>>) dst(%dma_wait3A_410 : memref<64x128xf32, #tpu.memory_space<vmem>>)
          %add3A_417 = arith.constant 1 : i32
          %add3A_418 = arith.addi %scan3A_362, %add3A_417 : i32
          %lt3A_419 = arith.constant 40 : i32
          %lt3A_420 = arith.cmpi slt, %add3A_418, %lt3A_419 : i32
          %convert_element_type3A_421 = arith.extui %lt3A_420 : i1 to i32
          %cond3A_422 = arith.constant 0 : i32
          %cond3A_423 = arith.cmpi ne, %convert_element_type3A_421, %cond3A_422 : i32
          scf.if %cond3A_423 {
            %gt3A = arith.constant 0 : i32
            %gt3A_430 = arith.cmpi sgt, %scan3A_362, %gt3A : i32
            %convert_element_type3A_431 = arith.extui %gt3A_430 : i1 to i32
            %cond3A_432 = arith.constant 0 : i32
            %cond3A_433 = arith.cmpi ne, %convert_element_type3A_431, %cond3A_432 : i32
            scf.if %cond3A_433 {
              %sub3A = arith.constant 1 : i32
              %sub3A_454 = arith.subi %scan3A_362, %sub3A : i32
              %dma_wait3A_455 = arith.constant 0 : i32
              %dma_wait3A_456 = tpu.memref_slice %arg11[%sub3A_454, %dma_wait3A_455] : memref<40x128xi32, #tpu.memory_space<vmem>> -> memref<1x128xi32, #tpu.memory_space<vmem>>
              %dma_wait3A_457 = tpu.memref_squeeze %dma_wait3A_456 : memref<1x128xi32, #tpu.memory_space<vmem>> -> memref<128xi32, #tpu.memory_space<vmem>>
              %dma_wait3A_458 = arith.constant 0 : i32
              %dma_wait3A_459 = arith.constant 0 : i32
              %dma_wait3A_460 = tpu.memref_slice %arg16[%dma_wait3A_458, %dma_wait3A_459] : memref<10240x128xf32, #tpu.memory_space<vmem_shared>> -> memref<10240x128xf32, #tpu.memory_space<vmem_shared>>
              tpu.wait_indirect_dma semaphore(%arg22 : memref<!tpu.dma_semaphore, #tpu.memory_space<semaphore_mem>>) src(%arg14 : memref<128x128xf32, #tpu.memory_space<vmem>>) dst(%dma_wait3A_460 : memref<10240x128xf32, #tpu.memory_space<vmem_shared>>)
            } else {
            }
            %add3A_434 = arith.constant 1 : i32
            %add3A_435 = arith.addi %scan3A_362, %add3A_434 : i32
            %dma_start3A_436 = arith.constant 0 : i32
            %dma_start3A_437 = arith.constant 0 : i32
            %dma_start3A_438 = tpu.memref_slice %arg14[%dma_start3A_436, %dma_start3A_437] : memref<128x128xf32, #tpu.memory_space<vmem>> -> memref<64x128xf32, #tpu.memory_space<vmem>>
            %dma_start3A_439 = arith.constant 0 : i32
            %dma_start3A_440 = tpu.memref_slice %arg12[%add3A_435, %dma_start3A_439] : memref<40x128xi32, #tpu.memory_space<vmem>> -> memref<1x64xi32, #tpu.memory_space<vmem>>
            %dma_start3A_441 = tpu.memref_squeeze %dma_start3A_440 : memref<1x64xi32, #tpu.memory_space<vmem>> -> memref<64xi32, #tpu.memory_space<vmem>>
            %dma_start3A_442 = arith.constant 0 : i32
            %dma_start3A_443 = arith.constant 0 : i32
            %dma_start3A_444 = tpu.memref_slice %arg3[%dma_start3A_442, %dma_start3A_443] : memref<10000x128xf32, #tpu.memory_space<hbm>> -> memref<10000x128xf32, #tpu.memory_space<hbm>>
            tpu.enqueue_indirect_dma source(%dma_start3A_444 : memref<10000x128xf32, #tpu.memory_space<hbm>>) target(%dma_start3A_438 : memref<64x128xf32, #tpu.memory_space<vmem>>) offsets(%dma_start3A_441 : memref<64xi32, #tpu.memory_space<vmem>>) semaphore(%arg19 : memref<!tpu.dma_semaphore, #tpu.memory_space<semaphore_mem>>)
            %dma_start3A_445 = arith.constant 64 : i32
            %dma_start3A_446 = arith.constant 0 : i32
            %dma_start3A_447 = tpu.memref_slice %arg14[%dma_start3A_445, %dma_start3A_446] : memref<128x128xf32, #tpu.memory_space<vmem>> -> memref<64x128xf32, #tpu.memory_space<vmem>>
            %dma_start3A_448 = arith.constant 64 : i32
            %dma_start3A_449 = tpu.memref_slice %arg12[%add3A_435, %dma_start3A_448] : memref<40x128xi32, #tpu.memory_space<vmem>> -> memref<1x64xi32, #tpu.memory_space<vmem>>
            %dma_start3A_450 = tpu.memref_squeeze %dma_start3A_449 : memref<1x64xi32, #tpu.memory_space<vmem>> -> memref<64xi32, #tpu.memory_space<vmem>>
            %dma_start3A_451 = arith.constant 0 : i32
            %dma_start3A_452 = arith.constant 0 : i32
            %dma_start3A_453 = tpu.memref_slice %arg3[%dma_start3A_451, %dma_start3A_452] : memref<10000x128xf32, #tpu.memory_space<hbm>> -> memref<10000x128xf32, #tpu.memory_space<hbm>>
            tpu.enqueue_indirect_dma source(%dma_start3A_453 : memref<10000x128xf32, #tpu.memory_space<hbm>>) target(%dma_start3A_447 : memref<64x128xf32, #tpu.memory_space<vmem>>) offsets(%dma_start3A_450 : memref<64xi32, #tpu.memory_space<vmem>>) semaphore(%arg20 : memref<!tpu.dma_semaphore, #tpu.memory_space<semaphore_mem>>)
          } else {
          }
          %dma_start3A_424 = arith.constant 0 : i32
          %dma_start3A_425 = tpu.memref_slice %arg11[%scan3A_362, %dma_start3A_424] : memref<40x128xi32, #tpu.memory_space<vmem>> -> memref<1x128xi32, #tpu.memory_space<vmem>>
          %dma_start3A_426 = tpu.memref_squeeze %dma_start3A_425 : memref<1x128xi32, #tpu.memory_space<vmem>> -> memref<128xi32, #tpu.memory_space<vmem>>
          %dma_start3A_427 = arith.constant 0 : i32
          %dma_start3A_428 = arith.constant 0 : i32
          %dma_start3A_429 = tpu.memref_slice %arg16[%dma_start3A_427, %dma_start3A_428] : memref<10240x128xf32, #tpu.memory_space<vmem_shared>> -> memref<10240x128xf32, #tpu.memory_space<vmem_shared>>
          tpu.enqueue_indirect_dma source(%arg13 : memref<128x128xf32, #tpu.memory_space<vmem>>) target(%dma_start3A_429 : memref<10240x128xf32, #tpu.memory_space<vmem_shared>>) offsets(%dma_start3A_426 : memref<128xi32, #tpu.memory_space<vmem>>) semaphore(%arg21 : memref<!tpu.dma_semaphore, #tpu.memory_space<semaphore_mem>>) {add = true}
        } else {
        }
        %jit3A_378 = arith.constant 2 : i32
        %eq3A_379 = arith.constant 0 : i32
        %eq3A_380 = arith.cmpi eq, %jit3A_378, %eq3A_379 : i32
        %jit3A_381 = arith.constant 1 : i32
        %select_n3A_382 = arith.select %eq3A_380, %jit3A_381, %jit3A_378 : i32
        %rem3A_383 = arith.remsi %scan3A_362, %select_n3A_382 : i32
        %ne3A_384 = arith.constant 0 : i32
        %ne3A_385 = arith.cmpi ne, %rem3A_383, %ne3A_384 : i32
        %lt3A_386 = arith.constant 0 : i32
        %lt3A_387 = arith.cmpi slt, %rem3A_383, %lt3A_386 : i32
        %lt3A_388 = arith.constant 0 : i32
        %lt3A_389 = arith.cmpi slt, %select_n3A_382, %lt3A_388 : i32
        %ne3A_390 = arith.xori %lt3A_387, %lt3A_389 : i1
        %and3A_391 = arith.andi %ne3A_390, %ne3A_385 : i1
        %add3A_392 = arith.addi %rem3A_383, %select_n3A_382 : i32
        %select_n3A_393 = arith.select %and3A_391, %add3A_392, %rem3A_383 : i32
        %eq3A_394 = arith.constant 1 : i32
        %eq3A_395 = arith.cmpi eq, %select_n3A_393, %eq3A_394 : i32
        %convert_element_type3A_396 = arith.extui %eq3A_395 : i1 to i32
        %cond3A_397 = arith.constant 0 : i32
        %cond3A_398 = arith.cmpi ne, %convert_element_type3A_396, %cond3A_397 : i32
        scf.if %cond3A_398 {
          %dma_wait3A_399 = arith.constant 0 : i32
          %dma_wait3A_400 = arith.constant 0 : i32
          %dma_wait3A_401 = tpu.memref_slice %arg14[%dma_wait3A_399, %dma_wait3A_400] : memref<128x128xf32, #tpu.memory_space<vmem>> -> memref<64x128xf32, #tpu.memory_space<vmem>>
          %dma_wait3A_402 = arith.constant 0 : i32
          %dma_wait3A_403 = tpu.memref_slice %arg12[%scan3A_362, %dma_wait3A_402] : memref<40x128xi32, #tpu.memory_space<vmem>> -> memref<1x64xi32, #tpu.memory_space<vmem>>
          %dma_wait3A_404 = tpu.memref_squeeze %dma_wait3A_403 : memref<1x64xi32, #tpu.memory_space<vmem>> -> memref<64xi32, #tpu.memory_space<vmem>>
          %dma_wait3A_405 = arith.constant 0 : i32
          %dma_wait3A_406 = arith.constant 0 : i32
          %dma_wait3A_407 = tpu.memref_slice %arg3[%dma_wait3A_405, %dma_wait3A_406] : memref<10000x128xf32, #tpu.memory_space<hbm>> -> memref<10000x128xf32, #tpu.memory_space<hbm>>
          tpu.wait_indirect_dma semaphore(%arg19 : memref<!tpu.dma_semaphore, #tpu.memory_space<semaphore_mem>>) src(%dma_wait3A_407 : memref<10000x128xf32, #tpu.memory_space<hbm>>) dst(%dma_wait3A_401 : memref<64x128xf32, #tpu.memory_space<vmem>>)
          %dma_wait3A_408 = arith.constant 64 : i32
          %dma_wait3A_409 = arith.constant 0 : i32
          %dma_wait3A_410 = tpu.memref_slice %arg14[%dma_wait3A_408, %dma_wait3A_409] : memref<128x128xf32, #tpu.memory_space<vmem>> -> memref<64x128xf32, #tpu.memory_space<vmem>>
          %dma_wait3A_411 = arith.constant 64 : i32
          %dma_wait3A_412 = tpu.memref_slice %arg12[%scan3A_362, %dma_wait3A_411] : memref<40x128xi32, #tpu.memory_space<vmem>> -> memref<1x64xi32, #tpu.memory_space<vmem>>
          %dma_wait3A_413 = tpu.memref_squeeze %dma_wait3A_412 : memref<1x64xi32, #tpu.memory_space<vmem>> -> memref<64xi32, #tpu.memory_space<vmem>>
          %dma_wait3A_414 = arith.constant 0 : i32
          %dma_wait3A_415 = arith.constant 0 : i32
          %dma_wait3A_416 = tpu.memref_slice %arg3[%dma_wait3A_414, %dma_wait3A_415] : memref<10000x128xf32, #tpu.memory_space<hbm>> -> memref<10000x128xf32, #tpu.memory_space<hbm>>
          tpu.wait_indirect_dma semaphore(%arg20 : memref<!tpu.dma_semaphore, #tpu.memory_space<semaphore_mem>>) src(%dma_wait3A_416 : memref<10000x128xf32, #tpu.memory_space<hbm>>) dst(%dma_wait3A_410 : memref<64x128xf32, #tpu.memory_space<vmem>>)
          %add3A_417 = arith.constant 1 : i32
          %add3A_418 = arith.addi %scan3A_362, %add3A_417 : i32
          %lt3A_419 = arith.constant 40 : i32
          %lt3A_420 = arith.cmpi slt, %add3A_418, %lt3A_419 : i32
          %convert_element_type3A_421 = arith.extui %lt3A_420 : i1 to i32
          %cond3A_422 = arith.constant 0 : i32
          %cond3A_423 = arith.cmpi ne, %convert_element_type3A_421, %cond3A_422 : i32
          scf.if %cond3A_423 {
            %sub3A = arith.constant 1 : i32
            %sub3A_430 = arith.subi %scan3A_362, %sub3A : i32
            %dma_wait3A_431 = arith.constant 0 : i32
            %dma_wait3A_432 = tpu.memref_slice %arg11[%sub3A_430, %dma_wait3A_431] : memref<40x128xi32, #tpu.memory_space<vmem>> -> memref<1x128xi32, #tpu.memory_space<vmem>>
            %dma_wait3A_433 = tpu.memref_squeeze %dma_wait3A_432 : memref<1x128xi32, #tpu.memory_space<vmem>> -> memref<128xi32, #tpu.memory_space<vmem>>
            %dma_wait3A_434 = arith.constant 0 : i32
            %dma_wait3A_435 = arith.constant 0 : i32
            %dma_wait3A_436 = tpu.memref_slice %arg16[%dma_wait3A_434, %dma_wait3A_435] : memref<10240x128xf32, #tpu.memory_space<vmem_shared>> -> memref<10240x128xf32, #tpu.memory_space<vmem_shared>>
            tpu.wait_indirect_dma semaphore(%arg21 : memref<!tpu.dma_semaphore, #tpu.memory_space<semaphore_mem>>) src(%arg13 : memref<128x128xf32, #tpu.memory_space<vmem>>) dst(%dma_wait3A_436 : memref<10240x128xf32, #tpu.memory_space<vmem_shared>>)
            %add3A_437 = arith.constant 1 : i32
            %add3A_438 = arith.addi %scan3A_362, %add3A_437 : i32
            %dma_start3A_439 = arith.constant 0 : i32
            %dma_start3A_440 = arith.constant 0 : i32
            %dma_start3A_441 = tpu.memref_slice %arg13[%dma_start3A_439, %dma_start3A_440] : memref<128x128xf32, #tpu.memory_space<vmem>> -> memref<64x128xf32, #tpu.memory_space<vmem>>
            %dma_start3A_442 = arith.constant 0 : i32
            %dma_start3A_443 = tpu.memref_slice %arg12[%add3A_438, %dma_start3A_442] : memref<40x128xi32, #tpu.memory_space<vmem>> -> memref<1x64xi32, #tpu.memory_space<vmem>>
            %dma_start3A_444 = tpu.memref_squeeze %dma_start3A_443 : memref<1x64xi32, #tpu.memory_space<vmem>> -> memref<64xi32, #tpu.memory_space<vmem>>
            %dma_start3A_445 = arith.constant 0 : i32
            %dma_start3A_446 = arith.constant 0 : i32
            %dma_start3A_447 = tpu.memref_slice %arg3[%dma_start3A_445, %dma_start3A_446] : memref<10000x128xf32, #tpu.memory_space<hbm>> -> memref<10000x128xf32, #tpu.memory_space<hbm>>
            tpu.enqueue_indirect_dma source(%dma_start3A_447 : memref<10000x128xf32, #tpu.memory_space<hbm>>) target(%dma_start3A_441 : memref<64x128xf32, #tpu.memory_space<vmem>>) offsets(%dma_start3A_444 : memref<64xi32, #tpu.memory_space<vmem>>) semaphore(%arg17 : memref<!tpu.dma_semaphore, #tpu.memory_space<semaphore_mem>>)
            %dma_start3A_448 = arith.constant 64 : i32
            %dma_start3A_449 = arith.constant 0 : i32
            %dma_start3A_450 = tpu.memref_slice %arg13[%dma_start3A_448, %dma_start3A_449] : memref<128x128xf32, #tpu.memory_space<vmem>> -> memref<64x128xf32, #tpu.memory_space<vmem>>
            %dma_start3A_451 = arith.constant 64 : i32
            %dma_start3A_452 = tpu.memref_slice %arg12[%add3A_438, %dma_start3A_451] : memref<40x128xi32, #tpu.memory_space<vmem>> -> memref<1x64xi32, #tpu.memory_space<vmem>>
            %dma_start3A_453 = tpu.memref_squeeze %dma_start3A_452 : memref<1x64xi32, #tpu.memory_space<vmem>> -> memref<64xi32, #tpu.memory_space<vmem>>
            %dma_start3A_454 = arith.constant 0 : i32
            %dma_start3A_455 = arith.constant 0 : i32
            %dma_start3A_456 = tpu.memref_slice %arg3[%dma_start3A_454, %dma_start3A_455] : memref<10000x128xf32, #tpu.memory_space<hbm>> -> memref<10000x128xf32, #tpu.memory_space<hbm>>
            tpu.enqueue_indirect_dma source(%dma_start3A_456 : memref<10000x128xf32, #tpu.memory_space<hbm>>) target(%dma_start3A_450 : memref<64x128xf32, #tpu.memory_space<vmem>>) offsets(%dma_start3A_453 : memref<64xi32, #tpu.memory_space<vmem>>) semaphore(%arg18 : memref<!tpu.dma_semaphore, #tpu.memory_space<semaphore_mem>>)
          } else {
          }
          %dma_start3A_424 = arith.constant 0 : i32
          %dma_start3A_425 = tpu.memref_slice %arg11[%scan3A_362, %dma_start3A_424] : memref<40x128xi32, #tpu.memory_space<vmem>> -> memref<1x128xi32, #tpu.memory_space<vmem>>
          %dma_start3A_426 = tpu.memref_squeeze %dma_start3A_425 : memref<1x128xi32, #tpu.memory_space<vmem>> -> memref<128xi32, #tpu.memory_space<vmem>>
          %dma_start3A_427 = arith.constant 0 : i32
          %dma_start3A_428 = arith.constant 0 : i32
          %dma_start3A_429 = tpu.memref_slice %arg16[%dma_start3A_427, %dma_start3A_428] : memref<10240x128xf32, #tpu.memory_space<vmem_shared>> -> memref<10240x128xf32, #tpu.memory_space<vmem_shared>>
          tpu.enqueue_indirect_dma source(%arg14 : memref<128x128xf32, #tpu.memory_space<vmem>>) target(%dma_start3A_429 : memref<10240x128xf32, #tpu.memory_space<vmem_shared>>) offsets(%dma_start3A_426 : memref<128xi32, #tpu.memory_space<vmem>>) semaphore(%arg22 : memref<!tpu.dma_semaphore, #tpu.memory_space<semaphore_mem>>) {add = true}
        } else {
        }
      }
      %scan3A_342 = arith.constant 40 : i32
      %dma_wait3A_343 = arith.constant 38 : i32
      %dma_wait3A_344 = arith.constant 0 : i32
      %dma_wait3A_345 = tpu.memref_slice %arg11[%dma_wait3A_343, %dma_wait3A_344] : memref<40x128xi32, #tpu.memory_space<vmem>> -> memref<1x128xi32, #tpu.memory_space<vmem>>
      %dma_wait3A_346 = tpu.memref_squeeze %dma_wait3A_345 : memref<1x128xi32, #tpu.memory_space<vmem>> -> memref<128xi32, #tpu.memory_space<vmem>>
      %dma_wait3A_347 = arith.constant 0 : i32
      %dma_wait3A_348 = arith.constant 0 : i32
      %dma_wait3A_349 = tpu.memref_slice %arg16[%dma_wait3A_347, %dma_wait3A_348] : memref<10240x128xf32, #tpu.memory_space<vmem_shared>> -> memref<10240x128xf32, #tpu.memory_space<vmem_shared>>
      tpu.wait_indirect_dma semaphore(%arg21 : memref<!tpu.dma_semaphore, #tpu.memory_space<semaphore_mem>>) src(%arg13 : memref<128x128xf32, #tpu.memory_space<vmem>>) dst(%dma_wait3A_349 : memref<10240x128xf32, #tpu.memory_space<vmem_shared>>)
      %dma_wait3A_350 = arith.constant 39 : i32
      %dma_wait3A_351 = arith.constant 0 : i32
      %dma_wait3A_352 = tpu.memref_slice %arg11[%dma_wait3A_350, %dma_wait3A_351] : memref<40x128xi32, #tpu.memory_space<vmem>> -> memref<1x128xi32, #tpu.memory_space<vmem>>
      %dma_wait3A_353 = tpu.memref_squeeze %dma_wait3A_352 : memref<1x128xi32, #tpu.memory_space<vmem>> -> memref<128xi32, #tpu.memory_space<vmem>>
      %dma_wait3A_354 = arith.constant 0 : i32
      %dma_wait3A_355 = arith.constant 0 : i32
      %dma_wait3A_356 = tpu.memref_slice %arg16[%dma_wait3A_354, %dma_wait3A_355] : memref<10240x128xf32, #tpu.memory_space<vmem_shared>> -> memref<10240x128xf32, #tpu.memory_space<vmem_shared>>
      tpu.wait_indirect_dma semaphore(%arg22 : memref<!tpu.dma_semaphore, #tpu.memory_space<semaphore_mem>>) src(%arg14 : memref<128x128xf32, #tpu.memory_space<vmem>>) dst(%dma_wait3A_356 : memref<10240x128xf32, #tpu.memory_space<vmem_shared>>)
      %barrier3A_357 = arith.constant 0 : index
      tpu.barrier barrier_id(%barrier3A_357)
      %mul3A_358 = arith.constant 640 : i32
      %mul3A_359 = arith.muli %arg1, %mul3A_358 : i32
      %mul3A_360 = arith.constant 640 : i32
      %mul3A_361 = arith.muli %arg1, %mul3A_360 : i32
      "tpu.region"() ({
        %run_scoped3A_362 = tpu.sem_alloc : memref<!tpu.dma_semaphore, #tpu.memory_space<semaphore_mem>>
        %dma_start3A_363 = arith.constant 0 : i32
        %dma_start3A_364 = tpu.memref_slice %arg8[%mul3A_361, %dma_start3A_363] : memref<10240x128xf32, #tpu.memory_space<hbm>> -> memref<640x128xf32, #tpu.memory_space<hbm>>
        %dma_start3A_365 = arith.constant 0 : i32
        %dma_start3A_366 = tpu.memref_slice %arg16[%mul3A_359, %dma_start3A_365] : memref<10240x128xf32, #tpu.memory_space<vmem_shared>> -> memref<640x128xf32, #tpu.memory_space<vmem_shared>>
        tpu.enqueue_dma source(%dma_start3A_366 : memref<640x128xf32, #tpu.memory_space<vmem_shared>>) target(%dma_start3A_364 : memref<640x128xf32, #tpu.memory_space<hbm>>) target_semaphore(%run_scoped3A_362 : memref<!tpu.dma_semaphore, #tpu.memory_space<semaphore_mem>>)
        %dma_wait3A_367 = arith.constant 0 : i32
        %dma_wait3A_368 = tpu.memref_slice %arg8[%mul3A_361, %dma_wait3A_367] : memref<10240x128xf32, #tpu.memory_space<hbm>> -> memref<640x128xf32, #tpu.memory_space<hbm>>
        %dma_wait3A_369 = arith.constant 0 : i32
        %dma_wait3A_370 = tpu.memref_slice %arg16[%mul3A_359, %dma_wait3A_369] : memref<10240x128xf32, #tpu.memory_space<vmem_shared>> -> memref<640x128xf32, #tpu.memory_space<vmem_shared>>
        tpu.wait_dma2 semaphore(%run_scoped3A_362 : memref<!tpu.dma_semaphore, #tpu.memory_space<semaphore_mem>>) src(%dma_wait3A_370 : memref<640x128xf32, #tpu.memory_space<vmem_shared>>) dst(%dma_wait3A_368 : memref<640x128xf32, #tpu.memory_space<hbm>>)
        tpu.yield
      }) : () -> ()
    } else {
    }
    %eq3A_7 = arith.constant 1 : i32
    %eq3A_8 = arith.cmpi eq, %arg0, %eq3A_7 : i32
    %convert_element_type3A_9 = arith.extui %eq3A_8 : i1 to i32
    %cond3A_10 = arith.constant 0 : i32
    %cond3A_11 = arith.cmpi ne, %convert_element_type3A_9, %cond3A_10 : i32
    scf.if %cond3A_11 {
      %mul3A = arith.constant 640 : i32
      %mul3A_12 = arith.muli %arg1, %mul3A : i32
      %add3A = arith.constant 0 : i32
      %add3A_13 = arith.addi %mul3A_12, %add3A : i32
      "tpu.region"() ({
        %run_scoped3A_362 = tpu.sem_alloc : memref<!tpu.dma_semaphore, #tpu.memory_space<semaphore_mem>>
        %dma_start3A_363 = arith.constant 0 : i32
        %dma_start3A_364 = tpu.memref_slice %arg16[%add3A_13, %dma_start3A_363] : memref<10240x128xf32, #tpu.memory_space<vmem_shared>> -> memref<32x128xf32, #tpu.memory_space<vmem_shared>>
        %dma_start3A_365 = arith.constant 0 : i32
        %dma_start3A_366 = tpu.memref_slice %arg16[%add3A_13, %dma_start3A_365] : memref<10240x128xf32, #tpu.memory_space<vmem_shared>> -> memref<32x128xf32, #tpu.memory_space<vmem_shared>>
        tpu.enqueue_dma source(%arg15 : memref<32x128xf32, #tpu.memory_space<vmem>>) target(%dma_start3A_366 : memref<32x128xf32, #tpu.memory_space<vmem_shared>>) target_semaphore(%run_scoped3A_362 : memref<!tpu.dma_semaphore, #tpu.memory_space<semaphore_mem>>)
        %dma_wait3A_367 = arith.constant 0 : i32
        %dma_wait3A_368 = tpu.memref_slice %arg16[%add3A_13, %dma_wait3A_367] : memref<10240x128xf32, #tpu.memory_space<vmem_shared>> -> memref<32x128xf32, #tpu.memory_space<vmem_shared>>
        %dma_wait3A_369 = arith.constant 0 : i32
        %dma_wait3A_370 = tpu.memref_slice %arg16[%add3A_13, %dma_wait3A_369] : memref<10240x128xf32, #tpu.memory_space<vmem_shared>> -> memref<32x128xf32, #tpu.memory_space<vmem_shared>>
        tpu.wait_dma2 semaphore(%run_scoped3A_362 : memref<!tpu.dma_semaphore, #tpu.memory_space<semaphore_mem>>) src(%arg15 : memref<32x128xf32, #tpu.memory_space<vmem>>) dst(%dma_wait3A_370 : memref<32x128xf32, #tpu.memory_space<vmem_shared>>)
        tpu.yield
      }) : () -> ()
      %mul3A_14 = arith.constant 640 : i32
      %mul3A_15 = arith.muli %arg1, %mul3A_14 : i32
      %add3A_16 = arith.constant 32 : i32
      %add3A_17 = arith.addi %mul3A_15, %add3A_16 : i32
      "tpu.region"() ({
        %run_scoped3A_362 = tpu.sem_alloc : memref<!tpu.dma_semaphore, #tpu.memory_space<semaphore_mem>>
        %dma_start3A_363 = arith.constant 0 : i32
        %dma_start3A_364 = tpu.memref_slice %arg16[%add3A_17, %dma_start3A_363] : memref<10240x128xf32, #tpu.memory_space<vmem_shared>> -> memref<32x128xf32, #tpu.memory_space<vmem_shared>>
        %dma_start3A_365 = arith.constant 0 : i32
        %dma_start3A_366 = tpu.memref_slice %arg16[%add3A_17, %dma_start3A_365] : memref<10240x128xf32, #tpu.memory_space<vmem_shared>> -> memref<32x128xf32, #tpu.memory_space<vmem_shared>>
        tpu.enqueue_dma source(%arg15 : memref<32x128xf32, #tpu.memory_space<vmem>>) target(%dma_start3A_366 : memref<32x128xf32, #tpu.memory_space<vmem_shared>>) target_semaphore(%run_scoped3A_362 : memref<!tpu.dma_semaphore, #tpu.memory_space<semaphore_mem>>)
        %dma_wait3A_367 = arith.constant 0 : i32
        %dma_wait3A_368 = tpu.memref_slice %arg16[%add3A_17, %dma_wait3A_367] : memref<10240x128xf32, #tpu.memory_space<vmem_shared>> -> memref<32x128xf32, #tpu.memory_space<vmem_shared>>
        %dma_wait3A_369 = arith.constant 0 : i32
        %dma_wait3A_370 = tpu.memref_slice %arg16[%add3A_17, %dma_wait3A_369] : memref<10240x128xf32, #tpu.memory_space<vmem_shared>> -> memref<32x128xf32, #tpu.memory_space<vmem_shared>>
        tpu.wait_dma2 semaphore(%run_scoped3A_362 : memref<!tpu.dma_semaphore, #tpu.memory_space<semaphore_mem>>) src(%arg15 : memref<32x128xf32, #tpu.memory_space<vmem>>) dst(%dma_wait3A_370 : memref<32x128xf32, #tpu.memory_space<vmem_shared>>)
        tpu.yield
      }) : () -> ()
      %mul3A_18 = arith.constant 640 : i32
      %mul3A_19 = arith.muli %arg1, %mul3A_18 : i32
      %add3A_20 = arith.constant 64 : i32
      %add3A_21 = arith.addi %mul3A_19, %add3A_20 : i32
      "tpu.region"() ({
        %run_scoped3A_362 = tpu.sem_alloc : memref<!tpu.dma_semaphore, #tpu.memory_space<semaphore_mem>>
        %dma_start3A_363 = arith.constant 0 : i32
        %dma_start3A_364 = tpu.memref_slice %arg16[%add3A_21, %dma_start3A_363] : memref<10240x128xf32, #tpu.memory_space<vmem_shared>> -> memref<32x128xf32, #tpu.memory_space<vmem_shared>>
        %dma_start3A_365 = arith.constant 0 : i32
        %dma_start3A_366 = tpu.memref_slice %arg16[%add3A_21, %dma_start3A_365] : memref<10240x128xf32, #tpu.memory_space<vmem_shared>> -> memref<32x128xf32, #tpu.memory_space<vmem_shared>>
        tpu.enqueue_dma source(%arg15 : memref<32x128xf32, #tpu.memory_space<vmem>>) target(%dma_start3A_366 : memref<32x128xf32, #tpu.memory_space<vmem_shared>>) target_semaphore(%run_scoped3A_362 : memref<!tpu.dma_semaphore, #tpu.memory_space<semaphore_mem>>)
        %dma_wait3A_367 = arith.constant 0 : i32
        %dma_wait3A_368 = tpu.memref_slice %arg16[%add3A_21, %dma_wait3A_367] : memref<10240x128xf32, #tpu.memory_space<vmem_shared>> -> memref<32x128xf32, #tpu.memory_space<vmem_shared>>
        %dma_wait3A_369 = arith.constant 0 : i32
        %dma_wait3A_370 = tpu.memref_slice %arg16[%add3A_21, %dma_wait3A_369] : memref<10240x128xf32, #tpu.memory_space<vmem_shared>> -> memref<32x128xf32, #tpu.memory_space<vmem_shared>>
        tpu.wait_dma2 semaphore(%run_scoped3A_362 : memref<!tpu.dma_semaphore, #tpu.memory_space<semaphore_mem>>) src(%arg15 : memref<32x128xf32, #tpu.memory_space<vmem>>) dst(%dma_wait3A_370 : memref<32x128xf32, #tpu.memory_space<vmem_shared>>)
        tpu.yield
      }) : () -> ()
      %mul3A_22 = arith.constant 640 : i32
      %mul3A_23 = arith.muli %arg1, %mul3A_22 : i32
      %add3A_24 = arith.constant 96 : i32
      %add3A_25 = arith.addi %mul3A_23, %add3A_24 : i32
      "tpu.region"() ({
        %run_scoped3A_362 = tpu.sem_alloc : memref<!tpu.dma_semaphore, #tpu.memory_space<semaphore_mem>>
        %dma_start3A_363 = arith.constant 0 : i32
        %dma_start3A_364 = tpu.memref_slice %arg16[%add3A_25, %dma_start3A_363] : memref<10240x128xf32, #tpu.memory_space<vmem_shared>> -> memref<32x128xf32, #tpu.memory_space<vmem_shared>>
        %dma_start3A_365 = arith.constant 0 : i32
        %dma_start3A_366 = tpu.memref_slice %arg16[%add3A_25, %dma_start3A_365] : memref<10240x128xf32, #tpu.memory_space<vmem_shared>> -> memref<32x128xf32, #tpu.memory_space<vmem_shared>>
        tpu.enqueue_dma source(%arg15 : memref<32x128xf32, #tpu.memory_space<vmem>>) target(%dma_start3A_366 : memref<32x128xf32, #tpu.memory_space<vmem_shared>>) target_semaphore(%run_scoped3A_362 : memref<!tpu.dma_semaphore, #tpu.memory_space<semaphore_mem>>)
        %dma_wait3A_367 = arith.constant 0 : i32
        %dma_wait3A_368 = tpu.memref_slice %arg16[%add3A_25, %dma_wait3A_367] : memref<10240x128xf32, #tpu.memory_space<vmem_shared>> -> memref<32x128xf32, #tpu.memory_space<vmem_shared>>
        %dma_wait3A_369 = arith.constant 0 : i32
        %dma_wait3A_370 = tpu.memref_slice %arg16[%add3A_25, %dma_wait3A_369] : memref<10240x128xf32, #tpu.memory_space<vmem_shared>> -> memref<32x128xf32, #tpu.memory_space<vmem_shared>>
        tpu.wait_dma2 semaphore(%run_scoped3A_362 : memref<!tpu.dma_semaphore, #tpu.memory_space<semaphore_mem>>) src(%arg15 : memref<32x128xf32, #tpu.memory_space<vmem>>) dst(%dma_wait3A_370 : memref<32x128xf32, #tpu.memory_space<vmem_shared>>)
        tpu.yield
      }) : () -> ()
      %mul3A_26 = arith.constant 640 : i32
      %mul3A_27 = arith.muli %arg1, %mul3A_26 : i32
      %add3A_28 = arith.constant 128 : i32
      %add3A_29 = arith.addi %mul3A_27, %add3A_28 : i32
      "tpu.region"() ({
        %run_scoped3A_362 = tpu.sem_alloc : memref<!tpu.dma_semaphore, #tpu.memory_space<semaphore_mem>>
        %dma_start3A_363 = arith.constant 0 : i32
        %dma_start3A_364 = tpu.memref_slice %arg16[%add3A_29, %dma_start3A_363] : memref<10240x128xf32, #tpu.memory_space<vmem_shared>> -> memref<32x128xf32, #tpu.memory_space<vmem_shared>>
        %dma_start3A_365 = arith.constant 0 : i32
        %dma_start3A_366 = tpu.memref_slice %arg16[%add3A_29, %dma_start3A_365] : memref<10240x128xf32, #tpu.memory_space<vmem_shared>> -> memref<32x128xf32, #tpu.memory_space<vmem_shared>>
        tpu.enqueue_dma source(%arg15 : memref<32x128xf32, #tpu.memory_space<vmem>>) target(%dma_start3A_366 : memref<32x128xf32, #tpu.memory_space<vmem_shared>>) target_semaphore(%run_scoped3A_362 : memref<!tpu.dma_semaphore, #tpu.memory_space<semaphore_mem>>)
        %dma_wait3A_367 = arith.constant 0 : i32
        %dma_wait3A_368 = tpu.memref_slice %arg16[%add3A_29, %dma_wait3A_367] : memref<10240x128xf32, #tpu.memory_space<vmem_shared>> -> memref<32x128xf32, #tpu.memory_space<vmem_shared>>
        %dma_wait3A_369 = arith.constant 0 : i32
        %dma_wait3A_370 = tpu.memref_slice %arg16[%add3A_29, %dma_wait3A_369] : memref<10240x128xf32, #tpu.memory_space<vmem_shared>> -> memref<32x128xf32, #tpu.memory_space<vmem_shared>>
        tpu.wait_dma2 semaphore(%run_scoped3A_362 : memref<!tpu.dma_semaphore, #tpu.memory_space<semaphore_mem>>) src(%arg15 : memref<32x128xf32, #tpu.memory_space<vmem>>) dst(%dma_wait3A_370 : memref<32x128xf32, #tpu.memory_space<vmem_shared>>)
        tpu.yield
      }) : () -> ()
      %mul3A_30 = arith.constant 640 : i32
      %mul3A_31 = arith.muli %arg1, %mul3A_30 : i32
      %add3A_32 = arith.constant 160 : i32
      %add3A_33 = arith.addi %mul3A_31, %add3A_32 : i32
      "tpu.region"() ({
        %run_scoped3A_362 = tpu.sem_alloc : memref<!tpu.dma_semaphore, #tpu.memory_space<semaphore_mem>>
        %dma_start3A_363 = arith.constant 0 : i32
        %dma_start3A_364 = tpu.memref_slice %arg16[%add3A_33, %dma_start3A_363] : memref<10240x128xf32, #tpu.memory_space<vmem_shared>> -> memref<32x128xf32, #tpu.memory_space<vmem_shared>>
        %dma_start3A_365 = arith.constant 0 : i32
        %dma_start3A_366 = tpu.memref_slice %arg16[%add3A_33, %dma_start3A_365] : memref<10240x128xf32, #tpu.memory_space<vmem_shared>> -> memref<32x128xf32, #tpu.memory_space<vmem_shared>>
        tpu.enqueue_dma source(%arg15 : memref<32x128xf32, #tpu.memory_space<vmem>>) target(%dma_start3A_366 : memref<32x128xf32, #tpu.memory_space<vmem_shared>>) target_semaphore(%run_scoped3A_362 : memref<!tpu.dma_semaphore, #tpu.memory_space<semaphore_mem>>)
        %dma_wait3A_367 = arith.constant 0 : i32
        %dma_wait3A_368 = tpu.memref_slice %arg16[%add3A_33, %dma_wait3A_367] : memref<10240x128xf32, #tpu.memory_space<vmem_shared>> -> memref<32x128xf32, #tpu.memory_space<vmem_shared>>
        %dma_wait3A_369 = arith.constant 0 : i32
        %dma_wait3A_370 = tpu.memref_slice %arg16[%add3A_33, %dma_wait3A_369] : memref<10240x128xf32, #tpu.memory_space<vmem_shared>> -> memref<32x128xf32, #tpu.memory_space<vmem_shared>>
        tpu.wait_dma2 semaphore(%run_scoped3A_362 : memref<!tpu.dma_semaphore, #tpu.memory_space<semaphore_mem>>) src(%arg15 : memref<32x128xf32, #tpu.memory_space<vmem>>) dst(%dma_wait3A_370 : memref<32x128xf32, #tpu.memory_space<vmem_shared>>)
        tpu.yield
      }) : () -> ()
      %mul3A_34 = arith.constant 640 : i32
      %mul3A_35 = arith.muli %arg1, %mul3A_34 : i32
      %add3A_36 = arith.constant 192 : i32
      %add3A_37 = arith.addi %mul3A_35, %add3A_36 : i32
      "tpu.region"() ({
        %run_scoped3A_362 = tpu.sem_alloc : memref<!tpu.dma_semaphore, #tpu.memory_space<semaphore_mem>>
        %dma_start3A_363 = arith.constant 0 : i32
        %dma_start3A_364 = tpu.memref_slice %arg16[%add3A_37, %dma_start3A_363] : memref<10240x128xf32, #tpu.memory_space<vmem_shared>> -> memref<32x128xf32, #tpu.memory_space<vmem_shared>>
        %dma_start3A_365 = arith.constant 0 : i32
        %dma_start3A_366 = tpu.memref_slice %arg16[%add3A_37, %dma_start3A_365] : memref<10240x128xf32, #tpu.memory_space<vmem_shared>> -> memref<32x128xf32, #tpu.memory_space<vmem_shared>>
        tpu.enqueue_dma source(%arg15 : memref<32x128xf32, #tpu.memory_space<vmem>>) target(%dma_start3A_366 : memref<32x128xf32, #tpu.memory_space<vmem_shared>>) target_semaphore(%run_scoped3A_362 : memref<!tpu.dma_semaphore, #tpu.memory_space<semaphore_mem>>)
        %dma_wait3A_367 = arith.constant 0 : i32
        %dma_wait3A_368 = tpu.memref_slice %arg16[%add3A_37, %dma_wait3A_367] : memref<10240x128xf32, #tpu.memory_space<vmem_shared>> -> memref<32x128xf32, #tpu.memory_space<vmem_shared>>
        %dma_wait3A_369 = arith.constant 0 : i32
        %dma_wait3A_370 = tpu.memref_slice %arg16[%add3A_37, %dma_wait3A_369] : memref<10240x128xf32, #tpu.memory_space<vmem_shared>> -> memref<32x128xf32, #tpu.memory_space<vmem_shared>>
        tpu.wait_dma2 semaphore(%run_scoped3A_362 : memref<!tpu.dma_semaphore, #tpu.memory_space<semaphore_mem>>) src(%arg15 : memref<32x128xf32, #tpu.memory_space<vmem>>) dst(%dma_wait3A_370 : memref<32x128xf32, #tpu.memory_space<vmem_shared>>)
        tpu.yield
      }) : () -> ()
      %mul3A_38 = arith.constant 640 : i32
      %mul3A_39 = arith.muli %arg1, %mul3A_38 : i32
      %add3A_40 = arith.constant 224 : i32
      %add3A_41 = arith.addi %mul3A_39, %add3A_40 : i32
      "tpu.region"() ({
        %run_scoped3A_362 = tpu.sem_alloc : memref<!tpu.dma_semaphore, #tpu.memory_space<semaphore_mem>>
        %dma_start3A_363 = arith.constant 0 : i32
        %dma_start3A_364 = tpu.memref_slice %arg16[%add3A_41, %dma_start3A_363] : memref<10240x128xf32, #tpu.memory_space<vmem_shared>> -> memref<32x128xf32, #tpu.memory_space<vmem_shared>>
        %dma_start3A_365 = arith.constant 0 : i32
        %dma_start3A_366 = tpu.memref_slice %arg16[%add3A_41, %dma_start3A_365] : memref<10240x128xf32, #tpu.memory_space<vmem_shared>> -> memref<32x128xf32, #tpu.memory_space<vmem_shared>>
        tpu.enqueue_dma source(%arg15 : memref<32x128xf32, #tpu.memory_space<vmem>>) target(%dma_start3A_366 : memref<32x128xf32, #tpu.memory_space<vmem_shared>>) target_semaphore(%run_scoped3A_362 : memref<!tpu.dma_semaphore, #tpu.memory_space<semaphore_mem>>)
        %dma_wait3A_367 = arith.constant 0 : i32
        %dma_wait3A_368 = tpu.memref_slice %arg16[%add3A_41, %dma_wait3A_367] : memref<10240x128xf32, #tpu.memory_space<vmem_shared>> -> memref<32x128xf32, #tpu.memory_space<vmem_shared>>
        %dma_wait3A_369 = arith.constant 0 : i32
        %dma_wait3A_370 = tpu.memref_slice %arg16[%add3A_41, %dma_wait3A_369] : memref<10240x128xf32, #tpu.memory_space<vmem_shared>> -> memref<32x128xf32, #tpu.memory_space<vmem_shared>>
        tpu.wait_dma2 semaphore(%run_scoped3A_362 : memref<!tpu.dma_semaphore, #tpu.memory_space<semaphore_mem>>) src(%arg15 : memref<32x128xf32, #tpu.memory_space<vmem>>) dst(%dma_wait3A_370 : memref<32x128xf32, #tpu.memory_space<vmem_shared>>)
        tpu.yield
      }) : () -> ()
      %mul3A_42 = arith.constant 640 : i32
      %mul3A_43 = arith.muli %arg1, %mul3A_42 : i32
      %add3A_44 = arith.constant 256 : i32
      %add3A_45 = arith.addi %mul3A_43, %add3A_44 : i32
      "tpu.region"() ({
        %run_scoped3A_362 = tpu.sem_alloc : memref<!tpu.dma_semaphore, #tpu.memory_space<semaphore_mem>>
        %dma_start3A_363 = arith.constant 0 : i32
        %dma_start3A_364 = tpu.memref_slice %arg16[%add3A_45, %dma_start3A_363] : memref<10240x128xf32, #tpu.memory_space<vmem_shared>> -> memref<32x128xf32, #tpu.memory_space<vmem_shared>>
        %dma_start3A_365 = arith.constant 0 : i32
        %dma_start3A_366 = tpu.memref_slice %arg16[%add3A_45, %dma_start3A_365] : memref<10240x128xf32, #tpu.memory_space<vmem_shared>> -> memref<32x128xf32, #tpu.memory_space<vmem_shared>>
        tpu.enqueue_dma source(%arg15 : memref<32x128xf32, #tpu.memory_space<vmem>>) target(%dma_start3A_366 : memref<32x128xf32, #tpu.memory_space<vmem_shared>>) target_semaphore(%run_scoped3A_362 : memref<!tpu.dma_semaphore, #tpu.memory_space<semaphore_mem>>)
        %dma_wait3A_367 = arith.constant 0 : i32
        %dma_wait3A_368 = tpu.memref_slice %arg16[%add3A_45, %dma_wait3A_367] : memref<10240x128xf32, #tpu.memory_space<vmem_shared>> -> memref<32x128xf32, #tpu.memory_space<vmem_shared>>
        %dma_wait3A_369 = arith.constant 0 : i32
        %dma_wait3A_370 = tpu.memref_slice %arg16[%add3A_45, %dma_wait3A_369] : memref<10240x128xf32, #tpu.memory_space<vmem_shared>> -> memref<32x128xf32, #tpu.memory_space<vmem_shared>>
        tpu.wait_dma2 semaphore(%run_scoped3A_362 : memref<!tpu.dma_semaphore, #tpu.memory_space<semaphore_mem>>) src(%arg15 : memref<32x128xf32, #tpu.memory_space<vmem>>) dst(%dma_wait3A_370 : memref<32x128xf32, #tpu.memory_space<vmem_shared>>)
        tpu.yield
      }) : () -> ()
      %mul3A_46 = arith.constant 640 : i32
      %mul3A_47 = arith.muli %arg1, %mul3A_46 : i32
      %add3A_48 = arith.constant 288 : i32
      %add3A_49 = arith.addi %mul3A_47, %add3A_48 : i32
      "tpu.region"() ({
        %run_scoped3A_362 = tpu.sem_alloc : memref<!tpu.dma_semaphore, #tpu.memory_space<semaphore_mem>>
        %dma_start3A_363 = arith.constant 0 : i32
        %dma_start3A_364 = tpu.memref_slice %arg16[%add3A_49, %dma_start3A_363] : memref<10240x128xf32, #tpu.memory_space<vmem_shared>> -> memref<32x128xf32, #tpu.memory_space<vmem_shared>>
        %dma_start3A_365 = arith.constant 0 : i32
        %dma_start3A_366 = tpu.memref_slice %arg16[%add3A_49, %dma_start3A_365] : memref<10240x128xf32, #tpu.memory_space<vmem_shared>> -> memref<32x128xf32, #tpu.memory_space<vmem_shared>>
        tpu.enqueue_dma source(%arg15 : memref<32x128xf32, #tpu.memory_space<vmem>>) target(%dma_start3A_366 : memref<32x128xf32, #tpu.memory_space<vmem_shared>>) target_semaphore(%run_scoped3A_362 : memref<!tpu.dma_semaphore, #tpu.memory_space<semaphore_mem>>)
        %dma_wait3A_367 = arith.constant 0 : i32
        %dma_wait3A_368 = tpu.memref_slice %arg16[%add3A_49, %dma_wait3A_367] : memref<10240x128xf32, #tpu.memory_space<vmem_shared>> -> memref<32x128xf32, #tpu.memory_space<vmem_shared>>
        %dma_wait3A_369 = arith.constant 0 : i32
        %dma_wait3A_370 = tpu.memref_slice %arg16[%add3A_49, %dma_wait3A_369] : memref<10240x128xf32, #tpu.memory_space<vmem_shared>> -> memref<32x128xf32, #tpu.memory_space<vmem_shared>>
        tpu.wait_dma2 semaphore(%run_scoped3A_362 : memref<!tpu.dma_semaphore, #tpu.memory_space<semaphore_mem>>) src(%arg15 : memref<32x128xf32, #tpu.memory_space<vmem>>) dst(%dma_wait3A_370 : memref<32x128xf32, #tpu.memory_space<vmem_shared>>)
        tpu.yield
      }) : () -> ()
      %mul3A_50 = arith.constant 640 : i32
      %mul3A_51 = arith.muli %arg1, %mul3A_50 : i32
      %add3A_52 = arith.constant 320 : i32
      %add3A_53 = arith.addi %mul3A_51, %add3A_52 : i32
      "tpu.region"() ({
        %run_scoped3A_362 = tpu.sem_alloc : memref<!tpu.dma_semaphore, #tpu.memory_space<semaphore_mem>>
        %dma_start3A_363 = arith.constant 0 : i32
        %dma_start3A_364 = tpu.memref_slice %arg16[%add3A_53, %dma_start3A_363] : memref<10240x128xf32, #tpu.memory_space<vmem_shared>> -> memref<32x128xf32, #tpu.memory_space<vmem_shared>>
        %dma_start3A_365 = arith.constant 0 : i32
        %dma_start3A_366 = tpu.memref_slice %arg16[%add3A_53, %dma_start3A_365] : memref<10240x128xf32, #tpu.memory_space<vmem_shared>> -> memref<32x128xf32, #tpu.memory_space<vmem_shared>>
        tpu.enqueue_dma source(%arg15 : memref<32x128xf32, #tpu.memory_space<vmem>>) target(%dma_start3A_366 : memref<32x128xf32, #tpu.memory_space<vmem_shared>>) target_semaphore(%run_scoped3A_362 : memref<!tpu.dma_semaphore, #tpu.memory_space<semaphore_mem>>)
        %dma_wait3A_367 = arith.constant 0 : i32
        %dma_wait3A_368 = tpu.memref_slice %arg16[%add3A_53, %dma_wait3A_367] : memref<10240x128xf32, #tpu.memory_space<vmem_shared>> -> memref<32x128xf32, #tpu.memory_space<vmem_shared>>
        %dma_wait3A_369 = arith.constant 0 : i32
        %dma_wait3A_370 = tpu.memref_slice %arg16[%add3A_53, %dma_wait3A_369] : memref<10240x128xf32, #tpu.memory_space<vmem_shared>> -> memref<32x128xf32, #tpu.memory_space<vmem_shared>>
        tpu.wait_dma2 semaphore(%run_scoped3A_362 : memref<!tpu.dma_semaphore, #tpu.memory_space<semaphore_mem>>) src(%arg15 : memref<32x128xf32, #tpu.memory_space<vmem>>) dst(%dma_wait3A_370 : memref<32x128xf32, #tpu.memory_space<vmem_shared>>)
        tpu.yield
      }) : () -> ()
      %mul3A_54 = arith.constant 640 : i32
      %mul3A_55 = arith.muli %arg1, %mul3A_54 : i32
      %add3A_56 = arith.constant 352 : i32
      %add3A_57 = arith.addi %mul3A_55, %add3A_56 : i32
      "tpu.region"() ({
        %run_scoped3A_362 = tpu.sem_alloc : memref<!tpu.dma_semaphore, #tpu.memory_space<semaphore_mem>>
        %dma_start3A_363 = arith.constant 0 : i32
        %dma_start3A_364 = tpu.memref_slice %arg16[%add3A_57, %dma_start3A_363] : memref<10240x128xf32, #tpu.memory_space<vmem_shared>> -> memref<32x128xf32, #tpu.memory_space<vmem_shared>>
        %dma_start3A_365 = arith.constant 0 : i32
        %dma_start3A_366 = tpu.memref_slice %arg16[%add3A_57, %dma_start3A_365] : memref<10240x128xf32, #tpu.memory_space<vmem_shared>> -> memref<32x128xf32, #tpu.memory_space<vmem_shared>>
        tpu.enqueue_dma source(%arg15 : memref<32x128xf32, #tpu.memory_space<vmem>>) target(%dma_start3A_366 : memref<32x128xf32, #tpu.memory_space<vmem_shared>>) target_semaphore(%run_scoped3A_362 : memref<!tpu.dma_semaphore, #tpu.memory_space<semaphore_mem>>)
        %dma_wait3A_367 = arith.constant 0 : i32
        %dma_wait3A_368 = tpu.memref_slice %arg16[%add3A_57, %dma_wait3A_367] : memref<10240x128xf32, #tpu.memory_space<vmem_shared>> -> memref<32x128xf32, #tpu.memory_space<vmem_shared>>
        %dma_wait3A_369 = arith.constant 0 : i32
        %dma_wait3A_370 = tpu.memref_slice %arg16[%add3A_57, %dma_wait3A_369] : memref<10240x128xf32, #tpu.memory_space<vmem_shared>> -> memref<32x128xf32, #tpu.memory_space<vmem_shared>>
        tpu.wait_dma2 semaphore(%run_scoped3A_362 : memref<!tpu.dma_semaphore, #tpu.memory_space<semaphore_mem>>) src(%arg15 : memref<32x128xf32, #tpu.memory_space<vmem>>) dst(%dma_wait3A_370 : memref<32x128xf32, #tpu.memory_space<vmem_shared>>)
        tpu.yield
      }) : () -> ()
      %mul3A_58 = arith.constant 640 : i32
      %mul3A_59 = arith.muli %arg1, %mul3A_58 : i32
      %add3A_60 = arith.constant 384 : i32
      %add3A_61 = arith.addi %mul3A_59, %add3A_60 : i32
      "tpu.region"() ({
        %run_scoped3A_362 = tpu.sem_alloc : memref<!tpu.dma_semaphore, #tpu.memory_space<semaphore_mem>>
        %dma_start3A_363 = arith.constant 0 : i32
        %dma_start3A_364 = tpu.memref_slice %arg16[%add3A_61, %dma_start3A_363] : memref<10240x128xf32, #tpu.memory_space<vmem_shared>> -> memref<32x128xf32, #tpu.memory_space<vmem_shared>>
        %dma_start3A_365 = arith.constant 0 : i32
        %dma_start3A_366 = tpu.memref_slice %arg16[%add3A_61, %dma_start3A_365] : memref<10240x128xf32, #tpu.memory_space<vmem_shared>> -> memref<32x128xf32, #tpu.memory_space<vmem_shared>>
        tpu.enqueue_dma source(%arg15 : memref<32x128xf32, #tpu.memory_space<vmem>>) target(%dma_start3A_366 : memref<32x128xf32, #tpu.memory_space<vmem_shared>>) target_semaphore(%run_scoped3A_362 : memref<!tpu.dma_semaphore, #tpu.memory_space<semaphore_mem>>)
        %dma_wait3A_367 = arith.constant 0 : i32
        %dma_wait3A_368 = tpu.memref_slice %arg16[%add3A_61, %dma_wait3A_367] : memref<10240x128xf32, #tpu.memory_space<vmem_shared>> -> memref<32x128xf32, #tpu.memory_space<vmem_shared>>
        %dma_wait3A_369 = arith.constant 0 : i32
        %dma_wait3A_370 = tpu.memref_slice %arg16[%add3A_61, %dma_wait3A_369] : memref<10240x128xf32, #tpu.memory_space<vmem_shared>> -> memref<32x128xf32, #tpu.memory_space<vmem_shared>>
        tpu.wait_dma2 semaphore(%run_scoped3A_362 : memref<!tpu.dma_semaphore, #tpu.memory_space<semaphore_mem>>) src(%arg15 : memref<32x128xf32, #tpu.memory_space<vmem>>) dst(%dma_wait3A_370 : memref<32x128xf32, #tpu.memory_space<vmem_shared>>)
        tpu.yield
      }) : () -> ()
      %mul3A_62 = arith.constant 640 : i32
      %mul3A_63 = arith.muli %arg1, %mul3A_62 : i32
      %add3A_64 = arith.constant 416 : i32
      %add3A_65 = arith.addi %mul3A_63, %add3A_64 : i32
      "tpu.region"() ({
        %run_scoped3A_362 = tpu.sem_alloc : memref<!tpu.dma_semaphore, #tpu.memory_space<semaphore_mem>>
        %dma_start3A_363 = arith.constant 0 : i32
        %dma_start3A_364 = tpu.memref_slice %arg16[%add3A_65, %dma_start3A_363] : memref<10240x128xf32, #tpu.memory_space<vmem_shared>> -> memref<32x128xf32, #tpu.memory_space<vmem_shared>>
        %dma_start3A_365 = arith.constant 0 : i32
        %dma_start3A_366 = tpu.memref_slice %arg16[%add3A_65, %dma_start3A_365] : memref<10240x128xf32, #tpu.memory_space<vmem_shared>> -> memref<32x128xf32, #tpu.memory_space<vmem_shared>>
        tpu.enqueue_dma source(%arg15 : memref<32x128xf32, #tpu.memory_space<vmem>>) target(%dma_start3A_366 : memref<32x128xf32, #tpu.memory_space<vmem_shared>>) target_semaphore(%run_scoped3A_362 : memref<!tpu.dma_semaphore, #tpu.memory_space<semaphore_mem>>)
        %dma_wait3A_367 = arith.constant 0 : i32
        %dma_wait3A_368 = tpu.memref_slice %arg16[%add3A_65, %dma_wait3A_367] : memref<10240x128xf32, #tpu.memory_space<vmem_shared>> -> memref<32x128xf32, #tpu.memory_space<vmem_shared>>
        %dma_wait3A_369 = arith.constant 0 : i32
        %dma_wait3A_370 = tpu.memref_slice %arg16[%add3A_65, %dma_wait3A_369] : memref<10240x128xf32, #tpu.memory_space<vmem_shared>> -> memref<32x128xf32, #tpu.memory_space<vmem_shared>>
        tpu.wait_dma2 semaphore(%run_scoped3A_362 : memref<!tpu.dma_semaphore, #tpu.memory_space<semaphore_mem>>) src(%arg15 : memref<32x128xf32, #tpu.memory_space<vmem>>) dst(%dma_wait3A_370 : memref<32x128xf32, #tpu.memory_space<vmem_shared>>)
        tpu.yield
      }) : () -> ()
      %mul3A_66 = arith.constant 640 : i32
      %mul3A_67 = arith.muli %arg1, %mul3A_66 : i32
      %add3A_68 = arith.constant 448 : i32
      %add3A_69 = arith.addi %mul3A_67, %add3A_68 : i32
      "tpu.region"() ({
        %run_scoped3A_362 = tpu.sem_alloc : memref<!tpu.dma_semaphore, #tpu.memory_space<semaphore_mem>>
        %dma_start3A_363 = arith.constant 0 : i32
        %dma_start3A_364 = tpu.memref_slice %arg16[%add3A_69, %dma_start3A_363] : memref<10240x128xf32, #tpu.memory_space<vmem_shared>> -> memref<32x128xf32, #tpu.memory_space<vmem_shared>>
        %dma_start3A_365 = arith.constant 0 : i32
        %dma_start3A_366 = tpu.memref_slice %arg16[%add3A_69, %dma_start3A_365] : memref<10240x128xf32, #tpu.memory_space<vmem_shared>> -> memref<32x128xf32, #tpu.memory_space<vmem_shared>>
        tpu.enqueue_dma source(%arg15 : memref<32x128xf32, #tpu.memory_space<vmem>>) target(%dma_start3A_366 : memref<32x128xf32, #tpu.memory_space<vmem_shared>>) target_semaphore(%run_scoped3A_362 : memref<!tpu.dma_semaphore, #tpu.memory_space<semaphore_mem>>)
        %dma_wait3A_367 = arith.constant 0 : i32
        %dma_wait3A_368 = tpu.memref_slice %arg16[%add3A_69, %dma_wait3A_367] : memref<10240x128xf32, #tpu.memory_space<vmem_shared>> -> memref<32x128xf32, #tpu.memory_space<vmem_shared>>
        %dma_wait3A_369 = arith.constant 0 : i32
        %dma_wait3A_370 = tpu.memref_slice %arg16[%add3A_69, %dma_wait3A_369] : memref<10240x128xf32, #tpu.memory_space<vmem_shared>> -> memref<32x128xf32, #tpu.memory_space<vmem_shared>>
        tpu.wait_dma2 semaphore(%run_scoped3A_362 : memref<!tpu.dma_semaphore, #tpu.memory_space<semaphore_mem>>) src(%arg15 : memref<32x128xf32, #tpu.memory_space<vmem>>) dst(%dma_wait3A_370 : memref<32x128xf32, #tpu.memory_space<vmem_shared>>)
        tpu.yield
      }) : () -> ()
      %mul3A_70 = arith.constant 640 : i32
      %mul3A_71 = arith.muli %arg1, %mul3A_70 : i32
      %add3A_72 = arith.constant 480 : i32
      %add3A_73 = arith.addi %mul3A_71, %add3A_72 : i32
      "tpu.region"() ({
        %run_scoped3A_362 = tpu.sem_alloc : memref<!tpu.dma_semaphore, #tpu.memory_space<semaphore_mem>>
        %dma_start3A_363 = arith.constant 0 : i32
        %dma_start3A_364 = tpu.memref_slice %arg16[%add3A_73, %dma_start3A_363] : memref<10240x128xf32, #tpu.memory_space<vmem_shared>> -> memref<32x128xf32, #tpu.memory_space<vmem_shared>>
        %dma_start3A_365 = arith.constant 0 : i32
        %dma_start3A_366 = tpu.memref_slice %arg16[%add3A_73, %dma_start3A_365] : memref<10240x128xf32, #tpu.memory_space<vmem_shared>> -> memref<32x128xf32, #tpu.memory_space<vmem_shared>>
        tpu.enqueue_dma source(%arg15 : memref<32x128xf32, #tpu.memory_space<vmem>>) target(%dma_start3A_366 : memref<32x128xf32, #tpu.memory_space<vmem_shared>>) target_semaphore(%run_scoped3A_362 : memref<!tpu.dma_semaphore, #tpu.memory_space<semaphore_mem>>)
        %dma_wait3A_367 = arith.constant 0 : i32
        %dma_wait3A_368 = tpu.memref_slice %arg16[%add3A_73, %dma_wait3A_367] : memref<10240x128xf32, #tpu.memory_space<vmem_shared>> -> memref<32x128xf32, #tpu.memory_space<vmem_shared>>
        %dma_wait3A_369 = arith.constant 0 : i32
        %dma_wait3A_370 = tpu.memref_slice %arg16[%add3A_73, %dma_wait3A_369] : memref<10240x128xf32, #tpu.memory_space<vmem_shared>> -> memref<32x128xf32, #tpu.memory_space<vmem_shared>>
        tpu.wait_dma2 semaphore(%run_scoped3A_362 : memref<!tpu.dma_semaphore, #tpu.memory_space<semaphore_mem>>) src(%arg15 : memref<32x128xf32, #tpu.memory_space<vmem>>) dst(%dma_wait3A_370 : memref<32x128xf32, #tpu.memory_space<vmem_shared>>)
        tpu.yield
      }) : () -> ()
      %mul3A_74 = arith.constant 640 : i32
      %mul3A_75 = arith.muli %arg1, %mul3A_74 : i32
      %add3A_76 = arith.constant 512 : i32
      %add3A_77 = arith.addi %mul3A_75, %add3A_76 : i32
      "tpu.region"() ({
        %run_scoped3A_362 = tpu.sem_alloc : memref<!tpu.dma_semaphore, #tpu.memory_space<semaphore_mem>>
        %dma_start3A_363 = arith.constant 0 : i32
        %dma_start3A_364 = tpu.memref_slice %arg16[%add3A_77, %dma_start3A_363] : memref<10240x128xf32, #tpu.memory_space<vmem_shared>> -> memref<32x128xf32, #tpu.memory_space<vmem_shared>>
        %dma_start3A_365 = arith.constant 0 : i32
        %dma_start3A_366 = tpu.memref_slice %arg16[%add3A_77, %dma_start3A_365] : memref<10240x128xf32, #tpu.memory_space<vmem_shared>> -> memref<32x128xf32, #tpu.memory_space<vmem_shared>>
        tpu.enqueue_dma source(%arg15 : memref<32x128xf32, #tpu.memory_space<vmem>>) target(%dma_start3A_366 : memref<32x128xf32, #tpu.memory_space<vmem_shared>>) target_semaphore(%run_scoped3A_362 : memref<!tpu.dma_semaphore, #tpu.memory_space<semaphore_mem>>)
        %dma_wait3A_367 = arith.constant 0 : i32
        %dma_wait3A_368 = tpu.memref_slice %arg16[%add3A_77, %dma_wait3A_367] : memref<10240x128xf32, #tpu.memory_space<vmem_shared>> -> memref<32x128xf32, #tpu.memory_space<vmem_shared>>
        %dma_wait3A_369 = arith.constant 0 : i32
        %dma_wait3A_370 = tpu.memref_slice %arg16[%add3A_77, %dma_wait3A_369] : memref<10240x128xf32, #tpu.memory_space<vmem_shared>> -> memref<32x128xf32, #tpu.memory_space<vmem_shared>>
        tpu.wait_dma2 semaphore(%run_scoped3A_362 : memref<!tpu.dma_semaphore, #tpu.memory_space<semaphore_mem>>) src(%arg15 : memref<32x128xf32, #tpu.memory_space<vmem>>) dst(%dma_wait3A_370 : memref<32x128xf32, #tpu.memory_space<vmem_shared>>)
        tpu.yield
      }) : () -> ()
      %mul3A_78 = arith.constant 640 : i32
      %mul3A_79 = arith.muli %arg1, %mul3A_78 : i32
      %add3A_80 = arith.constant 544 : i32
      %add3A_81 = arith.addi %mul3A_79, %add3A_80 : i32
      "tpu.region"() ({
        %run_scoped3A_362 = tpu.sem_alloc : memref<!tpu.dma_semaphore, #tpu.memory_space<semaphore_mem>>
        %dma_start3A_363 = arith.constant 0 : i32
        %dma_start3A_364 = tpu.memref_slice %arg16[%add3A_81, %dma_start3A_363] : memref<10240x128xf32, #tpu.memory_space<vmem_shared>> -> memref<32x128xf32, #tpu.memory_space<vmem_shared>>
        %dma_start3A_365 = arith.constant 0 : i32
        %dma_start3A_366 = tpu.memref_slice %arg16[%add3A_81, %dma_start3A_365] : memref<10240x128xf32, #tpu.memory_space<vmem_shared>> -> memref<32x128xf32, #tpu.memory_space<vmem_shared>>
        tpu.enqueue_dma source(%arg15 : memref<32x128xf32, #tpu.memory_space<vmem>>) target(%dma_start3A_366 : memref<32x128xf32, #tpu.memory_space<vmem_shared>>) target_semaphore(%run_scoped3A_362 : memref<!tpu.dma_semaphore, #tpu.memory_space<semaphore_mem>>)
        %dma_wait3A_367 = arith.constant 0 : i32
        %dma_wait3A_368 = tpu.memref_slice %arg16[%add3A_81, %dma_wait3A_367] : memref<10240x128xf32, #tpu.memory_space<vmem_shared>> -> memref<32x128xf32, #tpu.memory_space<vmem_shared>>
        %dma_wait3A_369 = arith.constant 0 : i32
        %dma_wait3A_370 = tpu.memref_slice %arg16[%add3A_81, %dma_wait3A_369] : memref<10240x128xf32, #tpu.memory_space<vmem_shared>> -> memref<32x128xf32, #tpu.memory_space<vmem_shared>>
        tpu.wait_dma2 semaphore(%run_scoped3A_362 : memref<!tpu.dma_semaphore, #tpu.memory_space<semaphore_mem>>) src(%arg15 : memref<32x128xf32, #tpu.memory_space<vmem>>) dst(%dma_wait3A_370 : memref<32x128xf32, #tpu.memory_space<vmem_shared>>)
        tpu.yield
      }) : () -> ()
      %mul3A_82 = arith.constant 640 : i32
      %mul3A_83 = arith.muli %arg1, %mul3A_82 : i32
      %add3A_84 = arith.constant 576 : i32
      %add3A_85 = arith.addi %mul3A_83, %add3A_84 : i32
      "tpu.region"() ({
        %run_scoped3A_362 = tpu.sem_alloc : memref<!tpu.dma_semaphore, #tpu.memory_space<semaphore_mem>>
        %dma_start3A_363 = arith.constant 0 : i32
        %dma_start3A_364 = tpu.memref_slice %arg16[%add3A_85, %dma_start3A_363] : memref<10240x128xf32, #tpu.memory_space<vmem_shared>> -> memref<32x128xf32, #tpu.memory_space<vmem_shared>>
        %dma_start3A_365 = arith.constant 0 : i32
        %dma_start3A_366 = tpu.memref_slice %arg16[%add3A_85, %dma_start3A_365] : memref<10240x128xf32, #tpu.memory_space<vmem_shared>> -> memref<32x128xf32, #tpu.memory_space<vmem_shared>>
        tpu.enqueue_dma source(%arg15 : memref<32x128xf32, #tpu.memory_space<vmem>>) target(%dma_start3A_366 : memref<32x128xf32, #tpu.memory_space<vmem_shared>>) target_semaphore(%run_scoped3A_362 : memref<!tpu.dma_semaphore, #tpu.memory_space<semaphore_mem>>)
        %dma_wait3A_367 = arith.constant 0 : i32
        %dma_wait3A_368 = tpu.memref_slice %arg16[%add3A_85, %dma_wait3A_367] : memref<10240x128xf32, #tpu.memory_space<vmem_shared>> -> memref<32x128xf32, #tpu.memory_space<vmem_shared>>
        %dma_wait3A_369 = arith.constant 0 : i32
        %dma_wait3A_370 = tpu.memref_slice %arg16[%add3A_85, %dma_wait3A_369] : memref<10240x128xf32, #tpu.memory_space<vmem_shared>> -> memref<32x128xf32, #tpu.memory_space<vmem_shared>>
        tpu.wait_dma2 semaphore(%run_scoped3A_362 : memref<!tpu.dma_semaphore, #tpu.memory_space<semaphore_mem>>) src(%arg15 : memref<32x128xf32, #tpu.memory_space<vmem>>) dst(%dma_wait3A_370 : memref<32x128xf32, #tpu.memory_space<vmem_shared>>)
        tpu.yield
      }) : () -> ()
      %mul3A_86 = arith.constant 640 : i32
      %mul3A_87 = arith.muli %arg1, %mul3A_86 : i32
      %add3A_88 = arith.constant 608 : i32
      %add3A_89 = arith.addi %mul3A_87, %add3A_88 : i32
      "tpu.region"() ({
        %run_scoped3A_362 = tpu.sem_alloc : memref<!tpu.dma_semaphore, #tpu.memory_space<semaphore_mem>>
        %dma_start3A_363 = arith.constant 0 : i32
        %dma_start3A_364 = tpu.memref_slice %arg16[%add3A_89, %dma_start3A_363] : memref<10240x128xf32, #tpu.memory_space<vmem_shared>> -> memref<32x128xf32, #tpu.memory_space<vmem_shared>>
        %dma_start3A_365 = arith.constant 0 : i32
        %dma_start3A_366 = tpu.memref_slice %arg16[%add3A_89, %dma_start3A_365] : memref<10240x128xf32, #tpu.memory_space<vmem_shared>> -> memref<32x128xf32, #tpu.memory_space<vmem_shared>>
        tpu.enqueue_dma source(%arg15 : memref<32x128xf32, #tpu.memory_space<vmem>>) target(%dma_start3A_366 : memref<32x128xf32, #tpu.memory_space<vmem_shared>>) target_semaphore(%run_scoped3A_362 : memref<!tpu.dma_semaphore, #tpu.memory_space<semaphore_mem>>)
        %dma_wait3A_367 = arith.constant 0 : i32
        %dma_wait3A_368 = tpu.memref_slice %arg16[%add3A_89, %dma_wait3A_367] : memref<10240x128xf32, #tpu.memory_space<vmem_shared>> -> memref<32x128xf32, #tpu.memory_space<vmem_shared>>
        %dma_wait3A_369 = arith.constant 0 : i32
        %dma_wait3A_370 = tpu.memref_slice %arg16[%add3A_89, %dma_wait3A_369] : memref<10240x128xf32, #tpu.memory_space<vmem_shared>> -> memref<32x128xf32, #tpu.memory_space<vmem_shared>>
        tpu.wait_dma2 semaphore(%run_scoped3A_362 : memref<!tpu.dma_semaphore, #tpu.memory_space<semaphore_mem>>) src(%arg15 : memref<32x128xf32, #tpu.memory_space<vmem>>) dst(%dma_wait3A_370 : memref<32x128xf32, #tpu.memory_space<vmem_shared>>)
        tpu.yield
      }) : () -> ()
      %barrier3A = arith.constant 0 : index
      tpu.barrier barrier_id(%barrier3A)
      %mul3A_90 = arith.constant 80 : i32
      %mul3A_91 = arith.muli %arg1, %mul3A_90 : i32
      %add3A_92 = arith.constant 0 : i32
      %add3A_93 = arith.addi %mul3A_91, %add3A_92 : i32
      %run_scoped3A = arith.constant 0 : i32
      "tpu.region"() ({
        %run_scoped3A_362 = tpu.sem_alloc : memref<!tpu.dma_semaphore, #tpu.memory_space<semaphore_mem>>
        %dma_start3A_363 = arith.constant 0 : i32
        %dma_start3A_364 = tpu.memref_slice %arg6[%run_scoped3A, %add3A_93, %dma_start3A_363] : memref<2x1280x128xi32, #tpu.memory_space<hbm>> -> memref<1x40x128xi32, #tpu.memory_space<hbm>>
        %dma_start3A_365 = tpu.memref_squeeze %dma_start3A_364 : memref<1x40x128xi32, #tpu.memory_space<hbm>> -> memref<40x128xi32, #tpu.memory_space<hbm>>
        %dma_start3A_366 = arith.constant 0 : i32
        %dma_start3A_367 = tpu.memref_slice %arg6[%run_scoped3A, %add3A_93, %dma_start3A_366] : memref<2x1280x128xi32, #tpu.memory_space<hbm>> -> memref<1x40x128xi32, #tpu.memory_space<hbm>>
        %dma_start3A_368 = tpu.memref_squeeze %dma_start3A_367 : memref<1x40x128xi32, #tpu.memory_space<hbm>> -> memref<40x128xi32, #tpu.memory_space<hbm>>
        tpu.enqueue_dma source(%dma_start3A_368 : memref<40x128xi32, #tpu.memory_space<hbm>>) target(%arg11 : memref<40x128xi32, #tpu.memory_space<vmem>>) target_semaphore(%run_scoped3A_362 : memref<!tpu.dma_semaphore, #tpu.memory_space<semaphore_mem>>)
        %dma_wait3A_369 = arith.constant 0 : i32
        %dma_wait3A_370 = tpu.memref_slice %arg6[%run_scoped3A, %add3A_93, %dma_wait3A_369] : memref<2x1280x128xi32, #tpu.memory_space<hbm>> -> memref<1x40x128xi32, #tpu.memory_space<hbm>>
        %dma_wait3A_371 = tpu.memref_squeeze %dma_wait3A_370 : memref<1x40x128xi32, #tpu.memory_space<hbm>> -> memref<40x128xi32, #tpu.memory_space<hbm>>
        %dma_wait3A_372 = arith.constant 0 : i32
        %dma_wait3A_373 = tpu.memref_slice %arg6[%run_scoped3A, %add3A_93, %dma_wait3A_372] : memref<2x1280x128xi32, #tpu.memory_space<hbm>> -> memref<1x40x128xi32, #tpu.memory_space<hbm>>
        %dma_wait3A_374 = tpu.memref_squeeze %dma_wait3A_373 : memref<1x40x128xi32, #tpu.memory_space<hbm>> -> memref<40x128xi32, #tpu.memory_space<hbm>>
        tpu.wait_dma2 semaphore(%run_scoped3A_362 : memref<!tpu.dma_semaphore, #tpu.memory_space<semaphore_mem>>) src(%dma_wait3A_374 : memref<40x128xi32, #tpu.memory_space<hbm>>) dst(%arg11 : memref<40x128xi32, #tpu.memory_space<vmem>>)
        tpu.yield
      }) : () -> ()
      %run_scoped3A_94 = arith.constant 1 : i32
      "tpu.region"() ({
        %run_scoped3A_362 = tpu.sem_alloc : memref<!tpu.dma_semaphore, #tpu.memory_space<semaphore_mem>>
        %dma_start3A_363 = arith.constant 0 : i32
        %dma_start3A_364 = tpu.memref_slice %arg6[%run_scoped3A_94, %add3A_93, %dma_start3A_363] : memref<2x1280x128xi32, #tpu.memory_space<hbm>> -> memref<1x40x128xi32, #tpu.memory_space<hbm>>
        %dma_start3A_365 = tpu.memref_squeeze %dma_start3A_364 : memref<1x40x128xi32, #tpu.memory_space<hbm>> -> memref<40x128xi32, #tpu.memory_space<hbm>>
        %dma_start3A_366 = arith.constant 0 : i32
        %dma_start3A_367 = tpu.memref_slice %arg6[%run_scoped3A_94, %add3A_93, %dma_start3A_366] : memref<2x1280x128xi32, #tpu.memory_space<hbm>> -> memref<1x40x128xi32, #tpu.memory_space<hbm>>
        %dma_start3A_368 = tpu.memref_squeeze %dma_start3A_367 : memref<1x40x128xi32, #tpu.memory_space<hbm>> -> memref<40x128xi32, #tpu.memory_space<hbm>>
        tpu.enqueue_dma source(%dma_start3A_368 : memref<40x128xi32, #tpu.memory_space<hbm>>) target(%arg12 : memref<40x128xi32, #tpu.memory_space<vmem>>) target_semaphore(%run_scoped3A_362 : memref<!tpu.dma_semaphore, #tpu.memory_space<semaphore_mem>>)
        %dma_wait3A_369 = arith.constant 0 : i32
        %dma_wait3A_370 = tpu.memref_slice %arg6[%run_scoped3A_94, %add3A_93, %dma_wait3A_369] : memref<2x1280x128xi32, #tpu.memory_space<hbm>> -> memref<1x40x128xi32, #tpu.memory_space<hbm>>
        %dma_wait3A_371 = tpu.memref_squeeze %dma_wait3A_370 : memref<1x40x128xi32, #tpu.memory_space<hbm>> -> memref<40x128xi32, #tpu.memory_space<hbm>>
        %dma_wait3A_372 = arith.constant 0 : i32
        %dma_wait3A_373 = tpu.memref_slice %arg6[%run_scoped3A_94, %add3A_93, %dma_wait3A_372] : memref<2x1280x128xi32, #tpu.memory_space<hbm>> -> memref<1x40x128xi32, #tpu.memory_space<hbm>>
        %dma_wait3A_374 = tpu.memref_squeeze %dma_wait3A_373 : memref<1x40x128xi32, #tpu.memory_space<hbm>> -> memref<40x128xi32, #tpu.memory_space<hbm>>
        tpu.wait_dma2 semaphore(%run_scoped3A_362 : memref<!tpu.dma_semaphore, #tpu.memory_space<semaphore_mem>>) src(%dma_wait3A_374 : memref<40x128xi32, #tpu.memory_space<hbm>>) dst(%arg12 : memref<40x128xi32, #tpu.memory_space<vmem>>)
        tpu.yield
      }) : () -> ()
      %dma_start3A = arith.constant 0 : i32
      %dma_start3A_95 = arith.constant 0 : i32
      %dma_start3A_96 = arith.constant 0 : i32
      %dma_start3A_97 = tpu.memref_slice %arg13[%dma_start3A_95, %dma_start3A_96] : memref<128x128xf32, #tpu.memory_space<vmem>> -> memref<64x128xf32, #tpu.memory_space<vmem>>
      %dma_start3A_98 = arith.constant 0 : i32
      %dma_start3A_99 = tpu.memref_slice %arg12[%dma_start3A, %dma_start3A_98] : memref<40x128xi32, #tpu.memory_space<vmem>> -> memref<1x64xi32, #tpu.memory_space<vmem>>
      %dma_start3A_100 = tpu.memref_squeeze %dma_start3A_99 : memref<1x64xi32, #tpu.memory_space<vmem>> -> memref<64xi32, #tpu.memory_space<vmem>>
      %dma_start3A_101 = arith.constant 0 : i32
      %dma_start3A_102 = arith.constant 0 : i32
      %dma_start3A_103 = tpu.memref_slice %arg4[%dma_start3A_101, %dma_start3A_102] : memref<10000x128xf32, #tpu.memory_space<hbm>> -> memref<10000x128xf32, #tpu.memory_space<hbm>>
      tpu.enqueue_indirect_dma source(%dma_start3A_103 : memref<10000x128xf32, #tpu.memory_space<hbm>>) target(%dma_start3A_97 : memref<64x128xf32, #tpu.memory_space<vmem>>) offsets(%dma_start3A_100 : memref<64xi32, #tpu.memory_space<vmem>>) semaphore(%arg17 : memref<!tpu.dma_semaphore, #tpu.memory_space<semaphore_mem>>)
      %dma_start3A_104 = arith.constant 0 : i32
      %dma_start3A_105 = arith.constant 64 : i32
      %dma_start3A_106 = arith.constant 0 : i32
      %dma_start3A_107 = tpu.memref_slice %arg13[%dma_start3A_105, %dma_start3A_106] : memref<128x128xf32, #tpu.memory_space<vmem>> -> memref<64x128xf32, #tpu.memory_space<vmem>>
      %dma_start3A_108 = arith.constant 64 : i32
      %dma_start3A_109 = tpu.memref_slice %arg12[%dma_start3A_104, %dma_start3A_108] : memref<40x128xi32, #tpu.memory_space<vmem>> -> memref<1x64xi32, #tpu.memory_space<vmem>>
      %dma_start3A_110 = tpu.memref_squeeze %dma_start3A_109 : memref<1x64xi32, #tpu.memory_space<vmem>> -> memref<64xi32, #tpu.memory_space<vmem>>
      %dma_start3A_111 = arith.constant 0 : i32
      %dma_start3A_112 = arith.constant 0 : i32
      %dma_start3A_113 = tpu.memref_slice %arg4[%dma_start3A_111, %dma_start3A_112] : memref<10000x128xf32, #tpu.memory_space<hbm>> -> memref<10000x128xf32, #tpu.memory_space<hbm>>
      tpu.enqueue_indirect_dma source(%dma_start3A_113 : memref<10000x128xf32, #tpu.memory_space<hbm>>) target(%dma_start3A_107 : memref<64x128xf32, #tpu.memory_space<vmem>>) offsets(%dma_start3A_110 : memref<64xi32, #tpu.memory_space<vmem>>) semaphore(%arg18 : memref<!tpu.dma_semaphore, #tpu.memory_space<semaphore_mem>>)
      %scan3A_114 = arith.constant 0 : i32
      %scan3A_115 = arith.constant 0 : i32
      %scan3A_116 = arith.constant 40 : i32
      %scan3A_117 = arith.addi %scan3A_115, %scan3A_116 : i32
      %scan3A_118 = arith.constant 1 : i32
      scf.for %scan3A_362 = %scan3A_115 to %scan3A_117 step %scan3A_118  : i32 {
        %jit3A = arith.constant 2 : i32
        %eq3A_363 = arith.constant 0 : i32
        %eq3A_364 = arith.cmpi eq, %jit3A, %eq3A_363 : i32
        %jit3A_365 = arith.constant 1 : i32
        %select_n3A = arith.select %eq3A_364, %jit3A_365, %jit3A : i32
        %rem3A = arith.remsi %scan3A_362, %select_n3A : i32
        %ne3A = arith.constant 0 : i32
        %ne3A_366 = arith.cmpi ne, %rem3A, %ne3A : i32
        %lt3A = arith.constant 0 : i32
        %lt3A_367 = arith.cmpi slt, %rem3A, %lt3A : i32
        %lt3A_368 = arith.constant 0 : i32
        %lt3A_369 = arith.cmpi slt, %select_n3A, %lt3A_368 : i32
        %ne3A_370 = arith.xori %lt3A_367, %lt3A_369 : i1
        %and3A = arith.andi %ne3A_370, %ne3A_366 : i1
        %add3A_371 = arith.addi %rem3A, %select_n3A : i32
        %select_n3A_372 = arith.select %and3A, %add3A_371, %rem3A : i32
        %eq3A_373 = arith.constant 0 : i32
        %eq3A_374 = arith.cmpi eq, %select_n3A_372, %eq3A_373 : i32
        %convert_element_type3A_375 = arith.extui %eq3A_374 : i1 to i32
        %cond3A_376 = arith.constant 0 : i32
        %cond3A_377 = arith.cmpi ne, %convert_element_type3A_375, %cond3A_376 : i32
        scf.if %cond3A_377 {
          %dma_wait3A_399 = arith.constant 0 : i32
          %dma_wait3A_400 = arith.constant 0 : i32
          %dma_wait3A_401 = tpu.memref_slice %arg13[%dma_wait3A_399, %dma_wait3A_400] : memref<128x128xf32, #tpu.memory_space<vmem>> -> memref<64x128xf32, #tpu.memory_space<vmem>>
          %dma_wait3A_402 = arith.constant 0 : i32
          %dma_wait3A_403 = tpu.memref_slice %arg12[%scan3A_362, %dma_wait3A_402] : memref<40x128xi32, #tpu.memory_space<vmem>> -> memref<1x64xi32, #tpu.memory_space<vmem>>
          %dma_wait3A_404 = tpu.memref_squeeze %dma_wait3A_403 : memref<1x64xi32, #tpu.memory_space<vmem>> -> memref<64xi32, #tpu.memory_space<vmem>>
          %dma_wait3A_405 = arith.constant 0 : i32
          %dma_wait3A_406 = arith.constant 0 : i32
          %dma_wait3A_407 = tpu.memref_slice %arg4[%dma_wait3A_405, %dma_wait3A_406] : memref<10000x128xf32, #tpu.memory_space<hbm>> -> memref<10000x128xf32, #tpu.memory_space<hbm>>
          tpu.wait_indirect_dma semaphore(%arg17 : memref<!tpu.dma_semaphore, #tpu.memory_space<semaphore_mem>>) src(%dma_wait3A_407 : memref<10000x128xf32, #tpu.memory_space<hbm>>) dst(%dma_wait3A_401 : memref<64x128xf32, #tpu.memory_space<vmem>>)
          %dma_wait3A_408 = arith.constant 64 : i32
          %dma_wait3A_409 = arith.constant 0 : i32
          %dma_wait3A_410 = tpu.memref_slice %arg13[%dma_wait3A_408, %dma_wait3A_409] : memref<128x128xf32, #tpu.memory_space<vmem>> -> memref<64x128xf32, #tpu.memory_space<vmem>>
          %dma_wait3A_411 = arith.constant 64 : i32
          %dma_wait3A_412 = tpu.memref_slice %arg12[%scan3A_362, %dma_wait3A_411] : memref<40x128xi32, #tpu.memory_space<vmem>> -> memref<1x64xi32, #tpu.memory_space<vmem>>
          %dma_wait3A_413 = tpu.memref_squeeze %dma_wait3A_412 : memref<1x64xi32, #tpu.memory_space<vmem>> -> memref<64xi32, #tpu.memory_space<vmem>>
          %dma_wait3A_414 = arith.constant 0 : i32
          %dma_wait3A_415 = arith.constant 0 : i32
          %dma_wait3A_416 = tpu.memref_slice %arg4[%dma_wait3A_414, %dma_wait3A_415] : memref<10000x128xf32, #tpu.memory_space<hbm>> -> memref<10000x128xf32, #tpu.memory_space<hbm>>
          tpu.wait_indirect_dma semaphore(%arg18 : memref<!tpu.dma_semaphore, #tpu.memory_space<semaphore_mem>>) src(%dma_wait3A_416 : memref<10000x128xf32, #tpu.memory_space<hbm>>) dst(%dma_wait3A_410 : memref<64x128xf32, #tpu.memory_space<vmem>>)
          %add3A_417 = arith.constant 1 : i32
          %add3A_418 = arith.addi %scan3A_362, %add3A_417 : i32
          %lt3A_419 = arith.constant 40 : i32
          %lt3A_420 = arith.cmpi slt, %add3A_418, %lt3A_419 : i32
          %convert_element_type3A_421 = arith.extui %lt3A_420 : i1 to i32
          %cond3A_422 = arith.constant 0 : i32
          %cond3A_423 = arith.cmpi ne, %convert_element_type3A_421, %cond3A_422 : i32
          scf.if %cond3A_423 {
            %gt3A = arith.constant 0 : i32
            %gt3A_430 = arith.cmpi sgt, %scan3A_362, %gt3A : i32
            %convert_element_type3A_431 = arith.extui %gt3A_430 : i1 to i32
            %cond3A_432 = arith.constant 0 : i32
            %cond3A_433 = arith.cmpi ne, %convert_element_type3A_431, %cond3A_432 : i32
            scf.if %cond3A_433 {
              %sub3A = arith.constant 1 : i32
              %sub3A_454 = arith.subi %scan3A_362, %sub3A : i32
              %dma_wait3A_455 = arith.constant 0 : i32
              %dma_wait3A_456 = tpu.memref_slice %arg11[%sub3A_454, %dma_wait3A_455] : memref<40x128xi32, #tpu.memory_space<vmem>> -> memref<1x128xi32, #tpu.memory_space<vmem>>
              %dma_wait3A_457 = tpu.memref_squeeze %dma_wait3A_456 : memref<1x128xi32, #tpu.memory_space<vmem>> -> memref<128xi32, #tpu.memory_space<vmem>>
              %dma_wait3A_458 = arith.constant 0 : i32
              %dma_wait3A_459 = arith.constant 0 : i32
              %dma_wait3A_460 = tpu.memref_slice %arg16[%dma_wait3A_458, %dma_wait3A_459] : memref<10240x128xf32, #tpu.memory_space<vmem_shared>> -> memref<10240x128xf32, #tpu.memory_space<vmem_shared>>
              tpu.wait_indirect_dma semaphore(%arg22 : memref<!tpu.dma_semaphore, #tpu.memory_space<semaphore_mem>>) src(%arg14 : memref<128x128xf32, #tpu.memory_space<vmem>>) dst(%dma_wait3A_460 : memref<10240x128xf32, #tpu.memory_space<vmem_shared>>)
            } else {
            }
            %add3A_434 = arith.constant 1 : i32
            %add3A_435 = arith.addi %scan3A_362, %add3A_434 : i32
            %dma_start3A_436 = arith.constant 0 : i32
            %dma_start3A_437 = arith.constant 0 : i32
            %dma_start3A_438 = tpu.memref_slice %arg14[%dma_start3A_436, %dma_start3A_437] : memref<128x128xf32, #tpu.memory_space<vmem>> -> memref<64x128xf32, #tpu.memory_space<vmem>>
            %dma_start3A_439 = arith.constant 0 : i32
            %dma_start3A_440 = tpu.memref_slice %arg12[%add3A_435, %dma_start3A_439] : memref<40x128xi32, #tpu.memory_space<vmem>> -> memref<1x64xi32, #tpu.memory_space<vmem>>
            %dma_start3A_441 = tpu.memref_squeeze %dma_start3A_440 : memref<1x64xi32, #tpu.memory_space<vmem>> -> memref<64xi32, #tpu.memory_space<vmem>>
            %dma_start3A_442 = arith.constant 0 : i32
            %dma_start3A_443 = arith.constant 0 : i32
            %dma_start3A_444 = tpu.memref_slice %arg4[%dma_start3A_442, %dma_start3A_443] : memref<10000x128xf32, #tpu.memory_space<hbm>> -> memref<10000x128xf32, #tpu.memory_space<hbm>>
            tpu.enqueue_indirect_dma source(%dma_start3A_444 : memref<10000x128xf32, #tpu.memory_space<hbm>>) target(%dma_start3A_438 : memref<64x128xf32, #tpu.memory_space<vmem>>) offsets(%dma_start3A_441 : memref<64xi32, #tpu.memory_space<vmem>>) semaphore(%arg19 : memref<!tpu.dma_semaphore, #tpu.memory_space<semaphore_mem>>)
            %dma_start3A_445 = arith.constant 64 : i32
            %dma_start3A_446 = arith.constant 0 : i32
            %dma_start3A_447 = tpu.memref_slice %arg14[%dma_start3A_445, %dma_start3A_446] : memref<128x128xf32, #tpu.memory_space<vmem>> -> memref<64x128xf32, #tpu.memory_space<vmem>>
            %dma_start3A_448 = arith.constant 64 : i32
            %dma_start3A_449 = tpu.memref_slice %arg12[%add3A_435, %dma_start3A_448] : memref<40x128xi32, #tpu.memory_space<vmem>> -> memref<1x64xi32, #tpu.memory_space<vmem>>
            %dma_start3A_450 = tpu.memref_squeeze %dma_start3A_449 : memref<1x64xi32, #tpu.memory_space<vmem>> -> memref<64xi32, #tpu.memory_space<vmem>>
            %dma_start3A_451 = arith.constant 0 : i32
            %dma_start3A_452 = arith.constant 0 : i32
            %dma_start3A_453 = tpu.memref_slice %arg4[%dma_start3A_451, %dma_start3A_452] : memref<10000x128xf32, #tpu.memory_space<hbm>> -> memref<10000x128xf32, #tpu.memory_space<hbm>>
            tpu.enqueue_indirect_dma source(%dma_start3A_453 : memref<10000x128xf32, #tpu.memory_space<hbm>>) target(%dma_start3A_447 : memref<64x128xf32, #tpu.memory_space<vmem>>) offsets(%dma_start3A_450 : memref<64xi32, #tpu.memory_space<vmem>>) semaphore(%arg20 : memref<!tpu.dma_semaphore, #tpu.memory_space<semaphore_mem>>)
          } else {
          }
          %dma_start3A_424 = arith.constant 0 : i32
          %dma_start3A_425 = tpu.memref_slice %arg11[%scan3A_362, %dma_start3A_424] : memref<40x128xi32, #tpu.memory_space<vmem>> -> memref<1x128xi32, #tpu.memory_space<vmem>>
          %dma_start3A_426 = tpu.memref_squeeze %dma_start3A_425 : memref<1x128xi32, #tpu.memory_space<vmem>> -> memref<128xi32, #tpu.memory_space<vmem>>
          %dma_start3A_427 = arith.constant 0 : i32
          %dma_start3A_428 = arith.constant 0 : i32
          %dma_start3A_429 = tpu.memref_slice %arg16[%dma_start3A_427, %dma_start3A_428] : memref<10240x128xf32, #tpu.memory_space<vmem_shared>> -> memref<10240x128xf32, #tpu.memory_space<vmem_shared>>
          tpu.enqueue_indirect_dma source(%arg13 : memref<128x128xf32, #tpu.memory_space<vmem>>) target(%dma_start3A_429 : memref<10240x128xf32, #tpu.memory_space<vmem_shared>>) offsets(%dma_start3A_426 : memref<128xi32, #tpu.memory_space<vmem>>) semaphore(%arg21 : memref<!tpu.dma_semaphore, #tpu.memory_space<semaphore_mem>>) {add = true}
        } else {
        }
        %jit3A_378 = arith.constant 2 : i32
        %eq3A_379 = arith.constant 0 : i32
        %eq3A_380 = arith.cmpi eq, %jit3A_378, %eq3A_379 : i32
        %jit3A_381 = arith.constant 1 : i32
        %select_n3A_382 = arith.select %eq3A_380, %jit3A_381, %jit3A_378 : i32
        %rem3A_383 = arith.remsi %scan3A_362, %select_n3A_382 : i32
        %ne3A_384 = arith.constant 0 : i32
        %ne3A_385 = arith.cmpi ne, %rem3A_383, %ne3A_384 : i32
        %lt3A_386 = arith.constant 0 : i32
        %lt3A_387 = arith.cmpi slt, %rem3A_383, %lt3A_386 : i32
        %lt3A_388 = arith.constant 0 : i32
        %lt3A_389 = arith.cmpi slt, %select_n3A_382, %lt3A_388 : i32
        %ne3A_390 = arith.xori %lt3A_387, %lt3A_389 : i1
        %and3A_391 = arith.andi %ne3A_390, %ne3A_385 : i1
        %add3A_392 = arith.addi %rem3A_383, %select_n3A_382 : i32
        %select_n3A_393 = arith.select %and3A_391, %add3A_392, %rem3A_383 : i32
        %eq3A_394 = arith.constant 1 : i32
        %eq3A_395 = arith.cmpi eq, %select_n3A_393, %eq3A_394 : i32
        %convert_element_type3A_396 = arith.extui %eq3A_395 : i1 to i32
        %cond3A_397 = arith.constant 0 : i32
        %cond3A_398 = arith.cmpi ne, %convert_element_type3A_396, %cond3A_397 : i32
        scf.if %cond3A_398 {
          %dma_wait3A_399 = arith.constant 0 : i32
          %dma_wait3A_400 = arith.constant 0 : i32
          %dma_wait3A_401 = tpu.memref_slice %arg14[%dma_wait3A_399, %dma_wait3A_400] : memref<128x128xf32, #tpu.memory_space<vmem>> -> memref<64x128xf32, #tpu.memory_space<vmem>>
          %dma_wait3A_402 = arith.constant 0 : i32
          %dma_wait3A_403 = tpu.memref_slice %arg12[%scan3A_362, %dma_wait3A_402] : memref<40x128xi32, #tpu.memory_space<vmem>> -> memref<1x64xi32, #tpu.memory_space<vmem>>
          %dma_wait3A_404 = tpu.memref_squeeze %dma_wait3A_403 : memref<1x64xi32, #tpu.memory_space<vmem>> -> memref<64xi32, #tpu.memory_space<vmem>>
          %dma_wait3A_405 = arith.constant 0 : i32
          %dma_wait3A_406 = arith.constant 0 : i32
          %dma_wait3A_407 = tpu.memref_slice %arg4[%dma_wait3A_405, %dma_wait3A_406] : memref<10000x128xf32, #tpu.memory_space<hbm>> -> memref<10000x128xf32, #tpu.memory_space<hbm>>
          tpu.wait_indirect_dma semaphore(%arg19 : memref<!tpu.dma_semaphore, #tpu.memory_space<semaphore_mem>>) src(%dma_wait3A_407 : memref<10000x128xf32, #tpu.memory_space<hbm>>) dst(%dma_wait3A_401 : memref<64x128xf32, #tpu.memory_space<vmem>>)
          %dma_wait3A_408 = arith.constant 64 : i32
          %dma_wait3A_409 = arith.constant 0 : i32
          %dma_wait3A_410 = tpu.memref_slice %arg14[%dma_wait3A_408, %dma_wait3A_409] : memref<128x128xf32, #tpu.memory_space<vmem>> -> memref<64x128xf32, #tpu.memory_space<vmem>>
          %dma_wait3A_411 = arith.constant 64 : i32
          %dma_wait3A_412 = tpu.memref_slice %arg12[%scan3A_362, %dma_wait3A_411] : memref<40x128xi32, #tpu.memory_space<vmem>> -> memref<1x64xi32, #tpu.memory_space<vmem>>
          %dma_wait3A_413 = tpu.memref_squeeze %dma_wait3A_412 : memref<1x64xi32, #tpu.memory_space<vmem>> -> memref<64xi32, #tpu.memory_space<vmem>>
          %dma_wait3A_414 = arith.constant 0 : i32
          %dma_wait3A_415 = arith.constant 0 : i32
          %dma_wait3A_416 = tpu.memref_slice %arg4[%dma_wait3A_414, %dma_wait3A_415] : memref<10000x128xf32, #tpu.memory_space<hbm>> -> memref<10000x128xf32, #tpu.memory_space<hbm>>
          tpu.wait_indirect_dma semaphore(%arg20 : memref<!tpu.dma_semaphore, #tpu.memory_space<semaphore_mem>>) src(%dma_wait3A_416 : memref<10000x128xf32, #tpu.memory_space<hbm>>) dst(%dma_wait3A_410 : memref<64x128xf32, #tpu.memory_space<vmem>>)
          %add3A_417 = arith.constant 1 : i32
          %add3A_418 = arith.addi %scan3A_362, %add3A_417 : i32
          %lt3A_419 = arith.constant 40 : i32
          %lt3A_420 = arith.cmpi slt, %add3A_418, %lt3A_419 : i32
          %convert_element_type3A_421 = arith.extui %lt3A_420 : i1 to i32
          %cond3A_422 = arith.constant 0 : i32
          %cond3A_423 = arith.cmpi ne, %convert_element_type3A_421, %cond3A_422 : i32
          scf.if %cond3A_423 {
            %sub3A = arith.constant 1 : i32
            %sub3A_430 = arith.subi %scan3A_362, %sub3A : i32
            %dma_wait3A_431 = arith.constant 0 : i32
            %dma_wait3A_432 = tpu.memref_slice %arg11[%sub3A_430, %dma_wait3A_431] : memref<40x128xi32, #tpu.memory_space<vmem>> -> memref<1x128xi32, #tpu.memory_space<vmem>>
            %dma_wait3A_433 = tpu.memref_squeeze %dma_wait3A_432 : memref<1x128xi32, #tpu.memory_space<vmem>> -> memref<128xi32, #tpu.memory_space<vmem>>
            %dma_wait3A_434 = arith.constant 0 : i32
            %dma_wait3A_435 = arith.constant 0 : i32
            %dma_wait3A_436 = tpu.memref_slice %arg16[%dma_wait3A_434, %dma_wait3A_435] : memref<10240x128xf32, #tpu.memory_space<vmem_shared>> -> memref<10240x128xf32, #tpu.memory_space<vmem_shared>>
            tpu.wait_indirect_dma semaphore(%arg21 : memref<!tpu.dma_semaphore, #tpu.memory_space<semaphore_mem>>) src(%arg13 : memref<128x128xf32, #tpu.memory_space<vmem>>) dst(%dma_wait3A_436 : memref<10240x128xf32, #tpu.memory_space<vmem_shared>>)
            %add3A_437 = arith.constant 1 : i32
            %add3A_438 = arith.addi %scan3A_362, %add3A_437 : i32
            %dma_start3A_439 = arith.constant 0 : i32
            %dma_start3A_440 = arith.constant 0 : i32
            %dma_start3A_441 = tpu.memref_slice %arg13[%dma_start3A_439, %dma_start3A_440] : memref<128x128xf32, #tpu.memory_space<vmem>> -> memref<64x128xf32, #tpu.memory_space<vmem>>
            %dma_start3A_442 = arith.constant 0 : i32
            %dma_start3A_443 = tpu.memref_slice %arg12[%add3A_438, %dma_start3A_442] : memref<40x128xi32, #tpu.memory_space<vmem>> -> memref<1x64xi32, #tpu.memory_space<vmem>>
            %dma_start3A_444 = tpu.memref_squeeze %dma_start3A_443 : memref<1x64xi32, #tpu.memory_space<vmem>> -> memref<64xi32, #tpu.memory_space<vmem>>
            %dma_start3A_445 = arith.constant 0 : i32
            %dma_start3A_446 = arith.constant 0 : i32
            %dma_start3A_447 = tpu.memref_slice %arg4[%dma_start3A_445, %dma_start3A_446] : memref<10000x128xf32, #tpu.memory_space<hbm>> -> memref<10000x128xf32, #tpu.memory_space<hbm>>
            tpu.enqueue_indirect_dma source(%dma_start3A_447 : memref<10000x128xf32, #tpu.memory_space<hbm>>) target(%dma_start3A_441 : memref<64x128xf32, #tpu.memory_space<vmem>>) offsets(%dma_start3A_444 : memref<64xi32, #tpu.memory_space<vmem>>) semaphore(%arg17 : memref<!tpu.dma_semaphore, #tpu.memory_space<semaphore_mem>>)
            %dma_start3A_448 = arith.constant 64 : i32
            %dma_start3A_449 = arith.constant 0 : i32
            %dma_start3A_450 = tpu.memref_slice %arg13[%dma_start3A_448, %dma_start3A_449] : memref<128x128xf32, #tpu.memory_space<vmem>> -> memref<64x128xf32, #tpu.memory_space<vmem>>
            %dma_start3A_451 = arith.constant 64 : i32
            %dma_start3A_452 = tpu.memref_slice %arg12[%add3A_438, %dma_start3A_451] : memref<40x128xi32, #tpu.memory_space<vmem>> -> memref<1x64xi32, #tpu.memory_space<vmem>>
            %dma_start3A_453 = tpu.memref_squeeze %dma_start3A_452 : memref<1x64xi32, #tpu.memory_space<vmem>> -> memref<64xi32, #tpu.memory_space<vmem>>
            %dma_start3A_454 = arith.constant 0 : i32
            %dma_start3A_455 = arith.constant 0 : i32
            %dma_start3A_456 = tpu.memref_slice %arg4[%dma_start3A_454, %dma_start3A_455] : memref<10000x128xf32, #tpu.memory_space<hbm>> -> memref<10000x128xf32, #tpu.memory_space<hbm>>
            tpu.enqueue_indirect_dma source(%dma_start3A_456 : memref<10000x128xf32, #tpu.memory_space<hbm>>) target(%dma_start3A_450 : memref<64x128xf32, #tpu.memory_space<vmem>>) offsets(%dma_start3A_453 : memref<64xi32, #tpu.memory_space<vmem>>) semaphore(%arg18 : memref<!tpu.dma_semaphore, #tpu.memory_space<semaphore_mem>>)
          } else {
          }
          %dma_start3A_424 = arith.constant 0 : i32
          %dma_start3A_425 = tpu.memref_slice %arg11[%scan3A_362, %dma_start3A_424] : memref<40x128xi32, #tpu.memory_space<vmem>> -> memref<1x128xi32, #tpu.memory_space<vmem>>
          %dma_start3A_426 = tpu.memref_squeeze %dma_start3A_425 : memref<1x128xi32, #tpu.memory_space<vmem>> -> memref<128xi32, #tpu.memory_space<vmem>>
          %dma_start3A_427 = arith.constant 0 : i32
          %dma_start3A_428 = arith.constant 0 : i32
          %dma_start3A_429 = tpu.memref_slice %arg16[%dma_start3A_427, %dma_start3A_428] : memref<10240x128xf32, #tpu.memory_space<vmem_shared>> -> memref<10240x128xf32, #tpu.memory_space<vmem_shared>>
          tpu.enqueue_indirect_dma source(%arg14 : memref<128x128xf32, #tpu.memory_space<vmem>>) target(%dma_start3A_429 : memref<10240x128xf32, #tpu.memory_space<vmem_shared>>) offsets(%dma_start3A_426 : memref<128xi32, #tpu.memory_space<vmem>>) semaphore(%arg22 : memref<!tpu.dma_semaphore, #tpu.memory_space<semaphore_mem>>) {add = true}
        } else {
        }
      }
      %scan3A_119 = arith.constant 40 : i32
      %dma_wait3A = arith.constant 38 : i32
      %dma_wait3A_120 = arith.constant 0 : i32
      %dma_wait3A_121 = tpu.memref_slice %arg11[%dma_wait3A, %dma_wait3A_120] : memref<40x128xi32, #tpu.memory_space<vmem>> -> memref<1x128xi32, #tpu.memory_space<vmem>>
      %dma_wait3A_122 = tpu.memref_squeeze %dma_wait3A_121 : memref<1x128xi32, #tpu.memory_space<vmem>> -> memref<128xi32, #tpu.memory_space<vmem>>
      %dma_wait3A_123 = arith.constant 0 : i32
      %dma_wait3A_124 = arith.constant 0 : i32
      %dma_wait3A_125 = tpu.memref_slice %arg16[%dma_wait3A_123, %dma_wait3A_124] : memref<10240x128xf32, #tpu.memory_space<vmem_shared>> -> memref<10240x128xf32, #tpu.memory_space<vmem_shared>>
      tpu.wait_indirect_dma semaphore(%arg21 : memref<!tpu.dma_semaphore, #tpu.memory_space<semaphore_mem>>) src(%arg13 : memref<128x128xf32, #tpu.memory_space<vmem>>) dst(%dma_wait3A_125 : memref<10240x128xf32, #tpu.memory_space<vmem_shared>>)
      %dma_wait3A_126 = arith.constant 39 : i32
      %dma_wait3A_127 = arith.constant 0 : i32
      %dma_wait3A_128 = tpu.memref_slice %arg11[%dma_wait3A_126, %dma_wait3A_127] : memref<40x128xi32, #tpu.memory_space<vmem>> -> memref<1x128xi32, #tpu.memory_space<vmem>>
      %dma_wait3A_129 = tpu.memref_squeeze %dma_wait3A_128 : memref<1x128xi32, #tpu.memory_space<vmem>> -> memref<128xi32, #tpu.memory_space<vmem>>
      %dma_wait3A_130 = arith.constant 0 : i32
      %dma_wait3A_131 = arith.constant 0 : i32
      %dma_wait3A_132 = tpu.memref_slice %arg16[%dma_wait3A_130, %dma_wait3A_131] : memref<10240x128xf32, #tpu.memory_space<vmem_shared>> -> memref<10240x128xf32, #tpu.memory_space<vmem_shared>>
      tpu.wait_indirect_dma semaphore(%arg22 : memref<!tpu.dma_semaphore, #tpu.memory_space<semaphore_mem>>) src(%arg14 : memref<128x128xf32, #tpu.memory_space<vmem>>) dst(%dma_wait3A_132 : memref<10240x128xf32, #tpu.memory_space<vmem_shared>>)
      %mul3A_133 = arith.constant 80 : i32
      %mul3A_134 = arith.muli %arg1, %mul3A_133 : i32
      %add3A_135 = arith.constant 40 : i32
      %add3A_136 = arith.addi %mul3A_134, %add3A_135 : i32
      %run_scoped3A_137 = arith.constant 0 : i32
      "tpu.region"() ({
        %run_scoped3A_362 = tpu.sem_alloc : memref<!tpu.dma_semaphore, #tpu.memory_space<semaphore_mem>>
        %dma_start3A_363 = arith.constant 0 : i32
        %dma_start3A_364 = tpu.memref_slice %arg6[%run_scoped3A_137, %add3A_136, %dma_start3A_363] : memref<2x1280x128xi32, #tpu.memory_space<hbm>> -> memref<1x40x128xi32, #tpu.memory_space<hbm>>
        %dma_start3A_365 = tpu.memref_squeeze %dma_start3A_364 : memref<1x40x128xi32, #tpu.memory_space<hbm>> -> memref<40x128xi32, #tpu.memory_space<hbm>>
        %dma_start3A_366 = arith.constant 0 : i32
        %dma_start3A_367 = tpu.memref_slice %arg6[%run_scoped3A_137, %add3A_136, %dma_start3A_366] : memref<2x1280x128xi32, #tpu.memory_space<hbm>> -> memref<1x40x128xi32, #tpu.memory_space<hbm>>
        %dma_start3A_368 = tpu.memref_squeeze %dma_start3A_367 : memref<1x40x128xi32, #tpu.memory_space<hbm>> -> memref<40x128xi32, #tpu.memory_space<hbm>>
        tpu.enqueue_dma source(%dma_start3A_368 : memref<40x128xi32, #tpu.memory_space<hbm>>) target(%arg11 : memref<40x128xi32, #tpu.memory_space<vmem>>) target_semaphore(%run_scoped3A_362 : memref<!tpu.dma_semaphore, #tpu.memory_space<semaphore_mem>>)
        %dma_wait3A_369 = arith.constant 0 : i32
        %dma_wait3A_370 = tpu.memref_slice %arg6[%run_scoped3A_137, %add3A_136, %dma_wait3A_369] : memref<2x1280x128xi32, #tpu.memory_space<hbm>> -> memref<1x40x128xi32, #tpu.memory_space<hbm>>
        %dma_wait3A_371 = tpu.memref_squeeze %dma_wait3A_370 : memref<1x40x128xi32, #tpu.memory_space<hbm>> -> memref<40x128xi32, #tpu.memory_space<hbm>>
        %dma_wait3A_372 = arith.constant 0 : i32
        %dma_wait3A_373 = tpu.memref_slice %arg6[%run_scoped3A_137, %add3A_136, %dma_wait3A_372] : memref<2x1280x128xi32, #tpu.memory_space<hbm>> -> memref<1x40x128xi32, #tpu.memory_space<hbm>>
        %dma_wait3A_374 = tpu.memref_squeeze %dma_wait3A_373 : memref<1x40x128xi32, #tpu.memory_space<hbm>> -> memref<40x128xi32, #tpu.memory_space<hbm>>
        tpu.wait_dma2 semaphore(%run_scoped3A_362 : memref<!tpu.dma_semaphore, #tpu.memory_space<semaphore_mem>>) src(%dma_wait3A_374 : memref<40x128xi32, #tpu.memory_space<hbm>>) dst(%arg11 : memref<40x128xi32, #tpu.memory_space<vmem>>)
        tpu.yield
      }) : () -> ()
      %run_scoped3A_138 = arith.constant 1 : i32
      "tpu.region"() ({
        %run_scoped3A_362 = tpu.sem_alloc : memref<!tpu.dma_semaphore, #tpu.memory_space<semaphore_mem>>
        %dma_start3A_363 = arith.constant 0 : i32
        %dma_start3A_364 = tpu.memref_slice %arg6[%run_scoped3A_138, %add3A_136, %dma_start3A_363] : memref<2x1280x128xi32, #tpu.memory_space<hbm>> -> memref<1x40x128xi32, #tpu.memory_space<hbm>>
        %dma_start3A_365 = tpu.memref_squeeze %dma_start3A_364 : memref<1x40x128xi32, #tpu.memory_space<hbm>> -> memref<40x128xi32, #tpu.memory_space<hbm>>
        %dma_start3A_366 = arith.constant 0 : i32
        %dma_start3A_367 = tpu.memref_slice %arg6[%run_scoped3A_138, %add3A_136, %dma_start3A_366] : memref<2x1280x128xi32, #tpu.memory_space<hbm>> -> memref<1x40x128xi32, #tpu.memory_space<hbm>>
        %dma_start3A_368 = tpu.memref_squeeze %dma_start3A_367 : memref<1x40x128xi32, #tpu.memory_space<hbm>> -> memref<40x128xi32, #tpu.memory_space<hbm>>
        tpu.enqueue_dma source(%dma_start3A_368 : memref<40x128xi32, #tpu.memory_space<hbm>>) target(%arg12 : memref<40x128xi32, #tpu.memory_space<vmem>>) target_semaphore(%run_scoped3A_362 : memref<!tpu.dma_semaphore, #tpu.memory_space<semaphore_mem>>)
        %dma_wait3A_369 = arith.constant 0 : i32
        %dma_wait3A_370 = tpu.memref_slice %arg6[%run_scoped3A_138, %add3A_136, %dma_wait3A_369] : memref<2x1280x128xi32, #tpu.memory_space<hbm>> -> memref<1x40x128xi32, #tpu.memory_space<hbm>>
        %dma_wait3A_371 = tpu.memref_squeeze %dma_wait3A_370 : memref<1x40x128xi32, #tpu.memory_space<hbm>> -> memref<40x128xi32, #tpu.memory_space<hbm>>
        %dma_wait3A_372 = arith.constant 0 : i32
        %dma_wait3A_373 = tpu.memref_slice %arg6[%run_scoped3A_138, %add3A_136, %dma_wait3A_372] : memref<2x1280x128xi32, #tpu.memory_space<hbm>> -> memref<1x40x128xi32, #tpu.memory_space<hbm>>
        %dma_wait3A_374 = tpu.memref_squeeze %dma_wait3A_373 : memref<1x40x128xi32, #tpu.memory_space<hbm>> -> memref<40x128xi32, #tpu.memory_space<hbm>>
        tpu.wait_dma2 semaphore(%run_scoped3A_362 : memref<!tpu.dma_semaphore, #tpu.memory_space<semaphore_mem>>) src(%dma_wait3A_374 : memref<40x128xi32, #tpu.memory_space<hbm>>) dst(%arg12 : memref<40x128xi32, #tpu.memory_space<vmem>>)
        tpu.yield
      }) : () -> ()
      %dma_start3A_139 = arith.constant 0 : i32
      %dma_start3A_140 = arith.constant 0 : i32
      %dma_start3A_141 = arith.constant 0 : i32
      %dma_start3A_142 = tpu.memref_slice %arg13[%dma_start3A_140, %dma_start3A_141] : memref<128x128xf32, #tpu.memory_space<vmem>> -> memref<64x128xf32, #tpu.memory_space<vmem>>
      %dma_start3A_143 = arith.constant 0 : i32
      %dma_start3A_144 = tpu.memref_slice %arg12[%dma_start3A_139, %dma_start3A_143] : memref<40x128xi32, #tpu.memory_space<vmem>> -> memref<1x64xi32, #tpu.memory_space<vmem>>
      %dma_start3A_145 = tpu.memref_squeeze %dma_start3A_144 : memref<1x64xi32, #tpu.memory_space<vmem>> -> memref<64xi32, #tpu.memory_space<vmem>>
      %dma_start3A_146 = arith.constant 0 : i32
      %dma_start3A_147 = arith.constant 0 : i32
      %dma_start3A_148 = tpu.memref_slice %arg4[%dma_start3A_146, %dma_start3A_147] : memref<10000x128xf32, #tpu.memory_space<hbm>> -> memref<10000x128xf32, #tpu.memory_space<hbm>>
      tpu.enqueue_indirect_dma source(%dma_start3A_148 : memref<10000x128xf32, #tpu.memory_space<hbm>>) target(%dma_start3A_142 : memref<64x128xf32, #tpu.memory_space<vmem>>) offsets(%dma_start3A_145 : memref<64xi32, #tpu.memory_space<vmem>>) semaphore(%arg17 : memref<!tpu.dma_semaphore, #tpu.memory_space<semaphore_mem>>)
      %dma_start3A_149 = arith.constant 0 : i32
      %dma_start3A_150 = arith.constant 64 : i32
      %dma_start3A_151 = arith.constant 0 : i32
      %dma_start3A_152 = tpu.memref_slice %arg13[%dma_start3A_150, %dma_start3A_151] : memref<128x128xf32, #tpu.memory_space<vmem>> -> memref<64x128xf32, #tpu.memory_space<vmem>>
      %dma_start3A_153 = arith.constant 64 : i32
      %dma_start3A_154 = tpu.memref_slice %arg12[%dma_start3A_149, %dma_start3A_153] : memref<40x128xi32, #tpu.memory_space<vmem>> -> memref<1x64xi32, #tpu.memory_space<vmem>>
      %dma_start3A_155 = tpu.memref_squeeze %dma_start3A_154 : memref<1x64xi32, #tpu.memory_space<vmem>> -> memref<64xi32, #tpu.memory_space<vmem>>
      %dma_start3A_156 = arith.constant 0 : i32
      %dma_start3A_157 = arith.constant 0 : i32
      %dma_start3A_158 = tpu.memref_slice %arg4[%dma_start3A_156, %dma_start3A_157] : memref<10000x128xf32, #tpu.memory_space<hbm>> -> memref<10000x128xf32, #tpu.memory_space<hbm>>
      tpu.enqueue_indirect_dma source(%dma_start3A_158 : memref<10000x128xf32, #tpu.memory_space<hbm>>) target(%dma_start3A_152 : memref<64x128xf32, #tpu.memory_space<vmem>>) offsets(%dma_start3A_155 : memref<64xi32, #tpu.memory_space<vmem>>) semaphore(%arg18 : memref<!tpu.dma_semaphore, #tpu.memory_space<semaphore_mem>>)
      %scan3A_159 = arith.constant 0 : i32
      %scan3A_160 = arith.constant 0 : i32
      %scan3A_161 = arith.constant 40 : i32
      %scan3A_162 = arith.addi %scan3A_160, %scan3A_161 : i32
      %scan3A_163 = arith.constant 1 : i32
      scf.for %scan3A_362 = %scan3A_160 to %scan3A_162 step %scan3A_163  : i32 {
        %jit3A = arith.constant 2 : i32
        %eq3A_363 = arith.constant 0 : i32
        %eq3A_364 = arith.cmpi eq, %jit3A, %eq3A_363 : i32
        %jit3A_365 = arith.constant 1 : i32
        %select_n3A = arith.select %eq3A_364, %jit3A_365, %jit3A : i32
        %rem3A = arith.remsi %scan3A_362, %select_n3A : i32
        %ne3A = arith.constant 0 : i32
        %ne3A_366 = arith.cmpi ne, %rem3A, %ne3A : i32
        %lt3A = arith.constant 0 : i32
        %lt3A_367 = arith.cmpi slt, %rem3A, %lt3A : i32
        %lt3A_368 = arith.constant 0 : i32
        %lt3A_369 = arith.cmpi slt, %select_n3A, %lt3A_368 : i32
        %ne3A_370 = arith.xori %lt3A_367, %lt3A_369 : i1
        %and3A = arith.andi %ne3A_370, %ne3A_366 : i1
        %add3A_371 = arith.addi %rem3A, %select_n3A : i32
        %select_n3A_372 = arith.select %and3A, %add3A_371, %rem3A : i32
        %eq3A_373 = arith.constant 0 : i32
        %eq3A_374 = arith.cmpi eq, %select_n3A_372, %eq3A_373 : i32
        %convert_element_type3A_375 = arith.extui %eq3A_374 : i1 to i32
        %cond3A_376 = arith.constant 0 : i32
        %cond3A_377 = arith.cmpi ne, %convert_element_type3A_375, %cond3A_376 : i32
        scf.if %cond3A_377 {
          %dma_wait3A_399 = arith.constant 0 : i32
          %dma_wait3A_400 = arith.constant 0 : i32
          %dma_wait3A_401 = tpu.memref_slice %arg13[%dma_wait3A_399, %dma_wait3A_400] : memref<128x128xf32, #tpu.memory_space<vmem>> -> memref<64x128xf32, #tpu.memory_space<vmem>>
          %dma_wait3A_402 = arith.constant 0 : i32
          %dma_wait3A_403 = tpu.memref_slice %arg12[%scan3A_362, %dma_wait3A_402] : memref<40x128xi32, #tpu.memory_space<vmem>> -> memref<1x64xi32, #tpu.memory_space<vmem>>
          %dma_wait3A_404 = tpu.memref_squeeze %dma_wait3A_403 : memref<1x64xi32, #tpu.memory_space<vmem>> -> memref<64xi32, #tpu.memory_space<vmem>>
          %dma_wait3A_405 = arith.constant 0 : i32
          %dma_wait3A_406 = arith.constant 0 : i32
          %dma_wait3A_407 = tpu.memref_slice %arg4[%dma_wait3A_405, %dma_wait3A_406] : memref<10000x128xf32, #tpu.memory_space<hbm>> -> memref<10000x128xf32, #tpu.memory_space<hbm>>
          tpu.wait_indirect_dma semaphore(%arg17 : memref<!tpu.dma_semaphore, #tpu.memory_space<semaphore_mem>>) src(%dma_wait3A_407 : memref<10000x128xf32, #tpu.memory_space<hbm>>) dst(%dma_wait3A_401 : memref<64x128xf32, #tpu.memory_space<vmem>>)
          %dma_wait3A_408 = arith.constant 64 : i32
          %dma_wait3A_409 = arith.constant 0 : i32
          %dma_wait3A_410 = tpu.memref_slice %arg13[%dma_wait3A_408, %dma_wait3A_409] : memref<128x128xf32, #tpu.memory_space<vmem>> -> memref<64x128xf32, #tpu.memory_space<vmem>>
          %dma_wait3A_411 = arith.constant 64 : i32
          %dma_wait3A_412 = tpu.memref_slice %arg12[%scan3A_362, %dma_wait3A_411] : memref<40x128xi32, #tpu.memory_space<vmem>> -> memref<1x64xi32, #tpu.memory_space<vmem>>
          %dma_wait3A_413 = tpu.memref_squeeze %dma_wait3A_412 : memref<1x64xi32, #tpu.memory_space<vmem>> -> memref<64xi32, #tpu.memory_space<vmem>>
          %dma_wait3A_414 = arith.constant 0 : i32
          %dma_wait3A_415 = arith.constant 0 : i32
          %dma_wait3A_416 = tpu.memref_slice %arg4[%dma_wait3A_414, %dma_wait3A_415] : memref<10000x128xf32, #tpu.memory_space<hbm>> -> memref<10000x128xf32, #tpu.memory_space<hbm>>
          tpu.wait_indirect_dma semaphore(%arg18 : memref<!tpu.dma_semaphore, #tpu.memory_space<semaphore_mem>>) src(%dma_wait3A_416 : memref<10000x128xf32, #tpu.memory_space<hbm>>) dst(%dma_wait3A_410 : memref<64x128xf32, #tpu.memory_space<vmem>>)
          %add3A_417 = arith.constant 1 : i32
          %add3A_418 = arith.addi %scan3A_362, %add3A_417 : i32
          %lt3A_419 = arith.constant 40 : i32
          %lt3A_420 = arith.cmpi slt, %add3A_418, %lt3A_419 : i32
          %convert_element_type3A_421 = arith.extui %lt3A_420 : i1 to i32
          %cond3A_422 = arith.constant 0 : i32
          %cond3A_423 = arith.cmpi ne, %convert_element_type3A_421, %cond3A_422 : i32
          scf.if %cond3A_423 {
            %gt3A = arith.constant 0 : i32
            %gt3A_430 = arith.cmpi sgt, %scan3A_362, %gt3A : i32
            %convert_element_type3A_431 = arith.extui %gt3A_430 : i1 to i32
            %cond3A_432 = arith.constant 0 : i32
            %cond3A_433 = arith.cmpi ne, %convert_element_type3A_431, %cond3A_432 : i32
            scf.if %cond3A_433 {
              %sub3A = arith.constant 1 : i32
              %sub3A_454 = arith.subi %scan3A_362, %sub3A : i32
              %dma_wait3A_455 = arith.constant 0 : i32
              %dma_wait3A_456 = tpu.memref_slice %arg11[%sub3A_454, %dma_wait3A_455] : memref<40x128xi32, #tpu.memory_space<vmem>> -> memref<1x128xi32, #tpu.memory_space<vmem>>
              %dma_wait3A_457 = tpu.memref_squeeze %dma_wait3A_456 : memref<1x128xi32, #tpu.memory_space<vmem>> -> memref<128xi32, #tpu.memory_space<vmem>>
              %dma_wait3A_458 = arith.constant 0 : i32
              %dma_wait3A_459 = arith.constant 0 : i32
              %dma_wait3A_460 = tpu.memref_slice %arg16[%dma_wait3A_458, %dma_wait3A_459] : memref<10240x128xf32, #tpu.memory_space<vmem_shared>> -> memref<10240x128xf32, #tpu.memory_space<vmem_shared>>
              tpu.wait_indirect_dma semaphore(%arg22 : memref<!tpu.dma_semaphore, #tpu.memory_space<semaphore_mem>>) src(%arg14 : memref<128x128xf32, #tpu.memory_space<vmem>>) dst(%dma_wait3A_460 : memref<10240x128xf32, #tpu.memory_space<vmem_shared>>)
            } else {
            }
            %add3A_434 = arith.constant 1 : i32
            %add3A_435 = arith.addi %scan3A_362, %add3A_434 : i32
            %dma_start3A_436 = arith.constant 0 : i32
            %dma_start3A_437 = arith.constant 0 : i32
            %dma_start3A_438 = tpu.memref_slice %arg14[%dma_start3A_436, %dma_start3A_437] : memref<128x128xf32, #tpu.memory_space<vmem>> -> memref<64x128xf32, #tpu.memory_space<vmem>>
            %dma_start3A_439 = arith.constant 0 : i32
            %dma_start3A_440 = tpu.memref_slice %arg12[%add3A_435, %dma_start3A_439] : memref<40x128xi32, #tpu.memory_space<vmem>> -> memref<1x64xi32, #tpu.memory_space<vmem>>
            %dma_start3A_441 = tpu.memref_squeeze %dma_start3A_440 : memref<1x64xi32, #tpu.memory_space<vmem>> -> memref<64xi32, #tpu.memory_space<vmem>>
            %dma_start3A_442 = arith.constant 0 : i32
            %dma_start3A_443 = arith.constant 0 : i32
            %dma_start3A_444 = tpu.memref_slice %arg4[%dma_start3A_442, %dma_start3A_443] : memref<10000x128xf32, #tpu.memory_space<hbm>> -> memref<10000x128xf32, #tpu.memory_space<hbm>>
            tpu.enqueue_indirect_dma source(%dma_start3A_444 : memref<10000x128xf32, #tpu.memory_space<hbm>>) target(%dma_start3A_438 : memref<64x128xf32, #tpu.memory_space<vmem>>) offsets(%dma_start3A_441 : memref<64xi32, #tpu.memory_space<vmem>>) semaphore(%arg19 : memref<!tpu.dma_semaphore, #tpu.memory_space<semaphore_mem>>)
            %dma_start3A_445 = arith.constant 64 : i32
            %dma_start3A_446 = arith.constant 0 : i32
            %dma_start3A_447 = tpu.memref_slice %arg14[%dma_start3A_445, %dma_start3A_446] : memref<128x128xf32, #tpu.memory_space<vmem>> -> memref<64x128xf32, #tpu.memory_space<vmem>>
            %dma_start3A_448 = arith.constant 64 : i32
            %dma_start3A_449 = tpu.memref_slice %arg12[%add3A_435, %dma_start3A_448] : memref<40x128xi32, #tpu.memory_space<vmem>> -> memref<1x64xi32, #tpu.memory_space<vmem>>
            %dma_start3A_450 = tpu.memref_squeeze %dma_start3A_449 : memref<1x64xi32, #tpu.memory_space<vmem>> -> memref<64xi32, #tpu.memory_space<vmem>>
            %dma_start3A_451 = arith.constant 0 : i32
            %dma_start3A_452 = arith.constant 0 : i32
            %dma_start3A_453 = tpu.memref_slice %arg4[%dma_start3A_451, %dma_start3A_452] : memref<10000x128xf32, #tpu.memory_space<hbm>> -> memref<10000x128xf32, #tpu.memory_space<hbm>>
            tpu.enqueue_indirect_dma source(%dma_start3A_453 : memref<10000x128xf32, #tpu.memory_space<hbm>>) target(%dma_start3A_447 : memref<64x128xf32, #tpu.memory_space<vmem>>) offsets(%dma_start3A_450 : memref<64xi32, #tpu.memory_space<vmem>>) semaphore(%arg20 : memref<!tpu.dma_semaphore, #tpu.memory_space<semaphore_mem>>)
          } else {
          }
          %dma_start3A_424 = arith.constant 0 : i32
          %dma_start3A_425 = tpu.memref_slice %arg11[%scan3A_362, %dma_start3A_424] : memref<40x128xi32, #tpu.memory_space<vmem>> -> memref<1x128xi32, #tpu.memory_space<vmem>>
          %dma_start3A_426 = tpu.memref_squeeze %dma_start3A_425 : memref<1x128xi32, #tpu.memory_space<vmem>> -> memref<128xi32, #tpu.memory_space<vmem>>
          %dma_start3A_427 = arith.constant 0 : i32
          %dma_start3A_428 = arith.constant 0 : i32
          %dma_start3A_429 = tpu.memref_slice %arg16[%dma_start3A_427, %dma_start3A_428] : memref<10240x128xf32, #tpu.memory_space<vmem_shared>> -> memref<10240x128xf32, #tpu.memory_space<vmem_shared>>
          tpu.enqueue_indirect_dma source(%arg13 : memref<128x128xf32, #tpu.memory_space<vmem>>) target(%dma_start3A_429 : memref<10240x128xf32, #tpu.memory_space<vmem_shared>>) offsets(%dma_start3A_426 : memref<128xi32, #tpu.memory_space<vmem>>) semaphore(%arg21 : memref<!tpu.dma_semaphore, #tpu.memory_space<semaphore_mem>>) {add = true}
        } else {
        }
        %jit3A_378 = arith.constant 2 : i32
        %eq3A_379 = arith.constant 0 : i32
        %eq3A_380 = arith.cmpi eq, %jit3A_378, %eq3A_379 : i32
        %jit3A_381 = arith.constant 1 : i32
        %select_n3A_382 = arith.select %eq3A_380, %jit3A_381, %jit3A_378 : i32
        %rem3A_383 = arith.remsi %scan3A_362, %select_n3A_382 : i32
        %ne3A_384 = arith.constant 0 : i32
        %ne3A_385 = arith.cmpi ne, %rem3A_383, %ne3A_384 : i32
        %lt3A_386 = arith.constant 0 : i32
        %lt3A_387 = arith.cmpi slt, %rem3A_383, %lt3A_386 : i32
        %lt3A_388 = arith.constant 0 : i32
        %lt3A_389 = arith.cmpi slt, %select_n3A_382, %lt3A_388 : i32
        %ne3A_390 = arith.xori %lt3A_387, %lt3A_389 : i1
        %and3A_391 = arith.andi %ne3A_390, %ne3A_385 : i1
        %add3A_392 = arith.addi %rem3A_383, %select_n3A_382 : i32
        %select_n3A_393 = arith.select %and3A_391, %add3A_392, %rem3A_383 : i32
        %eq3A_394 = arith.constant 1 : i32
        %eq3A_395 = arith.cmpi eq, %select_n3A_393, %eq3A_394 : i32
        %convert_element_type3A_396 = arith.extui %eq3A_395 : i1 to i32
        %cond3A_397 = arith.constant 0 : i32
        %cond3A_398 = arith.cmpi ne, %convert_element_type3A_396, %cond3A_397 : i32
        scf.if %cond3A_398 {
          %dma_wait3A_399 = arith.constant 0 : i32
          %dma_wait3A_400 = arith.constant 0 : i32
          %dma_wait3A_401 = tpu.memref_slice %arg14[%dma_wait3A_399, %dma_wait3A_400] : memref<128x128xf32, #tpu.memory_space<vmem>> -> memref<64x128xf32, #tpu.memory_space<vmem>>
          %dma_wait3A_402 = arith.constant 0 : i32
          %dma_wait3A_403 = tpu.memref_slice %arg12[%scan3A_362, %dma_wait3A_402] : memref<40x128xi32, #tpu.memory_space<vmem>> -> memref<1x64xi32, #tpu.memory_space<vmem>>
          %dma_wait3A_404 = tpu.memref_squeeze %dma_wait3A_403 : memref<1x64xi32, #tpu.memory_space<vmem>> -> memref<64xi32, #tpu.memory_space<vmem>>
          %dma_wait3A_405 = arith.constant 0 : i32
          %dma_wait3A_406 = arith.constant 0 : i32
          %dma_wait3A_407 = tpu.memref_slice %arg4[%dma_wait3A_405, %dma_wait3A_406] : memref<10000x128xf32, #tpu.memory_space<hbm>> -> memref<10000x128xf32, #tpu.memory_space<hbm>>
          tpu.wait_indirect_dma semaphore(%arg19 : memref<!tpu.dma_semaphore, #tpu.memory_space<semaphore_mem>>) src(%dma_wait3A_407 : memref<10000x128xf32, #tpu.memory_space<hbm>>) dst(%dma_wait3A_401 : memref<64x128xf32, #tpu.memory_space<vmem>>)
          %dma_wait3A_408 = arith.constant 64 : i32
          %dma_wait3A_409 = arith.constant 0 : i32
          %dma_wait3A_410 = tpu.memref_slice %arg14[%dma_wait3A_408, %dma_wait3A_409] : memref<128x128xf32, #tpu.memory_space<vmem>> -> memref<64x128xf32, #tpu.memory_space<vmem>>
          %dma_wait3A_411 = arith.constant 64 : i32
          %dma_wait3A_412 = tpu.memref_slice %arg12[%scan3A_362, %dma_wait3A_411] : memref<40x128xi32, #tpu.memory_space<vmem>> -> memref<1x64xi32, #tpu.memory_space<vmem>>
          %dma_wait3A_413 = tpu.memref_squeeze %dma_wait3A_412 : memref<1x64xi32, #tpu.memory_space<vmem>> -> memref<64xi32, #tpu.memory_space<vmem>>
          %dma_wait3A_414 = arith.constant 0 : i32
          %dma_wait3A_415 = arith.constant 0 : i32
          %dma_wait3A_416 = tpu.memref_slice %arg4[%dma_wait3A_414, %dma_wait3A_415] : memref<10000x128xf32, #tpu.memory_space<hbm>> -> memref<10000x128xf32, #tpu.memory_space<hbm>>
          tpu.wait_indirect_dma semaphore(%arg20 : memref<!tpu.dma_semaphore, #tpu.memory_space<semaphore_mem>>) src(%dma_wait3A_416 : memref<10000x128xf32, #tpu.memory_space<hbm>>) dst(%dma_wait3A_410 : memref<64x128xf32, #tpu.memory_space<vmem>>)
          %add3A_417 = arith.constant 1 : i32
          %add3A_418 = arith.addi %scan3A_362, %add3A_417 : i32
          %lt3A_419 = arith.constant 40 : i32
          %lt3A_420 = arith.cmpi slt, %add3A_418, %lt3A_419 : i32
          %convert_element_type3A_421 = arith.extui %lt3A_420 : i1 to i32
          %cond3A_422 = arith.constant 0 : i32
          %cond3A_423 = arith.cmpi ne, %convert_element_type3A_421, %cond3A_422 : i32
          scf.if %cond3A_423 {
            %sub3A = arith.constant 1 : i32
            %sub3A_430 = arith.subi %scan3A_362, %sub3A : i32
            %dma_wait3A_431 = arith.constant 0 : i32
            %dma_wait3A_432 = tpu.memref_slice %arg11[%sub3A_430, %dma_wait3A_431] : memref<40x128xi32, #tpu.memory_space<vmem>> -> memref<1x128xi32, #tpu.memory_space<vmem>>
            %dma_wait3A_433 = tpu.memref_squeeze %dma_wait3A_432 : memref<1x128xi32, #tpu.memory_space<vmem>> -> memref<128xi32, #tpu.memory_space<vmem>>
            %dma_wait3A_434 = arith.constant 0 : i32
            %dma_wait3A_435 = arith.constant 0 : i32
            %dma_wait3A_436 = tpu.memref_slice %arg16[%dma_wait3A_434, %dma_wait3A_435] : memref<10240x128xf32, #tpu.memory_space<vmem_shared>> -> memref<10240x128xf32, #tpu.memory_space<vmem_shared>>
            tpu.wait_indirect_dma semaphore(%arg21 : memref<!tpu.dma_semaphore, #tpu.memory_space<semaphore_mem>>) src(%arg13 : memref<128x128xf32, #tpu.memory_space<vmem>>) dst(%dma_wait3A_436 : memref<10240x128xf32, #tpu.memory_space<vmem_shared>>)
            %add3A_437 = arith.constant 1 : i32
            %add3A_438 = arith.addi %scan3A_362, %add3A_437 : i32
            %dma_start3A_439 = arith.constant 0 : i32
            %dma_start3A_440 = arith.constant 0 : i32
            %dma_start3A_441 = tpu.memref_slice %arg13[%dma_start3A_439, %dma_start3A_440] : memref<128x128xf32, #tpu.memory_space<vmem>> -> memref<64x128xf32, #tpu.memory_space<vmem>>
            %dma_start3A_442 = arith.constant 0 : i32
            %dma_start3A_443 = tpu.memref_slice %arg12[%add3A_438, %dma_start3A_442] : memref<40x128xi32, #tpu.memory_space<vmem>> -> memref<1x64xi32, #tpu.memory_space<vmem>>
            %dma_start3A_444 = tpu.memref_squeeze %dma_start3A_443 : memref<1x64xi32, #tpu.memory_space<vmem>> -> memref<64xi32, #tpu.memory_space<vmem>>
            %dma_start3A_445 = arith.constant 0 : i32
            %dma_start3A_446 = arith.constant 0 : i32
            %dma_start3A_447 = tpu.memref_slice %arg4[%dma_start3A_445, %dma_start3A_446] : memref<10000x128xf32, #tpu.memory_space<hbm>> -> memref<10000x128xf32, #tpu.memory_space<hbm>>
            tpu.enqueue_indirect_dma source(%dma_start3A_447 : memref<10000x128xf32, #tpu.memory_space<hbm>>) target(%dma_start3A_441 : memref<64x128xf32, #tpu.memory_space<vmem>>) offsets(%dma_start3A_444 : memref<64xi32, #tpu.memory_space<vmem>>) semaphore(%arg17 : memref<!tpu.dma_semaphore, #tpu.memory_space<semaphore_mem>>)
            %dma_start3A_448 = arith.constant 64 : i32
            %dma_start3A_449 = arith.constant 0 : i32
            %dma_start3A_450 = tpu.memref_slice %arg13[%dma_start3A_448, %dma_start3A_449] : memref<128x128xf32, #tpu.memory_space<vmem>> -> memref<64x128xf32, #tpu.memory_space<vmem>>
            %dma_start3A_451 = arith.constant 64 : i32
            %dma_start3A_452 = tpu.memref_slice %arg12[%add3A_438, %dma_start3A_451] : memref<40x128xi32, #tpu.memory_space<vmem>> -> memref<1x64xi32, #tpu.memory_space<vmem>>
            %dma_start3A_453 = tpu.memref_squeeze %dma_start3A_452 : memref<1x64xi32, #tpu.memory_space<vmem>> -> memref<64xi32, #tpu.memory_space<vmem>>
            %dma_start3A_454 = arith.constant 0 : i32
            %dma_start3A_455 = arith.constant 0 : i32
            %dma_start3A_456 = tpu.memref_slice %arg4[%dma_start3A_454, %dma_start3A_455] : memref<10000x128xf32, #tpu.memory_space<hbm>> -> memref<10000x128xf32, #tpu.memory_space<hbm>>
            tpu.enqueue_indirect_dma source(%dma_start3A_456 : memref<10000x128xf32, #tpu.memory_space<hbm>>) target(%dma_start3A_450 : memref<64x128xf32, #tpu.memory_space<vmem>>) offsets(%dma_start3A_453 : memref<64xi32, #tpu.memory_space<vmem>>) semaphore(%arg18 : memref<!tpu.dma_semaphore, #tpu.memory_space<semaphore_mem>>)
          } else {
          }
          %dma_start3A_424 = arith.constant 0 : i32
          %dma_start3A_425 = tpu.memref_slice %arg11[%scan3A_362, %dma_start3A_424] : memref<40x128xi32, #tpu.memory_space<vmem>> -> memref<1x128xi32, #tpu.memory_space<vmem>>
          %dma_start3A_426 = tpu.memref_squeeze %dma_start3A_425 : memref<1x128xi32, #tpu.memory_space<vmem>> -> memref<128xi32, #tpu.memory_space<vmem>>
          %dma_start3A_427 = arith.constant 0 : i32
          %dma_start3A_428 = arith.constant 0 : i32
          %dma_start3A_429 = tpu.memref_slice %arg16[%dma_start3A_427, %dma_start3A_428] : memref<10240x128xf32, #tpu.memory_space<vmem_shared>> -> memref<10240x128xf32, #tpu.memory_space<vmem_shared>>
          tpu.enqueue_indirect_dma source(%arg14 : memref<128x128xf32, #tpu.memory_space<vmem>>) target(%dma_start3A_429 : memref<10240x128xf32, #tpu.memory_space<vmem_shared>>) offsets(%dma_start3A_426 : memref<128xi32, #tpu.memory_space<vmem>>) semaphore(%arg22 : memref<!tpu.dma_semaphore, #tpu.memory_space<semaphore_mem>>) {add = true}
        } else {
        }
      }
      %scan3A_164 = arith.constant 40 : i32
      %dma_wait3A_165 = arith.constant 38 : i32
      %dma_wait3A_166 = arith.constant 0 : i32
      %dma_wait3A_167 = tpu.memref_slice %arg11[%dma_wait3A_165, %dma_wait3A_166] : memref<40x128xi32, #tpu.memory_space<vmem>> -> memref<1x128xi32, #tpu.memory_space<vmem>>
      %dma_wait3A_168 = tpu.memref_squeeze %dma_wait3A_167 : memref<1x128xi32, #tpu.memory_space<vmem>> -> memref<128xi32, #tpu.memory_space<vmem>>
      %dma_wait3A_169 = arith.constant 0 : i32
      %dma_wait3A_170 = arith.constant 0 : i32
      %dma_wait3A_171 = tpu.memref_slice %arg16[%dma_wait3A_169, %dma_wait3A_170] : memref<10240x128xf32, #tpu.memory_space<vmem_shared>> -> memref<10240x128xf32, #tpu.memory_space<vmem_shared>>
      tpu.wait_indirect_dma semaphore(%arg21 : memref<!tpu.dma_semaphore, #tpu.memory_space<semaphore_mem>>) src(%arg13 : memref<128x128xf32, #tpu.memory_space<vmem>>) dst(%dma_wait3A_171 : memref<10240x128xf32, #tpu.memory_space<vmem_shared>>)
      %dma_wait3A_172 = arith.constant 39 : i32
      %dma_wait3A_173 = arith.constant 0 : i32
      %dma_wait3A_174 = tpu.memref_slice %arg11[%dma_wait3A_172, %dma_wait3A_173] : memref<40x128xi32, #tpu.memory_space<vmem>> -> memref<1x128xi32, #tpu.memory_space<vmem>>
      %dma_wait3A_175 = tpu.memref_squeeze %dma_wait3A_174 : memref<1x128xi32, #tpu.memory_space<vmem>> -> memref<128xi32, #tpu.memory_space<vmem>>
      %dma_wait3A_176 = arith.constant 0 : i32
      %dma_wait3A_177 = arith.constant 0 : i32
      %dma_wait3A_178 = tpu.memref_slice %arg16[%dma_wait3A_176, %dma_wait3A_177] : memref<10240x128xf32, #tpu.memory_space<vmem_shared>> -> memref<10240x128xf32, #tpu.memory_space<vmem_shared>>
      tpu.wait_indirect_dma semaphore(%arg22 : memref<!tpu.dma_semaphore, #tpu.memory_space<semaphore_mem>>) src(%arg14 : memref<128x128xf32, #tpu.memory_space<vmem>>) dst(%dma_wait3A_178 : memref<10240x128xf32, #tpu.memory_space<vmem_shared>>)
      %barrier3A_179 = arith.constant 0 : index
      tpu.barrier barrier_id(%barrier3A_179)
      %mul3A_180 = arith.constant 640 : i32
      %mul3A_181 = arith.muli %arg1, %mul3A_180 : i32
      %mul3A_182 = arith.constant 640 : i32
      %mul3A_183 = arith.muli %arg1, %mul3A_182 : i32
      "tpu.region"() ({
        %run_scoped3A_362 = tpu.sem_alloc : memref<!tpu.dma_semaphore, #tpu.memory_space<semaphore_mem>>
        %dma_start3A_363 = arith.constant 0 : i32
        %dma_start3A_364 = tpu.memref_slice %arg9[%mul3A_183, %dma_start3A_363] : memref<10240x128xf32, #tpu.memory_space<hbm>> -> memref<640x128xf32, #tpu.memory_space<hbm>>
        %dma_start3A_365 = arith.constant 0 : i32
        %dma_start3A_366 = tpu.memref_slice %arg16[%mul3A_181, %dma_start3A_365] : memref<10240x128xf32, #tpu.memory_space<vmem_shared>> -> memref<640x128xf32, #tpu.memory_space<vmem_shared>>
        tpu.enqueue_dma source(%dma_start3A_366 : memref<640x128xf32, #tpu.memory_space<vmem_shared>>) target(%dma_start3A_364 : memref<640x128xf32, #tpu.memory_space<hbm>>) target_semaphore(%run_scoped3A_362 : memref<!tpu.dma_semaphore, #tpu.memory_space<semaphore_mem>>)
        %dma_wait3A_367 = arith.constant 0 : i32
        %dma_wait3A_368 = tpu.memref_slice %arg9[%mul3A_183, %dma_wait3A_367] : memref<10240x128xf32, #tpu.memory_space<hbm>> -> memref<640x128xf32, #tpu.memory_space<hbm>>
        %dma_wait3A_369 = arith.constant 0 : i32
        %dma_wait3A_370 = tpu.memref_slice %arg16[%mul3A_181, %dma_wait3A_369] : memref<10240x128xf32, #tpu.memory_space<vmem_shared>> -> memref<640x128xf32, #tpu.memory_space<vmem_shared>>
        tpu.wait_dma2 semaphore(%run_scoped3A_362 : memref<!tpu.dma_semaphore, #tpu.memory_space<semaphore_mem>>) src(%dma_wait3A_370 : memref<640x128xf32, #tpu.memory_space<vmem_shared>>) dst(%dma_wait3A_368 : memref<640x128xf32, #tpu.memory_space<hbm>>)
        tpu.yield
      }) : () -> ()
      %mul3A_184 = arith.constant 640 : i32
      %mul3A_185 = arith.muli %arg1, %mul3A_184 : i32
      %add3A_186 = arith.constant 0 : i32
      %add3A_187 = arith.addi %mul3A_185, %add3A_186 : i32
      "tpu.region"() ({
        %run_scoped3A_362 = tpu.sem_alloc : memref<!tpu.dma_semaphore, #tpu.memory_space<semaphore_mem>>
        %dma_start3A_363 = arith.constant 0 : i32
        %dma_start3A_364 = tpu.memref_slice %arg16[%add3A_187, %dma_start3A_363] : memref<10240x128xf32, #tpu.memory_space<vmem_shared>> -> memref<32x128xf32, #tpu.memory_space<vmem_shared>>
        %dma_start3A_365 = arith.constant 0 : i32
        %dma_start3A_366 = tpu.memref_slice %arg16[%add3A_187, %dma_start3A_365] : memref<10240x128xf32, #tpu.memory_space<vmem_shared>> -> memref<32x128xf32, #tpu.memory_space<vmem_shared>>
        tpu.enqueue_dma source(%arg15 : memref<32x128xf32, #tpu.memory_space<vmem>>) target(%dma_start3A_366 : memref<32x128xf32, #tpu.memory_space<vmem_shared>>) target_semaphore(%run_scoped3A_362 : memref<!tpu.dma_semaphore, #tpu.memory_space<semaphore_mem>>)
        %dma_wait3A_367 = arith.constant 0 : i32
        %dma_wait3A_368 = tpu.memref_slice %arg16[%add3A_187, %dma_wait3A_367] : memref<10240x128xf32, #tpu.memory_space<vmem_shared>> -> memref<32x128xf32, #tpu.memory_space<vmem_shared>>
        %dma_wait3A_369 = arith.constant 0 : i32
        %dma_wait3A_370 = tpu.memref_slice %arg16[%add3A_187, %dma_wait3A_369] : memref<10240x128xf32, #tpu.memory_space<vmem_shared>> -> memref<32x128xf32, #tpu.memory_space<vmem_shared>>
        tpu.wait_dma2 semaphore(%run_scoped3A_362 : memref<!tpu.dma_semaphore, #tpu.memory_space<semaphore_mem>>) src(%arg15 : memref<32x128xf32, #tpu.memory_space<vmem>>) dst(%dma_wait3A_370 : memref<32x128xf32, #tpu.memory_space<vmem_shared>>)
        tpu.yield
      }) : () -> ()
      %mul3A_188 = arith.constant 640 : i32
      %mul3A_189 = arith.muli %arg1, %mul3A_188 : i32
      %add3A_190 = arith.constant 32 : i32
      %add3A_191 = arith.addi %mul3A_189, %add3A_190 : i32
      "tpu.region"() ({
        %run_scoped3A_362 = tpu.sem_alloc : memref<!tpu.dma_semaphore, #tpu.memory_space<semaphore_mem>>
        %dma_start3A_363 = arith.constant 0 : i32
        %dma_start3A_364 = tpu.memref_slice %arg16[%add3A_191, %dma_start3A_363] : memref<10240x128xf32, #tpu.memory_space<vmem_shared>> -> memref<32x128xf32, #tpu.memory_space<vmem_shared>>
        %dma_start3A_365 = arith.constant 0 : i32
        %dma_start3A_366 = tpu.memref_slice %arg16[%add3A_191, %dma_start3A_365] : memref<10240x128xf32, #tpu.memory_space<vmem_shared>> -> memref<32x128xf32, #tpu.memory_space<vmem_shared>>
        tpu.enqueue_dma source(%arg15 : memref<32x128xf32, #tpu.memory_space<vmem>>) target(%dma_start3A_366 : memref<32x128xf32, #tpu.memory_space<vmem_shared>>) target_semaphore(%run_scoped3A_362 : memref<!tpu.dma_semaphore, #tpu.memory_space<semaphore_mem>>)
        %dma_wait3A_367 = arith.constant 0 : i32
        %dma_wait3A_368 = tpu.memref_slice %arg16[%add3A_191, %dma_wait3A_367] : memref<10240x128xf32, #tpu.memory_space<vmem_shared>> -> memref<32x128xf32, #tpu.memory_space<vmem_shared>>
        %dma_wait3A_369 = arith.constant 0 : i32
        %dma_wait3A_370 = tpu.memref_slice %arg16[%add3A_191, %dma_wait3A_369] : memref<10240x128xf32, #tpu.memory_space<vmem_shared>> -> memref<32x128xf32, #tpu.memory_space<vmem_shared>>
        tpu.wait_dma2 semaphore(%run_scoped3A_362 : memref<!tpu.dma_semaphore, #tpu.memory_space<semaphore_mem>>) src(%arg15 : memref<32x128xf32, #tpu.memory_space<vmem>>) dst(%dma_wait3A_370 : memref<32x128xf32, #tpu.memory_space<vmem_shared>>)
        tpu.yield
      }) : () -> ()
      %mul3A_192 = arith.constant 640 : i32
      %mul3A_193 = arith.muli %arg1, %mul3A_192 : i32
      %add3A_194 = arith.constant 64 : i32
      %add3A_195 = arith.addi %mul3A_193, %add3A_194 : i32
      "tpu.region"() ({
        %run_scoped3A_362 = tpu.sem_alloc : memref<!tpu.dma_semaphore, #tpu.memory_space<semaphore_mem>>
        %dma_start3A_363 = arith.constant 0 : i32
        %dma_start3A_364 = tpu.memref_slice %arg16[%add3A_195, %dma_start3A_363] : memref<10240x128xf32, #tpu.memory_space<vmem_shared>> -> memref<32x128xf32, #tpu.memory_space<vmem_shared>>
        %dma_start3A_365 = arith.constant 0 : i32
        %dma_start3A_366 = tpu.memref_slice %arg16[%add3A_195, %dma_start3A_365] : memref<10240x128xf32, #tpu.memory_space<vmem_shared>> -> memref<32x128xf32, #tpu.memory_space<vmem_shared>>
        tpu.enqueue_dma source(%arg15 : memref<32x128xf32, #tpu.memory_space<vmem>>) target(%dma_start3A_366 : memref<32x128xf32, #tpu.memory_space<vmem_shared>>) target_semaphore(%run_scoped3A_362 : memref<!tpu.dma_semaphore, #tpu.memory_space<semaphore_mem>>)
        %dma_wait3A_367 = arith.constant 0 : i32
        %dma_wait3A_368 = tpu.memref_slice %arg16[%add3A_195, %dma_wait3A_367] : memref<10240x128xf32, #tpu.memory_space<vmem_shared>> -> memref<32x128xf32, #tpu.memory_space<vmem_shared>>
        %dma_wait3A_369 = arith.constant 0 : i32
        %dma_wait3A_370 = tpu.memref_slice %arg16[%add3A_195, %dma_wait3A_369] : memref<10240x128xf32, #tpu.memory_space<vmem_shared>> -> memref<32x128xf32, #tpu.memory_space<vmem_shared>>
        tpu.wait_dma2 semaphore(%run_scoped3A_362 : memref<!tpu.dma_semaphore, #tpu.memory_space<semaphore_mem>>) src(%arg15 : memref<32x128xf32, #tpu.memory_space<vmem>>) dst(%dma_wait3A_370 : memref<32x128xf32, #tpu.memory_space<vmem_shared>>)
        tpu.yield
      }) : () -> ()
      %mul3A_196 = arith.constant 640 : i32
      %mul3A_197 = arith.muli %arg1, %mul3A_196 : i32
      %add3A_198 = arith.constant 96 : i32
      %add3A_199 = arith.addi %mul3A_197, %add3A_198 : i32
      "tpu.region"() ({
        %run_scoped3A_362 = tpu.sem_alloc : memref<!tpu.dma_semaphore, #tpu.memory_space<semaphore_mem>>
        %dma_start3A_363 = arith.constant 0 : i32
        %dma_start3A_364 = tpu.memref_slice %arg16[%add3A_199, %dma_start3A_363] : memref<10240x128xf32, #tpu.memory_space<vmem_shared>> -> memref<32x128xf32, #tpu.memory_space<vmem_shared>>
        %dma_start3A_365 = arith.constant 0 : i32
        %dma_start3A_366 = tpu.memref_slice %arg16[%add3A_199, %dma_start3A_365] : memref<10240x128xf32, #tpu.memory_space<vmem_shared>> -> memref<32x128xf32, #tpu.memory_space<vmem_shared>>
        tpu.enqueue_dma source(%arg15 : memref<32x128xf32, #tpu.memory_space<vmem>>) target(%dma_start3A_366 : memref<32x128xf32, #tpu.memory_space<vmem_shared>>) target_semaphore(%run_scoped3A_362 : memref<!tpu.dma_semaphore, #tpu.memory_space<semaphore_mem>>)
        %dma_wait3A_367 = arith.constant 0 : i32
        %dma_wait3A_368 = tpu.memref_slice %arg16[%add3A_199, %dma_wait3A_367] : memref<10240x128xf32, #tpu.memory_space<vmem_shared>> -> memref<32x128xf32, #tpu.memory_space<vmem_shared>>
        %dma_wait3A_369 = arith.constant 0 : i32
        %dma_wait3A_370 = tpu.memref_slice %arg16[%add3A_199, %dma_wait3A_369] : memref<10240x128xf32, #tpu.memory_space<vmem_shared>> -> memref<32x128xf32, #tpu.memory_space<vmem_shared>>
        tpu.wait_dma2 semaphore(%run_scoped3A_362 : memref<!tpu.dma_semaphore, #tpu.memory_space<semaphore_mem>>) src(%arg15 : memref<32x128xf32, #tpu.memory_space<vmem>>) dst(%dma_wait3A_370 : memref<32x128xf32, #tpu.memory_space<vmem_shared>>)
        tpu.yield
      }) : () -> ()
      %mul3A_200 = arith.constant 640 : i32
      %mul3A_201 = arith.muli %arg1, %mul3A_200 : i32
      %add3A_202 = arith.constant 128 : i32
      %add3A_203 = arith.addi %mul3A_201, %add3A_202 : i32
      "tpu.region"() ({
        %run_scoped3A_362 = tpu.sem_alloc : memref<!tpu.dma_semaphore, #tpu.memory_space<semaphore_mem>>
        %dma_start3A_363 = arith.constant 0 : i32
        %dma_start3A_364 = tpu.memref_slice %arg16[%add3A_203, %dma_start3A_363] : memref<10240x128xf32, #tpu.memory_space<vmem_shared>> -> memref<32x128xf32, #tpu.memory_space<vmem_shared>>
        %dma_start3A_365 = arith.constant 0 : i32
        %dma_start3A_366 = tpu.memref_slice %arg16[%add3A_203, %dma_start3A_365] : memref<10240x128xf32, #tpu.memory_space<vmem_shared>> -> memref<32x128xf32, #tpu.memory_space<vmem_shared>>
        tpu.enqueue_dma source(%arg15 : memref<32x128xf32, #tpu.memory_space<vmem>>) target(%dma_start3A_366 : memref<32x128xf32, #tpu.memory_space<vmem_shared>>) target_semaphore(%run_scoped3A_362 : memref<!tpu.dma_semaphore, #tpu.memory_space<semaphore_mem>>)
        %dma_wait3A_367 = arith.constant 0 : i32
        %dma_wait3A_368 = tpu.memref_slice %arg16[%add3A_203, %dma_wait3A_367] : memref<10240x128xf32, #tpu.memory_space<vmem_shared>> -> memref<32x128xf32, #tpu.memory_space<vmem_shared>>
        %dma_wait3A_369 = arith.constant 0 : i32
        %dma_wait3A_370 = tpu.memref_slice %arg16[%add3A_203, %dma_wait3A_369] : memref<10240x128xf32, #tpu.memory_space<vmem_shared>> -> memref<32x128xf32, #tpu.memory_space<vmem_shared>>
        tpu.wait_dma2 semaphore(%run_scoped3A_362 : memref<!tpu.dma_semaphore, #tpu.memory_space<semaphore_mem>>) src(%arg15 : memref<32x128xf32, #tpu.memory_space<vmem>>) dst(%dma_wait3A_370 : memref<32x128xf32, #tpu.memory_space<vmem_shared>>)
        tpu.yield
      }) : () -> ()
      %mul3A_204 = arith.constant 640 : i32
      %mul3A_205 = arith.muli %arg1, %mul3A_204 : i32
      %add3A_206 = arith.constant 160 : i32
      %add3A_207 = arith.addi %mul3A_205, %add3A_206 : i32
      "tpu.region"() ({
        %run_scoped3A_362 = tpu.sem_alloc : memref<!tpu.dma_semaphore, #tpu.memory_space<semaphore_mem>>
        %dma_start3A_363 = arith.constant 0 : i32
        %dma_start3A_364 = tpu.memref_slice %arg16[%add3A_207, %dma_start3A_363] : memref<10240x128xf32, #tpu.memory_space<vmem_shared>> -> memref<32x128xf32, #tpu.memory_space<vmem_shared>>
        %dma_start3A_365 = arith.constant 0 : i32
        %dma_start3A_366 = tpu.memref_slice %arg16[%add3A_207, %dma_start3A_365] : memref<10240x128xf32, #tpu.memory_space<vmem_shared>> -> memref<32x128xf32, #tpu.memory_space<vmem_shared>>
        tpu.enqueue_dma source(%arg15 : memref<32x128xf32, #tpu.memory_space<vmem>>) target(%dma_start3A_366 : memref<32x128xf32, #tpu.memory_space<vmem_shared>>) target_semaphore(%run_scoped3A_362 : memref<!tpu.dma_semaphore, #tpu.memory_space<semaphore_mem>>)
        %dma_wait3A_367 = arith.constant 0 : i32
        %dma_wait3A_368 = tpu.memref_slice %arg16[%add3A_207, %dma_wait3A_367] : memref<10240x128xf32, #tpu.memory_space<vmem_shared>> -> memref<32x128xf32, #tpu.memory_space<vmem_shared>>
        %dma_wait3A_369 = arith.constant 0 : i32
        %dma_wait3A_370 = tpu.memref_slice %arg16[%add3A_207, %dma_wait3A_369] : memref<10240x128xf32, #tpu.memory_space<vmem_shared>> -> memref<32x128xf32, #tpu.memory_space<vmem_shared>>
        tpu.wait_dma2 semaphore(%run_scoped3A_362 : memref<!tpu.dma_semaphore, #tpu.memory_space<semaphore_mem>>) src(%arg15 : memref<32x128xf32, #tpu.memory_space<vmem>>) dst(%dma_wait3A_370 : memref<32x128xf32, #tpu.memory_space<vmem_shared>>)
        tpu.yield
      }) : () -> ()
      %mul3A_208 = arith.constant 640 : i32
      %mul3A_209 = arith.muli %arg1, %mul3A_208 : i32
      %add3A_210 = arith.constant 192 : i32
      %add3A_211 = arith.addi %mul3A_209, %add3A_210 : i32
      "tpu.region"() ({
        %run_scoped3A_362 = tpu.sem_alloc : memref<!tpu.dma_semaphore, #tpu.memory_space<semaphore_mem>>
        %dma_start3A_363 = arith.constant 0 : i32
        %dma_start3A_364 = tpu.memref_slice %arg16[%add3A_211, %dma_start3A_363] : memref<10240x128xf32, #tpu.memory_space<vmem_shared>> -> memref<32x128xf32, #tpu.memory_space<vmem_shared>>
        %dma_start3A_365 = arith.constant 0 : i32
        %dma_start3A_366 = tpu.memref_slice %arg16[%add3A_211, %dma_start3A_365] : memref<10240x128xf32, #tpu.memory_space<vmem_shared>> -> memref<32x128xf32, #tpu.memory_space<vmem_shared>>
        tpu.enqueue_dma source(%arg15 : memref<32x128xf32, #tpu.memory_space<vmem>>) target(%dma_start3A_366 : memref<32x128xf32, #tpu.memory_space<vmem_shared>>) target_semaphore(%run_scoped3A_362 : memref<!tpu.dma_semaphore, #tpu.memory_space<semaphore_mem>>)
        %dma_wait3A_367 = arith.constant 0 : i32
        %dma_wait3A_368 = tpu.memref_slice %arg16[%add3A_211, %dma_wait3A_367] : memref<10240x128xf32, #tpu.memory_space<vmem_shared>> -> memref<32x128xf32, #tpu.memory_space<vmem_shared>>
        %dma_wait3A_369 = arith.constant 0 : i32
        %dma_wait3A_370 = tpu.memref_slice %arg16[%add3A_211, %dma_wait3A_369] : memref<10240x128xf32, #tpu.memory_space<vmem_shared>> -> memref<32x128xf32, #tpu.memory_space<vmem_shared>>
        tpu.wait_dma2 semaphore(%run_scoped3A_362 : memref<!tpu.dma_semaphore, #tpu.memory_space<semaphore_mem>>) src(%arg15 : memref<32x128xf32, #tpu.memory_space<vmem>>) dst(%dma_wait3A_370 : memref<32x128xf32, #tpu.memory_space<vmem_shared>>)
        tpu.yield
      }) : () -> ()
      %mul3A_212 = arith.constant 640 : i32
      %mul3A_213 = arith.muli %arg1, %mul3A_212 : i32
      %add3A_214 = arith.constant 224 : i32
      %add3A_215 = arith.addi %mul3A_213, %add3A_214 : i32
      "tpu.region"() ({
        %run_scoped3A_362 = tpu.sem_alloc : memref<!tpu.dma_semaphore, #tpu.memory_space<semaphore_mem>>
        %dma_start3A_363 = arith.constant 0 : i32
        %dma_start3A_364 = tpu.memref_slice %arg16[%add3A_215, %dma_start3A_363] : memref<10240x128xf32, #tpu.memory_space<vmem_shared>> -> memref<32x128xf32, #tpu.memory_space<vmem_shared>>
        %dma_start3A_365 = arith.constant 0 : i32
        %dma_start3A_366 = tpu.memref_slice %arg16[%add3A_215, %dma_start3A_365] : memref<10240x128xf32, #tpu.memory_space<vmem_shared>> -> memref<32x128xf32, #tpu.memory_space<vmem_shared>>
        tpu.enqueue_dma source(%arg15 : memref<32x128xf32, #tpu.memory_space<vmem>>) target(%dma_start3A_366 : memref<32x128xf32, #tpu.memory_space<vmem_shared>>) target_semaphore(%run_scoped3A_362 : memref<!tpu.dma_semaphore, #tpu.memory_space<semaphore_mem>>)
        %dma_wait3A_367 = arith.constant 0 : i32
        %dma_wait3A_368 = tpu.memref_slice %arg16[%add3A_215, %dma_wait3A_367] : memref<10240x128xf32, #tpu.memory_space<vmem_shared>> -> memref<32x128xf32, #tpu.memory_space<vmem_shared>>
        %dma_wait3A_369 = arith.constant 0 : i32
        %dma_wait3A_370 = tpu.memref_slice %arg16[%add3A_215, %dma_wait3A_369] : memref<10240x128xf32, #tpu.memory_space<vmem_shared>> -> memref<32x128xf32, #tpu.memory_space<vmem_shared>>
        tpu.wait_dma2 semaphore(%run_scoped3A_362 : memref<!tpu.dma_semaphore, #tpu.memory_space<semaphore_mem>>) src(%arg15 : memref<32x128xf32, #tpu.memory_space<vmem>>) dst(%dma_wait3A_370 : memref<32x128xf32, #tpu.memory_space<vmem_shared>>)
        tpu.yield
      }) : () -> ()
      %mul3A_216 = arith.constant 640 : i32
      %mul3A_217 = arith.muli %arg1, %mul3A_216 : i32
      %add3A_218 = arith.constant 256 : i32
      %add3A_219 = arith.addi %mul3A_217, %add3A_218 : i32
      "tpu.region"() ({
        %run_scoped3A_362 = tpu.sem_alloc : memref<!tpu.dma_semaphore, #tpu.memory_space<semaphore_mem>>
        %dma_start3A_363 = arith.constant 0 : i32
        %dma_start3A_364 = tpu.memref_slice %arg16[%add3A_219, %dma_start3A_363] : memref<10240x128xf32, #tpu.memory_space<vmem_shared>> -> memref<32x128xf32, #tpu.memory_space<vmem_shared>>
        %dma_start3A_365 = arith.constant 0 : i32
        %dma_start3A_366 = tpu.memref_slice %arg16[%add3A_219, %dma_start3A_365] : memref<10240x128xf32, #tpu.memory_space<vmem_shared>> -> memref<32x128xf32, #tpu.memory_space<vmem_shared>>
        tpu.enqueue_dma source(%arg15 : memref<32x128xf32, #tpu.memory_space<vmem>>) target(%dma_start3A_366 : memref<32x128xf32, #tpu.memory_space<vmem_shared>>) target_semaphore(%run_scoped3A_362 : memref<!tpu.dma_semaphore, #tpu.memory_space<semaphore_mem>>)
        %dma_wait3A_367 = arith.constant 0 : i32
        %dma_wait3A_368 = tpu.memref_slice %arg16[%add3A_219, %dma_wait3A_367] : memref<10240x128xf32, #tpu.memory_space<vmem_shared>> -> memref<32x128xf32, #tpu.memory_space<vmem_shared>>
        %dma_wait3A_369 = arith.constant 0 : i32
        %dma_wait3A_370 = tpu.memref_slice %arg16[%add3A_219, %dma_wait3A_369] : memref<10240x128xf32, #tpu.memory_space<vmem_shared>> -> memref<32x128xf32, #tpu.memory_space<vmem_shared>>
        tpu.wait_dma2 semaphore(%run_scoped3A_362 : memref<!tpu.dma_semaphore, #tpu.memory_space<semaphore_mem>>) src(%arg15 : memref<32x128xf32, #tpu.memory_space<vmem>>) dst(%dma_wait3A_370 : memref<32x128xf32, #tpu.memory_space<vmem_shared>>)
        tpu.yield
      }) : () -> ()
      %mul3A_220 = arith.constant 640 : i32
      %mul3A_221 = arith.muli %arg1, %mul3A_220 : i32
      %add3A_222 = arith.constant 288 : i32
      %add3A_223 = arith.addi %mul3A_221, %add3A_222 : i32
      "tpu.region"() ({
        %run_scoped3A_362 = tpu.sem_alloc : memref<!tpu.dma_semaphore, #tpu.memory_space<semaphore_mem>>
        %dma_start3A_363 = arith.constant 0 : i32
        %dma_start3A_364 = tpu.memref_slice %arg16[%add3A_223, %dma_start3A_363] : memref<10240x128xf32, #tpu.memory_space<vmem_shared>> -> memref<32x128xf32, #tpu.memory_space<vmem_shared>>
        %dma_start3A_365 = arith.constant 0 : i32
        %dma_start3A_366 = tpu.memref_slice %arg16[%add3A_223, %dma_start3A_365] : memref<10240x128xf32, #tpu.memory_space<vmem_shared>> -> memref<32x128xf32, #tpu.memory_space<vmem_shared>>
        tpu.enqueue_dma source(%arg15 : memref<32x128xf32, #tpu.memory_space<vmem>>) target(%dma_start3A_366 : memref<32x128xf32, #tpu.memory_space<vmem_shared>>) target_semaphore(%run_scoped3A_362 : memref<!tpu.dma_semaphore, #tpu.memory_space<semaphore_mem>>)
        %dma_wait3A_367 = arith.constant 0 : i32
        %dma_wait3A_368 = tpu.memref_slice %arg16[%add3A_223, %dma_wait3A_367] : memref<10240x128xf32, #tpu.memory_space<vmem_shared>> -> memref<32x128xf32, #tpu.memory_space<vmem_shared>>
        %dma_wait3A_369 = arith.constant 0 : i32
        %dma_wait3A_370 = tpu.memref_slice %arg16[%add3A_223, %dma_wait3A_369] : memref<10240x128xf32, #tpu.memory_space<vmem_shared>> -> memref<32x128xf32, #tpu.memory_space<vmem_shared>>
        tpu.wait_dma2 semaphore(%run_scoped3A_362 : memref<!tpu.dma_semaphore, #tpu.memory_space<semaphore_mem>>) src(%arg15 : memref<32x128xf32, #tpu.memory_space<vmem>>) dst(%dma_wait3A_370 : memref<32x128xf32, #tpu.memory_space<vmem_shared>>)
        tpu.yield
      }) : () -> ()
      %mul3A_224 = arith.constant 640 : i32
      %mul3A_225 = arith.muli %arg1, %mul3A_224 : i32
      %add3A_226 = arith.constant 320 : i32
      %add3A_227 = arith.addi %mul3A_225, %add3A_226 : i32
      "tpu.region"() ({
        %run_scoped3A_362 = tpu.sem_alloc : memref<!tpu.dma_semaphore, #tpu.memory_space<semaphore_mem>>
        %dma_start3A_363 = arith.constant 0 : i32
        %dma_start3A_364 = tpu.memref_slice %arg16[%add3A_227, %dma_start3A_363] : memref<10240x128xf32, #tpu.memory_space<vmem_shared>> -> memref<32x128xf32, #tpu.memory_space<vmem_shared>>
        %dma_start3A_365 = arith.constant 0 : i32
        %dma_start3A_366 = tpu.memref_slice %arg16[%add3A_227, %dma_start3A_365] : memref<10240x128xf32, #tpu.memory_space<vmem_shared>> -> memref<32x128xf32, #tpu.memory_space<vmem_shared>>
        tpu.enqueue_dma source(%arg15 : memref<32x128xf32, #tpu.memory_space<vmem>>) target(%dma_start3A_366 : memref<32x128xf32, #tpu.memory_space<vmem_shared>>) target_semaphore(%run_scoped3A_362 : memref<!tpu.dma_semaphore, #tpu.memory_space<semaphore_mem>>)
        %dma_wait3A_367 = arith.constant 0 : i32
        %dma_wait3A_368 = tpu.memref_slice %arg16[%add3A_227, %dma_wait3A_367] : memref<10240x128xf32, #tpu.memory_space<vmem_shared>> -> memref<32x128xf32, #tpu.memory_space<vmem_shared>>
        %dma_wait3A_369 = arith.constant 0 : i32
        %dma_wait3A_370 = tpu.memref_slice %arg16[%add3A_227, %dma_wait3A_369] : memref<10240x128xf32, #tpu.memory_space<vmem_shared>> -> memref<32x128xf32, #tpu.memory_space<vmem_shared>>
        tpu.wait_dma2 semaphore(%run_scoped3A_362 : memref<!tpu.dma_semaphore, #tpu.memory_space<semaphore_mem>>) src(%arg15 : memref<32x128xf32, #tpu.memory_space<vmem>>) dst(%dma_wait3A_370 : memref<32x128xf32, #tpu.memory_space<vmem_shared>>)
        tpu.yield
      }) : () -> ()
      %mul3A_228 = arith.constant 640 : i32
      %mul3A_229 = arith.muli %arg1, %mul3A_228 : i32
      %add3A_230 = arith.constant 352 : i32
      %add3A_231 = arith.addi %mul3A_229, %add3A_230 : i32
      "tpu.region"() ({
        %run_scoped3A_362 = tpu.sem_alloc : memref<!tpu.dma_semaphore, #tpu.memory_space<semaphore_mem>>
        %dma_start3A_363 = arith.constant 0 : i32
        %dma_start3A_364 = tpu.memref_slice %arg16[%add3A_231, %dma_start3A_363] : memref<10240x128xf32, #tpu.memory_space<vmem_shared>> -> memref<32x128xf32, #tpu.memory_space<vmem_shared>>
        %dma_start3A_365 = arith.constant 0 : i32
        %dma_start3A_366 = tpu.memref_slice %arg16[%add3A_231, %dma_start3A_365] : memref<10240x128xf32, #tpu.memory_space<vmem_shared>> -> memref<32x128xf32, #tpu.memory_space<vmem_shared>>
        tpu.enqueue_dma source(%arg15 : memref<32x128xf32, #tpu.memory_space<vmem>>) target(%dma_start3A_366 : memref<32x128xf32, #tpu.memory_space<vmem_shared>>) target_semaphore(%run_scoped3A_362 : memref<!tpu.dma_semaphore, #tpu.memory_space<semaphore_mem>>)
        %dma_wait3A_367 = arith.constant 0 : i32
        %dma_wait3A_368 = tpu.memref_slice %arg16[%add3A_231, %dma_wait3A_367] : memref<10240x128xf32, #tpu.memory_space<vmem_shared>> -> memref<32x128xf32, #tpu.memory_space<vmem_shared>>
        %dma_wait3A_369 = arith.constant 0 : i32
        %dma_wait3A_370 = tpu.memref_slice %arg16[%add3A_231, %dma_wait3A_369] : memref<10240x128xf32, #tpu.memory_space<vmem_shared>> -> memref<32x128xf32, #tpu.memory_space<vmem_shared>>
        tpu.wait_dma2 semaphore(%run_scoped3A_362 : memref<!tpu.dma_semaphore, #tpu.memory_space<semaphore_mem>>) src(%arg15 : memref<32x128xf32, #tpu.memory_space<vmem>>) dst(%dma_wait3A_370 : memref<32x128xf32, #tpu.memory_space<vmem_shared>>)
        tpu.yield
      }) : () -> ()
      %mul3A_232 = arith.constant 640 : i32
      %mul3A_233 = arith.muli %arg1, %mul3A_232 : i32
      %add3A_234 = arith.constant 384 : i32
      %add3A_235 = arith.addi %mul3A_233, %add3A_234 : i32
      "tpu.region"() ({
        %run_scoped3A_362 = tpu.sem_alloc : memref<!tpu.dma_semaphore, #tpu.memory_space<semaphore_mem>>
        %dma_start3A_363 = arith.constant 0 : i32
        %dma_start3A_364 = tpu.memref_slice %arg16[%add3A_235, %dma_start3A_363] : memref<10240x128xf32, #tpu.memory_space<vmem_shared>> -> memref<32x128xf32, #tpu.memory_space<vmem_shared>>
        %dma_start3A_365 = arith.constant 0 : i32
        %dma_start3A_366 = tpu.memref_slice %arg16[%add3A_235, %dma_start3A_365] : memref<10240x128xf32, #tpu.memory_space<vmem_shared>> -> memref<32x128xf32, #tpu.memory_space<vmem_shared>>
        tpu.enqueue_dma source(%arg15 : memref<32x128xf32, #tpu.memory_space<vmem>>) target(%dma_start3A_366 : memref<32x128xf32, #tpu.memory_space<vmem_shared>>) target_semaphore(%run_scoped3A_362 : memref<!tpu.dma_semaphore, #tpu.memory_space<semaphore_mem>>)
        %dma_wait3A_367 = arith.constant 0 : i32
        %dma_wait3A_368 = tpu.memref_slice %arg16[%add3A_235, %dma_wait3A_367] : memref<10240x128xf32, #tpu.memory_space<vmem_shared>> -> memref<32x128xf32, #tpu.memory_space<vmem_shared>>
        %dma_wait3A_369 = arith.constant 0 : i32
        %dma_wait3A_370 = tpu.memref_slice %arg16[%add3A_235, %dma_wait3A_369] : memref<10240x128xf32, #tpu.memory_space<vmem_shared>> -> memref<32x128xf32, #tpu.memory_space<vmem_shared>>
        tpu.wait_dma2 semaphore(%run_scoped3A_362 : memref<!tpu.dma_semaphore, #tpu.memory_space<semaphore_mem>>) src(%arg15 : memref<32x128xf32, #tpu.memory_space<vmem>>) dst(%dma_wait3A_370 : memref<32x128xf32, #tpu.memory_space<vmem_shared>>)
        tpu.yield
      }) : () -> ()
      %mul3A_236 = arith.constant 640 : i32
      %mul3A_237 = arith.muli %arg1, %mul3A_236 : i32
      %add3A_238 = arith.constant 416 : i32
      %add3A_239 = arith.addi %mul3A_237, %add3A_238 : i32
      "tpu.region"() ({
        %run_scoped3A_362 = tpu.sem_alloc : memref<!tpu.dma_semaphore, #tpu.memory_space<semaphore_mem>>
        %dma_start3A_363 = arith.constant 0 : i32
        %dma_start3A_364 = tpu.memref_slice %arg16[%add3A_239, %dma_start3A_363] : memref<10240x128xf32, #tpu.memory_space<vmem_shared>> -> memref<32x128xf32, #tpu.memory_space<vmem_shared>>
        %dma_start3A_365 = arith.constant 0 : i32
        %dma_start3A_366 = tpu.memref_slice %arg16[%add3A_239, %dma_start3A_365] : memref<10240x128xf32, #tpu.memory_space<vmem_shared>> -> memref<32x128xf32, #tpu.memory_space<vmem_shared>>
        tpu.enqueue_dma source(%arg15 : memref<32x128xf32, #tpu.memory_space<vmem>>) target(%dma_start3A_366 : memref<32x128xf32, #tpu.memory_space<vmem_shared>>) target_semaphore(%run_scoped3A_362 : memref<!tpu.dma_semaphore, #tpu.memory_space<semaphore_mem>>)
        %dma_wait3A_367 = arith.constant 0 : i32
        %dma_wait3A_368 = tpu.memref_slice %arg16[%add3A_239, %dma_wait3A_367] : memref<10240x128xf32, #tpu.memory_space<vmem_shared>> -> memref<32x128xf32, #tpu.memory_space<vmem_shared>>
        %dma_wait3A_369 = arith.constant 0 : i32
        %dma_wait3A_370 = tpu.memref_slice %arg16[%add3A_239, %dma_wait3A_369] : memref<10240x128xf32, #tpu.memory_space<vmem_shared>> -> memref<32x128xf32, #tpu.memory_space<vmem_shared>>
        tpu.wait_dma2 semaphore(%run_scoped3A_362 : memref<!tpu.dma_semaphore, #tpu.memory_space<semaphore_mem>>) src(%arg15 : memref<32x128xf32, #tpu.memory_space<vmem>>) dst(%dma_wait3A_370 : memref<32x128xf32, #tpu.memory_space<vmem_shared>>)
        tpu.yield
      }) : () -> ()
      %mul3A_240 = arith.constant 640 : i32
      %mul3A_241 = arith.muli %arg1, %mul3A_240 : i32
      %add3A_242 = arith.constant 448 : i32
      %add3A_243 = arith.addi %mul3A_241, %add3A_242 : i32
      "tpu.region"() ({
        %run_scoped3A_362 = tpu.sem_alloc : memref<!tpu.dma_semaphore, #tpu.memory_space<semaphore_mem>>
        %dma_start3A_363 = arith.constant 0 : i32
        %dma_start3A_364 = tpu.memref_slice %arg16[%add3A_243, %dma_start3A_363] : memref<10240x128xf32, #tpu.memory_space<vmem_shared>> -> memref<32x128xf32, #tpu.memory_space<vmem_shared>>
        %dma_start3A_365 = arith.constant 0 : i32
        %dma_start3A_366 = tpu.memref_slice %arg16[%add3A_243, %dma_start3A_365] : memref<10240x128xf32, #tpu.memory_space<vmem_shared>> -> memref<32x128xf32, #tpu.memory_space<vmem_shared>>
        tpu.enqueue_dma source(%arg15 : memref<32x128xf32, #tpu.memory_space<vmem>>) target(%dma_start3A_366 : memref<32x128xf32, #tpu.memory_space<vmem_shared>>) target_semaphore(%run_scoped3A_362 : memref<!tpu.dma_semaphore, #tpu.memory_space<semaphore_mem>>)
        %dma_wait3A_367 = arith.constant 0 : i32
        %dma_wait3A_368 = tpu.memref_slice %arg16[%add3A_243, %dma_wait3A_367] : memref<10240x128xf32, #tpu.memory_space<vmem_shared>> -> memref<32x128xf32, #tpu.memory_space<vmem_shared>>
        %dma_wait3A_369 = arith.constant 0 : i32
        %dma_wait3A_370 = tpu.memref_slice %arg16[%add3A_243, %dma_wait3A_369] : memref<10240x128xf32, #tpu.memory_space<vmem_shared>> -> memref<32x128xf32, #tpu.memory_space<vmem_shared>>
        tpu.wait_dma2 semaphore(%run_scoped3A_362 : memref<!tpu.dma_semaphore, #tpu.memory_space<semaphore_mem>>) src(%arg15 : memref<32x128xf32, #tpu.memory_space<vmem>>) dst(%dma_wait3A_370 : memref<32x128xf32, #tpu.memory_space<vmem_shared>>)
        tpu.yield
      }) : () -> ()
      %mul3A_244 = arith.constant 640 : i32
      %mul3A_245 = arith.muli %arg1, %mul3A_244 : i32
      %add3A_246 = arith.constant 480 : i32
      %add3A_247 = arith.addi %mul3A_245, %add3A_246 : i32
      "tpu.region"() ({
        %run_scoped3A_362 = tpu.sem_alloc : memref<!tpu.dma_semaphore, #tpu.memory_space<semaphore_mem>>
        %dma_start3A_363 = arith.constant 0 : i32
        %dma_start3A_364 = tpu.memref_slice %arg16[%add3A_247, %dma_start3A_363] : memref<10240x128xf32, #tpu.memory_space<vmem_shared>> -> memref<32x128xf32, #tpu.memory_space<vmem_shared>>
        %dma_start3A_365 = arith.constant 0 : i32
        %dma_start3A_366 = tpu.memref_slice %arg16[%add3A_247, %dma_start3A_365] : memref<10240x128xf32, #tpu.memory_space<vmem_shared>> -> memref<32x128xf32, #tpu.memory_space<vmem_shared>>
        tpu.enqueue_dma source(%arg15 : memref<32x128xf32, #tpu.memory_space<vmem>>) target(%dma_start3A_366 : memref<32x128xf32, #tpu.memory_space<vmem_shared>>) target_semaphore(%run_scoped3A_362 : memref<!tpu.dma_semaphore, #tpu.memory_space<semaphore_mem>>)
        %dma_wait3A_367 = arith.constant 0 : i32
        %dma_wait3A_368 = tpu.memref_slice %arg16[%add3A_247, %dma_wait3A_367] : memref<10240x128xf32, #tpu.memory_space<vmem_shared>> -> memref<32x128xf32, #tpu.memory_space<vmem_shared>>
        %dma_wait3A_369 = arith.constant 0 : i32
        %dma_wait3A_370 = tpu.memref_slice %arg16[%add3A_247, %dma_wait3A_369] : memref<10240x128xf32, #tpu.memory_space<vmem_shared>> -> memref<32x128xf32, #tpu.memory_space<vmem_shared>>
        tpu.wait_dma2 semaphore(%run_scoped3A_362 : memref<!tpu.dma_semaphore, #tpu.memory_space<semaphore_mem>>) src(%arg15 : memref<32x128xf32, #tpu.memory_space<vmem>>) dst(%dma_wait3A_370 : memref<32x128xf32, #tpu.memory_space<vmem_shared>>)
        tpu.yield
      }) : () -> ()
      %mul3A_248 = arith.constant 640 : i32
      %mul3A_249 = arith.muli %arg1, %mul3A_248 : i32
      %add3A_250 = arith.constant 512 : i32
      %add3A_251 = arith.addi %mul3A_249, %add3A_250 : i32
      "tpu.region"() ({
        %run_scoped3A_362 = tpu.sem_alloc : memref<!tpu.dma_semaphore, #tpu.memory_space<semaphore_mem>>
        %dma_start3A_363 = arith.constant 0 : i32
        %dma_start3A_364 = tpu.memref_slice %arg16[%add3A_251, %dma_start3A_363] : memref<10240x128xf32, #tpu.memory_space<vmem_shared>> -> memref<32x128xf32, #tpu.memory_space<vmem_shared>>
        %dma_start3A_365 = arith.constant 0 : i32
        %dma_start3A_366 = tpu.memref_slice %arg16[%add3A_251, %dma_start3A_365] : memref<10240x128xf32, #tpu.memory_space<vmem_shared>> -> memref<32x128xf32, #tpu.memory_space<vmem_shared>>
        tpu.enqueue_dma source(%arg15 : memref<32x128xf32, #tpu.memory_space<vmem>>) target(%dma_start3A_366 : memref<32x128xf32, #tpu.memory_space<vmem_shared>>) target_semaphore(%run_scoped3A_362 : memref<!tpu.dma_semaphore, #tpu.memory_space<semaphore_mem>>)
        %dma_wait3A_367 = arith.constant 0 : i32
        %dma_wait3A_368 = tpu.memref_slice %arg16[%add3A_251, %dma_wait3A_367] : memref<10240x128xf32, #tpu.memory_space<vmem_shared>> -> memref<32x128xf32, #tpu.memory_space<vmem_shared>>
        %dma_wait3A_369 = arith.constant 0 : i32
        %dma_wait3A_370 = tpu.memref_slice %arg16[%add3A_251, %dma_wait3A_369] : memref<10240x128xf32, #tpu.memory_space<vmem_shared>> -> memref<32x128xf32, #tpu.memory_space<vmem_shared>>
        tpu.wait_dma2 semaphore(%run_scoped3A_362 : memref<!tpu.dma_semaphore, #tpu.memory_space<semaphore_mem>>) src(%arg15 : memref<32x128xf32, #tpu.memory_space<vmem>>) dst(%dma_wait3A_370 : memref<32x128xf32, #tpu.memory_space<vmem_shared>>)
        tpu.yield
      }) : () -> ()
      %mul3A_252 = arith.constant 640 : i32
      %mul3A_253 = arith.muli %arg1, %mul3A_252 : i32
      %add3A_254 = arith.constant 544 : i32
      %add3A_255 = arith.addi %mul3A_253, %add3A_254 : i32
      "tpu.region"() ({
        %run_scoped3A_362 = tpu.sem_alloc : memref<!tpu.dma_semaphore, #tpu.memory_space<semaphore_mem>>
        %dma_start3A_363 = arith.constant 0 : i32
        %dma_start3A_364 = tpu.memref_slice %arg16[%add3A_255, %dma_start3A_363] : memref<10240x128xf32, #tpu.memory_space<vmem_shared>> -> memref<32x128xf32, #tpu.memory_space<vmem_shared>>
        %dma_start3A_365 = arith.constant 0 : i32
        %dma_start3A_366 = tpu.memref_slice %arg16[%add3A_255, %dma_start3A_365] : memref<10240x128xf32, #tpu.memory_space<vmem_shared>> -> memref<32x128xf32, #tpu.memory_space<vmem_shared>>
        tpu.enqueue_dma source(%arg15 : memref<32x128xf32, #tpu.memory_space<vmem>>) target(%dma_start3A_366 : memref<32x128xf32, #tpu.memory_space<vmem_shared>>) target_semaphore(%run_scoped3A_362 : memref<!tpu.dma_semaphore, #tpu.memory_space<semaphore_mem>>)
        %dma_wait3A_367 = arith.constant 0 : i32
        %dma_wait3A_368 = tpu.memref_slice %arg16[%add3A_255, %dma_wait3A_367] : memref<10240x128xf32, #tpu.memory_space<vmem_shared>> -> memref<32x128xf32, #tpu.memory_space<vmem_shared>>
        %dma_wait3A_369 = arith.constant 0 : i32
        %dma_wait3A_370 = tpu.memref_slice %arg16[%add3A_255, %dma_wait3A_369] : memref<10240x128xf32, #tpu.memory_space<vmem_shared>> -> memref<32x128xf32, #tpu.memory_space<vmem_shared>>
        tpu.wait_dma2 semaphore(%run_scoped3A_362 : memref<!tpu.dma_semaphore, #tpu.memory_space<semaphore_mem>>) src(%arg15 : memref<32x128xf32, #tpu.memory_space<vmem>>) dst(%dma_wait3A_370 : memref<32x128xf32, #tpu.memory_space<vmem_shared>>)
        tpu.yield
      }) : () -> ()
      %mul3A_256 = arith.constant 640 : i32
      %mul3A_257 = arith.muli %arg1, %mul3A_256 : i32
      %add3A_258 = arith.constant 576 : i32
      %add3A_259 = arith.addi %mul3A_257, %add3A_258 : i32
      "tpu.region"() ({
        %run_scoped3A_362 = tpu.sem_alloc : memref<!tpu.dma_semaphore, #tpu.memory_space<semaphore_mem>>
        %dma_start3A_363 = arith.constant 0 : i32
        %dma_start3A_364 = tpu.memref_slice %arg16[%add3A_259, %dma_start3A_363] : memref<10240x128xf32, #tpu.memory_space<vmem_shared>> -> memref<32x128xf32, #tpu.memory_space<vmem_shared>>
        %dma_start3A_365 = arith.constant 0 : i32
        %dma_start3A_366 = tpu.memref_slice %arg16[%add3A_259, %dma_start3A_365] : memref<10240x128xf32, #tpu.memory_space<vmem_shared>> -> memref<32x128xf32, #tpu.memory_space<vmem_shared>>
        tpu.enqueue_dma source(%arg15 : memref<32x128xf32, #tpu.memory_space<vmem>>) target(%dma_start3A_366 : memref<32x128xf32, #tpu.memory_space<vmem_shared>>) target_semaphore(%run_scoped3A_362 : memref<!tpu.dma_semaphore, #tpu.memory_space<semaphore_mem>>)
        %dma_wait3A_367 = arith.constant 0 : i32
        %dma_wait3A_368 = tpu.memref_slice %arg16[%add3A_259, %dma_wait3A_367] : memref<10240x128xf32, #tpu.memory_space<vmem_shared>> -> memref<32x128xf32, #tpu.memory_space<vmem_shared>>
        %dma_wait3A_369 = arith.constant 0 : i32
        %dma_wait3A_370 = tpu.memref_slice %arg16[%add3A_259, %dma_wait3A_369] : memref<10240x128xf32, #tpu.memory_space<vmem_shared>> -> memref<32x128xf32, #tpu.memory_space<vmem_shared>>
        tpu.wait_dma2 semaphore(%run_scoped3A_362 : memref<!tpu.dma_semaphore, #tpu.memory_space<semaphore_mem>>) src(%arg15 : memref<32x128xf32, #tpu.memory_space<vmem>>) dst(%dma_wait3A_370 : memref<32x128xf32, #tpu.memory_space<vmem_shared>>)
        tpu.yield
      }) : () -> ()
      %mul3A_260 = arith.constant 640 : i32
      %mul3A_261 = arith.muli %arg1, %mul3A_260 : i32
      %add3A_262 = arith.constant 608 : i32
      %add3A_263 = arith.addi %mul3A_261, %add3A_262 : i32
      "tpu.region"() ({
        %run_scoped3A_362 = tpu.sem_alloc : memref<!tpu.dma_semaphore, #tpu.memory_space<semaphore_mem>>
        %dma_start3A_363 = arith.constant 0 : i32
        %dma_start3A_364 = tpu.memref_slice %arg16[%add3A_263, %dma_start3A_363] : memref<10240x128xf32, #tpu.memory_space<vmem_shared>> -> memref<32x128xf32, #tpu.memory_space<vmem_shared>>
        %dma_start3A_365 = arith.constant 0 : i32
        %dma_start3A_366 = tpu.memref_slice %arg16[%add3A_263, %dma_start3A_365] : memref<10240x128xf32, #tpu.memory_space<vmem_shared>> -> memref<32x128xf32, #tpu.memory_space<vmem_shared>>
        tpu.enqueue_dma source(%arg15 : memref<32x128xf32, #tpu.memory_space<vmem>>) target(%dma_start3A_366 : memref<32x128xf32, #tpu.memory_space<vmem_shared>>) target_semaphore(%run_scoped3A_362 : memref<!tpu.dma_semaphore, #tpu.memory_space<semaphore_mem>>)
        %dma_wait3A_367 = arith.constant 0 : i32
        %dma_wait3A_368 = tpu.memref_slice %arg16[%add3A_263, %dma_wait3A_367] : memref<10240x128xf32, #tpu.memory_space<vmem_shared>> -> memref<32x128xf32, #tpu.memory_space<vmem_shared>>
        %dma_wait3A_369 = arith.constant 0 : i32
        %dma_wait3A_370 = tpu.memref_slice %arg16[%add3A_263, %dma_wait3A_369] : memref<10240x128xf32, #tpu.memory_space<vmem_shared>> -> memref<32x128xf32, #tpu.memory_space<vmem_shared>>
        tpu.wait_dma2 semaphore(%run_scoped3A_362 : memref<!tpu.dma_semaphore, #tpu.memory_space<semaphore_mem>>) src(%arg15 : memref<32x128xf32, #tpu.memory_space<vmem>>) dst(%dma_wait3A_370 : memref<32x128xf32, #tpu.memory_space<vmem_shared>>)
        tpu.yield
      }) : () -> ()
      %barrier3A_264 = arith.constant 0 : index
      tpu.barrier barrier_id(%barrier3A_264)
      %mul3A_265 = arith.constant 80 : i32
      %mul3A_266 = arith.muli %arg1, %mul3A_265 : i32
      %add3A_267 = arith.constant 0 : i32
      %add3A_268 = arith.addi %mul3A_266, %add3A_267 : i32
      %run_scoped3A_269 = arith.constant 0 : i32
      "tpu.region"() ({
        %run_scoped3A_362 = tpu.sem_alloc : memref<!tpu.dma_semaphore, #tpu.memory_space<semaphore_mem>>
        %dma_start3A_363 = arith.constant 0 : i32
        %dma_start3A_364 = tpu.memref_slice %arg6[%run_scoped3A_269, %add3A_268, %dma_start3A_363] : memref<2x1280x128xi32, #tpu.memory_space<hbm>> -> memref<1x40x128xi32, #tpu.memory_space<hbm>>
        %dma_start3A_365 = tpu.memref_squeeze %dma_start3A_364 : memref<1x40x128xi32, #tpu.memory_space<hbm>> -> memref<40x128xi32, #tpu.memory_space<hbm>>
        %dma_start3A_366 = arith.constant 0 : i32
        %dma_start3A_367 = tpu.memref_slice %arg6[%run_scoped3A_269, %add3A_268, %dma_start3A_366] : memref<2x1280x128xi32, #tpu.memory_space<hbm>> -> memref<1x40x128xi32, #tpu.memory_space<hbm>>
        %dma_start3A_368 = tpu.memref_squeeze %dma_start3A_367 : memref<1x40x128xi32, #tpu.memory_space<hbm>> -> memref<40x128xi32, #tpu.memory_space<hbm>>
        tpu.enqueue_dma source(%dma_start3A_368 : memref<40x128xi32, #tpu.memory_space<hbm>>) target(%arg11 : memref<40x128xi32, #tpu.memory_space<vmem>>) target_semaphore(%run_scoped3A_362 : memref<!tpu.dma_semaphore, #tpu.memory_space<semaphore_mem>>)
        %dma_wait3A_369 = arith.constant 0 : i32
        %dma_wait3A_370 = tpu.memref_slice %arg6[%run_scoped3A_269, %add3A_268, %dma_wait3A_369] : memref<2x1280x128xi32, #tpu.memory_space<hbm>> -> memref<1x40x128xi32, #tpu.memory_space<hbm>>
        %dma_wait3A_371 = tpu.memref_squeeze %dma_wait3A_370 : memref<1x40x128xi32, #tpu.memory_space<hbm>> -> memref<40x128xi32, #tpu.memory_space<hbm>>
        %dma_wait3A_372 = arith.constant 0 : i32
        %dma_wait3A_373 = tpu.memref_slice %arg6[%run_scoped3A_269, %add3A_268, %dma_wait3A_372] : memref<2x1280x128xi32, #tpu.memory_space<hbm>> -> memref<1x40x128xi32, #tpu.memory_space<hbm>>
        %dma_wait3A_374 = tpu.memref_squeeze %dma_wait3A_373 : memref<1x40x128xi32, #tpu.memory_space<hbm>> -> memref<40x128xi32, #tpu.memory_space<hbm>>
        tpu.wait_dma2 semaphore(%run_scoped3A_362 : memref<!tpu.dma_semaphore, #tpu.memory_space<semaphore_mem>>) src(%dma_wait3A_374 : memref<40x128xi32, #tpu.memory_space<hbm>>) dst(%arg11 : memref<40x128xi32, #tpu.memory_space<vmem>>)
        tpu.yield
      }) : () -> ()
      %run_scoped3A_270 = arith.constant 1 : i32
      "tpu.region"() ({
        %run_scoped3A_362 = tpu.sem_alloc : memref<!tpu.dma_semaphore, #tpu.memory_space<semaphore_mem>>
        %dma_start3A_363 = arith.constant 0 : i32
        %dma_start3A_364 = tpu.memref_slice %arg6[%run_scoped3A_270, %add3A_268, %dma_start3A_363] : memref<2x1280x128xi32, #tpu.memory_space<hbm>> -> memref<1x40x128xi32, #tpu.memory_space<hbm>>
        %dma_start3A_365 = tpu.memref_squeeze %dma_start3A_364 : memref<1x40x128xi32, #tpu.memory_space<hbm>> -> memref<40x128xi32, #tpu.memory_space<hbm>>
        %dma_start3A_366 = arith.constant 0 : i32
        %dma_start3A_367 = tpu.memref_slice %arg6[%run_scoped3A_270, %add3A_268, %dma_start3A_366] : memref<2x1280x128xi32, #tpu.memory_space<hbm>> -> memref<1x40x128xi32, #tpu.memory_space<hbm>>
        %dma_start3A_368 = tpu.memref_squeeze %dma_start3A_367 : memref<1x40x128xi32, #tpu.memory_space<hbm>> -> memref<40x128xi32, #tpu.memory_space<hbm>>
        tpu.enqueue_dma source(%dma_start3A_368 : memref<40x128xi32, #tpu.memory_space<hbm>>) target(%arg12 : memref<40x128xi32, #tpu.memory_space<vmem>>) target_semaphore(%run_scoped3A_362 : memref<!tpu.dma_semaphore, #tpu.memory_space<semaphore_mem>>)
        %dma_wait3A_369 = arith.constant 0 : i32
        %dma_wait3A_370 = tpu.memref_slice %arg6[%run_scoped3A_270, %add3A_268, %dma_wait3A_369] : memref<2x1280x128xi32, #tpu.memory_space<hbm>> -> memref<1x40x128xi32, #tpu.memory_space<hbm>>
        %dma_wait3A_371 = tpu.memref_squeeze %dma_wait3A_370 : memref<1x40x128xi32, #tpu.memory_space<hbm>> -> memref<40x128xi32, #tpu.memory_space<hbm>>
        %dma_wait3A_372 = arith.constant 0 : i32
        %dma_wait3A_373 = tpu.memref_slice %arg6[%run_scoped3A_270, %add3A_268, %dma_wait3A_372] : memref<2x1280x128xi32, #tpu.memory_space<hbm>> -> memref<1x40x128xi32, #tpu.memory_space<hbm>>
        %dma_wait3A_374 = tpu.memref_squeeze %dma_wait3A_373 : memref<1x40x128xi32, #tpu.memory_space<hbm>> -> memref<40x128xi32, #tpu.memory_space<hbm>>
        tpu.wait_dma2 semaphore(%run_scoped3A_362 : memref<!tpu.dma_semaphore, #tpu.memory_space<semaphore_mem>>) src(%dma_wait3A_374 : memref<40x128xi32, #tpu.memory_space<hbm>>) dst(%arg12 : memref<40x128xi32, #tpu.memory_space<vmem>>)
        tpu.yield
      }) : () -> ()
      %dma_start3A_271 = arith.constant 0 : i32
      %dma_start3A_272 = arith.constant 0 : i32
      %dma_start3A_273 = arith.constant 0 : i32
      %dma_start3A_274 = tpu.memref_slice %arg13[%dma_start3A_272, %dma_start3A_273] : memref<128x128xf32, #tpu.memory_space<vmem>> -> memref<64x128xf32, #tpu.memory_space<vmem>>
      %dma_start3A_275 = arith.constant 0 : i32
      %dma_start3A_276 = tpu.memref_slice %arg12[%dma_start3A_271, %dma_start3A_275] : memref<40x128xi32, #tpu.memory_space<vmem>> -> memref<1x64xi32, #tpu.memory_space<vmem>>
      %dma_start3A_277 = tpu.memref_squeeze %dma_start3A_276 : memref<1x64xi32, #tpu.memory_space<vmem>> -> memref<64xi32, #tpu.memory_space<vmem>>
      %dma_start3A_278 = arith.constant 0 : i32
      %dma_start3A_279 = arith.constant 0 : i32
      %dma_start3A_280 = tpu.memref_slice %arg5[%dma_start3A_278, %dma_start3A_279] : memref<10000x128xf32, #tpu.memory_space<hbm>> -> memref<10000x128xf32, #tpu.memory_space<hbm>>
      tpu.enqueue_indirect_dma source(%dma_start3A_280 : memref<10000x128xf32, #tpu.memory_space<hbm>>) target(%dma_start3A_274 : memref<64x128xf32, #tpu.memory_space<vmem>>) offsets(%dma_start3A_277 : memref<64xi32, #tpu.memory_space<vmem>>) semaphore(%arg17 : memref<!tpu.dma_semaphore, #tpu.memory_space<semaphore_mem>>)
      %dma_start3A_281 = arith.constant 0 : i32
      %dma_start3A_282 = arith.constant 64 : i32
      %dma_start3A_283 = arith.constant 0 : i32
      %dma_start3A_284 = tpu.memref_slice %arg13[%dma_start3A_282, %dma_start3A_283] : memref<128x128xf32, #tpu.memory_space<vmem>> -> memref<64x128xf32, #tpu.memory_space<vmem>>
      %dma_start3A_285 = arith.constant 64 : i32
      %dma_start3A_286 = tpu.memref_slice %arg12[%dma_start3A_281, %dma_start3A_285] : memref<40x128xi32, #tpu.memory_space<vmem>> -> memref<1x64xi32, #tpu.memory_space<vmem>>
      %dma_start3A_287 = tpu.memref_squeeze %dma_start3A_286 : memref<1x64xi32, #tpu.memory_space<vmem>> -> memref<64xi32, #tpu.memory_space<vmem>>
      %dma_start3A_288 = arith.constant 0 : i32
      %dma_start3A_289 = arith.constant 0 : i32
      %dma_start3A_290 = tpu.memref_slice %arg5[%dma_start3A_288, %dma_start3A_289] : memref<10000x128xf32, #tpu.memory_space<hbm>> -> memref<10000x128xf32, #tpu.memory_space<hbm>>
      tpu.enqueue_indirect_dma source(%dma_start3A_290 : memref<10000x128xf32, #tpu.memory_space<hbm>>) target(%dma_start3A_284 : memref<64x128xf32, #tpu.memory_space<vmem>>) offsets(%dma_start3A_287 : memref<64xi32, #tpu.memory_space<vmem>>) semaphore(%arg18 : memref<!tpu.dma_semaphore, #tpu.memory_space<semaphore_mem>>)
      %scan3A_291 = arith.constant 0 : i32
      %scan3A_292 = arith.constant 0 : i32
      %scan3A_293 = arith.constant 40 : i32
      %scan3A_294 = arith.addi %scan3A_292, %scan3A_293 : i32
      %scan3A_295 = arith.constant 1 : i32
      scf.for %scan3A_362 = %scan3A_292 to %scan3A_294 step %scan3A_295  : i32 {
        %jit3A = arith.constant 2 : i32
        %eq3A_363 = arith.constant 0 : i32
        %eq3A_364 = arith.cmpi eq, %jit3A, %eq3A_363 : i32
        %jit3A_365 = arith.constant 1 : i32
        %select_n3A = arith.select %eq3A_364, %jit3A_365, %jit3A : i32
        %rem3A = arith.remsi %scan3A_362, %select_n3A : i32
        %ne3A = arith.constant 0 : i32
        %ne3A_366 = arith.cmpi ne, %rem3A, %ne3A : i32
        %lt3A = arith.constant 0 : i32
        %lt3A_367 = arith.cmpi slt, %rem3A, %lt3A : i32
        %lt3A_368 = arith.constant 0 : i32
        %lt3A_369 = arith.cmpi slt, %select_n3A, %lt3A_368 : i32
        %ne3A_370 = arith.xori %lt3A_367, %lt3A_369 : i1
        %and3A = arith.andi %ne3A_370, %ne3A_366 : i1
        %add3A_371 = arith.addi %rem3A, %select_n3A : i32
        %select_n3A_372 = arith.select %and3A, %add3A_371, %rem3A : i32
        %eq3A_373 = arith.constant 0 : i32
        %eq3A_374 = arith.cmpi eq, %select_n3A_372, %eq3A_373 : i32
        %convert_element_type3A_375 = arith.extui %eq3A_374 : i1 to i32
        %cond3A_376 = arith.constant 0 : i32
        %cond3A_377 = arith.cmpi ne, %convert_element_type3A_375, %cond3A_376 : i32
        scf.if %cond3A_377 {
          %dma_wait3A_399 = arith.constant 0 : i32
          %dma_wait3A_400 = arith.constant 0 : i32
          %dma_wait3A_401 = tpu.memref_slice %arg13[%dma_wait3A_399, %dma_wait3A_400] : memref<128x128xf32, #tpu.memory_space<vmem>> -> memref<64x128xf32, #tpu.memory_space<vmem>>
          %dma_wait3A_402 = arith.constant 0 : i32
          %dma_wait3A_403 = tpu.memref_slice %arg12[%scan3A_362, %dma_wait3A_402] : memref<40x128xi32, #tpu.memory_space<vmem>> -> memref<1x64xi32, #tpu.memory_space<vmem>>
          %dma_wait3A_404 = tpu.memref_squeeze %dma_wait3A_403 : memref<1x64xi32, #tpu.memory_space<vmem>> -> memref<64xi32, #tpu.memory_space<vmem>>
          %dma_wait3A_405 = arith.constant 0 : i32
          %dma_wait3A_406 = arith.constant 0 : i32
          %dma_wait3A_407 = tpu.memref_slice %arg5[%dma_wait3A_405, %dma_wait3A_406] : memref<10000x128xf32, #tpu.memory_space<hbm>> -> memref<10000x128xf32, #tpu.memory_space<hbm>>
          tpu.wait_indirect_dma semaphore(%arg17 : memref<!tpu.dma_semaphore, #tpu.memory_space<semaphore_mem>>) src(%dma_wait3A_407 : memref<10000x128xf32, #tpu.memory_space<hbm>>) dst(%dma_wait3A_401 : memref<64x128xf32, #tpu.memory_space<vmem>>)
          %dma_wait3A_408 = arith.constant 64 : i32
          %dma_wait3A_409 = arith.constant 0 : i32
          %dma_wait3A_410 = tpu.memref_slice %arg13[%dma_wait3A_408, %dma_wait3A_409] : memref<128x128xf32, #tpu.memory_space<vmem>> -> memref<64x128xf32, #tpu.memory_space<vmem>>
          %dma_wait3A_411 = arith.constant 64 : i32
          %dma_wait3A_412 = tpu.memref_slice %arg12[%scan3A_362, %dma_wait3A_411] : memref<40x128xi32, #tpu.memory_space<vmem>> -> memref<1x64xi32, #tpu.memory_space<vmem>>
          %dma_wait3A_413 = tpu.memref_squeeze %dma_wait3A_412 : memref<1x64xi32, #tpu.memory_space<vmem>> -> memref<64xi32, #tpu.memory_space<vmem>>
          %dma_wait3A_414 = arith.constant 0 : i32
          %dma_wait3A_415 = arith.constant 0 : i32
          %dma_wait3A_416 = tpu.memref_slice %arg5[%dma_wait3A_414, %dma_wait3A_415] : memref<10000x128xf32, #tpu.memory_space<hbm>> -> memref<10000x128xf32, #tpu.memory_space<hbm>>
          tpu.wait_indirect_dma semaphore(%arg18 : memref<!tpu.dma_semaphore, #tpu.memory_space<semaphore_mem>>) src(%dma_wait3A_416 : memref<10000x128xf32, #tpu.memory_space<hbm>>) dst(%dma_wait3A_410 : memref<64x128xf32, #tpu.memory_space<vmem>>)
          %add3A_417 = arith.constant 1 : i32
          %add3A_418 = arith.addi %scan3A_362, %add3A_417 : i32
          %lt3A_419 = arith.constant 40 : i32
          %lt3A_420 = arith.cmpi slt, %add3A_418, %lt3A_419 : i32
          %convert_element_type3A_421 = arith.extui %lt3A_420 : i1 to i32
          %cond3A_422 = arith.constant 0 : i32
          %cond3A_423 = arith.cmpi ne, %convert_element_type3A_421, %cond3A_422 : i32
          scf.if %cond3A_423 {
            %gt3A = arith.constant 0 : i32
            %gt3A_430 = arith.cmpi sgt, %scan3A_362, %gt3A : i32
            %convert_element_type3A_431 = arith.extui %gt3A_430 : i1 to i32
            %cond3A_432 = arith.constant 0 : i32
            %cond3A_433 = arith.cmpi ne, %convert_element_type3A_431, %cond3A_432 : i32
            scf.if %cond3A_433 {
              %sub3A = arith.constant 1 : i32
              %sub3A_454 = arith.subi %scan3A_362, %sub3A : i32
              %dma_wait3A_455 = arith.constant 0 : i32
              %dma_wait3A_456 = tpu.memref_slice %arg11[%sub3A_454, %dma_wait3A_455] : memref<40x128xi32, #tpu.memory_space<vmem>> -> memref<1x128xi32, #tpu.memory_space<vmem>>
              %dma_wait3A_457 = tpu.memref_squeeze %dma_wait3A_456 : memref<1x128xi32, #tpu.memory_space<vmem>> -> memref<128xi32, #tpu.memory_space<vmem>>
              %dma_wait3A_458 = arith.constant 0 : i32
              %dma_wait3A_459 = arith.constant 0 : i32
              %dma_wait3A_460 = tpu.memref_slice %arg16[%dma_wait3A_458, %dma_wait3A_459] : memref<10240x128xf32, #tpu.memory_space<vmem_shared>> -> memref<10240x128xf32, #tpu.memory_space<vmem_shared>>
              tpu.wait_indirect_dma semaphore(%arg22 : memref<!tpu.dma_semaphore, #tpu.memory_space<semaphore_mem>>) src(%arg14 : memref<128x128xf32, #tpu.memory_space<vmem>>) dst(%dma_wait3A_460 : memref<10240x128xf32, #tpu.memory_space<vmem_shared>>)
            } else {
            }
            %add3A_434 = arith.constant 1 : i32
            %add3A_435 = arith.addi %scan3A_362, %add3A_434 : i32
            %dma_start3A_436 = arith.constant 0 : i32
            %dma_start3A_437 = arith.constant 0 : i32
            %dma_start3A_438 = tpu.memref_slice %arg14[%dma_start3A_436, %dma_start3A_437] : memref<128x128xf32, #tpu.memory_space<vmem>> -> memref<64x128xf32, #tpu.memory_space<vmem>>
            %dma_start3A_439 = arith.constant 0 : i32
            %dma_start3A_440 = tpu.memref_slice %arg12[%add3A_435, %dma_start3A_439] : memref<40x128xi32, #tpu.memory_space<vmem>> -> memref<1x64xi32, #tpu.memory_space<vmem>>
            %dma_start3A_441 = tpu.memref_squeeze %dma_start3A_440 : memref<1x64xi32, #tpu.memory_space<vmem>> -> memref<64xi32, #tpu.memory_space<vmem>>
            %dma_start3A_442 = arith.constant 0 : i32
            %dma_start3A_443 = arith.constant 0 : i32
            %dma_start3A_444 = tpu.memref_slice %arg5[%dma_start3A_442, %dma_start3A_443] : memref<10000x128xf32, #tpu.memory_space<hbm>> -> memref<10000x128xf32, #tpu.memory_space<hbm>>
            tpu.enqueue_indirect_dma source(%dma_start3A_444 : memref<10000x128xf32, #tpu.memory_space<hbm>>) target(%dma_start3A_438 : memref<64x128xf32, #tpu.memory_space<vmem>>) offsets(%dma_start3A_441 : memref<64xi32, #tpu.memory_space<vmem>>) semaphore(%arg19 : memref<!tpu.dma_semaphore, #tpu.memory_space<semaphore_mem>>)
            %dma_start3A_445 = arith.constant 64 : i32
            %dma_start3A_446 = arith.constant 0 : i32
            %dma_start3A_447 = tpu.memref_slice %arg14[%dma_start3A_445, %dma_start3A_446] : memref<128x128xf32, #tpu.memory_space<vmem>> -> memref<64x128xf32, #tpu.memory_space<vmem>>
            %dma_start3A_448 = arith.constant 64 : i32
            %dma_start3A_449 = tpu.memref_slice %arg12[%add3A_435, %dma_start3A_448] : memref<40x128xi32, #tpu.memory_space<vmem>> -> memref<1x64xi32, #tpu.memory_space<vmem>>
            %dma_start3A_450 = tpu.memref_squeeze %dma_start3A_449 : memref<1x64xi32, #tpu.memory_space<vmem>> -> memref<64xi32, #tpu.memory_space<vmem>>
            %dma_start3A_451 = arith.constant 0 : i32
            %dma_start3A_452 = arith.constant 0 : i32
            %dma_start3A_453 = tpu.memref_slice %arg5[%dma_start3A_451, %dma_start3A_452] : memref<10000x128xf32, #tpu.memory_space<hbm>> -> memref<10000x128xf32, #tpu.memory_space<hbm>>
            tpu.enqueue_indirect_dma source(%dma_start3A_453 : memref<10000x128xf32, #tpu.memory_space<hbm>>) target(%dma_start3A_447 : memref<64x128xf32, #tpu.memory_space<vmem>>) offsets(%dma_start3A_450 : memref<64xi32, #tpu.memory_space<vmem>>) semaphore(%arg20 : memref<!tpu.dma_semaphore, #tpu.memory_space<semaphore_mem>>)
          } else {
          }
          %dma_start3A_424 = arith.constant 0 : i32
          %dma_start3A_425 = tpu.memref_slice %arg11[%scan3A_362, %dma_start3A_424] : memref<40x128xi32, #tpu.memory_space<vmem>> -> memref<1x128xi32, #tpu.memory_space<vmem>>
          %dma_start3A_426 = tpu.memref_squeeze %dma_start3A_425 : memref<1x128xi32, #tpu.memory_space<vmem>> -> memref<128xi32, #tpu.memory_space<vmem>>
          %dma_start3A_427 = arith.constant 0 : i32
          %dma_start3A_428 = arith.constant 0 : i32
          %dma_start3A_429 = tpu.memref_slice %arg16[%dma_start3A_427, %dma_start3A_428] : memref<10240x128xf32, #tpu.memory_space<vmem_shared>> -> memref<10240x128xf32, #tpu.memory_space<vmem_shared>>
          tpu.enqueue_indirect_dma source(%arg13 : memref<128x128xf32, #tpu.memory_space<vmem>>) target(%dma_start3A_429 : memref<10240x128xf32, #tpu.memory_space<vmem_shared>>) offsets(%dma_start3A_426 : memref<128xi32, #tpu.memory_space<vmem>>) semaphore(%arg21 : memref<!tpu.dma_semaphore, #tpu.memory_space<semaphore_mem>>) {add = true}
        } else {
        }
        %jit3A_378 = arith.constant 2 : i32
        %eq3A_379 = arith.constant 0 : i32
        %eq3A_380 = arith.cmpi eq, %jit3A_378, %eq3A_379 : i32
        %jit3A_381 = arith.constant 1 : i32
        %select_n3A_382 = arith.select %eq3A_380, %jit3A_381, %jit3A_378 : i32
        %rem3A_383 = arith.remsi %scan3A_362, %select_n3A_382 : i32
        %ne3A_384 = arith.constant 0 : i32
        %ne3A_385 = arith.cmpi ne, %rem3A_383, %ne3A_384 : i32
        %lt3A_386 = arith.constant 0 : i32
        %lt3A_387 = arith.cmpi slt, %rem3A_383, %lt3A_386 : i32
        %lt3A_388 = arith.constant 0 : i32
        %lt3A_389 = arith.cmpi slt, %select_n3A_382, %lt3A_388 : i32
        %ne3A_390 = arith.xori %lt3A_387, %lt3A_389 : i1
        %and3A_391 = arith.andi %ne3A_390, %ne3A_385 : i1
        %add3A_392 = arith.addi %rem3A_383, %select_n3A_382 : i32
        %select_n3A_393 = arith.select %and3A_391, %add3A_392, %rem3A_383 : i32
        %eq3A_394 = arith.constant 1 : i32
        %eq3A_395 = arith.cmpi eq, %select_n3A_393, %eq3A_394 : i32
        %convert_element_type3A_396 = arith.extui %eq3A_395 : i1 to i32
        %cond3A_397 = arith.constant 0 : i32
        %cond3A_398 = arith.cmpi ne, %convert_element_type3A_396, %cond3A_397 : i32
        scf.if %cond3A_398 {
          %dma_wait3A_399 = arith.constant 0 : i32
          %dma_wait3A_400 = arith.constant 0 : i32
          %dma_wait3A_401 = tpu.memref_slice %arg14[%dma_wait3A_399, %dma_wait3A_400] : memref<128x128xf32, #tpu.memory_space<vmem>> -> memref<64x128xf32, #tpu.memory_space<vmem>>
          %dma_wait3A_402 = arith.constant 0 : i32
          %dma_wait3A_403 = tpu.memref_slice %arg12[%scan3A_362, %dma_wait3A_402] : memref<40x128xi32, #tpu.memory_space<vmem>> -> memref<1x64xi32, #tpu.memory_space<vmem>>
          %dma_wait3A_404 = tpu.memref_squeeze %dma_wait3A_403 : memref<1x64xi32, #tpu.memory_space<vmem>> -> memref<64xi32, #tpu.memory_space<vmem>>
          %dma_wait3A_405 = arith.constant 0 : i32
          %dma_wait3A_406 = arith.constant 0 : i32
          %dma_wait3A_407 = tpu.memref_slice %arg5[%dma_wait3A_405, %dma_wait3A_406] : memref<10000x128xf32, #tpu.memory_space<hbm>> -> memref<10000x128xf32, #tpu.memory_space<hbm>>
          tpu.wait_indirect_dma semaphore(%arg19 : memref<!tpu.dma_semaphore, #tpu.memory_space<semaphore_mem>>) src(%dma_wait3A_407 : memref<10000x128xf32, #tpu.memory_space<hbm>>) dst(%dma_wait3A_401 : memref<64x128xf32, #tpu.memory_space<vmem>>)
          %dma_wait3A_408 = arith.constant 64 : i32
          %dma_wait3A_409 = arith.constant 0 : i32
          %dma_wait3A_410 = tpu.memref_slice %arg14[%dma_wait3A_408, %dma_wait3A_409] : memref<128x128xf32, #tpu.memory_space<vmem>> -> memref<64x128xf32, #tpu.memory_space<vmem>>
          %dma_wait3A_411 = arith.constant 64 : i32
          %dma_wait3A_412 = tpu.memref_slice %arg12[%scan3A_362, %dma_wait3A_411] : memref<40x128xi32, #tpu.memory_space<vmem>> -> memref<1x64xi32, #tpu.memory_space<vmem>>
          %dma_wait3A_413 = tpu.memref_squeeze %dma_wait3A_412 : memref<1x64xi32, #tpu.memory_space<vmem>> -> memref<64xi32, #tpu.memory_space<vmem>>
          %dma_wait3A_414 = arith.constant 0 : i32
          %dma_wait3A_415 = arith.constant 0 : i32
          %dma_wait3A_416 = tpu.memref_slice %arg5[%dma_wait3A_414, %dma_wait3A_415] : memref<10000x128xf32, #tpu.memory_space<hbm>> -> memref<10000x128xf32, #tpu.memory_space<hbm>>
          tpu.wait_indirect_dma semaphore(%arg20 : memref<!tpu.dma_semaphore, #tpu.memory_space<semaphore_mem>>) src(%dma_wait3A_416 : memref<10000x128xf32, #tpu.memory_space<hbm>>) dst(%dma_wait3A_410 : memref<64x128xf32, #tpu.memory_space<vmem>>)
          %add3A_417 = arith.constant 1 : i32
          %add3A_418 = arith.addi %scan3A_362, %add3A_417 : i32
          %lt3A_419 = arith.constant 40 : i32
          %lt3A_420 = arith.cmpi slt, %add3A_418, %lt3A_419 : i32
          %convert_element_type3A_421 = arith.extui %lt3A_420 : i1 to i32
          %cond3A_422 = arith.constant 0 : i32
          %cond3A_423 = arith.cmpi ne, %convert_element_type3A_421, %cond3A_422 : i32
          scf.if %cond3A_423 {
            %sub3A = arith.constant 1 : i32
            %sub3A_430 = arith.subi %scan3A_362, %sub3A : i32
            %dma_wait3A_431 = arith.constant 0 : i32
            %dma_wait3A_432 = tpu.memref_slice %arg11[%sub3A_430, %dma_wait3A_431] : memref<40x128xi32, #tpu.memory_space<vmem>> -> memref<1x128xi32, #tpu.memory_space<vmem>>
            %dma_wait3A_433 = tpu.memref_squeeze %dma_wait3A_432 : memref<1x128xi32, #tpu.memory_space<vmem>> -> memref<128xi32, #tpu.memory_space<vmem>>
            %dma_wait3A_434 = arith.constant 0 : i32
            %dma_wait3A_435 = arith.constant 0 : i32
            %dma_wait3A_436 = tpu.memref_slice %arg16[%dma_wait3A_434, %dma_wait3A_435] : memref<10240x128xf32, #tpu.memory_space<vmem_shared>> -> memref<10240x128xf32, #tpu.memory_space<vmem_shared>>
            tpu.wait_indirect_dma semaphore(%arg21 : memref<!tpu.dma_semaphore, #tpu.memory_space<semaphore_mem>>) src(%arg13 : memref<128x128xf32, #tpu.memory_space<vmem>>) dst(%dma_wait3A_436 : memref<10240x128xf32, #tpu.memory_space<vmem_shared>>)
            %add3A_437 = arith.constant 1 : i32
            %add3A_438 = arith.addi %scan3A_362, %add3A_437 : i32
            %dma_start3A_439 = arith.constant 0 : i32
            %dma_start3A_440 = arith.constant 0 : i32
            %dma_start3A_441 = tpu.memref_slice %arg13[%dma_start3A_439, %dma_start3A_440] : memref<128x128xf32, #tpu.memory_space<vmem>> -> memref<64x128xf32, #tpu.memory_space<vmem>>
            %dma_start3A_442 = arith.constant 0 : i32
            %dma_start3A_443 = tpu.memref_slice %arg12[%add3A_438, %dma_start3A_442] : memref<40x128xi32, #tpu.memory_space<vmem>> -> memref<1x64xi32, #tpu.memory_space<vmem>>
            %dma_start3A_444 = tpu.memref_squeeze %dma_start3A_443 : memref<1x64xi32, #tpu.memory_space<vmem>> -> memref<64xi32, #tpu.memory_space<vmem>>
            %dma_start3A_445 = arith.constant 0 : i32
            %dma_start3A_446 = arith.constant 0 : i32
            %dma_start3A_447 = tpu.memref_slice %arg5[%dma_start3A_445, %dma_start3A_446] : memref<10000x128xf32, #tpu.memory_space<hbm>> -> memref<10000x128xf32, #tpu.memory_space<hbm>>
            tpu.enqueue_indirect_dma source(%dma_start3A_447 : memref<10000x128xf32, #tpu.memory_space<hbm>>) target(%dma_start3A_441 : memref<64x128xf32, #tpu.memory_space<vmem>>) offsets(%dma_start3A_444 : memref<64xi32, #tpu.memory_space<vmem>>) semaphore(%arg17 : memref<!tpu.dma_semaphore, #tpu.memory_space<semaphore_mem>>)
            %dma_start3A_448 = arith.constant 64 : i32
            %dma_start3A_449 = arith.constant 0 : i32
            %dma_start3A_450 = tpu.memref_slice %arg13[%dma_start3A_448, %dma_start3A_449] : memref<128x128xf32, #tpu.memory_space<vmem>> -> memref<64x128xf32, #tpu.memory_space<vmem>>
            %dma_start3A_451 = arith.constant 64 : i32
            %dma_start3A_452 = tpu.memref_slice %arg12[%add3A_438, %dma_start3A_451] : memref<40x128xi32, #tpu.memory_space<vmem>> -> memref<1x64xi32, #tpu.memory_space<vmem>>
            %dma_start3A_453 = tpu.memref_squeeze %dma_start3A_452 : memref<1x64xi32, #tpu.memory_space<vmem>> -> memref<64xi32, #tpu.memory_space<vmem>>
            %dma_start3A_454 = arith.constant 0 : i32
            %dma_start3A_455 = arith.constant 0 : i32
            %dma_start3A_456 = tpu.memref_slice %arg5[%dma_start3A_454, %dma_start3A_455] : memref<10000x128xf32, #tpu.memory_space<hbm>> -> memref<10000x128xf32, #tpu.memory_space<hbm>>
            tpu.enqueue_indirect_dma source(%dma_start3A_456 : memref<10000x128xf32, #tpu.memory_space<hbm>>) target(%dma_start3A_450 : memref<64x128xf32, #tpu.memory_space<vmem>>) offsets(%dma_start3A_453 : memref<64xi32, #tpu.memory_space<vmem>>) semaphore(%arg18 : memref<!tpu.dma_semaphore, #tpu.memory_space<semaphore_mem>>)
          } else {
          }
          %dma_start3A_424 = arith.constant 0 : i32
          %dma_start3A_425 = tpu.memref_slice %arg11[%scan3A_362, %dma_start3A_424] : memref<40x128xi32, #tpu.memory_space<vmem>> -> memref<1x128xi32, #tpu.memory_space<vmem>>
          %dma_start3A_426 = tpu.memref_squeeze %dma_start3A_425 : memref<1x128xi32, #tpu.memory_space<vmem>> -> memref<128xi32, #tpu.memory_space<vmem>>
          %dma_start3A_427 = arith.constant 0 : i32
          %dma_start3A_428 = arith.constant 0 : i32
          %dma_start3A_429 = tpu.memref_slice %arg16[%dma_start3A_427, %dma_start3A_428] : memref<10240x128xf32, #tpu.memory_space<vmem_shared>> -> memref<10240x128xf32, #tpu.memory_space<vmem_shared>>
          tpu.enqueue_indirect_dma source(%arg14 : memref<128x128xf32, #tpu.memory_space<vmem>>) target(%dma_start3A_429 : memref<10240x128xf32, #tpu.memory_space<vmem_shared>>) offsets(%dma_start3A_426 : memref<128xi32, #tpu.memory_space<vmem>>) semaphore(%arg22 : memref<!tpu.dma_semaphore, #tpu.memory_space<semaphore_mem>>) {add = true}
        } else {
        }
      }
      %scan3A_296 = arith.constant 40 : i32
      %dma_wait3A_297 = arith.constant 38 : i32
      %dma_wait3A_298 = arith.constant 0 : i32
      %dma_wait3A_299 = tpu.memref_slice %arg11[%dma_wait3A_297, %dma_wait3A_298] : memref<40x128xi32, #tpu.memory_space<vmem>> -> memref<1x128xi32, #tpu.memory_space<vmem>>
      %dma_wait3A_300 = tpu.memref_squeeze %dma_wait3A_299 : memref<1x128xi32, #tpu.memory_space<vmem>> -> memref<128xi32, #tpu.memory_space<vmem>>
      %dma_wait3A_301 = arith.constant 0 : i32
      %dma_wait3A_302 = arith.constant 0 : i32
      %dma_wait3A_303 = tpu.memref_slice %arg16[%dma_wait3A_301, %dma_wait3A_302] : memref<10240x128xf32, #tpu.memory_space<vmem_shared>> -> memref<10240x128xf32, #tpu.memory_space<vmem_shared>>
      tpu.wait_indirect_dma semaphore(%arg21 : memref<!tpu.dma_semaphore, #tpu.memory_space<semaphore_mem>>) src(%arg13 : memref<128x128xf32, #tpu.memory_space<vmem>>) dst(%dma_wait3A_303 : memref<10240x128xf32, #tpu.memory_space<vmem_shared>>)
      %dma_wait3A_304 = arith.constant 39 : i32
      %dma_wait3A_305 = arith.constant 0 : i32
      %dma_wait3A_306 = tpu.memref_slice %arg11[%dma_wait3A_304, %dma_wait3A_305] : memref<40x128xi32, #tpu.memory_space<vmem>> -> memref<1x128xi32, #tpu.memory_space<vmem>>
      %dma_wait3A_307 = tpu.memref_squeeze %dma_wait3A_306 : memref<1x128xi32, #tpu.memory_space<vmem>> -> memref<128xi32, #tpu.memory_space<vmem>>
      %dma_wait3A_308 = arith.constant 0 : i32
      %dma_wait3A_309 = arith.constant 0 : i32
      %dma_wait3A_310 = tpu.memref_slice %arg16[%dma_wait3A_308, %dma_wait3A_309] : memref<10240x128xf32, #tpu.memory_space<vmem_shared>> -> memref<10240x128xf32, #tpu.memory_space<vmem_shared>>
      tpu.wait_indirect_dma semaphore(%arg22 : memref<!tpu.dma_semaphore, #tpu.memory_space<semaphore_mem>>) src(%arg14 : memref<128x128xf32, #tpu.memory_space<vmem>>) dst(%dma_wait3A_310 : memref<10240x128xf32, #tpu.memory_space<vmem_shared>>)
      %mul3A_311 = arith.constant 80 : i32
      %mul3A_312 = arith.muli %arg1, %mul3A_311 : i32
      %add3A_313 = arith.constant 40 : i32
      %add3A_314 = arith.addi %mul3A_312, %add3A_313 : i32
      %run_scoped3A_315 = arith.constant 0 : i32
      "tpu.region"() ({
        %run_scoped3A_362 = tpu.sem_alloc : memref<!tpu.dma_semaphore, #tpu.memory_space<semaphore_mem>>
        %dma_start3A_363 = arith.constant 0 : i32
        %dma_start3A_364 = tpu.memref_slice %arg6[%run_scoped3A_315, %add3A_314, %dma_start3A_363] : memref<2x1280x128xi32, #tpu.memory_space<hbm>> -> memref<1x40x128xi32, #tpu.memory_space<hbm>>
        %dma_start3A_365 = tpu.memref_squeeze %dma_start3A_364 : memref<1x40x128xi32, #tpu.memory_space<hbm>> -> memref<40x128xi32, #tpu.memory_space<hbm>>
        %dma_start3A_366 = arith.constant 0 : i32
        %dma_start3A_367 = tpu.memref_slice %arg6[%run_scoped3A_315, %add3A_314, %dma_start3A_366] : memref<2x1280x128xi32, #tpu.memory_space<hbm>> -> memref<1x40x128xi32, #tpu.memory_space<hbm>>
        %dma_start3A_368 = tpu.memref_squeeze %dma_start3A_367 : memref<1x40x128xi32, #tpu.memory_space<hbm>> -> memref<40x128xi32, #tpu.memory_space<hbm>>
        tpu.enqueue_dma source(%dma_start3A_368 : memref<40x128xi32, #tpu.memory_space<hbm>>) target(%arg11 : memref<40x128xi32, #tpu.memory_space<vmem>>) target_semaphore(%run_scoped3A_362 : memref<!tpu.dma_semaphore, #tpu.memory_space<semaphore_mem>>)
        %dma_wait3A_369 = arith.constant 0 : i32
        %dma_wait3A_370 = tpu.memref_slice %arg6[%run_scoped3A_315, %add3A_314, %dma_wait3A_369] : memref<2x1280x128xi32, #tpu.memory_space<hbm>> -> memref<1x40x128xi32, #tpu.memory_space<hbm>>
        %dma_wait3A_371 = tpu.memref_squeeze %dma_wait3A_370 : memref<1x40x128xi32, #tpu.memory_space<hbm>> -> memref<40x128xi32, #tpu.memory_space<hbm>>
        %dma_wait3A_372 = arith.constant 0 : i32
        %dma_wait3A_373 = tpu.memref_slice %arg6[%run_scoped3A_315, %add3A_314, %dma_wait3A_372] : memref<2x1280x128xi32, #tpu.memory_space<hbm>> -> memref<1x40x128xi32, #tpu.memory_space<hbm>>
        %dma_wait3A_374 = tpu.memref_squeeze %dma_wait3A_373 : memref<1x40x128xi32, #tpu.memory_space<hbm>> -> memref<40x128xi32, #tpu.memory_space<hbm>>
        tpu.wait_dma2 semaphore(%run_scoped3A_362 : memref<!tpu.dma_semaphore, #tpu.memory_space<semaphore_mem>>) src(%dma_wait3A_374 : memref<40x128xi32, #tpu.memory_space<hbm>>) dst(%arg11 : memref<40x128xi32, #tpu.memory_space<vmem>>)
        tpu.yield
      }) : () -> ()
      %run_scoped3A_316 = arith.constant 1 : i32
      "tpu.region"() ({
        %run_scoped3A_362 = tpu.sem_alloc : memref<!tpu.dma_semaphore, #tpu.memory_space<semaphore_mem>>
        %dma_start3A_363 = arith.constant 0 : i32
        %dma_start3A_364 = tpu.memref_slice %arg6[%run_scoped3A_316, %add3A_314, %dma_start3A_363] : memref<2x1280x128xi32, #tpu.memory_space<hbm>> -> memref<1x40x128xi32, #tpu.memory_space<hbm>>
        %dma_start3A_365 = tpu.memref_squeeze %dma_start3A_364 : memref<1x40x128xi32, #tpu.memory_space<hbm>> -> memref<40x128xi32, #tpu.memory_space<hbm>>
        %dma_start3A_366 = arith.constant 0 : i32
        %dma_start3A_367 = tpu.memref_slice %arg6[%run_scoped3A_316, %add3A_314, %dma_start3A_366] : memref<2x1280x128xi32, #tpu.memory_space<hbm>> -> memref<1x40x128xi32, #tpu.memory_space<hbm>>
        %dma_start3A_368 = tpu.memref_squeeze %dma_start3A_367 : memref<1x40x128xi32, #tpu.memory_space<hbm>> -> memref<40x128xi32, #tpu.memory_space<hbm>>
        tpu.enqueue_dma source(%dma_start3A_368 : memref<40x128xi32, #tpu.memory_space<hbm>>) target(%arg12 : memref<40x128xi32, #tpu.memory_space<vmem>>) target_semaphore(%run_scoped3A_362 : memref<!tpu.dma_semaphore, #tpu.memory_space<semaphore_mem>>)
        %dma_wait3A_369 = arith.constant 0 : i32
        %dma_wait3A_370 = tpu.memref_slice %arg6[%run_scoped3A_316, %add3A_314, %dma_wait3A_369] : memref<2x1280x128xi32, #tpu.memory_space<hbm>> -> memref<1x40x128xi32, #tpu.memory_space<hbm>>
        %dma_wait3A_371 = tpu.memref_squeeze %dma_wait3A_370 : memref<1x40x128xi32, #tpu.memory_space<hbm>> -> memref<40x128xi32, #tpu.memory_space<hbm>>
        %dma_wait3A_372 = arith.constant 0 : i32
        %dma_wait3A_373 = tpu.memref_slice %arg6[%run_scoped3A_316, %add3A_314, %dma_wait3A_372] : memref<2x1280x128xi32, #tpu.memory_space<hbm>> -> memref<1x40x128xi32, #tpu.memory_space<hbm>>
        %dma_wait3A_374 = tpu.memref_squeeze %dma_wait3A_373 : memref<1x40x128xi32, #tpu.memory_space<hbm>> -> memref<40x128xi32, #tpu.memory_space<hbm>>
        tpu.wait_dma2 semaphore(%run_scoped3A_362 : memref<!tpu.dma_semaphore, #tpu.memory_space<semaphore_mem>>) src(%dma_wait3A_374 : memref<40x128xi32, #tpu.memory_space<hbm>>) dst(%arg12 : memref<40x128xi32, #tpu.memory_space<vmem>>)
        tpu.yield
      }) : () -> ()
      %dma_start3A_317 = arith.constant 0 : i32
      %dma_start3A_318 = arith.constant 0 : i32
      %dma_start3A_319 = arith.constant 0 : i32
      %dma_start3A_320 = tpu.memref_slice %arg13[%dma_start3A_318, %dma_start3A_319] : memref<128x128xf32, #tpu.memory_space<vmem>> -> memref<64x128xf32, #tpu.memory_space<vmem>>
      %dma_start3A_321 = arith.constant 0 : i32
      %dma_start3A_322 = tpu.memref_slice %arg12[%dma_start3A_317, %dma_start3A_321] : memref<40x128xi32, #tpu.memory_space<vmem>> -> memref<1x64xi32, #tpu.memory_space<vmem>>
      %dma_start3A_323 = tpu.memref_squeeze %dma_start3A_322 : memref<1x64xi32, #tpu.memory_space<vmem>> -> memref<64xi32, #tpu.memory_space<vmem>>
      %dma_start3A_324 = arith.constant 0 : i32
      %dma_start3A_325 = arith.constant 0 : i32
      %dma_start3A_326 = tpu.memref_slice %arg5[%dma_start3A_324, %dma_start3A_325] : memref<10000x128xf32, #tpu.memory_space<hbm>> -> memref<10000x128xf32, #tpu.memory_space<hbm>>
      tpu.enqueue_indirect_dma source(%dma_start3A_326 : memref<10000x128xf32, #tpu.memory_space<hbm>>) target(%dma_start3A_320 : memref<64x128xf32, #tpu.memory_space<vmem>>) offsets(%dma_start3A_323 : memref<64xi32, #tpu.memory_space<vmem>>) semaphore(%arg17 : memref<!tpu.dma_semaphore, #tpu.memory_space<semaphore_mem>>)
      %dma_start3A_327 = arith.constant 0 : i32
      %dma_start3A_328 = arith.constant 64 : i32
      %dma_start3A_329 = arith.constant 0 : i32
      %dma_start3A_330 = tpu.memref_slice %arg13[%dma_start3A_328, %dma_start3A_329] : memref<128x128xf32, #tpu.memory_space<vmem>> -> memref<64x128xf32, #tpu.memory_space<vmem>>
      %dma_start3A_331 = arith.constant 64 : i32
      %dma_start3A_332 = tpu.memref_slice %arg12[%dma_start3A_327, %dma_start3A_331] : memref<40x128xi32, #tpu.memory_space<vmem>> -> memref<1x64xi32, #tpu.memory_space<vmem>>
      %dma_start3A_333 = tpu.memref_squeeze %dma_start3A_332 : memref<1x64xi32, #tpu.memory_space<vmem>> -> memref<64xi32, #tpu.memory_space<vmem>>
      %dma_start3A_334 = arith.constant 0 : i32
      %dma_start3A_335 = arith.constant 0 : i32
      %dma_start3A_336 = tpu.memref_slice %arg5[%dma_start3A_334, %dma_start3A_335] : memref<10000x128xf32, #tpu.memory_space<hbm>> -> memref<10000x128xf32, #tpu.memory_space<hbm>>
      tpu.enqueue_indirect_dma source(%dma_start3A_336 : memref<10000x128xf32, #tpu.memory_space<hbm>>) target(%dma_start3A_330 : memref<64x128xf32, #tpu.memory_space<vmem>>) offsets(%dma_start3A_333 : memref<64xi32, #tpu.memory_space<vmem>>) semaphore(%arg18 : memref<!tpu.dma_semaphore, #tpu.memory_space<semaphore_mem>>)
      %scan3A_337 = arith.constant 0 : i32
      %scan3A_338 = arith.constant 0 : i32
      %scan3A_339 = arith.constant 40 : i32
      %scan3A_340 = arith.addi %scan3A_338, %scan3A_339 : i32
      %scan3A_341 = arith.constant 1 : i32
      scf.for %scan3A_362 = %scan3A_338 to %scan3A_340 step %scan3A_341  : i32 {
        %jit3A = arith.constant 2 : i32
        %eq3A_363 = arith.constant 0 : i32
        %eq3A_364 = arith.cmpi eq, %jit3A, %eq3A_363 : i32
        %jit3A_365 = arith.constant 1 : i32
        %select_n3A = arith.select %eq3A_364, %jit3A_365, %jit3A : i32
        %rem3A = arith.remsi %scan3A_362, %select_n3A : i32
        %ne3A = arith.constant 0 : i32
        %ne3A_366 = arith.cmpi ne, %rem3A, %ne3A : i32
        %lt3A = arith.constant 0 : i32
        %lt3A_367 = arith.cmpi slt, %rem3A, %lt3A : i32
        %lt3A_368 = arith.constant 0 : i32
        %lt3A_369 = arith.cmpi slt, %select_n3A, %lt3A_368 : i32
        %ne3A_370 = arith.xori %lt3A_367, %lt3A_369 : i1
        %and3A = arith.andi %ne3A_370, %ne3A_366 : i1
        %add3A_371 = arith.addi %rem3A, %select_n3A : i32
        %select_n3A_372 = arith.select %and3A, %add3A_371, %rem3A : i32
        %eq3A_373 = arith.constant 0 : i32
        %eq3A_374 = arith.cmpi eq, %select_n3A_372, %eq3A_373 : i32
        %convert_element_type3A_375 = arith.extui %eq3A_374 : i1 to i32
        %cond3A_376 = arith.constant 0 : i32
        %cond3A_377 = arith.cmpi ne, %convert_element_type3A_375, %cond3A_376 : i32
        scf.if %cond3A_377 {
          %dma_wait3A_399 = arith.constant 0 : i32
          %dma_wait3A_400 = arith.constant 0 : i32
          %dma_wait3A_401 = tpu.memref_slice %arg13[%dma_wait3A_399, %dma_wait3A_400] : memref<128x128xf32, #tpu.memory_space<vmem>> -> memref<64x128xf32, #tpu.memory_space<vmem>>
          %dma_wait3A_402 = arith.constant 0 : i32
          %dma_wait3A_403 = tpu.memref_slice %arg12[%scan3A_362, %dma_wait3A_402] : memref<40x128xi32, #tpu.memory_space<vmem>> -> memref<1x64xi32, #tpu.memory_space<vmem>>
          %dma_wait3A_404 = tpu.memref_squeeze %dma_wait3A_403 : memref<1x64xi32, #tpu.memory_space<vmem>> -> memref<64xi32, #tpu.memory_space<vmem>>
          %dma_wait3A_405 = arith.constant 0 : i32
          %dma_wait3A_406 = arith.constant 0 : i32
          %dma_wait3A_407 = tpu.memref_slice %arg5[%dma_wait3A_405, %dma_wait3A_406] : memref<10000x128xf32, #tpu.memory_space<hbm>> -> memref<10000x128xf32, #tpu.memory_space<hbm>>
          tpu.wait_indirect_dma semaphore(%arg17 : memref<!tpu.dma_semaphore, #tpu.memory_space<semaphore_mem>>) src(%dma_wait3A_407 : memref<10000x128xf32, #tpu.memory_space<hbm>>) dst(%dma_wait3A_401 : memref<64x128xf32, #tpu.memory_space<vmem>>)
          %dma_wait3A_408 = arith.constant 64 : i32
          %dma_wait3A_409 = arith.constant 0 : i32
          %dma_wait3A_410 = tpu.memref_slice %arg13[%dma_wait3A_408, %dma_wait3A_409] : memref<128x128xf32, #tpu.memory_space<vmem>> -> memref<64x128xf32, #tpu.memory_space<vmem>>
          %dma_wait3A_411 = arith.constant 64 : i32
          %dma_wait3A_412 = tpu.memref_slice %arg12[%scan3A_362, %dma_wait3A_411] : memref<40x128xi32, #tpu.memory_space<vmem>> -> memref<1x64xi32, #tpu.memory_space<vmem>>
          %dma_wait3A_413 = tpu.memref_squeeze %dma_wait3A_412 : memref<1x64xi32, #tpu.memory_space<vmem>> -> memref<64xi32, #tpu.memory_space<vmem>>
          %dma_wait3A_414 = arith.constant 0 : i32
          %dma_wait3A_415 = arith.constant 0 : i32
          %dma_wait3A_416 = tpu.memref_slice %arg5[%dma_wait3A_414, %dma_wait3A_415] : memref<10000x128xf32, #tpu.memory_space<hbm>> -> memref<10000x128xf32, #tpu.memory_space<hbm>>
          tpu.wait_indirect_dma semaphore(%arg18 : memref<!tpu.dma_semaphore, #tpu.memory_space<semaphore_mem>>) src(%dma_wait3A_416 : memref<10000x128xf32, #tpu.memory_space<hbm>>) dst(%dma_wait3A_410 : memref<64x128xf32, #tpu.memory_space<vmem>>)
          %add3A_417 = arith.constant 1 : i32
          %add3A_418 = arith.addi %scan3A_362, %add3A_417 : i32
          %lt3A_419 = arith.constant 40 : i32
          %lt3A_420 = arith.cmpi slt, %add3A_418, %lt3A_419 : i32
          %convert_element_type3A_421 = arith.extui %lt3A_420 : i1 to i32
          %cond3A_422 = arith.constant 0 : i32
          %cond3A_423 = arith.cmpi ne, %convert_element_type3A_421, %cond3A_422 : i32
          scf.if %cond3A_423 {
            %gt3A = arith.constant 0 : i32
            %gt3A_430 = arith.cmpi sgt, %scan3A_362, %gt3A : i32
            %convert_element_type3A_431 = arith.extui %gt3A_430 : i1 to i32
            %cond3A_432 = arith.constant 0 : i32
            %cond3A_433 = arith.cmpi ne, %convert_element_type3A_431, %cond3A_432 : i32
            scf.if %cond3A_433 {
              %sub3A = arith.constant 1 : i32
              %sub3A_454 = arith.subi %scan3A_362, %sub3A : i32
              %dma_wait3A_455 = arith.constant 0 : i32
              %dma_wait3A_456 = tpu.memref_slice %arg11[%sub3A_454, %dma_wait3A_455] : memref<40x128xi32, #tpu.memory_space<vmem>> -> memref<1x128xi32, #tpu.memory_space<vmem>>
              %dma_wait3A_457 = tpu.memref_squeeze %dma_wait3A_456 : memref<1x128xi32, #tpu.memory_space<vmem>> -> memref<128xi32, #tpu.memory_space<vmem>>
              %dma_wait3A_458 = arith.constant 0 : i32
              %dma_wait3A_459 = arith.constant 0 : i32
              %dma_wait3A_460 = tpu.memref_slice %arg16[%dma_wait3A_458, %dma_wait3A_459] : memref<10240x128xf32, #tpu.memory_space<vmem_shared>> -> memref<10240x128xf32, #tpu.memory_space<vmem_shared>>
              tpu.wait_indirect_dma semaphore(%arg22 : memref<!tpu.dma_semaphore, #tpu.memory_space<semaphore_mem>>) src(%arg14 : memref<128x128xf32, #tpu.memory_space<vmem>>) dst(%dma_wait3A_460 : memref<10240x128xf32, #tpu.memory_space<vmem_shared>>)
            } else {
            }
            %add3A_434 = arith.constant 1 : i32
            %add3A_435 = arith.addi %scan3A_362, %add3A_434 : i32
            %dma_start3A_436 = arith.constant 0 : i32
            %dma_start3A_437 = arith.constant 0 : i32
            %dma_start3A_438 = tpu.memref_slice %arg14[%dma_start3A_436, %dma_start3A_437] : memref<128x128xf32, #tpu.memory_space<vmem>> -> memref<64x128xf32, #tpu.memory_space<vmem>>
            %dma_start3A_439 = arith.constant 0 : i32
            %dma_start3A_440 = tpu.memref_slice %arg12[%add3A_435, %dma_start3A_439] : memref<40x128xi32, #tpu.memory_space<vmem>> -> memref<1x64xi32, #tpu.memory_space<vmem>>
            %dma_start3A_441 = tpu.memref_squeeze %dma_start3A_440 : memref<1x64xi32, #tpu.memory_space<vmem>> -> memref<64xi32, #tpu.memory_space<vmem>>
            %dma_start3A_442 = arith.constant 0 : i32
            %dma_start3A_443 = arith.constant 0 : i32
            %dma_start3A_444 = tpu.memref_slice %arg5[%dma_start3A_442, %dma_start3A_443] : memref<10000x128xf32, #tpu.memory_space<hbm>> -> memref<10000x128xf32, #tpu.memory_space<hbm>>
            tpu.enqueue_indirect_dma source(%dma_start3A_444 : memref<10000x128xf32, #tpu.memory_space<hbm>>) target(%dma_start3A_438 : memref<64x128xf32, #tpu.memory_space<vmem>>) offsets(%dma_start3A_441 : memref<64xi32, #tpu.memory_space<vmem>>) semaphore(%arg19 : memref<!tpu.dma_semaphore, #tpu.memory_space<semaphore_mem>>)
            %dma_start3A_445 = arith.constant 64 : i32
            %dma_start3A_446 = arith.constant 0 : i32
            %dma_start3A_447 = tpu.memref_slice %arg14[%dma_start3A_445, %dma_start3A_446] : memref<128x128xf32, #tpu.memory_space<vmem>> -> memref<64x128xf32, #tpu.memory_space<vmem>>
            %dma_start3A_448 = arith.constant 64 : i32
            %dma_start3A_449 = tpu.memref_slice %arg12[%add3A_435, %dma_start3A_448] : memref<40x128xi32, #tpu.memory_space<vmem>> -> memref<1x64xi32, #tpu.memory_space<vmem>>
            %dma_start3A_450 = tpu.memref_squeeze %dma_start3A_449 : memref<1x64xi32, #tpu.memory_space<vmem>> -> memref<64xi32, #tpu.memory_space<vmem>>
            %dma_start3A_451 = arith.constant 0 : i32
            %dma_start3A_452 = arith.constant 0 : i32
            %dma_start3A_453 = tpu.memref_slice %arg5[%dma_start3A_451, %dma_start3A_452] : memref<10000x128xf32, #tpu.memory_space<hbm>> -> memref<10000x128xf32, #tpu.memory_space<hbm>>
            tpu.enqueue_indirect_dma source(%dma_start3A_453 : memref<10000x128xf32, #tpu.memory_space<hbm>>) target(%dma_start3A_447 : memref<64x128xf32, #tpu.memory_space<vmem>>) offsets(%dma_start3A_450 : memref<64xi32, #tpu.memory_space<vmem>>) semaphore(%arg20 : memref<!tpu.dma_semaphore, #tpu.memory_space<semaphore_mem>>)
          } else {
          }
          %dma_start3A_424 = arith.constant 0 : i32
          %dma_start3A_425 = tpu.memref_slice %arg11[%scan3A_362, %dma_start3A_424] : memref<40x128xi32, #tpu.memory_space<vmem>> -> memref<1x128xi32, #tpu.memory_space<vmem>>
          %dma_start3A_426 = tpu.memref_squeeze %dma_start3A_425 : memref<1x128xi32, #tpu.memory_space<vmem>> -> memref<128xi32, #tpu.memory_space<vmem>>
          %dma_start3A_427 = arith.constant 0 : i32
          %dma_start3A_428 = arith.constant 0 : i32
          %dma_start3A_429 = tpu.memref_slice %arg16[%dma_start3A_427, %dma_start3A_428] : memref<10240x128xf32, #tpu.memory_space<vmem_shared>> -> memref<10240x128xf32, #tpu.memory_space<vmem_shared>>
          tpu.enqueue_indirect_dma source(%arg13 : memref<128x128xf32, #tpu.memory_space<vmem>>) target(%dma_start3A_429 : memref<10240x128xf32, #tpu.memory_space<vmem_shared>>) offsets(%dma_start3A_426 : memref<128xi32, #tpu.memory_space<vmem>>) semaphore(%arg21 : memref<!tpu.dma_semaphore, #tpu.memory_space<semaphore_mem>>) {add = true}
        } else {
        }
        %jit3A_378 = arith.constant 2 : i32
        %eq3A_379 = arith.constant 0 : i32
        %eq3A_380 = arith.cmpi eq, %jit3A_378, %eq3A_379 : i32
        %jit3A_381 = arith.constant 1 : i32
        %select_n3A_382 = arith.select %eq3A_380, %jit3A_381, %jit3A_378 : i32
        %rem3A_383 = arith.remsi %scan3A_362, %select_n3A_382 : i32
        %ne3A_384 = arith.constant 0 : i32
        %ne3A_385 = arith.cmpi ne, %rem3A_383, %ne3A_384 : i32
        %lt3A_386 = arith.constant 0 : i32
        %lt3A_387 = arith.cmpi slt, %rem3A_383, %lt3A_386 : i32
        %lt3A_388 = arith.constant 0 : i32
        %lt3A_389 = arith.cmpi slt, %select_n3A_382, %lt3A_388 : i32
        %ne3A_390 = arith.xori %lt3A_387, %lt3A_389 : i1
        %and3A_391 = arith.andi %ne3A_390, %ne3A_385 : i1
        %add3A_392 = arith.addi %rem3A_383, %select_n3A_382 : i32
        %select_n3A_393 = arith.select %and3A_391, %add3A_392, %rem3A_383 : i32
        %eq3A_394 = arith.constant 1 : i32
        %eq3A_395 = arith.cmpi eq, %select_n3A_393, %eq3A_394 : i32
        %convert_element_type3A_396 = arith.extui %eq3A_395 : i1 to i32
        %cond3A_397 = arith.constant 0 : i32
        %cond3A_398 = arith.cmpi ne, %convert_element_type3A_396, %cond3A_397 : i32
        scf.if %cond3A_398 {
          %dma_wait3A_399 = arith.constant 0 : i32
          %dma_wait3A_400 = arith.constant 0 : i32
          %dma_wait3A_401 = tpu.memref_slice %arg14[%dma_wait3A_399, %dma_wait3A_400] : memref<128x128xf32, #tpu.memory_space<vmem>> -> memref<64x128xf32, #tpu.memory_space<vmem>>
          %dma_wait3A_402 = arith.constant 0 : i32
          %dma_wait3A_403 = tpu.memref_slice %arg12[%scan3A_362, %dma_wait3A_402] : memref<40x128xi32, #tpu.memory_space<vmem>> -> memref<1x64xi32, #tpu.memory_space<vmem>>
          %dma_wait3A_404 = tpu.memref_squeeze %dma_wait3A_403 : memref<1x64xi32, #tpu.memory_space<vmem>> -> memref<64xi32, #tpu.memory_space<vmem>>
          %dma_wait3A_405 = arith.constant 0 : i32
          %dma_wait3A_406 = arith.constant 0 : i32
          %dma_wait3A_407 = tpu.memref_slice %arg5[%dma_wait3A_405, %dma_wait3A_406] : memref<10000x128xf32, #tpu.memory_space<hbm>> -> memref<10000x128xf32, #tpu.memory_space<hbm>>
          tpu.wait_indirect_dma semaphore(%arg19 : memref<!tpu.dma_semaphore, #tpu.memory_space<semaphore_mem>>) src(%dma_wait3A_407 : memref<10000x128xf32, #tpu.memory_space<hbm>>) dst(%dma_wait3A_401 : memref<64x128xf32, #tpu.memory_space<vmem>>)
          %dma_wait3A_408 = arith.constant 64 : i32
          %dma_wait3A_409 = arith.constant 0 : i32
          %dma_wait3A_410 = tpu.memref_slice %arg14[%dma_wait3A_408, %dma_wait3A_409] : memref<128x128xf32, #tpu.memory_space<vmem>> -> memref<64x128xf32, #tpu.memory_space<vmem>>
          %dma_wait3A_411 = arith.constant 64 : i32
          %dma_wait3A_412 = tpu.memref_slice %arg12[%scan3A_362, %dma_wait3A_411] : memref<40x128xi32, #tpu.memory_space<vmem>> -> memref<1x64xi32, #tpu.memory_space<vmem>>
          %dma_wait3A_413 = tpu.memref_squeeze %dma_wait3A_412 : memref<1x64xi32, #tpu.memory_space<vmem>> -> memref<64xi32, #tpu.memory_space<vmem>>
          %dma_wait3A_414 = arith.constant 0 : i32
          %dma_wait3A_415 = arith.constant 0 : i32
          %dma_wait3A_416 = tpu.memref_slice %arg5[%dma_wait3A_414, %dma_wait3A_415] : memref<10000x128xf32, #tpu.memory_space<hbm>> -> memref<10000x128xf32, #tpu.memory_space<hbm>>
          tpu.wait_indirect_dma semaphore(%arg20 : memref<!tpu.dma_semaphore, #tpu.memory_space<semaphore_mem>>) src(%dma_wait3A_416 : memref<10000x128xf32, #tpu.memory_space<hbm>>) dst(%dma_wait3A_410 : memref<64x128xf32, #tpu.memory_space<vmem>>)
          %add3A_417 = arith.constant 1 : i32
          %add3A_418 = arith.addi %scan3A_362, %add3A_417 : i32
          %lt3A_419 = arith.constant 40 : i32
          %lt3A_420 = arith.cmpi slt, %add3A_418, %lt3A_419 : i32
          %convert_element_type3A_421 = arith.extui %lt3A_420 : i1 to i32
          %cond3A_422 = arith.constant 0 : i32
          %cond3A_423 = arith.cmpi ne, %convert_element_type3A_421, %cond3A_422 : i32
          scf.if %cond3A_423 {
            %sub3A = arith.constant 1 : i32
            %sub3A_430 = arith.subi %scan3A_362, %sub3A : i32
            %dma_wait3A_431 = arith.constant 0 : i32
            %dma_wait3A_432 = tpu.memref_slice %arg11[%sub3A_430, %dma_wait3A_431] : memref<40x128xi32, #tpu.memory_space<vmem>> -> memref<1x128xi32, #tpu.memory_space<vmem>>
            %dma_wait3A_433 = tpu.memref_squeeze %dma_wait3A_432 : memref<1x128xi32, #tpu.memory_space<vmem>> -> memref<128xi32, #tpu.memory_space<vmem>>
            %dma_wait3A_434 = arith.constant 0 : i32
            %dma_wait3A_435 = arith.constant 0 : i32
            %dma_wait3A_436 = tpu.memref_slice %arg16[%dma_wait3A_434, %dma_wait3A_435] : memref<10240x128xf32, #tpu.memory_space<vmem_shared>> -> memref<10240x128xf32, #tpu.memory_space<vmem_shared>>
            tpu.wait_indirect_dma semaphore(%arg21 : memref<!tpu.dma_semaphore, #tpu.memory_space<semaphore_mem>>) src(%arg13 : memref<128x128xf32, #tpu.memory_space<vmem>>) dst(%dma_wait3A_436 : memref<10240x128xf32, #tpu.memory_space<vmem_shared>>)
            %add3A_437 = arith.constant 1 : i32
            %add3A_438 = arith.addi %scan3A_362, %add3A_437 : i32
            %dma_start3A_439 = arith.constant 0 : i32
            %dma_start3A_440 = arith.constant 0 : i32
            %dma_start3A_441 = tpu.memref_slice %arg13[%dma_start3A_439, %dma_start3A_440] : memref<128x128xf32, #tpu.memory_space<vmem>> -> memref<64x128xf32, #tpu.memory_space<vmem>>
            %dma_start3A_442 = arith.constant 0 : i32
            %dma_start3A_443 = tpu.memref_slice %arg12[%add3A_438, %dma_start3A_442] : memref<40x128xi32, #tpu.memory_space<vmem>> -> memref<1x64xi32, #tpu.memory_space<vmem>>
            %dma_start3A_444 = tpu.memref_squeeze %dma_start3A_443 : memref<1x64xi32, #tpu.memory_space<vmem>> -> memref<64xi32, #tpu.memory_space<vmem>>
            %dma_start3A_445 = arith.constant 0 : i32
            %dma_start3A_446 = arith.constant 0 : i32
            %dma_start3A_447 = tpu.memref_slice %arg5[%dma_start3A_445, %dma_start3A_446] : memref<10000x128xf32, #tpu.memory_space<hbm>> -> memref<10000x128xf32, #tpu.memory_space<hbm>>
            tpu.enqueue_indirect_dma source(%dma_start3A_447 : memref<10000x128xf32, #tpu.memory_space<hbm>>) target(%dma_start3A_441 : memref<64x128xf32, #tpu.memory_space<vmem>>) offsets(%dma_start3A_444 : memref<64xi32, #tpu.memory_space<vmem>>) semaphore(%arg17 : memref<!tpu.dma_semaphore, #tpu.memory_space<semaphore_mem>>)
            %dma_start3A_448 = arith.constant 64 : i32
            %dma_start3A_449 = arith.constant 0 : i32
            %dma_start3A_450 = tpu.memref_slice %arg13[%dma_start3A_448, %dma_start3A_449] : memref<128x128xf32, #tpu.memory_space<vmem>> -> memref<64x128xf32, #tpu.memory_space<vmem>>
            %dma_start3A_451 = arith.constant 64 : i32
            %dma_start3A_452 = tpu.memref_slice %arg12[%add3A_438, %dma_start3A_451] : memref<40x128xi32, #tpu.memory_space<vmem>> -> memref<1x64xi32, #tpu.memory_space<vmem>>
            %dma_start3A_453 = tpu.memref_squeeze %dma_start3A_452 : memref<1x64xi32, #tpu.memory_space<vmem>> -> memref<64xi32, #tpu.memory_space<vmem>>
            %dma_start3A_454 = arith.constant 0 : i32
            %dma_start3A_455 = arith.constant 0 : i32
            %dma_start3A_456 = tpu.memref_slice %arg5[%dma_start3A_454, %dma_start3A_455] : memref<10000x128xf32, #tpu.memory_space<hbm>> -> memref<10000x128xf32, #tpu.memory_space<hbm>>
            tpu.enqueue_indirect_dma source(%dma_start3A_456 : memref<10000x128xf32, #tpu.memory_space<hbm>>) target(%dma_start3A_450 : memref<64x128xf32, #tpu.memory_space<vmem>>) offsets(%dma_start3A_453 : memref<64xi32, #tpu.memory_space<vmem>>) semaphore(%arg18 : memref<!tpu.dma_semaphore, #tpu.memory_space<semaphore_mem>>)
          } else {
          }
          %dma_start3A_424 = arith.constant 0 : i32
          %dma_start3A_425 = tpu.memref_slice %arg11[%scan3A_362, %dma_start3A_424] : memref<40x128xi32, #tpu.memory_space<vmem>> -> memref<1x128xi32, #tpu.memory_space<vmem>>
          %dma_start3A_426 = tpu.memref_squeeze %dma_start3A_425 : memref<1x128xi32, #tpu.memory_space<vmem>> -> memref<128xi32, #tpu.memory_space<vmem>>
          %dma_start3A_427 = arith.constant 0 : i32
          %dma_start3A_428 = arith.constant 0 : i32
          %dma_start3A_429 = tpu.memref_slice %arg16[%dma_start3A_427, %dma_start3A_428] : memref<10240x128xf32, #tpu.memory_space<vmem_shared>> -> memref<10240x128xf32, #tpu.memory_space<vmem_shared>>
          tpu.enqueue_indirect_dma source(%arg14 : memref<128x128xf32, #tpu.memory_space<vmem>>) target(%dma_start3A_429 : memref<10240x128xf32, #tpu.memory_space<vmem_shared>>) offsets(%dma_start3A_426 : memref<128xi32, #tpu.memory_space<vmem>>) semaphore(%arg22 : memref<!tpu.dma_semaphore, #tpu.memory_space<semaphore_mem>>) {add = true}
        } else {
        }
      }
      %scan3A_342 = arith.constant 40 : i32
      %dma_wait3A_343 = arith.constant 38 : i32
      %dma_wait3A_344 = arith.constant 0 : i32
      %dma_wait3A_345 = tpu.memref_slice %arg11[%dma_wait3A_343, %dma_wait3A_344] : memref<40x128xi32, #tpu.memory_space<vmem>> -> memref<1x128xi32, #tpu.memory_space<vmem>>
      %dma_wait3A_346 = tpu.memref_squeeze %dma_wait3A_345 : memref<1x128xi32, #tpu.memory_space<vmem>> -> memref<128xi32, #tpu.memory_space<vmem>>
      %dma_wait3A_347 = arith.constant 0 : i32
      %dma_wait3A_348 = arith.constant 0 : i32
      %dma_wait3A_349 = tpu.memref_slice %arg16[%dma_wait3A_347, %dma_wait3A_348] : memref<10240x128xf32, #tpu.memory_space<vmem_shared>> -> memref<10240x128xf32, #tpu.memory_space<vmem_shared>>
      tpu.wait_indirect_dma semaphore(%arg21 : memref<!tpu.dma_semaphore, #tpu.memory_space<semaphore_mem>>) src(%arg13 : memref<128x128xf32, #tpu.memory_space<vmem>>) dst(%dma_wait3A_349 : memref<10240x128xf32, #tpu.memory_space<vmem_shared>>)
      %dma_wait3A_350 = arith.constant 39 : i32
      %dma_wait3A_351 = arith.constant 0 : i32
      %dma_wait3A_352 = tpu.memref_slice %arg11[%dma_wait3A_350, %dma_wait3A_351] : memref<40x128xi32, #tpu.memory_space<vmem>> -> memref<1x128xi32, #tpu.memory_space<vmem>>
      %dma_wait3A_353 = tpu.memref_squeeze %dma_wait3A_352 : memref<1x128xi32, #tpu.memory_space<vmem>> -> memref<128xi32, #tpu.memory_space<vmem>>
      %dma_wait3A_354 = arith.constant 0 : i32
      %dma_wait3A_355 = arith.constant 0 : i32
      %dma_wait3A_356 = tpu.memref_slice %arg16[%dma_wait3A_354, %dma_wait3A_355] : memref<10240x128xf32, #tpu.memory_space<vmem_shared>> -> memref<10240x128xf32, #tpu.memory_space<vmem_shared>>
      tpu.wait_indirect_dma semaphore(%arg22 : memref<!tpu.dma_semaphore, #tpu.memory_space<semaphore_mem>>) src(%arg14 : memref<128x128xf32, #tpu.memory_space<vmem>>) dst(%dma_wait3A_356 : memref<10240x128xf32, #tpu.memory_space<vmem_shared>>)
      %barrier3A_357 = arith.constant 0 : index
      tpu.barrier barrier_id(%barrier3A_357)
      %mul3A_358 = arith.constant 640 : i32
      %mul3A_359 = arith.muli %arg1, %mul3A_358 : i32
      %mul3A_360 = arith.constant 640 : i32
      %mul3A_361 = arith.muli %arg1, %mul3A_360 : i32
      "tpu.region"() ({
        %run_scoped3A_362 = tpu.sem_alloc : memref<!tpu.dma_semaphore, #tpu.memory_space<semaphore_mem>>
        %dma_start3A_363 = arith.constant 0 : i32
        %dma_start3A_364 = tpu.memref_slice %arg10[%mul3A_361, %dma_start3A_363] : memref<10240x128xf32, #tpu.memory_space<hbm>> -> memref<640x128xf32, #tpu.memory_space<hbm>>
        %dma_start3A_365 = arith.constant 0 : i32
        %dma_start3A_366 = tpu.memref_slice %arg16[%mul3A_359, %dma_start3A_365] : memref<10240x128xf32, #tpu.memory_space<vmem_shared>> -> memref<640x128xf32, #tpu.memory_space<vmem_shared>>
        tpu.enqueue_dma source(%dma_start3A_366 : memref<640x128xf32, #tpu.memory_space<vmem_shared>>) target(%dma_start3A_364 : memref<640x128xf32, #tpu.memory_space<hbm>>) target_semaphore(%run_scoped3A_362 : memref<!tpu.dma_semaphore, #tpu.memory_space<semaphore_mem>>)
        %dma_wait3A_367 = arith.constant 0 : i32
        %dma_wait3A_368 = tpu.memref_slice %arg10[%mul3A_361, %dma_wait3A_367] : memref<10240x128xf32, #tpu.memory_space<hbm>> -> memref<640x128xf32, #tpu.memory_space<hbm>>
        %dma_wait3A_369 = arith.constant 0 : i32
        %dma_wait3A_370 = tpu.memref_slice %arg16[%mul3A_359, %dma_wait3A_369] : memref<10240x128xf32, #tpu.memory_space<vmem_shared>> -> memref<640x128xf32, #tpu.memory_space<vmem_shared>>
        tpu.wait_dma2 semaphore(%run_scoped3A_362 : memref<!tpu.dma_semaphore, #tpu.memory_space<semaphore_mem>>) src(%dma_wait3A_370 : memref<640x128xf32, #tpu.memory_space<vmem_shared>>) dst(%dma_wait3A_368 : memref<640x128xf32, #tpu.memory_space<hbm>>)
        tpu.yield
      }) : () -> ()
    } else {
    }
    return
  }
}

module attributes {stable_mosaic.version = 14 : i64} {
  func.func @_z_body(%arg0: i32, %arg1: memref<1000x256xf32, #tpu.memory_space<vmem>>, %arg2: memref<8x256xf32, #tpu.memory_space<vmem>>, %arg3: memref<256x512xf32, #tpu.memory_space<vmem>>, %arg4: memref<1x512xf32, #tpu.memory_space<vmem>>, %arg5: memref<1x256xf32, #tpu.memory_space<vmem>>, %arg6: memref<1x256xf32, #tpu.memory_space<vmem>>, %arg7: memref<1000x128xf32, #tpu.memory_space<vmem>>, %arg8: memref<1000x128xf32, #tpu.memory_space<vmem>>, %arg9: memref<1000x128xf32, #tpu.memory_space<vmem>>, %arg10: memref<1000x128xf32, #tpu.memory_space<vmem>>) attributes {dimension_semantics = [#tpu.dimension_semantics<arbitrary>], iteration_bounds = array<i64: 10>, scalar_prefetch = 0 : i64, scratch_operands = 0 : i64, tpu.core_type = #tpu.core_type<tc>, window_params = [{transform_indices = @transform_0, window_bounds = array<i64: 1000, 256>}, {pipeline_mode = #tpu.pipeline_mode<synchronous>, transform_indices = @transform_1, window_bounds = array<i64: 8, 256>}, {pipeline_mode = #tpu.pipeline_mode<synchronous>, transform_indices = @transform_2, window_bounds = array<i64: 256, 512>}, {pipeline_mode = #tpu.pipeline_mode<synchronous>, transform_indices = @transform_3, window_bounds = array<i64: 1, 512>}, {pipeline_mode = #tpu.pipeline_mode<synchronous>, transform_indices = @transform_4, window_bounds = array<i64: 1, 256>}, {pipeline_mode = #tpu.pipeline_mode<synchronous>, transform_indices = @transform_5, window_bounds = array<i64: 1, 256>}, {transform_indices = @transform_6, window_bounds = array<i64: 1000, 128>}, {transform_indices = @transform_7, window_bounds = array<i64: 1000, 128>}, {transform_indices = @transform_8, window_bounds = array<i64: 1000, 128>}, {transform_indices = @transform_9, window_bounds = array<i64: 1000, 128>}]} {
    %get3A = arith.constant 0 : index
    %get3A_0 = arith.constant 0 : index
    %get3A_1 = vector.load %arg2[%get3A, %get3A_0] : memref<8x256xf32, #tpu.memory_space<vmem>>, vector<1x256xf32>
    %mul3A = arith.constant 6.250000e-06 : f32
    %mul3A_2 = vector.broadcast %mul3A : f32 to vector<1x256xf32>
    %mul3A_3 = arith.mulf %get3A_1, %mul3A_2 : vector<1x256xf32>
    %get3A_4 = arith.constant 1 : index
    %get3A_5 = arith.constant 0 : index
    %get3A_6 = vector.load %arg2[%get3A_4, %get3A_5] : memref<8x256xf32, #tpu.memory_space<vmem>>, vector<1x256xf32>
    %mul3A_7 = arith.constant 6.250000e-06 : f32
    %mul3A_8 = vector.broadcast %mul3A_7 : f32 to vector<1x256xf32>
    %mul3A_9 = arith.mulf %get3A_6, %mul3A_8 : vector<1x256xf32>
    %mul3A_10 = arith.mulf %mul3A_3, %mul3A_3 : vector<1x256xf32>
    %sub3A = arith.subf %mul3A_9, %mul3A_10 : vector<1x256xf32>
    %get3A_11 = arith.constant 0 : index
    %get3A_12 = arith.constant 0 : index
    %get3A_13 = vector.load %arg5[%get3A_11, %get3A_12] : memref<1x256xf32, #tpu.memory_space<vmem>>, vector<1x256xf32>
    %add3A = arith.constant 9.99999974E-6 : f32
    %add3A_14 = vector.broadcast %add3A : f32 to vector<1x256xf32>
    %add3A_15 = arith.addf %sub3A, %add3A_14 : vector<1x256xf32>
    %rsqrt3A = math.rsqrt %add3A_15 : vector<1x256xf32>
    %mul3A_16 = arith.mulf %get3A_13, %rsqrt3A : vector<1x256xf32>
    %get3A_17 = arith.constant 0 : index
    %get3A_18 = arith.constant 0 : index
    %get3A_19 = vector.load %arg6[%get3A_17, %get3A_18] : memref<1x256xf32, #tpu.memory_space<vmem>>, vector<1x256xf32>
    %mul3A_20 = arith.mulf %mul3A_3, %mul3A_16 : vector<1x256xf32>
    %sub3A_21 = arith.subf %get3A_19, %mul3A_20 : vector<1x256xf32>
    %get3A_22 = arith.constant 0 : index
    %get3A_23 = arith.constant 0 : index
    %get3A_24 = vector.load %arg1[%get3A_22, %get3A_23] : memref<1000x256xf32, #tpu.memory_space<vmem>>, vector<1000x256xf32>
    %mul3A_25 = vector.broadcast %mul3A_16 : vector<1x256xf32> to vector<1000x256xf32>
    %mul3A_26 = arith.mulf %get3A_24, %mul3A_25 : vector<1000x256xf32>
    %add3A_27 = vector.broadcast %sub3A_21 : vector<1x256xf32> to vector<1000x256xf32>
    %add3A_28 = arith.addf %mul3A_26, %add3A_27 : vector<1000x256xf32>
    %get3A_29 = arith.constant 0 : index
    %get3A_30 = arith.constant 0 : index
    %get3A_31 = vector.load %arg3[%get3A_29, %get3A_30] : memref<256x512xf32, #tpu.memory_space<vmem>>, vector<256x512xf32>
    %dot_general3A = arith.constant dense<0.000000e+00> : vector<1000x512xf32>
    %dot_general3A_32 = tpu.matmul %add3A_28, %get3A_31, %dot_general3A {dimension_numbers = #tpu.dot_dimension_numbers<[1], [0], [0], [1], [0, 0, 1, 1], [], []>, transpose_lhs_hint = false} : vector<1000x256xf32>, vector<256x512xf32>, vector<1000x512xf32> -> vector<1000x512xf32>
    %get3A_33 = arith.constant 0 : index
    %get3A_34 = arith.constant 0 : index
    %get3A_35 = vector.load %arg4[%get3A_33, %get3A_34] : memref<1x512xf32, #tpu.memory_space<vmem>>, vector<1x512xf32>
    %add3A_36 = vector.broadcast %get3A_35 : vector<1x512xf32> to vector<1000x512xf32>
    %add3A_37 = arith.addf %dot_general3A_32, %add3A_36 : vector<1000x512xf32>
    %mul3A_38 = arith.constant 5.000000e-01 : f32
    %mul3A_39 = vector.broadcast %mul3A_38 : f32 to vector<1000x512xf32>
    %mul3A_40 = arith.mulf %mul3A_39, %add3A_37 : vector<1000x512xf32>
    %mul3A_41 = arith.constant 0.707106769 : f32
    %mul3A_42 = vector.broadcast %mul3A_41 : f32 to vector<1000x512xf32>
    %mul3A_43 = arith.mulf %add3A_37, %mul3A_42 : vector<1000x512xf32>
    %erf3A = math.erf %mul3A_43 : vector<1000x512xf32>
    %add3A_44 = arith.constant 1.000000e+00 : f32
    %add3A_45 = vector.broadcast %add3A_44 : f32 to vector<1000x512xf32>
    %add3A_46 = arith.addf %add3A_45, %erf3A : vector<1000x512xf32>
    %mul3A_47 = arith.mulf %mul3A_40, %add3A_46 : vector<1000x512xf32>
    %slice3A = vector.extract_strided_slice %mul3A_47 {offsets = [0, 0], sizes = [1000, 128], strides = [1, 1]} : vector<1000x512xf32> to vector<1000x128xf32>
    %swap3A = arith.constant 0 : index
    %swap3A_48 = arith.constant 0 : index
    %swap3A_49 = vector.load %arg7[%swap3A, %swap3A_48] : memref<1000x128xf32, #tpu.memory_space<vmem>>, vector<1000x128xf32>
    tpu.vector_store %arg7[%swap3A, %swap3A_48], %slice3A {strides = array<i32>} : memref<1000x128xf32, #tpu.memory_space<vmem>>, vector<1000x128xf32>,
    %slice3A_50 = vector.extract_strided_slice %mul3A_47 {offsets = [0, 128], sizes = [1000, 128], strides = [1, 1]} : vector<1000x512xf32> to vector<1000x128xf32>
    %swap3A_51 = arith.constant 0 : index
    %swap3A_52 = arith.constant 0 : index
    %swap3A_53 = vector.load %arg8[%swap3A_51, %swap3A_52] : memref<1000x128xf32, #tpu.memory_space<vmem>>, vector<1000x128xf32>
    tpu.vector_store %arg8[%swap3A_51, %swap3A_52], %slice3A_50 {strides = array<i32>} : memref<1000x128xf32, #tpu.memory_space<vmem>>, vector<1000x128xf32>,
    %slice3A_54 = vector.extract_strided_slice %mul3A_47 {offsets = [0, 256], sizes = [1000, 128], strides = [1, 1]} : vector<1000x512xf32> to vector<1000x128xf32>
    %swap3A_55 = arith.constant 0 : index
    %swap3A_56 = arith.constant 0 : index
    %swap3A_57 = vector.load %arg9[%swap3A_55, %swap3A_56] : memref<1000x128xf32, #tpu.memory_space<vmem>>, vector<1000x128xf32>
    tpu.vector_store %arg9[%swap3A_55, %swap3A_56], %slice3A_54 {strides = array<i32>} : memref<1000x128xf32, #tpu.memory_space<vmem>>, vector<1000x128xf32>,
    %slice3A_58 = vector.extract_strided_slice %mul3A_47 {offsets = [0, 384], sizes = [1000, 128], strides = [1, 1]} : vector<1000x512xf32> to vector<1000x128xf32>
    %swap3A_59 = arith.constant 0 : index
    %swap3A_60 = arith.constant 0 : index
    %swap3A_61 = vector.load %arg10[%swap3A_59, %swap3A_60] : memref<1000x128xf32, #tpu.memory_space<vmem>>, vector<1000x128xf32>
    tpu.vector_store %arg10[%swap3A_59, %swap3A_60], %slice3A_58 {strides = array<i32>} : memref<1000x128xf32, #tpu.memory_space<vmem>>, vector<1000x128xf32>,
    return
  }
  func.func @transform_0(%arg0: i32) -> (i32, i32) {
    %c0_i32 = arith.constant 0 : i32
    %c0_i32_0 = arith.constant 0 : i32
    return %arg0, %c0_i32 : i32, i32
  }
  func.func @transform_1(%arg0: i32) -> (i32, i32) {
    %c0_i32 = arith.constant 0 : i32
    %c0_i32_0 = arith.constant 0 : i32
    %c0_i32_1 = arith.constant 0 : i32
    return %c0_i32, %c0_i32_0 : i32, i32
  }
  func.func @transform_2(%arg0: i32) -> (i32, i32) {
    %c0_i32 = arith.constant 0 : i32
    %c0_i32_0 = arith.constant 0 : i32
    %c0_i32_1 = arith.constant 0 : i32
    return %c0_i32, %c0_i32_0 : i32, i32
  }
  func.func @transform_3(%arg0: i32) -> (i32, i32) {
    %c0_i32 = arith.constant 0 : i32
    %c0_i32_0 = arith.constant 0 : i32
    %c0_i32_1 = arith.constant 0 : i32
    return %c0_i32, %c0_i32_0 : i32, i32
  }
  func.func @transform_4(%arg0: i32) -> (i32, i32) {
    %c0_i32 = arith.constant 0 : i32
    %c0_i32_0 = arith.constant 0 : i32
    %c0_i32_1 = arith.constant 0 : i32
    return %c0_i32, %c0_i32_0 : i32, i32
  }
  func.func @transform_5(%arg0: i32) -> (i32, i32) {
    %c0_i32 = arith.constant 0 : i32
    %c0_i32_0 = arith.constant 0 : i32
    %c0_i32_1 = arith.constant 0 : i32
    return %c0_i32, %c0_i32_0 : i32, i32
  }
  func.func @transform_6(%arg0: i32) -> (i32, i32) {
    %c0_i32 = arith.constant 0 : i32
    %c0_i32_0 = arith.constant 0 : i32
    return %arg0, %c0_i32 : i32, i32
  }
  func.func @transform_7(%arg0: i32) -> (i32, i32) {
    %c0_i32 = arith.constant 0 : i32
    %c0_i32_0 = arith.constant 0 : i32
    return %arg0, %c0_i32 : i32, i32
  }
  func.func @transform_8(%arg0: i32) -> (i32, i32) {
    %c0_i32 = arith.constant 0 : i32
    %c0_i32_0 = arith.constant 0 : i32
    return %arg0, %c0_i32 : i32, i32
  }
  func.func @transform_9(%arg0: i32) -> (i32, i32) {
    %c0_i32 = arith.constant 0 : i32
    %c0_i32_0 = arith.constant 0 : i32
    return %arg0, %c0_i32 : i32, i32
  }
}

module attributes {stable_mosaic.version = 14 : i64} {
  func.func @_stats_body(%arg0: i32, %arg1: memref<1000x256xf32, #tpu.memory_space<vmem>>, %arg2: memref<1000x1xf32, #tpu.memory_space<vmem>>, %arg3: memref<8x256xf32, #tpu.memory_space<vmem>>) attributes {dimension_semantics = [#tpu.dimension_semantics<arbitrary>], iteration_bounds = array<i64: 10>, scalar_prefetch = 0 : i64, scratch_operands = 0 : i64, tpu.core_type = #tpu.core_type<tc>, window_params = [{transform_indices = @transform_0, window_bounds = array<i64: 1000, 256>}, {transform_indices = @transform_1, window_bounds = array<i64: 1000, 1>}, {pipeline_mode = #tpu.pipeline_mode<synchronous>, transform_indices = @transform_2, window_bounds = array<i64: 8, 256>}]} {
    %get3A = arith.constant 0 : index
    %get3A_0 = arith.constant 0 : index
    %get3A_1 = vector.load %arg1[%get3A, %get3A_0] : memref<1000x256xf32, #tpu.memory_space<vmem>>, vector<1000x256xf32>
    %get3A_2 = arith.constant 0 : index
    %get3A_3 = arith.constant 0 : index
    %get3A_4 = vector.load %arg2[%get3A_2, %get3A_3] : memref<1000x1xf32, #tpu.memory_space<vmem>>, vector<1000x1xf32>
    %mul3A = arith.mulf %get3A_1, %get3A_1 : vector<1000x256xf32>
    %mul3A_5 = vector.broadcast %get3A_4 : vector<1000x1xf32> to vector<1000x256xf32>
    %mul3A_6 = arith.mulf %get3A_1, %mul3A_5 : vector<1000x256xf32>
    %reduce_sum3A = arith.constant dense<0.000000e+00> : vector<256xf32>
    %reduce_sum3A_7 = vector.multi_reduction <add>, %mul3A_6, %reduce_sum3A [0] : vector<1000x256xf32> to vector<256xf32>
    %broadcast_in_dim3A = vector.shape_cast %reduce_sum3A_7 : vector<256xf32> to vector<1x256xf32>
    %mul3A_8 = vector.broadcast %get3A_4 : vector<1000x1xf32> to vector<1000x256xf32>
    %mul3A_9 = arith.mulf %mul3A, %mul3A_8 : vector<1000x256xf32>
    %reduce_sum3A_10 = arith.constant dense<0.000000e+00> : vector<256xf32>
    %reduce_sum3A_11 = vector.multi_reduction <add>, %mul3A_9, %reduce_sum3A_10 [0] : vector<1000x256xf32> to vector<256xf32>
    %broadcast_in_dim3A_12 = vector.shape_cast %reduce_sum3A_11 : vector<256xf32> to vector<1x256xf32>
    %reduce_sum3A_13 = arith.constant dense<0.000000e+00> : vector<256xf32>
    %reduce_sum3A_14 = vector.multi_reduction <add>, %get3A_1, %reduce_sum3A_13 [0] : vector<1000x256xf32> to vector<256xf32>
    %broadcast_in_dim3A_15 = vector.shape_cast %reduce_sum3A_14 : vector<256xf32> to vector<1x256xf32>
    %reduce_sum3A_16 = arith.constant dense<0.000000e+00> : vector<256xf32>
    %reduce_sum3A_17 = vector.multi_reduction <add>, %mul3A, %reduce_sum3A_16 [0] : vector<1000x256xf32> to vector<256xf32>
    %broadcast_in_dim3A_18 = vector.shape_cast %reduce_sum3A_17 : vector<256xf32> to vector<1x256xf32>
    %broadcast_in_dim3A_19 = arith.constant 0.000000e+00 : f32
    %broadcast_in_dim3A_20 = vector.broadcast %broadcast_in_dim3A_19 : f32 to vector<4x256xf32>
    %concatenate3A = tpu.concatenate %broadcast_in_dim3A, %broadcast_in_dim3A_12, %broadcast_in_dim3A_15, %broadcast_in_dim3A_18, %broadcast_in_dim3A_20 in 0 : vector<1x256xf32>, vector<1x256xf32>, vector<1x256xf32>, vector<1x256xf32>, vector<4x256xf32> -> vector<8x256xf32>
    %eq3A = arith.constant 0 : i32
    %eq3A_21 = arith.cmpi eq, %arg0, %eq3A : i32
    %convert_element_type3A = arith.extui %eq3A_21 : i1 to i32
    %cond3A = arith.constant 0 : i32
    %cond3A_22 = arith.cmpi ne, %convert_element_type3A, %cond3A : i32
    scf.if %cond3A_22 {
      %swap3A = arith.constant 0 : index
      %swap3A_27 = arith.constant 0 : index
      %swap3A_28 = vector.load %arg3[%swap3A, %swap3A_27] : memref<8x256xf32, #tpu.memory_space<vmem>>, vector<8x256xf32>
      tpu.vector_store %arg3[%swap3A, %swap3A_27], %concatenate3A {strides = array<i32>} : memref<8x256xf32, #tpu.memory_space<vmem>>, vector<8x256xf32>,
    } else {
    }
    %gt3A = arith.constant 0 : i32
    %gt3A_23 = arith.cmpi sgt, %arg0, %gt3A : i32
    %convert_element_type3A_24 = arith.extui %gt3A_23 : i1 to i32
    %cond3A_25 = arith.constant 0 : i32
    %cond3A_26 = arith.cmpi ne, %convert_element_type3A_24, %cond3A_25 : i32
    scf.if %cond3A_26 {
      %get3A_27 = arith.constant 0 : index
      %get3A_28 = arith.constant 0 : index
      %get3A_29 = vector.load %arg3[%get3A_27, %get3A_28] : memref<8x256xf32, #tpu.memory_space<vmem>>, vector<8x256xf32>
      %add3A = arith.addf %get3A_29, %concatenate3A : vector<8x256xf32>
      %swap3A = arith.constant 0 : index
      %swap3A_30 = arith.constant 0 : index
      %swap3A_31 = vector.load %arg3[%swap3A, %swap3A_30] : memref<8x256xf32, #tpu.memory_space<vmem>>, vector<8x256xf32>
      tpu.vector_store %arg3[%swap3A, %swap3A_30], %add3A {strides = array<i32>} : memref<8x256xf32, #tpu.memory_space<vmem>>, vector<8x256xf32>,
    } else {
    }
    return
  }
  func.func @transform_0(%arg0: i32) -> (i32, i32) {
    %c0_i32 = arith.constant 0 : i32
    %c0_i32_0 = arith.constant 0 : i32
    return %arg0, %c0_i32 : i32, i32
  }
  func.func @transform_1(%arg0: i32) -> (i32, i32) {
    %c0_i32 = arith.constant 0 : i32
    %c0_i32_0 = arith.constant 0 : i32
    return %arg0, %c0_i32 : i32, i32
  }
  func.func @transform_2(%arg0: i32) -> (i32, i32) {
    %c0_i32 = arith.constant 0 : i32
    %c0_i32_0 = arith.constant 0 : i32
    %c0_i32_1 = arith.constant 0 : i32
    return %c0_i32, %c0_i32_0 : i32, i32
  }
}

module attributes {stable_mosaic.version = 14 : i64} {
  func.func @_aggstats_body(%arg0: i32, %arg1: memref<1000x128xf32, #tpu.memory_space<vmem>>, %arg2: memref<1000x128xf32, #tpu.memory_space<vmem>>, %arg3: memref<1000x128xf32, #tpu.memory_space<vmem>>, %arg4: memref<1000x128xf32, #tpu.memory_space<vmem>>, %arg5: memref<1000x1xf32, #tpu.memory_space<vmem>>, %arg6: memref<8x512xf32, #tpu.memory_space<vmem>>) attributes {dimension_semantics = [#tpu.dimension_semantics<arbitrary>], iteration_bounds = array<i64: 10>, scalar_prefetch = 0 : i64, scratch_operands = 0 : i64, tpu.core_type = #tpu.core_type<tc>, window_params = [{transform_indices = @transform_0, window_bounds = array<i64: 1000, 128>}, {transform_indices = @transform_1, window_bounds = array<i64: 1000, 128>}, {transform_indices = @transform_2, window_bounds = array<i64: 1000, 128>}, {transform_indices = @transform_3, window_bounds = array<i64: 1000, 128>}, {transform_indices = @transform_4, window_bounds = array<i64: 1000, 1>}, {pipeline_mode = #tpu.pipeline_mode<synchronous>, transform_indices = @transform_5, window_bounds = array<i64: 8, 512>}]} {
    %get3A = arith.constant 0 : index
    %get3A_0 = arith.constant 0 : index
    %get3A_1 = vector.load %arg5[%get3A, %get3A_0] : memref<1000x1xf32, #tpu.memory_space<vmem>>, vector<1000x1xf32>
    %max3A = arith.constant 1.000000e+00 : f32
    %max3A_2 = vector.broadcast %max3A : f32 to vector<1000x1xf32>
    %max3A_3 = arith.maximumf %get3A_1, %max3A_2 : vector<1000x1xf32>
    %div3A = arith.constant 1.000000e+00 : f32
    %div3A_4 = vector.broadcast %div3A : f32 to vector<1000x1xf32>
    %div3A_5 = arith.divf %div3A_4, %max3A_3 : vector<1000x1xf32>
    %get3A_6 = arith.constant 0 : index
    %get3A_7 = arith.constant 0 : index
    %get3A_8 = vector.load %arg1[%get3A_6, %get3A_7] : memref<1000x128xf32, #tpu.memory_space<vmem>>, vector<1000x128xf32>
    %mul3A = vector.broadcast %div3A_5 : vector<1000x1xf32> to vector<1000x128xf32>
    %mul3A_9 = arith.mulf %get3A_8, %mul3A : vector<1000x128xf32>
    %reduce_sum3A = arith.constant dense<0.000000e+00> : vector<128xf32>
    %reduce_sum3A_10 = vector.multi_reduction <add>, %mul3A_9, %reduce_sum3A [0] : vector<1000x128xf32> to vector<128xf32>
    %broadcast_in_dim3A = vector.shape_cast %reduce_sum3A_10 : vector<128xf32> to vector<1x128xf32>
    %mul3A_11 = arith.mulf %mul3A_9, %mul3A_9 : vector<1000x128xf32>
    %reduce_sum3A_12 = arith.constant dense<0.000000e+00> : vector<128xf32>
    %reduce_sum3A_13 = vector.multi_reduction <add>, %mul3A_11, %reduce_sum3A_12 [0] : vector<1000x128xf32> to vector<128xf32>
    %broadcast_in_dim3A_14 = vector.shape_cast %reduce_sum3A_13 : vector<128xf32> to vector<1x128xf32>
    %get3A_15 = arith.constant 0 : index
    %get3A_16 = arith.constant 0 : index
    %get3A_17 = vector.load %arg2[%get3A_15, %get3A_16] : memref<1000x128xf32, #tpu.memory_space<vmem>>, vector<1000x128xf32>
    %mul3A_18 = vector.broadcast %div3A_5 : vector<1000x1xf32> to vector<1000x128xf32>
    %mul3A_19 = arith.mulf %get3A_17, %mul3A_18 : vector<1000x128xf32>
    %reduce_sum3A_20 = arith.constant dense<0.000000e+00> : vector<128xf32>
    %reduce_sum3A_21 = vector.multi_reduction <add>, %mul3A_19, %reduce_sum3A_20 [0] : vector<1000x128xf32> to vector<128xf32>
    %broadcast_in_dim3A_22 = vector.shape_cast %reduce_sum3A_21 : vector<128xf32> to vector<1x128xf32>
    %mul3A_23 = arith.mulf %mul3A_19, %mul3A_19 : vector<1000x128xf32>
    %reduce_sum3A_24 = arith.constant dense<0.000000e+00> : vector<128xf32>
    %reduce_sum3A_25 = vector.multi_reduction <add>, %mul3A_23, %reduce_sum3A_24 [0] : vector<1000x128xf32> to vector<128xf32>
    %broadcast_in_dim3A_26 = vector.shape_cast %reduce_sum3A_25 : vector<128xf32> to vector<1x128xf32>
    %get3A_27 = arith.constant 0 : index
    %get3A_28 = arith.constant 0 : index
    %get3A_29 = vector.load %arg3[%get3A_27, %get3A_28] : memref<1000x128xf32, #tpu.memory_space<vmem>>, vector<1000x128xf32>
    %mul3A_30 = vector.broadcast %div3A_5 : vector<1000x1xf32> to vector<1000x128xf32>
    %mul3A_31 = arith.mulf %get3A_29, %mul3A_30 : vector<1000x128xf32>
    %reduce_sum3A_32 = arith.constant dense<0.000000e+00> : vector<128xf32>
    %reduce_sum3A_33 = vector.multi_reduction <add>, %mul3A_31, %reduce_sum3A_32 [0] : vector<1000x128xf32> to vector<128xf32>
    %broadcast_in_dim3A_34 = vector.shape_cast %reduce_sum3A_33 : vector<128xf32> to vector<1x128xf32>
    %mul3A_35 = arith.mulf %mul3A_31, %mul3A_31 : vector<1000x128xf32>
    %reduce_sum3A_36 = arith.constant dense<0.000000e+00> : vector<128xf32>
    %reduce_sum3A_37 = vector.multi_reduction <add>, %mul3A_35, %reduce_sum3A_36 [0] : vector<1000x128xf32> to vector<128xf32>
    %broadcast_in_dim3A_38 = vector.shape_cast %reduce_sum3A_37 : vector<128xf32> to vector<1x128xf32>
    %get3A_39 = arith.constant 0 : index
    %get3A_40 = arith.constant 0 : index
    %get3A_41 = vector.load %arg4[%get3A_39, %get3A_40] : memref<1000x128xf32, #tpu.memory_space<vmem>>, vector<1000x128xf32>
    %mul3A_42 = vector.broadcast %div3A_5 : vector<1000x1xf32> to vector<1000x128xf32>
    %mul3A_43 = arith.mulf %get3A_41, %mul3A_42 : vector<1000x128xf32>
    %reduce_sum3A_44 = arith.constant dense<0.000000e+00> : vector<128xf32>
    %reduce_sum3A_45 = vector.multi_reduction <add>, %mul3A_43, %reduce_sum3A_44 [0] : vector<1000x128xf32> to vector<128xf32>
    %broadcast_in_dim3A_46 = vector.shape_cast %reduce_sum3A_45 : vector<128xf32> to vector<1x128xf32>
    %mul3A_47 = arith.mulf %mul3A_43, %mul3A_43 : vector<1000x128xf32>
    %reduce_sum3A_48 = arith.constant dense<0.000000e+00> : vector<128xf32>
    %reduce_sum3A_49 = vector.multi_reduction <add>, %mul3A_47, %reduce_sum3A_48 [0] : vector<1000x128xf32> to vector<128xf32>
    %broadcast_in_dim3A_50 = vector.shape_cast %reduce_sum3A_49 : vector<128xf32> to vector<1x128xf32>
    %concatenate3A = tpu.concatenate %broadcast_in_dim3A, %broadcast_in_dim3A_22, %broadcast_in_dim3A_34, %broadcast_in_dim3A_46 in 1 : vector<1x128xf32>, vector<1x128xf32>, vector<1x128xf32>, vector<1x128xf32> -> vector<1x512xf32>
    %concatenate3A_51 = tpu.concatenate %broadcast_in_dim3A_14, %broadcast_in_dim3A_26, %broadcast_in_dim3A_38, %broadcast_in_dim3A_50 in 1 : vector<1x128xf32>, vector<1x128xf32>, vector<1x128xf32>, vector<1x128xf32> -> vector<1x512xf32>
    %broadcast_in_dim3A_52 = arith.constant 0.000000e+00 : f32
    %broadcast_in_dim3A_53 = vector.broadcast %broadcast_in_dim3A_52 : f32 to vector<6x512xf32>
    %concatenate3A_54 = tpu.concatenate %concatenate3A, %concatenate3A_51, %broadcast_in_dim3A_53 in 0 : vector<1x512xf32>, vector<1x512xf32>, vector<6x512xf32> -> vector<8x512xf32>
    %eq3A = arith.constant 0 : i32
    %eq3A_55 = arith.cmpi eq, %arg0, %eq3A : i32
    %convert_element_type3A = arith.extui %eq3A_55 : i1 to i32
    %cond3A = arith.constant 0 : i32
    %cond3A_56 = arith.cmpi ne, %convert_element_type3A, %cond3A : i32
    scf.if %cond3A_56 {
      %swap3A = arith.constant 0 : index
      %swap3A_61 = arith.constant 0 : index
      %swap3A_62 = vector.load %arg6[%swap3A, %swap3A_61] : memref<8x512xf32, #tpu.memory_space<vmem>>, vector<8x512xf32>
      tpu.vector_store %arg6[%swap3A, %swap3A_61], %concatenate3A_54 {strides = array<i32>} : memref<8x512xf32, #tpu.memory_space<vmem>>, vector<8x512xf32>,
    } else {
    }
    %gt3A = arith.constant 0 : i32
    %gt3A_57 = arith.cmpi sgt, %arg0, %gt3A : i32
    %convert_element_type3A_58 = arith.extui %gt3A_57 : i1 to i32
    %cond3A_59 = arith.constant 0 : i32
    %cond3A_60 = arith.cmpi ne, %convert_element_type3A_58, %cond3A_59 : i32
    scf.if %cond3A_60 {
      %get3A_61 = arith.constant 0 : index
      %get3A_62 = arith.constant 0 : index
      %get3A_63 = vector.load %arg6[%get3A_61, %get3A_62] : memref<8x512xf32, #tpu.memory_space<vmem>>, vector<8x512xf32>
      %add3A = arith.addf %get3A_63, %concatenate3A_54 : vector<8x512xf32>
      %swap3A = arith.constant 0 : index
      %swap3A_64 = arith.constant 0 : index
      %swap3A_65 = vector.load %arg6[%swap3A, %swap3A_64] : memref<8x512xf32, #tpu.memory_space<vmem>>, vector<8x512xf32>
      tpu.vector_store %arg6[%swap3A, %swap3A_64], %add3A {strides = array<i32>} : memref<8x512xf32, #tpu.memory_space<vmem>>, vector<8x512xf32>,
    } else {
    }
    return
  }
  func.func @transform_0(%arg0: i32) -> (i32, i32) {
    %c0_i32 = arith.constant 0 : i32
    %c0_i32_0 = arith.constant 0 : i32
    return %arg0, %c0_i32 : i32, i32
  }
  func.func @transform_1(%arg0: i32) -> (i32, i32) {
    %c0_i32 = arith.constant 0 : i32
    %c0_i32_0 = arith.constant 0 : i32
    return %arg0, %c0_i32 : i32, i32
  }
  func.func @transform_2(%arg0: i32) -> (i32, i32) {
    %c0_i32 = arith.constant 0 : i32
    %c0_i32_0 = arith.constant 0 : i32
    return %arg0, %c0_i32 : i32, i32
  }
  func.func @transform_3(%arg0: i32) -> (i32, i32) {
    %c0_i32 = arith.constant 0 : i32
    %c0_i32_0 = arith.constant 0 : i32
    return %arg0, %c0_i32 : i32, i32
  }
  func.func @transform_4(%arg0: i32) -> (i32, i32) {
    %c0_i32 = arith.constant 0 : i32
    %c0_i32_0 = arith.constant 0 : i32
    return %arg0, %c0_i32 : i32, i32
  }
  func.func @transform_5(%arg0: i32) -> (i32, i32) {
    %c0_i32 = arith.constant 0 : i32
    %c0_i32_0 = arith.constant 0 : i32
    %c0_i32_1 = arith.constant 0 : i32
    return %c0_i32, %c0_i32_0 : i32, i32
  }
}

module attributes {stable_mosaic.version = 14 : i64} {
  func.func @_final_body(%arg0: i32, %arg1: memref<1000x256xf32, #tpu.memory_space<vmem>>, %arg2: memref<1000x128xf32, #tpu.memory_space<vmem>>, %arg3: memref<1000x128xf32, #tpu.memory_space<vmem>>, %arg4: memref<1000x128xf32, #tpu.memory_space<vmem>>, %arg5: memref<1000x128xf32, #tpu.memory_space<vmem>>, %arg6: memref<1000x1xf32, #tpu.memory_space<vmem>>, %arg7: memref<8x256xf32, #tpu.memory_space<vmem>>, %arg8: memref<8x512xf32, #tpu.memory_space<vmem>>, %arg9: memref<768x512xf32, #tpu.memory_space<vmem>>, %arg10: memref<1x512xf32, #tpu.memory_space<vmem>>, %arg11: memref<1x768xf32, #tpu.memory_space<vmem>>, %arg12: memref<1x768xf32, #tpu.memory_space<vmem>>, %arg13: memref<1000x512xf32, #tpu.memory_space<vmem>>) attributes {dimension_semantics = [#tpu.dimension_semantics<arbitrary>], iteration_bounds = array<i64: 10>, scalar_prefetch = 0 : i64, scratch_operands = 0 : i64, tpu.core_type = #tpu.core_type<tc>, window_params = [{transform_indices = @transform_0, window_bounds = array<i64: 1000, 256>}, {transform_indices = @transform_1, window_bounds = array<i64: 1000, 128>}, {transform_indices = @transform_2, window_bounds = array<i64: 1000, 128>}, {transform_indices = @transform_3, window_bounds = array<i64: 1000, 128>}, {transform_indices = @transform_4, window_bounds = array<i64: 1000, 128>}, {transform_indices = @transform_5, window_bounds = array<i64: 1000, 1>}, {pipeline_mode = #tpu.pipeline_mode<synchronous>, transform_indices = @transform_6, window_bounds = array<i64: 8, 256>}, {pipeline_mode = #tpu.pipeline_mode<synchronous>, transform_indices = @transform_7, window_bounds = array<i64: 8, 512>}, {pipeline_mode = #tpu.pipeline_mode<synchronous>, transform_indices = @transform_8, window_bounds = array<i64: 768, 512>}, {pipeline_mode = #tpu.pipeline_mode<synchronous>, transform_indices = @transform_9, window_bounds = array<i64: 1, 512>}, {pipeline_mode = #tpu.pipeline_mode<synchronous>, transform_indices = @transform_10, window_bounds = array<i64: 1, 768>}, {pipeline_mode = #tpu.pipeline_mode<synchronous>, transform_indices = @transform_11, window_bounds = array<i64: 1, 768>}, {transform_indices = @transform_12, window_bounds = array<i64: 1000, 512>}]} {
    %get3A = arith.constant 2 : index
    %get3A_0 = arith.constant 0 : index
    %get3A_1 = vector.load %arg7[%get3A, %get3A_0] : memref<8x256xf32, #tpu.memory_space<vmem>>, vector<1x256xf32>
    %mul3A = arith.constant 9.99999974E-5 : f32
    %mul3A_2 = vector.broadcast %mul3A : f32 to vector<1x256xf32>
    %mul3A_3 = arith.mulf %get3A_1, %mul3A_2 : vector<1x256xf32>
    %get3A_4 = arith.constant 3 : index
    %get3A_5 = arith.constant 0 : index
    %get3A_6 = vector.load %arg7[%get3A_4, %get3A_5] : memref<8x256xf32, #tpu.memory_space<vmem>>, vector<1x256xf32>
    %mul3A_7 = arith.constant 9.99999974E-5 : f32
    %mul3A_8 = vector.broadcast %mul3A_7 : f32 to vector<1x256xf32>
    %mul3A_9 = arith.mulf %get3A_6, %mul3A_8 : vector<1x256xf32>
    %mul3A_10 = arith.mulf %mul3A_3, %mul3A_3 : vector<1x256xf32>
    %sub3A = arith.subf %mul3A_9, %mul3A_10 : vector<1x256xf32>
    %get3A_11 = arith.constant 0 : index
    %get3A_12 = arith.constant 0 : index
    %get3A_13 = vector.load %arg11[%get3A_11, %get3A_12] : memref<1x768xf32, #tpu.memory_space<vmem>>, vector<1x256xf32>
    %add3A = arith.constant 9.99999974E-6 : f32
    %add3A_14 = vector.broadcast %add3A : f32 to vector<1x256xf32>
    %add3A_15 = arith.addf %sub3A, %add3A_14 : vector<1x256xf32>
    %rsqrt3A = math.rsqrt %add3A_15 : vector<1x256xf32>
    %mul3A_16 = arith.mulf %get3A_13, %rsqrt3A : vector<1x256xf32>
    %get3A_17 = arith.constant 0 : index
    %get3A_18 = arith.constant 0 : index
    %get3A_19 = vector.load %arg12[%get3A_17, %get3A_18] : memref<1x768xf32, #tpu.memory_space<vmem>>, vector<1x256xf32>
    %mul3A_20 = arith.mulf %mul3A_3, %mul3A_16 : vector<1x256xf32>
    %sub3A_21 = arith.subf %get3A_19, %mul3A_20 : vector<1x256xf32>
    %get3A_22 = arith.constant 0 : index
    %get3A_23 = arith.constant 0 : index
    %get3A_24 = vector.load %arg8[%get3A_22, %get3A_23] : memref<8x512xf32, #tpu.memory_space<vmem>>, vector<1x512xf32>
    %mul3A_25 = arith.constant 9.99999974E-5 : f32
    %mul3A_26 = vector.broadcast %mul3A_25 : f32 to vector<1x512xf32>
    %mul3A_27 = arith.mulf %get3A_24, %mul3A_26 : vector<1x512xf32>
    %get3A_28 = arith.constant 1 : index
    %get3A_29 = arith.constant 0 : index
    %get3A_30 = vector.load %arg8[%get3A_28, %get3A_29] : memref<8x512xf32, #tpu.memory_space<vmem>>, vector<1x512xf32>
    %mul3A_31 = arith.constant 9.99999974E-5 : f32
    %mul3A_32 = vector.broadcast %mul3A_31 : f32 to vector<1x512xf32>
    %mul3A_33 = arith.mulf %get3A_30, %mul3A_32 : vector<1x512xf32>
    %mul3A_34 = arith.mulf %mul3A_27, %mul3A_27 : vector<1x512xf32>
    %sub3A_35 = arith.subf %mul3A_33, %mul3A_34 : vector<1x512xf32>
    %get3A_36 = arith.constant 0 : index
    %get3A_37 = arith.constant 256 : index
    %get3A_38 = vector.load %arg11[%get3A_36, %get3A_37] : memref<1x768xf32, #tpu.memory_space<vmem>>, vector<1x512xf32>
    %add3A_39 = arith.constant 9.99999974E-6 : f32
    %add3A_40 = vector.broadcast %add3A_39 : f32 to vector<1x512xf32>
    %add3A_41 = arith.addf %sub3A_35, %add3A_40 : vector<1x512xf32>
    %rsqrt3A_42 = math.rsqrt %add3A_41 : vector<1x512xf32>
    %mul3A_43 = arith.mulf %get3A_38, %rsqrt3A_42 : vector<1x512xf32>
    %get3A_44 = arith.constant 0 : index
    %get3A_45 = arith.constant 256 : index
    %get3A_46 = vector.load %arg12[%get3A_44, %get3A_45] : memref<1x768xf32, #tpu.memory_space<vmem>>, vector<1x512xf32>
    %mul3A_47 = arith.mulf %mul3A_27, %mul3A_43 : vector<1x512xf32>
    %sub3A_48 = arith.subf %get3A_46, %mul3A_47 : vector<1x512xf32>
    %get3A_49 = arith.constant 0 : index
    %get3A_50 = arith.constant 0 : index
    %get3A_51 = vector.load %arg1[%get3A_49, %get3A_50] : memref<1000x256xf32, #tpu.memory_space<vmem>>, vector<1000x256xf32>
    %mul3A_52 = vector.broadcast %mul3A_16 : vector<1x256xf32> to vector<1000x256xf32>
    %mul3A_53 = arith.mulf %get3A_51, %mul3A_52 : vector<1000x256xf32>
    %add3A_54 = vector.broadcast %sub3A_21 : vector<1x256xf32> to vector<1000x256xf32>
    %add3A_55 = arith.addf %mul3A_53, %add3A_54 : vector<1000x256xf32>
    %get3A_56 = arith.constant 0 : index
    %get3A_57 = arith.constant 0 : index
    %get3A_58 = vector.load %arg9[%get3A_56, %get3A_57] : memref<768x512xf32, #tpu.memory_space<vmem>>, vector<256x512xf32>
    %dot_general3A = arith.constant dense<0.000000e+00> : vector<1000x512xf32>
    %dot_general3A_59 = tpu.matmul %add3A_55, %get3A_58, %dot_general3A {dimension_numbers = #tpu.dot_dimension_numbers<[1], [0], [0], [1], [0, 0, 1, 1], [], []>, transpose_lhs_hint = false} : vector<1000x256xf32>, vector<256x512xf32>, vector<1000x512xf32> -> vector<1000x512xf32>
    %get3A_60 = arith.constant 0 : index
    %get3A_61 = arith.constant 0 : index
    %get3A_62 = vector.load %arg6[%get3A_60, %get3A_61] : memref<1000x1xf32, #tpu.memory_space<vmem>>, vector<1000x1xf32>
    %max3A = arith.constant 1.000000e+00 : f32
    %max3A_63 = vector.broadcast %max3A : f32 to vector<1000x1xf32>
    %max3A_64 = arith.maximumf %get3A_62, %max3A_63 : vector<1000x1xf32>
    %div3A = arith.constant 1.000000e+00 : f32
    %div3A_65 = vector.broadcast %div3A : f32 to vector<1000x1xf32>
    %div3A_66 = arith.divf %div3A_65, %max3A_64 : vector<1000x1xf32>
    %get3A_67 = arith.constant 0 : index
    %get3A_68 = arith.constant 0 : index
    %get3A_69 = vector.load %arg2[%get3A_67, %get3A_68] : memref<1000x128xf32, #tpu.memory_space<vmem>>, vector<1000x128xf32>
    %mul3A_70 = vector.broadcast %div3A_66 : vector<1000x1xf32> to vector<1000x128xf32>
    %mul3A_71 = arith.mulf %get3A_69, %mul3A_70 : vector<1000x128xf32>
    %slice3A = vector.extract_strided_slice %mul3A_43 {offsets = [0, 0], sizes = [1, 128], strides = [1, 1]} : vector<1x512xf32> to vector<1x128xf32>
    %mul3A_72 = vector.broadcast %slice3A : vector<1x128xf32> to vector<1000x128xf32>
    %mul3A_73 = arith.mulf %mul3A_71, %mul3A_72 : vector<1000x128xf32>
    %slice3A_74 = vector.extract_strided_slice %sub3A_48 {offsets = [0, 0], sizes = [1, 128], strides = [1, 1]} : vector<1x512xf32> to vector<1x128xf32>
    %add3A_75 = vector.broadcast %slice3A_74 : vector<1x128xf32> to vector<1000x128xf32>
    %add3A_76 = arith.addf %mul3A_73, %add3A_75 : vector<1000x128xf32>
    %get3A_77 = arith.constant 256 : index
    %get3A_78 = arith.constant 0 : index
    %get3A_79 = vector.load %arg9[%get3A_77, %get3A_78] : memref<768x512xf32, #tpu.memory_space<vmem>>, vector<128x512xf32>
    %dot_general3A_80 = arith.constant dense<0.000000e+00> : vector<1000x512xf32>
    %dot_general3A_81 = tpu.matmul %add3A_76, %get3A_79, %dot_general3A_80 {dimension_numbers = #tpu.dot_dimension_numbers<[1], [0], [0], [1], [0, 0, 1, 1], [], []>, transpose_lhs_hint = false} : vector<1000x128xf32>, vector<128x512xf32>, vector<1000x512xf32> -> vector<1000x512xf32>
    %add3A_82 = arith.addf %dot_general3A_59, %dot_general3A_81 : vector<1000x512xf32>
    %get3A_83 = arith.constant 0 : index
    %get3A_84 = arith.constant 0 : index
    %get3A_85 = vector.load %arg3[%get3A_83, %get3A_84] : memref<1000x128xf32, #tpu.memory_space<vmem>>, vector<1000x128xf32>
    %mul3A_86 = vector.broadcast %div3A_66 : vector<1000x1xf32> to vector<1000x128xf32>
    %mul3A_87 = arith.mulf %get3A_85, %mul3A_86 : vector<1000x128xf32>
    %slice3A_88 = vector.extract_strided_slice %mul3A_43 {offsets = [0, 128], sizes = [1, 128], strides = [1, 1]} : vector<1x512xf32> to vector<1x128xf32>
    %mul3A_89 = vector.broadcast %slice3A_88 : vector<1x128xf32> to vector<1000x128xf32>
    %mul3A_90 = arith.mulf %mul3A_87, %mul3A_89 : vector<1000x128xf32>
    %slice3A_91 = vector.extract_strided_slice %sub3A_48 {offsets = [0, 128], sizes = [1, 128], strides = [1, 1]} : vector<1x512xf32> to vector<1x128xf32>
    %add3A_92 = vector.broadcast %slice3A_91 : vector<1x128xf32> to vector<1000x128xf32>
    %add3A_93 = arith.addf %mul3A_90, %add3A_92 : vector<1000x128xf32>
    %get3A_94 = arith.constant 384 : index
    %get3A_95 = arith.constant 0 : index
    %get3A_96 = vector.load %arg9[%get3A_94, %get3A_95] : memref<768x512xf32, #tpu.memory_space<vmem>>, vector<128x512xf32>
    %dot_general3A_97 = arith.constant dense<0.000000e+00> : vector<1000x512xf32>
    %dot_general3A_98 = tpu.matmul %add3A_93, %get3A_96, %dot_general3A_97 {dimension_numbers = #tpu.dot_dimension_numbers<[1], [0], [0], [1], [0, 0, 1, 1], [], []>, transpose_lhs_hint = false} : vector<1000x128xf32>, vector<128x512xf32>, vector<1000x512xf32> -> vector<1000x512xf32>
    %add3A_99 = arith.addf %add3A_82, %dot_general3A_98 : vector<1000x512xf32>
    %get3A_100 = arith.constant 0 : index
    %get3A_101 = arith.constant 0 : index
    %get3A_102 = vector.load %arg4[%get3A_100, %get3A_101] : memref<1000x128xf32, #tpu.memory_space<vmem>>, vector<1000x128xf32>
    %mul3A_103 = vector.broadcast %div3A_66 : vector<1000x1xf32> to vector<1000x128xf32>
    %mul3A_104 = arith.mulf %get3A_102, %mul3A_103 : vector<1000x128xf32>
    %slice3A_105 = vector.extract_strided_slice %mul3A_43 {offsets = [0, 256], sizes = [1, 128], strides = [1, 1]} : vector<1x512xf32> to vector<1x128xf32>
    %mul3A_106 = vector.broadcast %slice3A_105 : vector<1x128xf32> to vector<1000x128xf32>
    %mul3A_107 = arith.mulf %mul3A_104, %mul3A_106 : vector<1000x128xf32>
    %slice3A_108 = vector.extract_strided_slice %sub3A_48 {offsets = [0, 256], sizes = [1, 128], strides = [1, 1]} : vector<1x512xf32> to vector<1x128xf32>
    %add3A_109 = vector.broadcast %slice3A_108 : vector<1x128xf32> to vector<1000x128xf32>
    %add3A_110 = arith.addf %mul3A_107, %add3A_109 : vector<1000x128xf32>
    %get3A_111 = arith.constant 512 : index
    %get3A_112 = arith.constant 0 : index
    %get3A_113 = vector.load %arg9[%get3A_111, %get3A_112] : memref<768x512xf32, #tpu.memory_space<vmem>>, vector<128x512xf32>
    %dot_general3A_114 = arith.constant dense<0.000000e+00> : vector<1000x512xf32>
    %dot_general3A_115 = tpu.matmul %add3A_110, %get3A_113, %dot_general3A_114 {dimension_numbers = #tpu.dot_dimension_numbers<[1], [0], [0], [1], [0, 0, 1, 1], [], []>, transpose_lhs_hint = false} : vector<1000x128xf32>, vector<128x512xf32>, vector<1000x512xf32> -> vector<1000x512xf32>
    %add3A_116 = arith.addf %add3A_99, %dot_general3A_115 : vector<1000x512xf32>
    %get3A_117 = arith.constant 0 : index
    %get3A_118 = arith.constant 0 : index
    %get3A_119 = vector.load %arg5[%get3A_117, %get3A_118] : memref<1000x128xf32, #tpu.memory_space<vmem>>, vector<1000x128xf32>
    %mul3A_120 = vector.broadcast %div3A_66 : vector<1000x1xf32> to vector<1000x128xf32>
    %mul3A_121 = arith.mulf %get3A_119, %mul3A_120 : vector<1000x128xf32>
    %slice3A_122 = vector.extract_strided_slice %mul3A_43 {offsets = [0, 384], sizes = [1, 128], strides = [1, 1]} : vector<1x512xf32> to vector<1x128xf32>
    %mul3A_123 = vector.broadcast %slice3A_122 : vector<1x128xf32> to vector<1000x128xf32>
    %mul3A_124 = arith.mulf %mul3A_121, %mul3A_123 : vector<1000x128xf32>
    %slice3A_125 = vector.extract_strided_slice %sub3A_48 {offsets = [0, 384], sizes = [1, 128], strides = [1, 1]} : vector<1x512xf32> to vector<1x128xf32>
    %add3A_126 = vector.broadcast %slice3A_125 : vector<1x128xf32> to vector<1000x128xf32>
    %add3A_127 = arith.addf %mul3A_124, %add3A_126 : vector<1000x128xf32>
    %get3A_128 = arith.constant 640 : index
    %get3A_129 = arith.constant 0 : index
    %get3A_130 = vector.load %arg9[%get3A_128, %get3A_129] : memref<768x512xf32, #tpu.memory_space<vmem>>, vector<128x512xf32>
    %dot_general3A_131 = arith.constant dense<0.000000e+00> : vector<1000x512xf32>
    %dot_general3A_132 = tpu.matmul %add3A_127, %get3A_130, %dot_general3A_131 {dimension_numbers = #tpu.dot_dimension_numbers<[1], [0], [0], [1], [0, 0, 1, 1], [], []>, transpose_lhs_hint = false} : vector<1000x128xf32>, vector<128x512xf32>, vector<1000x512xf32> -> vector<1000x512xf32>
    %add3A_133 = arith.addf %add3A_116, %dot_general3A_132 : vector<1000x512xf32>
    %get3A_134 = arith.constant 0 : index
    %get3A_135 = arith.constant 0 : index
    %get3A_136 = vector.load %arg10[%get3A_134, %get3A_135] : memref<1x512xf32, #tpu.memory_space<vmem>>, vector<1x512xf32>
    %add3A_137 = vector.broadcast %get3A_136 : vector<1x512xf32> to vector<1000x512xf32>
    %add3A_138 = arith.addf %add3A_133, %add3A_137 : vector<1000x512xf32>
    %mul3A_139 = arith.constant 5.000000e-01 : f32
    %mul3A_140 = vector.broadcast %mul3A_139 : f32 to vector<1000x512xf32>
    %mul3A_141 = arith.mulf %mul3A_140, %add3A_138 : vector<1000x512xf32>
    %mul3A_142 = arith.constant 0.707106769 : f32
    %mul3A_143 = vector.broadcast %mul3A_142 : f32 to vector<1000x512xf32>
    %mul3A_144 = arith.mulf %add3A_138, %mul3A_143 : vector<1000x512xf32>
    %erf3A = math.erf %mul3A_144 : vector<1000x512xf32>
    %add3A_145 = arith.constant 1.000000e+00 : f32
    %add3A_146 = vector.broadcast %add3A_145 : f32 to vector<1000x512xf32>
    %add3A_147 = arith.addf %add3A_146, %erf3A : vector<1000x512xf32>
    %mul3A_148 = arith.mulf %mul3A_141, %add3A_147 : vector<1000x512xf32>
    %swap3A = arith.constant 0 : index
    %swap3A_149 = arith.constant 0 : index
    %swap3A_150 = vector.load %arg13[%swap3A, %swap3A_149] : memref<1000x512xf32, #tpu.memory_space<vmem>>, vector<1000x512xf32>
    tpu.vector_store %arg13[%swap3A, %swap3A_149], %mul3A_148 {strides = array<i32>} : memref<1000x512xf32, #tpu.memory_space<vmem>>, vector<1000x512xf32>,
    return
  }
  func.func @transform_0(%arg0: i32) -> (i32, i32) {
    %c0_i32 = arith.constant 0 : i32
    %c0_i32_0 = arith.constant 0 : i32
    return %arg0, %c0_i32 : i32, i32
  }
  func.func @transform_1(%arg0: i32) -> (i32, i32) {
    %c0_i32 = arith.constant 0 : i32
    %c0_i32_0 = arith.constant 0 : i32
    return %arg0, %c0_i32 : i32, i32
  }
  func.func @transform_2(%arg0: i32) -> (i32, i32) {
    %c0_i32 = arith.constant 0 : i32
    %c0_i32_0 = arith.constant 0 : i32
    return %arg0, %c0_i32 : i32, i32
  }
  func.func @transform_3(%arg0: i32) -> (i32, i32) {
    %c0_i32 = arith.constant 0 : i32
    %c0_i32_0 = arith.constant 0 : i32
    return %arg0, %c0_i32 : i32, i32
  }
  func.func @transform_4(%arg0: i32) -> (i32, i32) {
    %c0_i32 = arith.constant 0 : i32
    %c0_i32_0 = arith.constant 0 : i32
    return %arg0, %c0_i32 : i32, i32
  }
  func.func @transform_5(%arg0: i32) -> (i32, i32) {
    %c0_i32 = arith.constant 0 : i32
    %c0_i32_0 = arith.constant 0 : i32
    return %arg0, %c0_i32 : i32, i32
  }
  func.func @transform_6(%arg0: i32) -> (i32, i32) {
    %c0_i32 = arith.constant 0 : i32
    %c0_i32_0 = arith.constant 0 : i32
    %c0_i32_1 = arith.constant 0 : i32
    return %c0_i32, %c0_i32_0 : i32, i32
  }
  func.func @transform_7(%arg0: i32) -> (i32, i32) {
    %c0_i32 = arith.constant 0 : i32
    %c0_i32_0 = arith.constant 0 : i32
    %c0_i32_1 = arith.constant 0 : i32
    return %c0_i32, %c0_i32_0 : i32, i32
  }
  func.func @transform_8(%arg0: i32) -> (i32, i32) {
    %c0_i32 = arith.constant 0 : i32
    %c0_i32_0 = arith.constant 0 : i32
    %c0_i32_1 = arith.constant 0 : i32
    return %c0_i32, %c0_i32_0 : i32, i32
  }
  func.func @transform_9(%arg0: i32) -> (i32, i32) {
    %c0_i32 = arith.constant 0 : i32
    %c0_i32_0 = arith.constant 0 : i32
    %c0_i32_1 = arith.constant 0 : i32
    return %c0_i32, %c0_i32_0 : i32, i32
  }
  func.func @transform_10(%arg0: i32) -> (i32, i32) {
    %c0_i32 = arith.constant 0 : i32
    %c0_i32_0 = arith.constant 0 : i32
    %c0_i32_1 = arith.constant 0 : i32
    return %c0_i32, %c0_i32_0 : i32, i32
  }
  func.func @transform_11(%arg0: i32) -> (i32, i32) {
    %c0_i32 = arith.constant 0 : i32
    %c0_i32_0 = arith.constant 0 : i32
    %c0_i32_1 = arith.constant 0 : i32
    return %c0_i32, %c0_i32_0 : i32, i32
  }
  func.func @transform_12(%arg0: i32) -> (i32, i32) {
    %c0_i32 = arith.constant 0 : i32
    %c0_i32_0 = arith.constant 0 : i32
    return %arg0, %c0_i32 : i32, i32
  }
}

</mosaic_0001>

<sc_bundles>
// kernel: kernel.11.cloned.1.call-start
scs
__scs_entry_jumppad:
0x0: {  	(pc) =	sbr.rel $0x88, $3  }
0x1: {  	(tag) =	ssettag $0x0;
	lr =	simm.s32 $0x1  }
0x2: {  	[smem:$0x3F97] =	sst lr;
	_ =	strace $0xD0000000  }
0x3: {  	_ = 	snop  }
0x4: {  	_ = 	snop  }
0x5: {  	_ = 	snop  }
0x6: {  	_ = 	snop  }
0x7: {  	_ = 	snop  }
__scs_overlays_trampoline_lowered:
0x8: {  	[smem:$0x3FA6] =	sst s0  }
0x9: {  	[smem:$0x3FA7] =	sst s1  }
0xa: {  	[smem:$0x3FA8] =	sst s2  }
0xb: {  	[smem:$0x3FA9] =	sst s3  }
0xc: {  	[smem:$0x3FAA] =	sst s4  }
0xd: {  	[smem:$0x3FAB] =	sst s5  }
0xe: {  	[smem:$0x3FAC] =	sst s6  }
0xf: {  	[smem:$0x3FAD] =	sst s7  }
0x10: {  	[smem:$0x3FAE] =	sst s8  }
0x11: {  	[smem:$0x3FAF] =	sst s9;
	s0 =	simm.s32 @!p0 $0x0  }
0x12: {  	s1 =	sld [smem:$0x3F95];
	s0 =	simm.s32 @p0 $0x1  }
0x13: {  	[smem:$0x3FB0] =	sst s0;
	s0 =	simm.s32 @!p1 $0x0  }
0x14: {  	s2 =	sld [smem:$0x3F94];
	s0 =	simm.s32 @p1 $0x1  }
0x15: {  	[smem:$0x3FB1] =	sst s0;
	s0 =	simm.s32 @!p2 $0x0  }
0x16: {  	s3 =	sld [smem:$0x3FDB];
	s0 =	simm.s32 @p2 $0x1  }
0x17: {  	s4 =	simm.s32 $0x1BF5;
	[smem:$0x3FB3] =	sst s0  }
0x18: {  	s0 =	sld [smem:$0x3F96];
	_ =	swait.ge [sflag:s4], $0x0  }
0x19: {  	s7 =	sld [smem:$0x3F97]  }
0x1a: {  	s8 =	sadd.s32 $0xFFFFE003, lr  }
0x1b: {  	s9 =	sadd.s32 $0xFFFFFEF7, lr;
	s5 =	simm.s32 $0xFFFFFFFF;
	p2 =	slt.u32 s8, $0xFFFFF086  }
0x1c: {  	p1 =	slt.u32 s9, $0xF7A;
	s5 =	simm.s32 @!p2 $0x0  }
0x1d: {  	s5 =	simm.s32 @p1 $0x1;
	p0 =	seq.s32 s7, s2  }
0x1e: {  	s7 =	smul.u32 @!p0 $0xF7A, s2;
	p2 =	seq.s32 @!p0 s5, $0x0  }
0x1f: {  	s9 =	smul.u32 $0xF7A, s1;
	s8 =	simm.s32 @!p0 $0x1BF5;
	p2 =	por !p2, p0  }
0x20: {  	[sflag:s8] =	ssyncset.s32 @!p0 $0xFFFFF086;
	s6 =	sadd.s32 @!p0 s3, s7;
	s7 =	simm.s32 @!p0 $0x108  }
0x21: {  	s3 =	sadd.s32 s3, s9;
	s6 =	sadd.s32 @!p0 $0x88, s6;
	s7 =	simm.s32 @p2 $0x1082  }
0x22: {  	[simem:s7], [sflag:s8] =	dma.local @!p0 [hbm:s6], $0xF7A  }
0x23: {  	s9 =	sor.u32 $0xD0000000, s2;
	s6 =	simm.s32 $0x108;
	_ =	swait.ge @!p0 [sflag:s8], $0x0  }
0x24: {  	s3 =	sadd.s32 $0x88, s3;
	s6 =	simm.s32 @!p1 $0x1082;
	[sflag:s4] =	ssyncset.s32 $0xFFFFF086  }
0x25: {  	[simem:s6], [sflag:s4] =	dma.local [hbm:s3], $0xF7A  }
0x26: {  	[smem:$0x3F97] =	sst s1;
	(tag) =	ssettag s2;
	_ =	strace s9  }
0x27: {  	s1 =	sld [smem:$0x3FA7]  }
0x28: {  	s2 =	sld [smem:$0x3FA8]  }
0x29: {  	s4 =	sld [smem:$0x3FAA]  }
0x2a: {  	p0 =	seq.s32 s5, $0x0;
	s5 =	sld [smem:$0x3FAB]  }
0x2b: {  	s6 =	sld [smem:$0x3FAC]  }
0x2c: {  	s7 =	sld [smem:$0x3FAD]  }
0x2d: {  	s3 =	simm.s32 $0x108;
	s8 =	sld [smem:$0x3FAE]  }
0x2e: {  	s3 =	simm.s32 @!p0 $0x1082;
	s9 =	sld [smem:$0x3FAF]  }
0x2f: {  	lr =	sadd.s32 s0, s3;
	s0 =	sld [smem:$0x3FA6]  }
0x30: {  	s3 =	sld [smem:$0x3FA9]  }
0x31: {  	[smem:$0x3FB2] =	sst s10  }
0x32: {  	s10 =	sld [smem:$0x3FB0];
	_ =	sdelay $0x3  }
0x33: {  	p0 =	seq.s32 s10, $0x1;
	s10 =	sld [smem:$0x3FB2];
	_ =	sdelay $0x3  }
0x34: {  	[smem:$0x3FB2] =	sst s10  }
0x35: {  	s10 =	sld [smem:$0x3FB1];
	_ =	sdelay $0x3  }
0x36: {  	p1 =	seq.s32 s10, $0x1;
	s10 =	sld [smem:$0x3FB2];
	_ =	sdelay $0x3  }
0x37: {  	[smem:$0x3FB2] =	sst s10  }
0x38: {  	s10 =	sld [smem:$0x3FB3]  }
0x39: {  	_ = 	snop;
	(pc) =	sbr.ind lr, $3  }
0x3a: {  	_ = 	snop  }
0x3b: {  	_ = 	snop  }
0x3c: {  	p2 =	seq.s32 s10, $0x1;
	s10 =	sld [smem:$0x3FB2]  }
0x3d: {  	_ =	shalt  }
0x3e: {  	_ =	shalt  }
0x3f: {  	_ =	shalt  }
0x40: {  	_ =	shalt  }
0x41: {  	_ =	shalt  }
0x42: {  	_ =	shalt  }
0x43: {  	_ =	shalt  }
0x44: {  	_ =	shalt  }
0x45: {  	_ =	shalt  }
0x46: {  	_ =	shalt  }
0x47: {  	_ =	shalt  }
0x48: {  	_ =	shalt  }
0x49: {  	_ =	shalt  }
0x4a: {  	_ =	shalt  }
0x4b: {  	_ =	shalt  }
0x4c: {  	_ =	shalt  }
0x4d: {  	_ =	shalt  }
0x4e: {  	_ =	shalt  }
0x4f: {  	_ =	shalt  }
0x50: {  	_ =	shalt  }
0x51: {  	_ =	shalt  }
0x52: {  	_ =	shalt  }
0x53: {  	_ =	shalt  }
0x54: {  	_ =	shalt  }
0x55: {  	_ =	shalt  }
0x56: {  	_ =	shalt  }
0x57: {  	_ =	shalt  }
0x58: {  	_ =	shalt  }
0x59: {  	_ =	shalt  }
0x5a: {  	_ =	shalt  }
0x5b: {  	_ =	shalt  }
0x5c: {  	_ =	shalt  }
0x5d: {  	_ =	shalt  }
0x5e: {  	_ =	shalt  }
0x5f: {  	_ =	shalt  }
0x60: {  	_ =	shalt  }
0x61: {  	_ =	shalt  }
0x62: {  	_ =	shalt  }
0x63: {  	_ =	shalt  }
0x64: {  	_ =	shalt  }
0x65: {  	_ =	shalt  }
0x66: {  	_ =	shalt  }
0x67: {  	_ =	shalt  }
0x68: {  	_ =	shalt  }
0x69: {  	_ =	shalt  }
0x6a: {  	_ =	shalt  }
0x6b: {  	_ =	shalt  }
0x6c: {  	_ =	shalt  }
0x6d: {  	_ =	shalt  }
0x6e: {  	_ =	shalt  }
0x6f: {  	_ =	shalt  }
0x70: {  	_ =	shalt  }
0x71: {  	_ =	shalt  }
0x72: {  	_ =	shalt  }
0x73: {  	_ =	shalt  }
0x74: {  	_ =	shalt  }
0x75: {  	_ =	shalt  }
0x76: {  	_ =	shalt  }
0x77: {  	_ =	shalt  }
0x78: {  	_ =	shalt  }
0x79: {  	_ =	shalt  }
0x7a: {  	_ =	shalt  }
0x7b: {  	_ =	shalt  }
0x7c: {  	_ =	shalt  }
0x7d: {  	_ =	shalt  }
0x7e: {  	_ =	shalt  }
0x7f: {  	_ =	shalt  }
0x80: {  	_ =	shalt  }
0x81: {  	_ =	shalt  }
0x82: {  	_ =	shalt  }
0x83: {  	_ =	shalt  }
0x84: {  	_ =	shalt  }
0x85: {  	_ =	shalt  }
0x86: {  	_ =	shalt  }
0x87: {  	_ =	shalt  }
.Lfunc_end0:
.L_simem_size_0:
called_computation.1_lowered:
.L_overlay_start_0:
0x88: {  	s2 =	sld [smem:$0x3FD9]  }
0x89: {  	s3 =	sld [smem:$0x3FFE];
	_ =	sdelay $0x1  }
0x8a: {  	s1 =	srdreg.scid  }
0x8b: {  	s0 =	sand.u32 $0x1, s1  }
0x8c: {  	s17 =	sshll.u32 s0, $0xA;
	s2 =	sadd.s32 s3, s2  }
0x8d: {  	s2 =	sadd.s32 s2, s17  }
0x8e: {  	[smem:$0x3FBE] =	sst s2  }
0x8f: {  	_ = 	snop  }
0x90: {  	s2 =	sld [smem:$0x3FD0];
	(tm) =	ssettm $0x1  }
0x91: {  	s18 =	sld [smem:$0x3FFB];
	_ =	sdelay $0x3  }
0x92: {  	_ =	strace s18  }
0x93: {  	s3 =	sld [smem:$0x3FFC];
	_ =	sdelay $0x3  }
0x94: {  	_ =	strace s3  }
0x95: {  	s3 =	sld [smem:$0x3FFD];
	_ =	sdelay $0x3  }
0x96: {  	_ =	strace s3  }
0x97: {  	_ =	strace $0x8FFFFFFF  }
0x98: {  	s19 =	sld [smem:$0x3FDB];
	_ =	sdelay $0x1  }
0x99: {  	s4 =	simm.s32 $_scs_section_size  }
0x9a: {  	s5 =	simm.s32 $_size__tile_overlayer_lowered;
	s6 =	simm.s32 $_tile_overlayer_lowered  }
0x9b: {  	s22 =	simm.s32 $0x1BFF;
	s21 =	sshll.u32 s6, $0x1;
	s3 =	sadd.s32 s4, s19  }
0x9c: {  	s7 =	simm.s32 $0x0;
	s20 =	sshll.u32 s5, $0x1;
	s5 =	sadd.s32 s21, s3  }
0x9d: {  	[timem:s7], [sflag:s22] =	dma.local [hbm:s5], s20  }
0x9e: {  	_ =	swait.ge [sflag:s22], s20  }
0x9f: {  	s4 =	ssub.s32 $0x0, s20;
	[sflag:s22] =	ssyncset.done $0x0  }
0xa0: {  	[sflag:s22] =	ssyncadd.s32 s4;
	_ =	sdelay $0x1  }
0xa1: {  	s23 =	simm.s32 $0x1B8B  }
0xa2: {  	_ =	swait.ge [sflag:s23], $0x1  }
0xa3: {  	[sflag:s23] =	ssyncset.done $0x0  }
0xa4: {  	s25 =	simm.s32 $0x1B8E;
	s24 =	sld [smem:$0x3FFE];
	[sflag:s23] =	ssyncadd.s32 $0xFFFFFFFF  }
0xa5: {  	s26 =	simm.s32 $execute0_lowered;
	[smem:$0x3FD2] =	sst s25  }
0xa6: {  	s5 =	sshll.u32 s26, $0x1;
	_ =	strace $0x80000049;
	[dreg:$0x1] =	wrdreg $0xFFFFFFFF  }
0xa7: {  	s28 =	simm.s32 $_size_execute0_lowered;
	s3 =	sadd.s32 s3, s5;
	[dreg:$0x0] =	wrdreg $0x0  }
0xa8: {  	s5 =	sshll.u32 s28, $0x1;
	[dreg:$0x2] =	wrdreg s3  }
0xa9: {  	[dreg:$0x3] =	wrdreg s5  }
0xaa: {  	[dreg:$0x4] =	wrdreg $0xC0  }
0xab: {  	_ =	task [dreg:s7], $0x5FFFF  }
0xac: {  	[dreg:$0x1] =	wrdreg $0xFFFFFFFF  }
0xad: {  	[dreg:$0x0] =	wrdreg $0x60  }
0xae: {  	[dreg:$0x2] =	wrdreg s24  }
0xaf: {  	[dreg:$0x3] =	wrdreg s2  }
0xb0: {  	[dreg:$0x4] =	wrdreg $0xB8000  }
0xb1: {  	[dreg:$0x5] =	wrdreg $0x9  }
0xb2: {  	_ =	task.clear_ibuf [dreg:s7], $0x6FFFF;
	_ =	strace $0x90000049  }
0xb3: {  	s29 =	simm.s32 $0x9;
	_ =	strace $0x8000004B  }
0xb4: {  	_ =	swait.ge [sflag:s29], $0x1  }
0xb5: {  	[sflag:s29] =	ssyncadd.s32 $0xFFFFFFFF  }
0xb6: {  	_ =	strace $0x9000004B  }
0xb7: {  	_ =	sfence  }
0xb8: {  	s30 =	sld [smem:$0x0];
	_ =	sdelay $0x2  }
0xb9: {  	s31 =	sshll.u32 s1, $0xD;
	s1 =	sshrl.u32 s1, $0x2  }
0xba: {  	s3 =	sand.u32 $0x4000, s31;
	s1 =	sadd.s32 s1, s30  }
0xbb: {  	s0 =	sor.u32 s3, s0;
	s1 =	sshll.u32 s1, $0x11  }
0xbc: {  	s0 =	sor.u32 s1, s0  }
0xbd: {  	s0 =	sadd.s32 $0x8F2B, s0  }
0xbe: {  	[sflag:s0] =	ssyncadd.remote.s32 $0x1  }
0xbf: {  	_ =	sfence.sel $0xFFFF  }
0xc0: {  	[dreg:$0x0] =	wrdreg $0xFFFFFFFF;
	(pc) =	sbr.abs _section_cstart, $3  }
0xc1: {  	[dreg:$0x1] =	wrdreg $0xFFFFFFFF  }
0xc2: {  	_ =	task.clear_ibuf [dreg:s7], $0x2FFFF;
	_ =	strace $0x9FFFFFFF  }
0xc3: {  	(tm) =	ssettm $0x7FFFFFFF  }
tec
execute0_lowered:
.L_overlay_start_1:
0x0: {  	(tag) =	ssettag $0x1  }
0x1: {  	s0 =	rddreg [dreg:$0x0]  }
0x2: {  	s2 =	rddreg [dreg:$0x1]  }
0x3: {  	s1 =	rddreg [dreg:$0x2];
	s3 =	simm.s32 $0x0;
	s9 =	stileid.u32  }
0x4: {  	s17 =	srdreg.scid;
	[smem:$0x7FF] =	sst s3  }
0x5: {  	s4 =	sadd.s32 $0xDC00, s0;
	s5 =	sadd.s32 $0x34E00, s0;
	s13 =	smul.u32 $0x2800, s9  }
0x6: {  	s7 =	sadd.s32 $0x5C000, s0;
	s8 =	sadd.s32 $0x83200, s0;
	s3 =	sand.u32 $0x1, s17  }
0x7: {  	s9 =	smul.u32 $0x50000, s9;
	s10 =	sadd.s32 $0xAA400, s0;
	_ =	strace $0x8000004A  }
0x8: {  	[dreg:$0x5] =	wrdreg s10;
	s18 =	ssub.s32 $0x2, s3;
	s6 =	sshrl.u32 s13, $0x3  }
0x9: {  	s12 =	sadd.s32 s13, s0;
	s11 =	sshrl.u32 s18, $0x1;
	s9 =	sshrl.u32 s9, $0x2  }
0xa: {  	[dreg:$0x4] =	wrdreg s13;
	s2 =	sadd.s32 s2, s13;
	s6 =	sadd.s32 s6, s0  }
0xb: {  	s0 =	sadd.s32 $0xFA400, s0;
	s19 =	ssub.s32 s18, s11;
	[dreg:$0x12] =	wrdreg s2  }
0xc: {  	s11 =	sadd.s32 s9, s1;
	s16 =	sadd.s32 $0xD2400, s12;
	[dreg:$0x6] =	wrdreg s0  }
0xd: {  	s20 =	sadd.s32 $0x1000, s11;
	[dreg:$0x13] =	wrdreg s16  }
0xe: {  	s21 =	sadd.s32 $0x2000, s11;
	[dreg:$0x7] =	wrdreg s20  }
0xf: {  	s22 =	sadd.s32 $0x3000, s11;
	[dreg:$0x8] =	wrdreg s21  }
0x10: {  	s23 =	sadd.s32 $0x4000, s11;
	[dreg:$0x9] =	wrdreg s22  }
0x11: {  	s24 =	sadd.s32 $0x5000, s11;
	[dreg:$0xa] =	wrdreg s23  }
0x12: {  	s25 =	sadd.s32 $0x6000, s11;
	[dreg:$0xb] =	wrdreg s24  }
0x13: {  	s28 =	simm.s32 $0x1;
	s26 =	sadd.s32 $0x7000, s11;
	[dreg:$0xc] =	wrdreg s25  }
0x14: {  	s29 =	simm.s32 $0x2;
	s9 =	sadd.s32 $0x3200, s6;
	[dreg:$0xd] =	wrdreg s26  }
0x15: {  	s30 =	simm.s32 $0x8800;
	s10 =	sadd.s32 $0x8200, s6;
	[dreg:$0xe] =	wrdreg s9  }
0x16: {  	s31 =	simm.s32 $0x0;
	s14 =	sadd.s32 $0x3480, s6;
	[dreg:$0xf] =	wrdreg s10  }
0x17: {  	p0 =	seq.s32 s3, $0x1;
	s15 =	sadd.s32 $0x8480, s6;
	[dreg:$0x10] =	wrdreg s14  }
0x18: {  	s13 =	simm.s32 $0x40;
	s0 =	smax.u32 s19, $0x1;
	[dreg:$0x11] =	wrdreg s15  }
0x19: {  	s12 =	simm.s32 $0x1400;
	s17 =	sadd.s32 $0x8000, s11;
	[dreg:$0x14] =	wrdreg s0  }
0x1a: {  	s18 =	sadd.s32 $0x9000, s11;
	s19 =	sadd.s32 $0xA000, s11;
	[dreg:$0x15] =	wrdreg s17  }
0x1b: {  	s2 =	sadd.s32 $0x12000, s11;
	s3 =	sadd.s32 $0x13000, s11;
	[dreg:$0x16] =	wrdreg s18  }
0x1c: {  	s6 =	simm.s32 $0x7;
	[dreg:$0x17] =	wrdreg s19;
	s20 =	sadd.s32 $0xB000, s11  }
0x1d: {  	s16 =	simm.s32 $0x4800;
	s21 =	sadd.s32 $0xC000, s11;
	[dreg:$0x18] =	wrdreg s20  }
0x1e: {  	s22 =	sadd.s32 $0xD000, s11;
	s23 =	sadd.s32 $0xE000, s11;
	[dreg:$0x19] =	wrdreg s21  }
0x1f: {  	s24 =	sadd.s32 $0xF000, s11;
	s25 =	sadd.s32 $0x10000, s11;
	[dreg:$0x1a] =	wrdreg s22  }
.Ltmp0:
0x20: {  	s26 =	sadd.s32 $0x11000, s11;
	[dreg:$0x1b] =	wrdreg s23;
	(pc) =	sbr.rel .LBB2_1-.Ltmp0, $4  }
0x21: {  	s14 =	simm.s32 $0x2800;
	s17 =	simm.s32 $0x3;
	[dreg:$0x1c] =	wrdreg s24  }
0x22: {  	s18 =	simm.s32 $0x4;
	s19 =	simm.s32 $0x5;
	[dreg:$0x1d] =	wrdreg s25  }
0x23: {  	[dreg:$0x1e] =	wrdreg s26;
	s25 =	simm.s32 $0xA800;
	s20 =	simm.s32 $0x80  }
0x24: {  	v0 =	vimm.f32 $0.0e+00;
	s21 =	simm.s32 $0x6800;
	s22 =	simm.s32 $0x1380;
	s26 =	simm.s32 $0x6  }
.LBB2_77:
0x25: {  	s9 =	rddreg [dreg:$0x6]  }
.LBB2_78:
0x26: {  	_ =	swait.ge [sflag:s17], $0x2000  }
0x27: {  	[sflag:s17] =	ssyncset.done $0x0  }
0x28: {  	[sflag:s17] =	ssyncadd.s32 $0xFFFFE000  }
0x29: {  	_ =	swait.ge [sflag:s18], $0x2000  }
0x2a: {  	[sflag:s18] =	ssyncset.done $0x0  }
0x2b: {  	[sflag:s18] =	ssyncadd.s32 $0xFFFFE000  }
0x2c: {  	[spmem:s1] =	stream.indirect.scatter.add.f32 [tilespmem:s21], [sflag:$0x6], $0x80, s22, s20, $0xb8;
	[tilespmem:$0x1F800] =	vst v63  }
0x2d: {  	_ =	swait.ge [sflag:s19], $0x4000  }
0x2e: {  	[sflag:s19] =	ssyncset.done $0x0  }
0x2f: {  	[sflag:s19] =	ssyncadd.s32 $0xFFFFC000  }
0x30: {  	_ =	swait.ge [sflag:s26], $0x4000  }
0x31: {  	[sflag:s26] =	ssyncset.done $0x0  }
0x32: {  	s10 =	rddreg [dreg:$0x4];
	[sflag:s26] =	ssyncadd.s32 $0xFFFFC000  }
0x33: {  	s23 =	sshrl.u32 s11, $0x3;
	s9 =	sadd.s32 s9, s10;
	[bflag:$0x0] =	sbarrier.arrive $0xFFFF  }
0x34: {  	[hbm:s9], [sflag:s0] =	dma.local [spmem:s23], $0x2800  }
0x35: {  	_ =	swait.ge [sflag:s6], $0x2800  }
0x36: {  	s31 =	sadd.s32 $0x1, s31;
	s24 =	rddreg [dreg:$0x14]  }
0x37: {  	p1 =	sne.s32 s31, s24  }
.Ltmp1:
0x38: {  	_ = 	snop;
	(pc) =	sbr.rel @!p1 .LBB2_79-.Ltmp1, $3  }
0x39: {  	_ =	sdelay $0x1  }
0x3a: {  	[sflag:s6] =	ssyncset.done $0x0  }
0x3b: {  	[sflag:s6] =	ssyncadd.s32 $0xFFFFD800  }
.LBB2_1:
0x3c: {  	s0 =	simm.s32 $0x0;
	s9 =	simm.s32 $0x200  }
.LBB2_2:
0x3d: {  	p1 =	sne.s32 s9, $0x3E00;
	[tilespmem:s0+$0xA870] =	vst v0  }
0x3e: {  	[tilespmem:s0+$0xA800] =	vst v0  }
0x3f: {  	[tilespmem:s0+$0xA810] =	vst v0  }
.Ltmp2:
0x40: {  	[tilespmem:s0+$0xA820] =	vst v0;
	(pc) =	sbr.rel @p1 .LBB2_2-.Ltmp2, $4  }
0x41: {  	[tilespmem:s0+$0xA830] =	vst v0  }
0x42: {  	[tilespmem:s0+$0xA840] =	vst v0  }
0x43: {  	[tilespmem:s0+$0xA850] =	vst v0  }
0x44: {  	[tilespmem:s0+$0xA860] =	vst v0;
	s0 =	sshra.s32 s9, $0x2;
	s9 =	sadd.s32 $0x200, s9  }
0x45: {  	[tilespmem:s0+$0xA870] =	vst v0  }
0x46: {  	[tilespmem:s0+$0xA800] =	vst v0  }
0x47: {  	[tilespmem:s0+$0xA810] =	vst v0  }
0x48: {  	[tilespmem:s0+$0xA820] =	vst v0  }
0x49: {  	[tilespmem:s0+$0xA830] =	vst v0  }
0x4a: {  	[tilespmem:s0+$0xA840] =	vst v0  }
0x4b: {  	[tilespmem:s0+$0xA850] =	vst v0  }
0x4c: {  	[tilespmem:s0+$0xA860] =	vst v0  }
0x4d: {  	[spmem:s11] =	stream.linear.scatter [tilespmem:s25], [sflag:$0x7], $0x1000, $0x38;
	[tilespmem:$0x1F800] =	vst v63  }
0x4e: {  	_ =	swait.ge [sflag:s6], $0x1000  }
0x4f: {  	[sflag:s6] =	ssyncset.done $0x0  }
0x50: {  	s10 =	rddreg [dreg:$0x7];
	[sflag:s6] =	ssyncadd.s32 $0xFFFFF000  }
0x51: {  	[spmem:s10] =	stream.linear.scatter [tilespmem:s25], [sflag:$0x7], $0x1000, $0x38;
	[tilespmem:$0x1F800] =	vst v63  }
0x52: {  	_ =	swait.ge [sflag:s6], $0x1000  }
0x53: {  	[sflag:s6] =	ssyncset.done $0x0  }
0x54: {  	s15 =	rddreg [dreg:$0x8];
	[sflag:s6] =	ssyncadd.s32 $0xFFFFF000  }
0x55: {  	[spmem:s15] =	stream.linear.scatter [tilespmem:s25], [sflag:$0x7], $0x1000, $0x38;
	[tilespmem:$0x1F800] =	vst v63  }
0x56: {  	_ =	swait.ge [sflag:s6], $0x1000  }
0x57: {  	[sflag:s6] =	ssyncset.done $0x0  }
0x58: {  	s23 =	rddreg [dreg:$0x9];
	[sflag:s6] =	ssyncadd.s32 $0xFFFFF000  }
0x59: {  	[spmem:s23] =	stream.linear.scatter [tilespmem:s25], [sflag:$0x7], $0x1000, $0x38;
	[tilespmem:$0x1F800] =	vst v63  }
0x5a: {  	_ =	swait.ge [sflag:s6], $0x1000  }
0x5b: {  	[sflag:s6] =	ssyncset.done $0x0  }
0x5c: {  	s24 =	rddreg [dreg:$0xa];
	[sflag:s6] =	ssyncadd.s32 $0xFFFFF000  }
0x5d: {  	[spmem:s24] =	stream.linear.scatter [tilespmem:s25], [sflag:$0x7], $0x1000, $0x38;
	[tilespmem:$0x1F800] =	vst v63  }
0x5e: {  	_ =	swait.ge [sflag:s6], $0x1000  }
0x5f: {  	[sflag:s6] =	ssyncset.done $0x0  }
0x60: {  	s9 =	rddreg [dreg:$0xb];
	[sflag:s6] =	ssyncadd.s32 $0xFFFFF000  }
0x61: {  	[spmem:s9] =	stream.linear.scatter [tilespmem:s25], [sflag:$0x7], $0x1000, $0x38;
	[tilespmem:$0x1F800] =	vst v63  }
0x62: {  	_ =	swait.ge [sflag:s6], $0x1000  }
0x63: {  	[sflag:s6] =	ssyncset.done $0x0  }
0x64: {  	s10 =	rddreg [dreg:$0xc];
	[sflag:s6] =	ssyncadd.s32 $0xFFFFF000  }
0x65: {  	[spmem:s10] =	stream.linear.scatter [tilespmem:s25], [sflag:$0x7], $0x1000, $0x38;
	[tilespmem:$0x1F800] =	vst v63  }
0x66: {  	_ =	swait.ge [sflag:s6], $0x1000  }
0x67: {  	[sflag:s6] =	ssyncset.done $0x0  }
0x68: {  	s15 =	rddreg [dreg:$0xd];
	[sflag:s6] =	ssyncadd.s32 $0xFFFFF000  }
0x69: {  	[spmem:s15] =	stream.linear.scatter [tilespmem:s25], [sflag:$0x7], $0x1000, $0x38;
	[tilespmem:$0x1F800] =	vst v63  }
0x6a: {  	_ =	swait.ge [sflag:s6], $0x1000  }
0x6b: {  	[sflag:s6] =	ssyncset.done $0x0  }
0x6c: {  	s23 =	rddreg [dreg:$0x15];
	[sflag:s6] =	ssyncadd.s32 $0xFFFFF000  }
0x6d: {  	[spmem:s23] =	stream.linear.scatter [tilespmem:s25], [sflag:$0x7], $0x1000, $0x38;
	[tilespmem:$0x1F800] =	vst v63  }
0x6e: {  	_ =	swait.ge [sflag:s6], $0x1000  }
0x6f: {  	[sflag:s6] =	ssyncset.done $0x0  }
0x70: {  	s24 =	rddreg [dreg:$0x16];
	[sflag:s6] =	ssyncadd.s32 $0xFFFFF000  }
0x71: {  	[spmem:s24] =	stream.linear.scatter [tilespmem:s25], [sflag:$0x7], $0x1000, $0x38;
	[tilespmem:$0x1F800] =	vst v63  }
0x72: {  	_ =	swait.ge [sflag:s6], $0x1000  }
0x73: {  	[sflag:s6] =	ssyncset.done $0x0  }
0x74: {  	s9 =	rddreg [dreg:$0x17];
	[sflag:s6] =	ssyncadd.s32 $0xFFFFF000  }
0x75: {  	[spmem:s9] =	stream.linear.scatter [tilespmem:s25], [sflag:$0x7], $0x1000, $0x38;
	[tilespmem:$0x1F800] =	vst v63  }
0x76: {  	_ =	swait.ge [sflag:s6], $0x1000  }
0x77: {  	[sflag:s6] =	ssyncset.done $0x0  }
0x78: {  	s10 =	rddreg [dreg:$0x18];
	[sflag:s6] =	ssyncadd.s32 $0xFFFFF000  }
0x79: {  	[spmem:s10] =	stream.linear.scatter [tilespmem:s25], [sflag:$0x7], $0x1000, $0x38;
	[tilespmem:$0x1F800] =	vst v63  }
0x7a: {  	_ =	swait.ge [sflag:s6], $0x1000  }
0x7b: {  	[sflag:s6] =	ssyncset.done $0x0  }
0x7c: {  	s15 =	rddreg [dreg:$0x19];
	[sflag:s6] =	ssyncadd.s32 $0xFFFFF000  }
0x7d: {  	[spmem:s15] =	stream.linear.scatter [tilespmem:s25], [sflag:$0x7], $0x1000, $0x38;
	[tilespmem:$0x1F800] =	vst v63  }
0x7e: {  	_ =	swait.ge [sflag:s6], $0x1000  }
0x7f: {  	[sflag:s6] =	ssyncset.done $0x0  }
0x80: {  	s23 =	rddreg [dreg:$0x1a];
	[sflag:s6] =	ssyncadd.s32 $0xFFFFF000  }
0x81: {  	[spmem:s23] =	stream.linear.scatter [tilespmem:s25], [sflag:$0x7], $0x1000, $0x38;
	[tilespmem:$0x1F800] =	vst v63  }
0x82: {  	_ =	swait.ge [sflag:s6], $0x1000  }
0x83: {  	[sflag:s6] =	ssyncset.done $0x0  }
0x84: {  	s24 =	rddreg [dreg:$0x1b];
	[sflag:s6] =	ssyncadd.s32 $0xFFFFF000  }
0x85: {  	[spmem:s24] =	stream.linear.scatter [tilespmem:s25], [sflag:$0x7], $0x1000, $0x38;
	[tilespmem:$0x1F800] =	vst v63  }
0x86: {  	_ =	swait.ge [sflag:s6], $0x1000  }
0x87: {  	[sflag:s6] =	ssyncset.done $0x0  }
0x88: {  	s9 =	rddreg [dreg:$0x1c];
	[sflag:s6] =	ssyncadd.s32 $0xFFFFF000  }
0x89: {  	[spmem:s9] =	stream.linear.scatter [tilespmem:s25], [sflag:$0x7], $0x1000, $0x38;
	[tilespmem:$0x1F800] =	vst v63  }
0x8a: {  	_ =	swait.ge [sflag:s6], $0x1000  }
0x8b: {  	[sflag:s6] =	ssyncset.done $0x0  }
0x8c: {  	s10 =	rddreg [dreg:$0x1d];
	[sflag:s6] =	ssyncadd.s32 $0xFFFFF000  }
0x8d: {  	[spmem:s10] =	stream.linear.scatter [tilespmem:s25], [sflag:$0x7], $0x1000, $0x38;
	[tilespmem:$0x1F800] =	vst v63  }
0x8e: {  	_ =	swait.ge [sflag:s6], $0x1000  }
0x8f: {  	[sflag:s6] =	ssyncset.done $0x0  }
0x90: {  	s15 =	rddreg [dreg:$0x1e];
	[sflag:s6] =	ssyncadd.s32 $0xFFFFF000  }
0x91: {  	[spmem:s15] =	stream.linear.scatter [tilespmem:s25], [sflag:$0x7], $0x1000, $0x38;
	[tilespmem:$0x1F800] =	vst v63  }
0x92: {  	_ =	swait.ge [sflag:s6], $0x1000  }
0x93: {  	[sflag:s6] =	ssyncset.done $0x0  }
0x94: {  	[sflag:s6] =	ssyncadd.s32 $0xFFFFF000  }
0x95: {  	[spmem:s2] =	stream.linear.scatter [tilespmem:s25], [sflag:$0x7], $0x1000, $0x38;
	[tilespmem:$0x1F800] =	vst v63  }
0x96: {  	_ =	swait.ge [sflag:s6], $0x1000  }
0x97: {  	[sflag:s6] =	ssyncset.done $0x0  }
0x98: {  	[sflag:s6] =	ssyncadd.s32 $0xFFFFF000  }
0x99: {  	[spmem:s3] =	stream.linear.scatter [tilespmem:s25], [sflag:$0x7], $0x1000, $0x38;
	[tilespmem:$0x1F800] =	vst v63  }
0x9a: {  	_ =	swait.ge [sflag:s6], $0x1000  }
0x9b: {  	[sflag:s6] =	ssyncset.done $0x0  }
0x9c: {  	[sflag:s6] =	ssyncadd.s32 $0xFFFFF000  }
0x9d: {  	[bflag:$0x0] =	sbarrier.arrive $0xFFFF  }
0x9e: {  	s23 =	simm.s32 $0x0;
	s9 =	rddreg [dreg:$0xe]  }
0x9f: {  	[tilespmem:s23], [sflag:$0x7] =	stream.linear.gather [hbm4b:s9+s23], $0x1400, $0x38;
	[tilespmem:$0x1F800] =	vst v63  }
0xa0: {  	_ =	swait.ge [sflag:s6], $0x1400  }
0xa1: {  	[sflag:s6] =	ssyncset.done $0x0  }
.Ltmp3:
0xa2: {  	s24 =	rddreg [dreg:$0xf];
	[sflag:s6] =	ssyncadd.s32 $0xFFFFEC00;
	(pc) =	sbr.rel @!p0 .LBB2_4-.Ltmp3, $4  }
0xa3: {  	[tilespmem:s12], [sflag:$0x7] =	stream.linear.gather [hbm4b:s24+s23], $0x1400, $0x38;
	[tilespmem:$0x1F800] =	vst v63  }
0xa4: {  	_ =	swait.ge [sflag:s6], $0x1400  }
0xa5: {  	[sflag:s6] =	ssyncset.done $0x0  }
0xa6: {  	[sflag:s6] =	ssyncadd.s32 $0xFFFFEC00  }
.Ltmp4:
0xa7: {  	(pc) =	sbr.rel .LBB2_42-.Ltmp4, $4  }
0xa8: {  	[tilespmem:s14], [sflag:$0x1] =	stream.indirect.gather [hbm4b:s7+s13], $0x80, s12, s13, $0xb8;
	[tilespmem:$0x1F800] =	vst v63  }
0xa9: {  	s0 =	simm.s32 $0x1440  }
0xaa: {  	[tilespmem:s16], [sflag:$0x2] =	stream.indirect.gather [hbm4b:s7+s13], $0x80, s0, s13, $0xb8;
	[tilespmem:$0x1F800] =	vst v63  }
0xab: {  	s9 =	simm.s32 $0x14C0;
	s10 =	simm.s32 $0x0;
	s0 =	simm.s32 $0x0  }
.LBB2_45:
0xac: {  	[spmem:s1] =	stream.indirect.scatter.add.f32 [tilespmem:s14], [sflag:$0x5], $0x80, s22, s20, $0xb8;
	[tilespmem:$0x1F800] =	vst v63  }
.LBB2_48:
0xad: {  	_ =	swait.ge [sflag:s17], $0x2000  }
0xae: {  	[sflag:s17] =	ssyncset.done $0x0  }
0xaf: {  	[sflag:s17] =	ssyncadd.s32 $0xFFFFE000  }
0xb0: {  	_ =	swait.ge [sflag:s18], $0x2000  }
0xb1: {  	[sflag:s18] =	ssyncset.done $0x0  }
0xb2: {  	[sflag:s18] =	ssyncadd.s32 $0xFFFFE000  }
0xb3: {  	_ =	swait.ge [sflag:s19], $0x4000  }
0xb4: {  	[sflag:s19] =	ssyncset.done $0x0  }
0xb5: {  	s15 =	sadd.s32 $0xFFFFFFC0, s9;
	[sflag:s19] =	ssyncadd.s32 $0xFFFFC000  }
0xb6: {  	[tilespmem:s14], [sflag:$0x1] =	stream.indirect.gather [hbm4b:s7+s13], $0x80, s15, s13, $0xb8;
	[tilespmem:$0x1F800] =	vst v63  }
0xb7: {  	_ = 	snop  }
0xb8: {  	[tilespmem:s16], [sflag:$0x2] =	stream.indirect.gather [hbm4b:s7+s13], $0x80, s9, s13, $0xb8;
	[tilespmem:$0x1F800] =	vst v63  }
0xb9: {  	_ = 	snop  }
0xba: {  	[spmem:s1] =	stream.indirect.scatter.add.f32 [tilespmem:s21], [sflag:$0x6], $0x80, s0, s20, $0xb8;
	[tilespmem:$0x1F800] =	vst v63  }
.LBB2_49:
0xbb: {  	s10 =	sadd.s32 $0x1, s10  }
0xbc: {  	p1 =	sne.s32 s10, $0x27  }
.Ltmp5:
0xbd: {  	_ = 	snop;
	(pc) =	sbr.rel @!p1 .LBB2_50-.Ltmp5, $2  }
0xbe: {  	_ =	sdelay $0x2  }
0xbf: {  	s0 =	sadd.s32 $0x80, s0;
	s9 =	sadd.s32 $0x80, s9  }
.LBB2_42:
0xc0: {  	s23 =	sand.u32 $0x1, s10  }
0xc1: {  	p1 =	seq.s32 s23, $0x1  }
.Ltmp6:
0xc2: {  	_ = 	snop;
	(pc) =	sbr.rel @p1 .LBB2_48-.Ltmp6, $1  }
0xc3: {  	_ =	sdelay $0x3  }
0xc4: {  	_ =	swait.ge [sflag:s28], $0x2000;
	p1 =	seq.s32 s10, $0x0  }
.Ltmp7:
0xc5: {  	[sflag:s28] =	ssyncset.done $0x0;
	(pc) =	sbr.rel @p1 .LBB2_47-.Ltmp7, $4  }
0xc6: {  	[sflag:s28] =	ssyncadd.s32 $0xFFFFE000  }
0xc7: {  	_ =	swait.ge [sflag:s29], $0x2000  }
0xc8: {  	[sflag:s29] =	ssyncset.done $0x0  }
0xc9: {  	[sflag:s29] =	ssyncadd.s32 $0xFFFFE000  }
0xca: {  	p1 =	sne.s32 s10, $0x27  }
.Ltmp8:
0xcb: {  	_ = 	snop;
	(pc) =	sbr.rel @!p1 .LBB2_45-.Ltmp8, $1  }
0xcc: {  	_ =	sdelay $0x3  }
0xcd: {  	_ =	swait.ge [sflag:s26], $0x4000  }
0xce: {  	[sflag:s26] =	ssyncset.done $0x0  }
0xcf: {  	[sflag:s26] =	ssyncadd.s32 $0xFFFFC000  }
.LBB2_47:
0xd0: {  	s15 =	sadd.s32 $0xFFFFFFC0, s9;
	p1 =	seq.s32 s23, $0x0  }
0xd1: {  	[tilespmem:s21], [sflag:$0x3] =	stream.indirect.gather [hbm4b:s7+s13], $0x80, s15, s13, $0xb8;
	[tilespmem:$0x1F800] =	vst v63  }
.Ltmp9:
0xd2: {  	_ = 	snop;
	(pc) =	sbr.rel @p1 .LBB2_49-.Ltmp9, $4  }
.Ltmp10:
0xd3: {  	_ = 	snop;
	(pc) =	sbr.rel @!p1 .LBB2_48-.Ltmp10, $4  }
0xd4: {  	[tilespmem:s30], [sflag:$0x4] =	stream.indirect.gather [hbm4b:s7+s13], $0x80, s9, s13, $0xb8;
	[tilespmem:$0x1F800] =	vst v63  }
0xd5: {  	_ = 	snop  }
0xd6: {  	[spmem:s1] =	stream.indirect.scatter.add.f32 [tilespmem:s14], [sflag:$0x5], $0x80, s0, s20, $0xb8;
	[tilespmem:$0x1F800] =	vst v63  }
0xd7: {  	_ = 	snop  }
.LBB2_4:
.Ltmp11:
0xd8: {  	(pc) =	sbr.rel .LBB2_5-.Ltmp11, $4  }
0xd9: {  	[tilespmem:s14], [sflag:$0x1] =	stream.indirect.gather [hbm4b:s4+s13], $0x80, s12, s13, $0xb8;
	[tilespmem:$0x1F800] =	vst v63  }
0xda: {  	s0 =	simm.s32 $0x1440  }
0xdb: {  	[tilespmem:s16], [sflag:$0x2] =	stream.indirect.gather [hbm4b:s4+s13], $0x80, s0, s13, $0xb8;
	[tilespmem:$0x1F800] =	vst v63  }
0xdc: {  	s9 =	simm.s32 $0x14C0;
	s10 =	simm.s32 $0x0;
	s0 =	simm.s32 $0x0  }
.LBB2_8:
0xdd: {  	[spmem:s1] =	stream.indirect.scatter.add.f32 [tilespmem:s14], [sflag:$0x5], $0x80, s22, s20, $0xb8;
	[tilespmem:$0x1F800] =	vst v63  }
.LBB2_11:
0xde: {  	_ =	swait.ge [sflag:s17], $0x2000  }
0xdf: {  	[sflag:s17] =	ssyncset.done $0x0  }
0xe0: {  	[sflag:s17] =	ssyncadd.s32 $0xFFFFE000  }
0xe1: {  	_ =	swait.ge [sflag:s18], $0x2000  }
0xe2: {  	[sflag:s18] =	ssyncset.done $0x0  }
0xe3: {  	[sflag:s18] =	ssyncadd.s32 $0xFFFFE000  }
0xe4: {  	_ =	swait.ge [sflag:s19], $0x4000  }
0xe5: {  	[sflag:s19] =	ssyncset.done $0x0  }
0xe6: {  	s23 =	sadd.s32 $0xFFFFFFC0, s9;
	[sflag:s19] =	ssyncadd.s32 $0xFFFFC000  }
0xe7: {  	[tilespmem:s14], [sflag:$0x1] =	stream.indirect.gather [hbm4b:s4+s13], $0x80, s23, s13, $0xb8;
	[tilespmem:$0x1F800] =	vst v63  }
0xe8: {  	_ = 	snop  }
0xe9: {  	[tilespmem:s16], [sflag:$0x2] =	stream.indirect.gather [hbm4b:s4+s13], $0x80, s9, s13, $0xb8;
	[tilespmem:$0x1F800] =	vst v63  }
0xea: {  	_ = 	snop  }
0xeb: {  	[spmem:s1] =	stream.indirect.scatter.add.f32 [tilespmem:s21], [sflag:$0x6], $0x80, s0, s20, $0xb8;
	[tilespmem:$0x1F800] =	vst v63  }
.LBB2_12:
0xec: {  	s10 =	sadd.s32 $0x1, s10  }
0xed: {  	p1 =	sne.s32 s10, $0x27  }
.Ltmp12:
0xee: {  	_ = 	snop;
	(pc) =	sbr.rel @!p1 .LBB2_13-.Ltmp12, $2  }
0xef: {  	_ =	sdelay $0x2  }
0xf0: {  	s0 =	sadd.s32 $0x80, s0;
	s9 =	sadd.s32 $0x80, s9  }
.LBB2_5:
0xf1: {  	s23 =	sand.u32 $0x1, s10  }
0xf2: {  	p1 =	seq.s32 s23, $0x1  }
.Ltmp13:
0xf3: {  	_ = 	snop;
	(pc) =	sbr.rel @p1 .LBB2_11-.Ltmp13, $1  }
0xf4: {  	_ =	sdelay $0x3  }
0xf5: {  	_ =	swait.ge [sflag:s28], $0x2000;
	p1 =	seq.s32 s10, $0x0  }
.Ltmp14:
0xf6: {  	[sflag:s28] =	ssyncset.done $0x0;
	(pc) =	sbr.rel @p1 .LBB2_10-.Ltmp14, $4  }
0xf7: {  	[sflag:s28] =	ssyncadd.s32 $0xFFFFE000  }
0xf8: {  	_ =	swait.ge [sflag:s29], $0x2000  }
0xf9: {  	[sflag:s29] =	ssyncset.done $0x0  }
0xfa: {  	[sflag:s29] =	ssyncadd.s32 $0xFFFFE000  }
0xfb: {  	p1 =	sne.s32 s10, $0x27  }
.Ltmp15:
0xfc: {  	_ = 	snop;
	(pc) =	sbr.rel @!p1 .LBB2_8-.Ltmp15, $1  }
0xfd: {  	_ =	sdelay $0x3  }
0xfe: {  	_ =	swait.ge [sflag:s26], $0x4000  }
0xff: {  	[sflag:s26] =	ssyncset.done $0x0  }
0x100: {  	[sflag:s26] =	ssyncadd.s32 $0xFFFFC000  }
.LBB2_10:
0x101: {  	s24 =	sadd.s32 $0xFFFFFFC0, s9;
	p1 =	seq.s32 s23, $0x0  }
0x102: {  	[tilespmem:s21], [sflag:$0x3] =	stream.indirect.gather [hbm4b:s4+s13], $0x80, s24, s13, $0xb8;
	[tilespmem:$0x1F800] =	vst v63  }
.Ltmp16:
0x103: {  	_ = 	snop;
	(pc) =	sbr.rel @p1 .LBB2_12-.Ltmp16, $4  }
.Ltmp17:
0x104: {  	_ = 	snop;
	(pc) =	sbr.rel @!p1 .LBB2_11-.Ltmp17, $4  }
0x105: {  	[tilespmem:s30], [sflag:$0x4] =	stream.indirect.gather [hbm4b:s4+s13], $0x80, s9, s13, $0xb8;
	[tilespmem:$0x1F800] =	vst v63  }
0x106: {  	_ = 	snop  }
0x107: {  	[spmem:s1] =	stream.indirect.scatter.add.f32 [tilespmem:s14], [sflag:$0x5], $0x80, s0, s20, $0xb8;
	[tilespmem:$0x1F800] =	vst v63  }
0x108: {  	_ = 	snop  }
.LBB2_50:
0x109: {  	_ =	swait.ge [sflag:s17], $0x2000  }
0x10a: {  	[sflag:s17] =	ssyncset.done $0x0  }
0x10b: {  	[sflag:s17] =	ssyncadd.s32 $0xFFFFE000  }
0x10c: {  	_ =	swait.ge [sflag:s18], $0x2000  }
0x10d: {  	[sflag:s18] =	ssyncset.done $0x0  }
0x10e: {  	[sflag:s18] =	ssyncadd.s32 $0xFFFFE000  }
0x10f: {  	[spmem:s1] =	stream.indirect.scatter.add.f32 [tilespmem:s21], [sflag:$0x6], $0x80, s22, s20, $0xb8;
	[tilespmem:$0x1F800] =	vst v63  }
0x110: {  	_ =	swait.ge [sflag:s19], $0x4000  }
0x111: {  	[sflag:s19] =	ssyncset.done $0x0  }
0x112: {  	[sflag:s19] =	ssyncadd.s32 $0xFFFFC000  }
0x113: {  	_ =	swait.ge [sflag:s26], $0x4000  }
0x114: {  	[sflag:s26] =	ssyncset.done $0x0  }
0x115: {  	s0 =	simm.s32 $0x0;
	s9 =	rddreg [dreg:$0x10];
	[sflag:s26] =	ssyncadd.s32 $0xFFFFC000  }
0x116: {  	[tilespmem:s0], [sflag:$0x7] =	stream.linear.gather [hbm4b:s9+s0], $0x1400, $0x38;
	[tilespmem:$0x1F800] =	vst v63  }
0x117: {  	_ =	swait.ge [sflag:s6], $0x1400  }
0x118: {  	[sflag:s6] =	ssyncset.done $0x0  }
0x119: {  	s23 =	rddreg [dreg:$0x11];
	[sflag:s6] =	ssyncadd.s32 $0xFFFFEC00  }
0x11a: {  	[tilespmem:s12], [sflag:$0x7] =	stream.linear.gather [hbm4b:s23+s0], $0x1400, $0x38;
	[tilespmem:$0x1F800] =	vst v63  }
0x11b: {  	_ =	swait.ge [sflag:s6], $0x1400  }
.Ltmp18:
0x11c: {  	[sflag:s6] =	ssyncset.done $0x0;
	(pc) =	sbr.rel .LBB2_51-.Ltmp18, $4  }
0x11d: {  	[sflag:s6] =	ssyncadd.s32 $0xFFFFEC00  }
0x11e: {  	[tilespmem:s14], [sflag:$0x1] =	stream.indirect.gather [hbm4b:s7+s13], $0x80, s12, s13, $0xb8;
	[tilespmem:$0x1F800] =	vst v63  }
0x11f: {  	s24 =	simm.s32 $0x1440;
	s10 =	simm.s32 $0x0;
	s9 =	simm.s32 $0x14C0  }
0x120: {  	[tilespmem:s16], [sflag:$0x2] =	stream.indirect.gather [hbm4b:s7+s13], $0x80, s24, s13, $0xb8;
	[tilespmem:$0x1F800] =	vst v63  }
.LBB2_54:
0x121: {  	[spmem:s1] =	stream.indirect.scatter.add.f32 [tilespmem:s14], [sflag:$0x5], $0x80, s22, s20, $0xb8;
	[tilespmem:$0x1F800] =	vst v63  }
.LBB2_57:
0x122: {  	_ =	swait.ge [sflag:s17], $0x2000  }
0x123: {  	[sflag:s17] =	ssyncset.done $0x0  }
0x124: {  	[sflag:s17] =	ssyncadd.s32 $0xFFFFE000  }
0x125: {  	_ =	swait.ge [sflag:s18], $0x2000  }
0x126: {  	[sflag:s18] =	ssyncset.done $0x0  }
0x127: {  	[sflag:s18] =	ssyncadd.s32 $0xFFFFE000  }
0x128: {  	_ =	swait.ge [sflag:s19], $0x4000  }
0x129: {  	[sflag:s19] =	ssyncset.done $0x0  }
0x12a: {  	s15 =	sadd.s32 $0xFFFFFFC0, s9;
	[sflag:s19] =	ssyncadd.s32 $0xFFFFC000  }
0x12b: {  	[tilespmem:s14], [sflag:$0x1] =	stream.indirect.gather [hbm4b:s7+s13], $0x80, s15, s13, $0xb8;
	[tilespmem:$0x1F800] =	vst v63  }
0x12c: {  	_ = 	snop  }
0x12d: {  	[tilespmem:s16], [sflag:$0x2] =	stream.indirect.gather [hbm4b:s7+s13], $0x80, s9, s13, $0xb8;
	[tilespmem:$0x1F800] =	vst v63  }
0x12e: {  	_ = 	snop  }
0x12f: {  	[spmem:s1] =	stream.indirect.scatter.add.f32 [tilespmem:s21], [sflag:$0x6], $0x80, s0, s20, $0xb8;
	[tilespmem:$0x1F800] =	vst v63  }
.LBB2_58:
0x130: {  	s10 =	sadd.s32 $0x1, s10  }
0x131: {  	p1 =	sne.s32 s10, $0x27  }
.Ltmp19:
0x132: {  	_ = 	snop;
	(pc) =	sbr.rel @!p1 .LBB2_59-.Ltmp19, $2  }
0x133: {  	_ =	sdelay $0x2  }
0x134: {  	s0 =	sadd.s32 $0x80, s0;
	s9 =	sadd.s32 $0x80, s9  }
.LBB2_51:
0x135: {  	s23 =	sand.u32 $0x1, s10  }
0x136: {  	p1 =	seq.s32 s23, $0x1  }
.Ltmp20:
0x137: {  	_ = 	snop;
	(pc) =	sbr.rel @p1 .LBB2_57-.Ltmp20, $1  }
0x138: {  	_ =	sdelay $0x3  }
0x139: {  	_ =	swait.ge [sflag:s28], $0x2000;
	p1 =	seq.s32 s10, $0x0  }
.Ltmp21:
0x13a: {  	[sflag:s28] =	ssyncset.done $0x0;
	(pc) =	sbr.rel @p1 .LBB2_56-.Ltmp21, $4  }
0x13b: {  	[sflag:s28] =	ssyncadd.s32 $0xFFFFE000  }
0x13c: {  	_ =	swait.ge [sflag:s29], $0x2000  }
0x13d: {  	[sflag:s29] =	ssyncset.done $0x0  }
0x13e: {  	[sflag:s29] =	ssyncadd.s32 $0xFFFFE000  }
0x13f: {  	p1 =	sne.s32 s10, $0x27  }
.Ltmp22:
0x140: {  	_ = 	snop;
	(pc) =	sbr.rel @!p1 .LBB2_54-.Ltmp22, $1  }
0x141: {  	_ =	sdelay $0x3  }
0x142: {  	_ =	swait.ge [sflag:s26], $0x4000  }
0x143: {  	[sflag:s26] =	ssyncset.done $0x0  }
0x144: {  	[sflag:s26] =	ssyncadd.s32 $0xFFFFC000  }
.LBB2_56:
0x145: {  	s15 =	sadd.s32 $0xFFFFFFC0, s9;
	p1 =	seq.s32 s23, $0x0  }
0x146: {  	[tilespmem:s21], [sflag:$0x3] =	stream.indirect.gather [hbm4b:s7+s13], $0x80, s15, s13, $0xb8;
	[tilespmem:$0x1F800] =	vst v63  }
.Ltmp23:
0x147: {  	_ = 	snop;
	(pc) =	sbr.rel @p1 .LBB2_58-.Ltmp23, $4  }
.Ltmp24:
0x148: {  	_ = 	snop;
	(pc) =	sbr.rel @!p1 .LBB2_57-.Ltmp24, $4  }
0x149: {  	[tilespmem:s30], [sflag:$0x4] =	stream.indirect.gather [hbm4b:s7+s13], $0x80, s9, s13, $0xb8;
	[tilespmem:$0x1F800] =	vst v63  }
0x14a: {  	_ = 	snop  }
0x14b: {  	[spmem:s1] =	stream.indirect.scatter.add.f32 [tilespmem:s14], [sflag:$0x5], $0x80, s0, s20, $0xb8;
	[tilespmem:$0x1F800] =	vst v63  }
0x14c: {  	_ = 	snop  }
.LBB2_13:
0x14d: {  	_ =	swait.ge [sflag:s17], $0x2000  }
0x14e: {  	[sflag:s17] =	ssyncset.done $0x0  }
0x14f: {  	[sflag:s17] =	ssyncadd.s32 $0xFFFFE000  }
0x150: {  	_ =	swait.ge [sflag:s18], $0x2000  }
0x151: {  	[sflag:s18] =	ssyncset.done $0x0  }
0x152: {  	[sflag:s18] =	ssyncadd.s32 $0xFFFFE000  }
0x153: {  	[spmem:s1] =	stream.indirect.scatter.add.f32 [tilespmem:s21], [sflag:$0x6], $0x80, s22, s20, $0xb8;
	[tilespmem:$0x1F800] =	vst v63  }
0x154: {  	_ =	swait.ge [sflag:s19], $0x4000  }
0x155: {  	[sflag:s19] =	ssyncset.done $0x0  }
0x156: {  	[sflag:s19] =	ssyncadd.s32 $0xFFFFC000  }
0x157: {  	_ =	swait.ge [sflag:s26], $0x4000  }
0x158: {  	[sflag:s26] =	ssyncset.done $0x0  }
0x159: {  	s0 =	simm.s32 $0x0;
	s9 =	rddreg [dreg:$0x10];
	[sflag:s26] =	ssyncadd.s32 $0xFFFFC000  }
0x15a: {  	[tilespmem:s0], [sflag:$0x7] =	stream.linear.gather [hbm4b:s9+s0], $0x1400, $0x38;
	[tilespmem:$0x1F800] =	vst v63  }
0x15b: {  	_ =	swait.ge [sflag:s6], $0x1400  }
0x15c: {  	[sflag:s6] =	ssyncset.done $0x0  }
0x15d: {  	s23 =	rddreg [dreg:$0x11];
	[sflag:s6] =	ssyncadd.s32 $0xFFFFEC00  }
0x15e: {  	[tilespmem:s12], [sflag:$0x7] =	stream.linear.gather [hbm4b:s23+s0], $0x1400, $0x38;
	[tilespmem:$0x1F800] =	vst v63  }
0x15f: {  	_ =	swait.ge [sflag:s6], $0x1400  }
.Ltmp25:
0x160: {  	[sflag:s6] =	ssyncset.done $0x0;
	(pc) =	sbr.rel .LBB2_14-.Ltmp25, $4  }
0x161: {  	[sflag:s6] =	ssyncadd.s32 $0xFFFFEC00  }
0x162: {  	[tilespmem:s14], [sflag:$0x1] =	stream.indirect.gather [hbm4b:s4+s13], $0x80, s12, s13, $0xb8;
	[tilespmem:$0x1F800] =	vst v63  }
0x163: {  	s24 =	simm.s32 $0x1440;
	s10 =	simm.s32 $0x0;
	s9 =	simm.s32 $0x14C0  }
0x164: {  	[tilespmem:s16], [sflag:$0x2] =	stream.indirect.gather [hbm4b:s4+s13], $0x80, s24, s13, $0xb8;
	[tilespmem:$0x1F800] =	vst v63  }
.LBB2_17:
0x165: {  	[spmem:s1] =	stream.indirect.scatter.add.f32 [tilespmem:s14], [sflag:$0x5], $0x80, s22, s20, $0xb8;
	[tilespmem:$0x1F800] =	vst v63  }
.LBB2_20:
0x166: {  	_ =	swait.ge [sflag:s17], $0x2000  }
0x167: {  	[sflag:s17] =	ssyncset.done $0x0  }
0x168: {  	[sflag:s17] =	ssyncadd.s32 $0xFFFFE000  }
0x169: {  	_ =	swait.ge [sflag:s18], $0x2000  }
0x16a: {  	[sflag:s18] =	ssyncset.done $0x0  }
0x16b: {  	[sflag:s18] =	ssyncadd.s32 $0xFFFFE000  }
0x16c: {  	_ =	swait.ge [sflag:s19], $0x4000  }
0x16d: {  	[sflag:s19] =	ssyncset.done $0x0  }
0x16e: {  	s23 =	sadd.s32 $0xFFFFFFC0, s9;
	[sflag:s19] =	ssyncadd.s32 $0xFFFFC000  }
0x16f: {  	[tilespmem:s14], [sflag:$0x1] =	stream.indirect.gather [hbm4b:s4+s13], $0x80, s23, s13, $0xb8;
	[tilespmem:$0x1F800] =	vst v63  }
0x170: {  	_ = 	snop  }
0x171: {  	[tilespmem:s16], [sflag:$0x2] =	stream.indirect.gather [hbm4b:s4+s13], $0x80, s9, s13, $0xb8;
	[tilespmem:$0x1F800] =	vst v63  }
0x172: {  	_ = 	snop  }
0x173: {  	[spmem:s1] =	stream.indirect.scatter.add.f32 [tilespmem:s21], [sflag:$0x6], $0x80, s0, s20, $0xb8;
	[tilespmem:$0x1F800] =	vst v63  }
.LBB2_21:
0x174: {  	s10 =	sadd.s32 $0x1, s10  }
0x175: {  	p1 =	sne.s32 s10, $0x27  }
.Ltmp26:
0x176: {  	_ = 	snop;
	(pc) =	sbr.rel @!p1 .LBB2_22-.Ltmp26, $2  }
0x177: {  	_ =	sdelay $0x2  }
0x178: {  	s0 =	sadd.s32 $0x80, s0;
	s9 =	sadd.s32 $0x80, s9  }
.LBB2_14:
0x179: {  	s23 =	sand.u32 $0x1, s10  }
0x17a: {  	p1 =	seq.s32 s23, $0x1  }
.Ltmp27:
0x17b: {  	_ = 	snop;
	(pc) =	sbr.rel @p1 .LBB2_20-.Ltmp27, $1  }
0x17c: {  	_ =	sdelay $0x3  }
0x17d: {  	_ =	swait.ge [sflag:s28], $0x2000;
	p1 =	seq.s32 s10, $0x0  }
.Ltmp28:
0x17e: {  	[sflag:s28] =	ssyncset.done $0x0;
	(pc) =	sbr.rel @p1 .LBB2_19-.Ltmp28, $4  }
0x17f: {  	[sflag:s28] =	ssyncadd.s32 $0xFFFFE000  }
0x180: {  	_ =	swait.ge [sflag:s29], $0x2000  }
0x181: {  	[sflag:s29] =	ssyncset.done $0x0  }
0x182: {  	[sflag:s29] =	ssyncadd.s32 $0xFFFFE000  }
0x183: {  	p1 =	sne.s32 s10, $0x27  }
.Ltmp29:
0x184: {  	_ = 	snop;
	(pc) =	sbr.rel @!p1 .LBB2_17-.Ltmp29, $1  }
0x185: {  	_ =	sdelay $0x3  }
0x186: {  	_ =	swait.ge [sflag:s26], $0x4000  }
0x187: {  	[sflag:s26] =	ssyncset.done $0x0  }
0x188: {  	[sflag:s26] =	ssyncadd.s32 $0xFFFFC000  }
.LBB2_19:
0x189: {  	s24 =	sadd.s32 $0xFFFFFFC0, s9;
	p1 =	seq.s32 s23, $0x0  }
0x18a: {  	[tilespmem:s21], [sflag:$0x3] =	stream.indirect.gather [hbm4b:s4+s13], $0x80, s24, s13, $0xb8;
	[tilespmem:$0x1F800] =	vst v63  }
.Ltmp30:
0x18b: {  	_ = 	snop;
	(pc) =	sbr.rel @p1 .LBB2_21-.Ltmp30, $4  }
.Ltmp31:
0x18c: {  	_ = 	snop;
	(pc) =	sbr.rel @!p1 .LBB2_20-.Ltmp31, $4  }
0x18d: {  	[tilespmem:s30], [sflag:$0x4] =	stream.indirect.gather [hbm4b:s4+s13], $0x80, s9, s13, $0xb8;
	[tilespmem:$0x1F800] =	vst v63  }
0x18e: {  	_ = 	snop  }
0x18f: {  	[spmem:s1] =	stream.indirect.scatter.add.f32 [tilespmem:s14], [sflag:$0x5], $0x80, s0, s20, $0xb8;
	[tilespmem:$0x1F800] =	vst v63  }
0x190: {  	_ = 	snop  }
.LBB2_59:
0x191: {  	_ =	swait.ge [sflag:s17], $0x2000  }
0x192: {  	[sflag:s17] =	ssyncset.done $0x0  }
0x193: {  	[sflag:s17] =	ssyncadd.s32 $0xFFFFE000  }
0x194: {  	_ =	swait.ge [sflag:s18], $0x2000  }
0x195: {  	[sflag:s18] =	ssyncset.done $0x0  }
0x196: {  	[sflag:s18] =	ssyncadd.s32 $0xFFFFE000  }
0x197: {  	[spmem:s1] =	stream.indirect.scatter.add.f32 [tilespmem:s21], [sflag:$0x6], $0x80, s22, s20, $0xb8;
	[tilespmem:$0x1F800] =	vst v63  }
0x198: {  	_ =	swait.ge [sflag:s19], $0x4000  }
0x199: {  	[sflag:s19] =	ssyncset.done $0x0  }
0x19a: {  	[sflag:s19] =	ssyncadd.s32 $0xFFFFC000  }
0x19b: {  	_ =	swait.ge [sflag:s26], $0x4000  }
0x19c: {  	[sflag:s26] =	ssyncset.done $0x0  }
0x19d: {  	s0 =	stileid.u32;
	[sflag:s26] =	ssyncadd.s32 $0xFFFFC000  }
0x19e: {  	s0 =	sshll.u32 s0, $0x6;
	[bflag:$0x0] =	sbarrier.arrive $0xFFFF  }
0x19f: {  	s9 =	sshrl.u32 s11, $0x3;
	s0 =	sor.u32 $0x1C07, s0;
	s10 =	rddreg [dreg:$0x13]  }
0x1a0: {  	[hbm:s10], [sflag:s0] =	dma.local [spmem:s9], $0x2800  }
0x1a1: {  	_ =	swait.ge [sflag:s6], $0x2800  }
0x1a2: {  	[sflag:s6] =	ssyncset.done $0x0  }
0x1a3: {  	[sflag:s6] =	ssyncadd.s32 $0xFFFFD800  }
0x1a4: {  	[spmem:s11] =	stream.linear.scatter [tilespmem:s25], [sflag:$0x7], $0x1000, $0x38;
	[tilespmem:$0x1F800] =	vst v63  }
0x1a5: {  	_ =	swait.ge [sflag:s6], $0x1000  }
0x1a6: {  	[sflag:s6] =	ssyncset.done $0x0  }
0x1a7: {  	s10 =	rddreg [dreg:$0x7];
	[sflag:s6] =	ssyncadd.s32 $0xFFFFF000  }
0x1a8: {  	[spmem:s10] =	stream.linear.scatter [tilespmem:s25], [sflag:$0x7], $0x1000, $0x38;
	[tilespmem:$0x1F800] =	vst v63  }
0x1a9: {  	_ =	swait.ge [sflag:s6], $0x1000  }
0x1aa: {  	[sflag:s6] =	ssyncset.done $0x0  }
0x1ab: {  	s15 =	rddreg [dreg:$0x8];
	[sflag:s6] =	ssyncadd.s32 $0xFFFFF000  }
0x1ac: {  	[spmem:s15] =	stream.linear.scatter [tilespmem:s25], [sflag:$0x7], $0x1000, $0x38;
	[tilespmem:$0x1F800] =	vst v63  }
0x1ad: {  	_ =	swait.ge [sflag:s6], $0x1000  }
0x1ae: {  	[sflag:s6] =	ssyncset.done $0x0  }
0x1af: {  	s23 =	rddreg [dreg:$0x9];
	[sflag:s6] =	ssyncadd.s32 $0xFFFFF000  }
0x1b0: {  	[spmem:s23] =	stream.linear.scatter [tilespmem:s25], [sflag:$0x7], $0x1000, $0x38;
	[tilespmem:$0x1F800] =	vst v63  }
0x1b1: {  	_ =	swait.ge [sflag:s6], $0x1000  }
0x1b2: {  	[sflag:s6] =	ssyncset.done $0x0  }
0x1b3: {  	s24 =	rddreg [dreg:$0xa];
	[sflag:s6] =	ssyncadd.s32 $0xFFFFF000  }
0x1b4: {  	[spmem:s24] =	stream.linear.scatter [tilespmem:s25], [sflag:$0x7], $0x1000, $0x38;
	[tilespmem:$0x1F800] =	vst v63  }
0x1b5: {  	_ =	swait.ge [sflag:s6], $0x1000  }
0x1b6: {  	[sflag:s6] =	ssyncset.done $0x0  }
0x1b7: {  	s10 =	rddreg [dreg:$0xb];
	[sflag:s6] =	ssyncadd.s32 $0xFFFFF000  }
0x1b8: {  	[spmem:s10] =	stream.linear.scatter [tilespmem:s25], [sflag:$0x7], $0x1000, $0x38;
	[tilespmem:$0x1F800] =	vst v63  }
0x1b9: {  	_ =	swait.ge [sflag:s6], $0x1000  }
0x1ba: {  	[sflag:s6] =	ssyncset.done $0x0  }
0x1bb: {  	s15 =	rddreg [dreg:$0xc];
	[sflag:s6] =	ssyncadd.s32 $0xFFFFF000  }
0x1bc: {  	[spmem:s15] =	stream.linear.scatter [tilespmem:s25], [sflag:$0x7], $0x1000, $0x38;
	[tilespmem:$0x1F800] =	vst v63  }
0x1bd: {  	_ =	swait.ge [sflag:s6], $0x1000  }
0x1be: {  	[sflag:s6] =	ssyncset.done $0x0  }
0x1bf: {  	s23 =	rddreg [dreg:$0xd];
	[sflag:s6] =	ssyncadd.s32 $0xFFFFF000  }
0x1c0: {  	[spmem:s23] =	stream.linear.scatter [tilespmem:s25], [sflag:$0x7], $0x1000, $0x38;
	[tilespmem:$0x1F800] =	vst v63  }
0x1c1: {  	_ =	swait.ge [sflag:s6], $0x1000  }
0x1c2: {  	[sflag:s6] =	ssyncset.done $0x0  }
0x1c3: {  	s24 =	rddreg [dreg:$0x15];
	[sflag:s6] =	ssyncadd.s32 $0xFFFFF000  }
0x1c4: {  	[spmem:s24] =	stream.linear.scatter [tilespmem:s25], [sflag:$0x7], $0x1000, $0x38;
	[tilespmem:$0x1F800] =	vst v63  }
0x1c5: {  	_ =	swait.ge [sflag:s6], $0x1000  }
0x1c6: {  	[sflag:s6] =	ssyncset.done $0x0  }
0x1c7: {  	s10 =	rddreg [dreg:$0x16];
	[sflag:s6] =	ssyncadd.s32 $0xFFFFF000  }
0x1c8: {  	[spmem:s10] =	stream.linear.scatter [tilespmem:s25], [sflag:$0x7], $0x1000, $0x38;
	[tilespmem:$0x1F800] =	vst v63  }
0x1c9: {  	_ =	swait.ge [sflag:s6], $0x1000  }
0x1ca: {  	[sflag:s6] =	ssyncset.done $0x0  }
0x1cb: {  	s15 =	rddreg [dreg:$0x17];
	[sflag:s6] =	ssyncadd.s32 $0xFFFFF000  }
0x1cc: {  	[spmem:s15] =	stream.linear.scatter [tilespmem:s25], [sflag:$0x7], $0x1000, $0x38;
	[tilespmem:$0x1F800] =	vst v63  }
0x1cd: {  	_ =	swait.ge [sflag:s6], $0x1000  }
0x1ce: {  	[sflag:s6] =	ssyncset.done $0x0  }
0x1cf: {  	s23 =	rddreg [dreg:$0x18];
	[sflag:s6] =	ssyncadd.s32 $0xFFFFF000  }
0x1d0: {  	[spmem:s23] =	stream.linear.scatter [tilespmem:s25], [sflag:$0x7], $0x1000, $0x38;
	[tilespmem:$0x1F800] =	vst v63  }
0x1d1: {  	_ =	swait.ge [sflag:s6], $0x1000  }
0x1d2: {  	[sflag:s6] =	ssyncset.done $0x0  }
0x1d3: {  	s24 =	rddreg [dreg:$0x19];
	[sflag:s6] =	ssyncadd.s32 $0xFFFFF000  }
0x1d4: {  	[spmem:s24] =	stream.linear.scatter [tilespmem:s25], [sflag:$0x7], $0x1000, $0x38;
	[tilespmem:$0x1F800] =	vst v63  }
0x1d5: {  	_ =	swait.ge [sflag:s6], $0x1000  }
0x1d6: {  	[sflag:s6] =	ssyncset.done $0x0  }
0x1d7: {  	s10 =	rddreg [dreg:$0x1a];
	[sflag:s6] =	ssyncadd.s32 $0xFFFFF000  }
0x1d8: {  	[spmem:s10] =	stream.linear.scatter [tilespmem:s25], [sflag:$0x7], $0x1000, $0x38;
	[tilespmem:$0x1F800] =	vst v63  }
0x1d9: {  	_ =	swait.ge [sflag:s6], $0x1000  }
0x1da: {  	[sflag:s6] =	ssyncset.done $0x0  }
0x1db: {  	s15 =	rddreg [dreg:$0x1b];
	[sflag:s6] =	ssyncadd.s32 $0xFFFFF000  }
0x1dc: {  	[spmem:s15] =	stream.linear.scatter [tilespmem:s25], [sflag:$0x7], $0x1000, $0x38;
	[tilespmem:$0x1F800] =	vst v63  }
0x1dd: {  	_ =	swait.ge [sflag:s6], $0x1000  }
0x1de: {  	[sflag:s6] =	ssyncset.done $0x0  }
0x1df: {  	s23 =	rddreg [dreg:$0x1c];
	[sflag:s6] =	ssyncadd.s32 $0xFFFFF000  }
0x1e0: {  	[spmem:s23] =	stream.linear.scatter [tilespmem:s25], [sflag:$0x7], $0x1000, $0x38;
	[tilespmem:$0x1F800] =	vst v63  }
0x1e1: {  	_ =	swait.ge [sflag:s6], $0x1000  }
0x1e2: {  	[sflag:s6] =	ssyncset.done $0x0  }
0x1e3: {  	s24 =	rddreg [dreg:$0x1d];
	[sflag:s6] =	ssyncadd.s32 $0xFFFFF000  }
0x1e4: {  	[spmem:s24] =	stream.linear.scatter [tilespmem:s25], [sflag:$0x7], $0x1000, $0x38;
	[tilespmem:$0x1F800] =	vst v63  }
0x1e5: {  	_ =	swait.ge [sflag:s6], $0x1000  }
0x1e6: {  	[sflag:s6] =	ssyncset.done $0x0  }
0x1e7: {  	s10 =	rddreg [dreg:$0x1e];
	[sflag:s6] =	ssyncadd.s32 $0xFFFFF000  }
0x1e8: {  	[spmem:s10] =	stream.linear.scatter [tilespmem:s25], [sflag:$0x7], $0x1000, $0x38;
	[tilespmem:$0x1F800] =	vst v63  }
0x1e9: {  	_ =	swait.ge [sflag:s6], $0x1000  }
0x1ea: {  	[sflag:s6] =	ssyncset.done $0x0  }
0x1eb: {  	[sflag:s6] =	ssyncadd.s32 $0xFFFFF000  }
0x1ec: {  	[spmem:s2] =	stream.linear.scatter [tilespmem:s25], [sflag:$0x7], $0x1000, $0x38;
	[tilespmem:$0x1F800] =	vst v63  }
0x1ed: {  	_ =	swait.ge [sflag:s6], $0x1000  }
0x1ee: {  	[sflag:s6] =	ssyncset.done $0x0  }
0x1ef: {  	[sflag:s6] =	ssyncadd.s32 $0xFFFFF000  }
0x1f0: {  	[spmem:s3] =	stream.linear.scatter [tilespmem:s25], [sflag:$0x7], $0x1000, $0x38;
	[tilespmem:$0x1F800] =	vst v63  }
0x1f1: {  	_ =	swait.ge [sflag:s6], $0x1000  }
0x1f2: {  	[sflag:s6] =	ssyncset.done $0x0  }
0x1f3: {  	[sflag:s6] =	ssyncadd.s32 $0xFFFFF000  }
0x1f4: {  	[bflag:$0x0] =	sbarrier.arrive $0xFFFF  }
0x1f5: {  	s9 =	simm.s32 $0x0;
	s15 =	rddreg [dreg:$0xe]  }
0x1f6: {  	[tilespmem:s9], [sflag:$0x7] =	stream.linear.gather [hbm4b:s15+s9], $0x1400, $0x38;
	[tilespmem:$0x1F800] =	vst v63  }
0x1f7: {  	_ =	swait.ge [sflag:s6], $0x1400  }
0x1f8: {  	[sflag:s6] =	ssyncset.done $0x0  }
0x1f9: {  	s23 =	rddreg [dreg:$0xf];
	[sflag:s6] =	ssyncadd.s32 $0xFFFFEC00  }
0x1fa: {  	[tilespmem:s12], [sflag:$0x7] =	stream.linear.gather [hbm4b:s23+s9], $0x1400, $0x38;
	[tilespmem:$0x1F800] =	vst v63  }
0x1fb: {  	_ =	swait.ge [sflag:s6], $0x1400  }
.Ltmp32:
0x1fc: {  	[sflag:s6] =	ssyncset.done $0x0;
	(pc) =	sbr.rel .LBB2_60-.Ltmp32, $4  }
0x1fd: {  	[sflag:s6] =	ssyncadd.s32 $0xFFFFEC00  }
0x1fe: {  	[tilespmem:s14], [sflag:$0x1] =	stream.indirect.gather [hbm4b:s8+s13], $0x80, s12, s13, $0xb8;
	[tilespmem:$0x1F800] =	vst v63  }
0x1ff: {  	s24 =	simm.s32 $0x1440;
	s10 =	simm.s32 $0x14C0;
	s23 =	simm.s32 $0x0  }
0x200: {  	[tilespmem:s16], [sflag:$0x2] =	stream.indirect.gather [hbm4b:s8+s13], $0x80, s24, s13, $0xb8;
	[tilespmem:$0x1F800] =	vst v63  }
.LBB2_63:
0x201: {  	[spmem:s1] =	stream.indirect.scatter.add.f32 [tilespmem:s14], [sflag:$0x5], $0x80, s22, s20, $0xb8;
	[tilespmem:$0x1F800] =	vst v63  }
.LBB2_66:
0x202: {  	_ =	swait.ge [sflag:s17], $0x2000  }
0x203: {  	[sflag:s17] =	ssyncset.done $0x0  }
0x204: {  	[sflag:s17] =	ssyncadd.s32 $0xFFFFE000  }
0x205: {  	_ =	swait.ge [sflag:s18], $0x2000  }
0x206: {  	[sflag:s18] =	ssyncset.done $0x0  }
0x207: {  	[sflag:s18] =	ssyncadd.s32 $0xFFFFE000  }
0x208: {  	_ =	swait.ge [sflag:s19], $0x4000  }
0x209: {  	[sflag:s19] =	ssyncset.done $0x0  }
0x20a: {  	s15 =	sadd.s32 $0xFFFFFFC0, s10;
	[sflag:s19] =	ssyncadd.s32 $0xFFFFC000  }
0x20b: {  	[tilespmem:s14], [sflag:$0x1] =	stream.indirect.gather [hbm4b:s8+s13], $0x80, s15, s13, $0xb8;
	[tilespmem:$0x1F800] =	vst v63  }
0x20c: {  	_ = 	snop  }
0x20d: {  	[tilespmem:s16], [sflag:$0x2] =	stream.indirect.gather [hbm4b:s8+s13], $0x80, s10, s13, $0xb8;
	[tilespmem:$0x1F800] =	vst v63  }
0x20e: {  	_ = 	snop  }
0x20f: {  	[spmem:s1] =	stream.indirect.scatter.add.f32 [tilespmem:s21], [sflag:$0x6], $0x80, s9, s20, $0xb8;
	[tilespmem:$0x1F800] =	vst v63  }
.LBB2_67:
0x210: {  	s23 =	sadd.s32 $0x1, s23  }
0x211: {  	p1 =	sne.s32 s23, $0x27  }
.Ltmp33:
0x212: {  	_ = 	snop;
	(pc) =	sbr.rel @!p1 .LBB2_68-.Ltmp33, $2  }
0x213: {  	_ =	sdelay $0x2  }
0x214: {  	s9 =	sadd.s32 $0x80, s9;
	s10 =	sadd.s32 $0x80, s10  }
.LBB2_60:
0x215: {  	s24 =	sand.u32 $0x1, s23  }
0x216: {  	p1 =	seq.s32 s24, $0x1  }
.Ltmp34:
0x217: {  	_ = 	snop;
	(pc) =	sbr.rel @p1 .LBB2_66-.Ltmp34, $1  }
0x218: {  	_ =	sdelay $0x3  }
0x219: {  	_ =	swait.ge [sflag:s28], $0x2000;
	p1 =	seq.s32 s23, $0x0  }
.Ltmp35:
0x21a: {  	[sflag:s28] =	ssyncset.done $0x0;
	(pc) =	sbr.rel @p1 .LBB2_65-.Ltmp35, $4  }
0x21b: {  	[sflag:s28] =	ssyncadd.s32 $0xFFFFE000  }
0x21c: {  	_ =	swait.ge [sflag:s29], $0x2000  }
0x21d: {  	[sflag:s29] =	ssyncset.done $0x0  }
0x21e: {  	[sflag:s29] =	ssyncadd.s32 $0xFFFFE000  }
0x21f: {  	p1 =	sne.s32 s23, $0x27  }
.Ltmp36:
0x220: {  	_ = 	snop;
	(pc) =	sbr.rel @!p1 .LBB2_63-.Ltmp36, $1  }
0x221: {  	_ =	sdelay $0x3  }
0x222: {  	_ =	swait.ge [sflag:s26], $0x4000  }
0x223: {  	[sflag:s26] =	ssyncset.done $0x0  }
0x224: {  	[sflag:s26] =	ssyncadd.s32 $0xFFFFC000  }
.LBB2_65:
0x225: {  	s15 =	sadd.s32 $0xFFFFFFC0, s10;
	p1 =	seq.s32 s24, $0x0  }
0x226: {  	[tilespmem:s21], [sflag:$0x3] =	stream.indirect.gather [hbm4b:s8+s13], $0x80, s15, s13, $0xb8;
	[tilespmem:$0x1F800] =	vst v63  }
.Ltmp37:
0x227: {  	_ = 	snop;
	(pc) =	sbr.rel @p1 .LBB2_67-.Ltmp37, $4  }
.Ltmp38:
0x228: {  	_ = 	snop;
	(pc) =	sbr.rel @!p1 .LBB2_66-.Ltmp38, $4  }
0x229: {  	[tilespmem:s30], [sflag:$0x4] =	stream.indirect.gather [hbm4b:s8+s13], $0x80, s10, s13, $0xb8;
	[tilespmem:$0x1F800] =	vst v63  }
0x22a: {  	_ = 	snop  }
0x22b: {  	[spmem:s1] =	stream.indirect.scatter.add.f32 [tilespmem:s14], [sflag:$0x5], $0x80, s9, s20, $0xb8;
	[tilespmem:$0x1F800] =	vst v63  }
0x22c: {  	_ = 	snop  }
.LBB2_22:
0x22d: {  	_ =	swait.ge [sflag:s17], $0x2000  }
0x22e: {  	[sflag:s17] =	ssyncset.done $0x0  }
0x22f: {  	[sflag:s17] =	ssyncadd.s32 $0xFFFFE000  }
0x230: {  	_ =	swait.ge [sflag:s18], $0x2000  }
0x231: {  	[sflag:s18] =	ssyncset.done $0x0  }
0x232: {  	[sflag:s18] =	ssyncadd.s32 $0xFFFFE000  }
0x233: {  	[spmem:s1] =	stream.indirect.scatter.add.f32 [tilespmem:s21], [sflag:$0x6], $0x80, s22, s20, $0xb8;
	[tilespmem:$0x1F800] =	vst v63  }
0x234: {  	_ =	swait.ge [sflag:s19], $0x4000  }
0x235: {  	[sflag:s19] =	ssyncset.done $0x0  }
0x236: {  	[sflag:s19] =	ssyncadd.s32 $0xFFFFC000  }
0x237: {  	_ =	swait.ge [sflag:s26], $0x4000  }
0x238: {  	[sflag:s26] =	ssyncset.done $0x0  }
0x239: {  	s0 =	stileid.u32;
	[sflag:s26] =	ssyncadd.s32 $0xFFFFC000  }
0x23a: {  	s0 =	sshll.u32 s0, $0x6;
	[bflag:$0x0] =	sbarrier.arrive $0xFFFF  }
0x23b: {  	s9 =	sshrl.u32 s11, $0x3;
	s0 =	sor.u32 $0x1C07, s0;
	s10 =	rddreg [dreg:$0x12]  }
0x23c: {  	[hbm:s10], [sflag:s0] =	dma.local [spmem:s9], $0x2800  }
0x23d: {  	_ =	swait.ge [sflag:s6], $0x2800  }
0x23e: {  	[sflag:s6] =	ssyncset.done $0x0  }
0x23f: {  	[sflag:s6] =	ssyncadd.s32 $0xFFFFD800  }
0x240: {  	[spmem:s11] =	stream.linear.scatter [tilespmem:s25], [sflag:$0x7], $0x1000, $0x38;
	[tilespmem:$0x1F800] =	vst v63  }
0x241: {  	_ =	swait.ge [sflag:s6], $0x1000  }
0x242: {  	[sflag:s6] =	ssyncset.done $0x0  }
0x243: {  	s10 =	rddreg [dreg:$0x7];
	[sflag:s6] =	ssyncadd.s32 $0xFFFFF000  }
0x244: {  	[spmem:s10] =	stream.linear.scatter [tilespmem:s25], [sflag:$0x7], $0x1000, $0x38;
	[tilespmem:$0x1F800] =	vst v63  }
0x245: {  	_ =	swait.ge [sflag:s6], $0x1000  }
0x246: {  	[sflag:s6] =	ssyncset.done $0x0  }
0x247: {  	s15 =	rddreg [dreg:$0x8];
	[sflag:s6] =	ssyncadd.s32 $0xFFFFF000  }
0x248: {  	[spmem:s15] =	stream.linear.scatter [tilespmem:s25], [sflag:$0x7], $0x1000, $0x38;
	[tilespmem:$0x1F800] =	vst v63  }
0x249: {  	_ =	swait.ge [sflag:s6], $0x1000  }
0x24a: {  	[sflag:s6] =	ssyncset.done $0x0  }
0x24b: {  	s23 =	rddreg [dreg:$0x9];
	[sflag:s6] =	ssyncadd.s32 $0xFFFFF000  }
0x24c: {  	[spmem:s23] =	stream.linear.scatter [tilespmem:s25], [sflag:$0x7], $0x1000, $0x38;
	[tilespmem:$0x1F800] =	vst v63  }
0x24d: {  	_ =	swait.ge [sflag:s6], $0x1000  }
0x24e: {  	[sflag:s6] =	ssyncset.done $0x0  }
0x24f: {  	s24 =	rddreg [dreg:$0xa];
	[sflag:s6] =	ssyncadd.s32 $0xFFFFF000  }
0x250: {  	[spmem:s24] =	stream.linear.scatter [tilespmem:s25], [sflag:$0x7], $0x1000, $0x38;
	[tilespmem:$0x1F800] =	vst v63  }
0x251: {  	_ =	swait.ge [sflag:s6], $0x1000  }
0x252: {  	[sflag:s6] =	ssyncset.done $0x0  }
0x253: {  	s10 =	rddreg [dreg:$0xb];
	[sflag:s6] =	ssyncadd.s32 $0xFFFFF000  }
0x254: {  	[spmem:s10] =	stream.linear.scatter [tilespmem:s25], [sflag:$0x7], $0x1000, $0x38;
	[tilespmem:$0x1F800] =	vst v63  }
0x255: {  	_ =	swait.ge [sflag:s6], $0x1000  }
0x256: {  	[sflag:s6] =	ssyncset.done $0x0  }
0x257: {  	s15 =	rddreg [dreg:$0xc];
	[sflag:s6] =	ssyncadd.s32 $0xFFFFF000  }
0x258: {  	[spmem:s15] =	stream.linear.scatter [tilespmem:s25], [sflag:$0x7], $0x1000, $0x38;
	[tilespmem:$0x1F800] =	vst v63  }
0x259: {  	_ =	swait.ge [sflag:s6], $0x1000  }
0x25a: {  	[sflag:s6] =	ssyncset.done $0x0  }
0x25b: {  	s23 =	rddreg [dreg:$0xd];
	[sflag:s6] =	ssyncadd.s32 $0xFFFFF000  }
0x25c: {  	[spmem:s23] =	stream.linear.scatter [tilespmem:s25], [sflag:$0x7], $0x1000, $0x38;
	[tilespmem:$0x1F800] =	vst v63  }
0x25d: {  	_ =	swait.ge [sflag:s6], $0x1000  }
0x25e: {  	[sflag:s6] =	ssyncset.done $0x0  }
0x25f: {  	s24 =	rddreg [dreg:$0x15];
	[sflag:s6] =	ssyncadd.s32 $0xFFFFF000  }
0x260: {  	[spmem:s24] =	stream.linear.scatter [tilespmem:s25], [sflag:$0x7], $0x1000, $0x38;
	[tilespmem:$0x1F800] =	vst v63  }
0x261: {  	_ =	swait.ge [sflag:s6], $0x1000  }
0x262: {  	[sflag:s6] =	ssyncset.done $0x0  }
0x263: {  	s10 =	rddreg [dreg:$0x16];
	[sflag:s6] =	ssyncadd.s32 $0xFFFFF000  }
0x264: {  	[spmem:s10] =	stream.linear.scatter [tilespmem:s25], [sflag:$0x7], $0x1000, $0x38;
	[tilespmem:$0x1F800] =	vst v63  }
0x265: {  	_ =	swait.ge [sflag:s6], $0x1000  }
0x266: {  	[sflag:s6] =	ssyncset.done $0x0  }
0x267: {  	s15 =	rddreg [dreg:$0x17];
	[sflag:s6] =	ssyncadd.s32 $0xFFFFF000  }
0x268: {  	[spmem:s15] =	stream.linear.scatter [tilespmem:s25], [sflag:$0x7], $0x1000, $0x38;
	[tilespmem:$0x1F800] =	vst v63  }
0x269: {  	_ =	swait.ge [sflag:s6], $0x1000  }
0x26a: {  	[sflag:s6] =	ssyncset.done $0x0  }
0x26b: {  	s23 =	rddreg [dreg:$0x18];
	[sflag:s6] =	ssyncadd.s32 $0xFFFFF000  }
0x26c: {  	[spmem:s23] =	stream.linear.scatter [tilespmem:s25], [sflag:$0x7], $0x1000, $0x38;
	[tilespmem:$0x1F800] =	vst v63  }
0x26d: {  	_ =	swait.ge [sflag:s6], $0x1000  }
0x26e: {  	[sflag:s6] =	ssyncset.done $0x0  }
0x26f: {  	s24 =	rddreg [dreg:$0x19];
	[sflag:s6] =	ssyncadd.s32 $0xFFFFF000  }
0x270: {  	[spmem:s24] =	stream.linear.scatter [tilespmem:s25], [sflag:$0x7], $0x1000, $0x38;
	[tilespmem:$0x1F800] =	vst v63  }
0x271: {  	_ =	swait.ge [sflag:s6], $0x1000  }
0x272: {  	[sflag:s6] =	ssyncset.done $0x0  }
0x273: {  	s10 =	rddreg [dreg:$0x1a];
	[sflag:s6] =	ssyncadd.s32 $0xFFFFF000  }
0x274: {  	[spmem:s10] =	stream.linear.scatter [tilespmem:s25], [sflag:$0x7], $0x1000, $0x38;
	[tilespmem:$0x1F800] =	vst v63  }
0x275: {  	_ =	swait.ge [sflag:s6], $0x1000  }
0x276: {  	[sflag:s6] =	ssyncset.done $0x0  }
0x277: {  	s15 =	rddreg [dreg:$0x1b];
	[sflag:s6] =	ssyncadd.s32 $0xFFFFF000  }
0x278: {  	[spmem:s15] =	stream.linear.scatter [tilespmem:s25], [sflag:$0x7], $0x1000, $0x38;
	[tilespmem:$0x1F800] =	vst v63  }
0x279: {  	_ =	swait.ge [sflag:s6], $0x1000  }
0x27a: {  	[sflag:s6] =	ssyncset.done $0x0  }
0x27b: {  	s23 =	rddreg [dreg:$0x1c];
	[sflag:s6] =	ssyncadd.s32 $0xFFFFF000  }
0x27c: {  	[spmem:s23] =	stream.linear.scatter [tilespmem:s25], [sflag:$0x7], $0x1000, $0x38;
	[tilespmem:$0x1F800] =	vst v63  }
0x27d: {  	_ =	swait.ge [sflag:s6], $0x1000  }
0x27e: {  	[sflag:s6] =	ssyncset.done $0x0  }
0x27f: {  	s24 =	rddreg [dreg:$0x1d];
	[sflag:s6] =	ssyncadd.s32 $0xFFFFF000  }
0x280: {  	[spmem:s24] =	stream.linear.scatter [tilespmem:s25], [sflag:$0x7], $0x1000, $0x38;
	[tilespmem:$0x1F800] =	vst v63  }
0x281: {  	_ =	swait.ge [sflag:s6], $0x1000  }
0x282: {  	[sflag:s6] =	ssyncset.done $0x0  }
0x283: {  	s10 =	rddreg [dreg:$0x1e];
	[sflag:s6] =	ssyncadd.s32 $0xFFFFF000  }
0x284: {  	[spmem:s10] =	stream.linear.scatter [tilespmem:s25], [sflag:$0x7], $0x1000, $0x38;
	[tilespmem:$0x1F800] =	vst v63  }
0x285: {  	_ =	swait.ge [sflag:s6], $0x1000  }
0x286: {  	[sflag:s6] =	ssyncset.done $0x0  }
0x287: {  	[sflag:s6] =	ssyncadd.s32 $0xFFFFF000  }
0x288: {  	[spmem:s2] =	stream.linear.scatter [tilespmem:s25], [sflag:$0x7], $0x1000, $0x38;
	[tilespmem:$0x1F800] =	vst v63  }
0x289: {  	_ =	swait.ge [sflag:s6], $0x1000  }
0x28a: {  	[sflag:s6] =	ssyncset.done $0x0  }
0x28b: {  	[sflag:s6] =	ssyncadd.s32 $0xFFFFF000  }
0x28c: {  	[spmem:s3] =	stream.linear.scatter [tilespmem:s25], [sflag:$0x7], $0x1000, $0x38;
	[tilespmem:$0x1F800] =	vst v63  }
0x28d: {  	_ =	swait.ge [sflag:s6], $0x1000  }
0x28e: {  	[sflag:s6] =	ssyncset.done $0x0  }
0x28f: {  	[sflag:s6] =	ssyncadd.s32 $0xFFFFF000  }
0x290: {  	[bflag:$0x0] =	sbarrier.arrive $0xFFFF  }
0x291: {  	s9 =	simm.s32 $0x0;
	s15 =	rddreg [dreg:$0xe]  }
0x292: {  	[tilespmem:s9], [sflag:$0x7] =	stream.linear.gather [hbm4b:s15+s9], $0x1400, $0x38;
	[tilespmem:$0x1F800] =	vst v63  }
0x293: {  	_ =	swait.ge [sflag:s6], $0x1400  }
0x294: {  	[sflag:s6] =	ssyncset.done $0x0  }
0x295: {  	s23 =	rddreg [dreg:$0xf];
	[sflag:s6] =	ssyncadd.s32 $0xFFFFEC00  }
0x296: {  	[tilespmem:s12], [sflag:$0x7] =	stream.linear.gather [hbm4b:s23+s9], $0x1400, $0x38;
	[tilespmem:$0x1F800] =	vst v63  }
0x297: {  	_ =	swait.ge [sflag:s6], $0x1400  }
.Ltmp39:
0x298: {  	[sflag:s6] =	ssyncset.done $0x0;
	(pc) =	sbr.rel .LBB2_23-.Ltmp39, $4  }
0x299: {  	[sflag:s6] =	ssyncadd.s32 $0xFFFFEC00  }
0x29a: {  	[tilespmem:s14], [sflag:$0x1] =	stream.indirect.gather [hbm4b:s5+s13], $0x80, s12, s13, $0xb8;
	[tilespmem:$0x1F800] =	vst v63  }
0x29b: {  	s24 =	simm.s32 $0x1440;
	s10 =	simm.s32 $0x14C0;
	s23 =	simm.s32 $0x0  }
0x29c: {  	[tilespmem:s16], [sflag:$0x2] =	stream.indirect.gather [hbm4b:s5+s13], $0x80, s24, s13, $0xb8;
	[tilespmem:$0x1F800] =	vst v63  }
.LBB2_26:
0x29d: {  	[spmem:s1] =	stream.indirect.scatter.add.f32 [tilespmem:s14], [sflag:$0x5], $0x80, s22, s20, $0xb8;
	[tilespmem:$0x1F800] =	vst v63  }
.LBB2_29:
0x29e: {  	_ =	swait.ge [sflag:s17], $0x2000  }
0x29f: {  	[sflag:s17] =	ssyncset.done $0x0  }
0x2a0: {  	[sflag:s17] =	ssyncadd.s32 $0xFFFFE000  }
0x2a1: {  	_ =	swait.ge [sflag:s18], $0x2000  }
0x2a2: {  	[sflag:s18] =	ssyncset.done $0x0  }
0x2a3: {  	[sflag:s18] =	ssyncadd.s32 $0xFFFFE000  }
0x2a4: {  	_ =	swait.ge [sflag:s19], $0x4000  }
0x2a5: {  	[sflag:s19] =	ssyncset.done $0x0  }
0x2a6: {  	s15 =	sadd.s32 $0xFFFFFFC0, s10;
	[sflag:s19] =	ssyncadd.s32 $0xFFFFC000  }
0x2a7: {  	[tilespmem:s14], [sflag:$0x1] =	stream.indirect.gather [hbm4b:s5+s13], $0x80, s15, s13, $0xb8;
	[tilespmem:$0x1F800] =	vst v63  }
0x2a8: {  	_ = 	snop  }
0x2a9: {  	[tilespmem:s16], [sflag:$0x2] =	stream.indirect.gather [hbm4b:s5+s13], $0x80, s10, s13, $0xb8;
	[tilespmem:$0x1F800] =	vst v63  }
0x2aa: {  	_ = 	snop  }
0x2ab: {  	[spmem:s1] =	stream.indirect.scatter.add.f32 [tilespmem:s21], [sflag:$0x6], $0x80, s9, s20, $0xb8;
	[tilespmem:$0x1F800] =	vst v63  }
.LBB2_30:
0x2ac: {  	s23 =	sadd.s32 $0x1, s23  }
0x2ad: {  	p1 =	sne.s32 s23, $0x27  }
.Ltmp40:
0x2ae: {  	_ = 	snop;
	(pc) =	sbr.rel @!p1 .LBB2_31-.Ltmp40, $2  }
0x2af: {  	_ =	sdelay $0x2  }
0x2b0: {  	s9 =	sadd.s32 $0x80, s9;
	s10 =	sadd.s32 $0x80, s10  }
.LBB2_23:
0x2b1: {  	s24 =	sand.u32 $0x1, s23  }
0x2b2: {  	p1 =	seq.s32 s24, $0x1  }
.Ltmp41:
0x2b3: {  	_ = 	snop;
	(pc) =	sbr.rel @p1 .LBB2_29-.Ltmp41, $1  }
0x2b4: {  	_ =	sdelay $0x3  }
0x2b5: {  	_ =	swait.ge [sflag:s28], $0x2000;
	p1 =	seq.s32 s23, $0x0  }
.Ltmp42:
0x2b6: {  	[sflag:s28] =	ssyncset.done $0x0;
	(pc) =	sbr.rel @p1 .LBB2_28-.Ltmp42, $4  }
0x2b7: {  	[sflag:s28] =	ssyncadd.s32 $0xFFFFE000  }
0x2b8: {  	_ =	swait.ge [sflag:s29], $0x2000  }
0x2b9: {  	[sflag:s29] =	ssyncset.done $0x0  }
0x2ba: {  	[sflag:s29] =	ssyncadd.s32 $0xFFFFE000  }
0x2bb: {  	p1 =	sne.s32 s23, $0x27  }
.Ltmp43:
0x2bc: {  	_ = 	snop;
	(pc) =	sbr.rel @!p1 .LBB2_26-.Ltmp43, $1  }
0x2bd: {  	_ =	sdelay $0x3  }
0x2be: {  	_ =	swait.ge [sflag:s26], $0x4000  }
0x2bf: {  	[sflag:s26] =	ssyncset.done $0x0  }
0x2c0: {  	[sflag:s26] =	ssyncadd.s32 $0xFFFFC000  }
.LBB2_28:
0x2c1: {  	s15 =	sadd.s32 $0xFFFFFFC0, s10;
	p1 =	seq.s32 s24, $0x0  }
0x2c2: {  	[tilespmem:s21], [sflag:$0x3] =	stream.indirect.gather [hbm4b:s5+s13], $0x80, s15, s13, $0xb8;
	[tilespmem:$0x1F800] =	vst v63  }
.Ltmp44:
0x2c3: {  	_ = 	snop;
	(pc) =	sbr.rel @p1 .LBB2_30-.Ltmp44, $4  }
.Ltmp45:
0x2c4: {  	_ = 	snop;
	(pc) =	sbr.rel @!p1 .LBB2_29-.Ltmp45, $4  }
0x2c5: {  	[tilespmem:s30], [sflag:$0x4] =	stream.indirect.gather [hbm4b:s5+s13], $0x80, s10, s13, $0xb8;
	[tilespmem:$0x1F800] =	vst v63  }
0x2c6: {  	_ = 	snop  }
0x2c7: {  	[spmem:s1] =	stream.indirect.scatter.add.f32 [tilespmem:s14], [sflag:$0x5], $0x80, s9, s20, $0xb8;
	[tilespmem:$0x1F800] =	vst v63  }
0x2c8: {  	_ = 	snop  }
.LBB2_68:
0x2c9: {  	_ =	swait.ge [sflag:s17], $0x2000  }
0x2ca: {  	[sflag:s17] =	ssyncset.done $0x0  }
0x2cb: {  	[sflag:s17] =	ssyncadd.s32 $0xFFFFE000  }
0x2cc: {  	_ =	swait.ge [sflag:s18], $0x2000  }
0x2cd: {  	[sflag:s18] =	ssyncset.done $0x0  }
0x2ce: {  	[sflag:s18] =	ssyncadd.s32 $0xFFFFE000  }
0x2cf: {  	[spmem:s1] =	stream.indirect.scatter.add.f32 [tilespmem:s21], [sflag:$0x6], $0x80, s22, s20, $0xb8;
	[tilespmem:$0x1F800] =	vst v63  }
0x2d0: {  	_ =	swait.ge [sflag:s19], $0x4000  }
0x2d1: {  	[sflag:s19] =	ssyncset.done $0x0  }
0x2d2: {  	[sflag:s19] =	ssyncadd.s32 $0xFFFFC000  }
0x2d3: {  	_ =	swait.ge [sflag:s26], $0x4000  }
0x2d4: {  	[sflag:s26] =	ssyncset.done $0x0  }
0x2d5: {  	s9 =	simm.s32 $0x0;
	s10 =	rddreg [dreg:$0x10];
	[sflag:s26] =	ssyncadd.s32 $0xFFFFC000  }
0x2d6: {  	[tilespmem:s9], [sflag:$0x7] =	stream.linear.gather [hbm4b:s10+s9], $0x1400, $0x38;
	[tilespmem:$0x1F800] =	vst v63  }
0x2d7: {  	_ =	swait.ge [sflag:s6], $0x1400  }
0x2d8: {  	[sflag:s6] =	ssyncset.done $0x0  }
0x2d9: {  	s23 =	rddreg [dreg:$0x11];
	[sflag:s6] =	ssyncadd.s32 $0xFFFFEC00  }
0x2da: {  	[tilespmem:s12], [sflag:$0x7] =	stream.linear.gather [hbm4b:s23+s9], $0x1400, $0x38;
	[tilespmem:$0x1F800] =	vst v63  }
0x2db: {  	_ =	swait.ge [sflag:s6], $0x1400  }
.Ltmp46:
0x2dc: {  	[sflag:s6] =	ssyncset.done $0x0;
	(pc) =	sbr.rel .LBB2_69-.Ltmp46, $4  }
0x2dd: {  	[sflag:s6] =	ssyncadd.s32 $0xFFFFEC00  }
0x2de: {  	[tilespmem:s14], [sflag:$0x1] =	stream.indirect.gather [hbm4b:s8+s13], $0x80, s12, s13, $0xb8;
	[tilespmem:$0x1F800] =	vst v63  }
0x2df: {  	s24 =	simm.s32 $0x1440;
	s10 =	simm.s32 $0x14C0;
	s23 =	simm.s32 $0x0  }
0x2e0: {  	[tilespmem:s16], [sflag:$0x2] =	stream.indirect.gather [hbm4b:s8+s13], $0x80, s24, s13, $0xb8;
	[tilespmem:$0x1F800] =	vst v63  }
.LBB2_72:
0x2e1: {  	[spmem:s1] =	stream.indirect.scatter.add.f32 [tilespmem:s14], [sflag:$0x5], $0x80, s22, s20, $0xb8;
	[tilespmem:$0x1F800] =	vst v63  }
.LBB2_75:
0x2e2: {  	_ =	swait.ge [sflag:s17], $0x2000  }
0x2e3: {  	[sflag:s17] =	ssyncset.done $0x0  }
0x2e4: {  	[sflag:s17] =	ssyncadd.s32 $0xFFFFE000  }
0x2e5: {  	_ =	swait.ge [sflag:s18], $0x2000  }
0x2e6: {  	[sflag:s18] =	ssyncset.done $0x0  }
0x2e7: {  	[sflag:s18] =	ssyncadd.s32 $0xFFFFE000  }
0x2e8: {  	_ =	swait.ge [sflag:s19], $0x4000  }
0x2e9: {  	[sflag:s19] =	ssyncset.done $0x0  }
0x2ea: {  	s15 =	sadd.s32 $0xFFFFFFC0, s10;
	[sflag:s19] =	ssyncadd.s32 $0xFFFFC000  }
0x2eb: {  	[tilespmem:s14], [sflag:$0x1] =	stream.indirect.gather [hbm4b:s8+s13], $0x80, s15, s13, $0xb8;
	[tilespmem:$0x1F800] =	vst v63  }
0x2ec: {  	_ = 	snop  }
0x2ed: {  	[tilespmem:s16], [sflag:$0x2] =	stream.indirect.gather [hbm4b:s8+s13], $0x80, s10, s13, $0xb8;
	[tilespmem:$0x1F800] =	vst v63  }
0x2ee: {  	_ = 	snop  }
0x2ef: {  	[spmem:s1] =	stream.indirect.scatter.add.f32 [tilespmem:s21], [sflag:$0x6], $0x80, s9, s20, $0xb8;
	[tilespmem:$0x1F800] =	vst v63  }
.LBB2_76:
0x2f0: {  	s23 =	sadd.s32 $0x1, s23  }
0x2f1: {  	p1 =	sne.s32 s23, $0x27  }
.Ltmp47:
0x2f2: {  	_ = 	snop;
	(pc) =	sbr.rel @!p1 .LBB2_77-.Ltmp47, $2  }
0x2f3: {  	_ =	sdelay $0x2  }
0x2f4: {  	s9 =	sadd.s32 $0x80, s9;
	s10 =	sadd.s32 $0x80, s10  }
.LBB2_69:
0x2f5: {  	s24 =	sand.u32 $0x1, s23  }
0x2f6: {  	p1 =	seq.s32 s24, $0x1  }
.Ltmp48:
0x2f7: {  	_ = 	snop;
	(pc) =	sbr.rel @p1 .LBB2_75-.Ltmp48, $1  }
0x2f8: {  	_ =	sdelay $0x3  }
0x2f9: {  	_ =	swait.ge [sflag:s28], $0x2000;
	p1 =	seq.s32 s23, $0x0  }
.Ltmp49:
0x2fa: {  	[sflag:s28] =	ssyncset.done $0x0;
	(pc) =	sbr.rel @p1 .LBB2_74-.Ltmp49, $4  }
0x2fb: {  	[sflag:s28] =	ssyncadd.s32 $0xFFFFE000  }
0x2fc: {  	_ =	swait.ge [sflag:s29], $0x2000  }
0x2fd: {  	[sflag:s29] =	ssyncset.done $0x0  }
0x2fe: {  	[sflag:s29] =	ssyncadd.s32 $0xFFFFE000  }
0x2ff: {  	p1 =	sne.s32 s23, $0x27  }
.Ltmp50:
0x300: {  	_ = 	snop;
	(pc) =	sbr.rel @!p1 .LBB2_72-.Ltmp50, $1  }
0x301: {  	_ =	sdelay $0x3  }
0x302: {  	_ =	swait.ge [sflag:s26], $0x4000  }
0x303: {  	[sflag:s26] =	ssyncset.done $0x0  }
0x304: {  	[sflag:s26] =	ssyncadd.s32 $0xFFFFC000  }
.LBB2_74:
0x305: {  	s15 =	sadd.s32 $0xFFFFFFC0, s10;
	p1 =	seq.s32 s24, $0x0  }
0x306: {  	[tilespmem:s21], [sflag:$0x3] =	stream.indirect.gather [hbm4b:s8+s13], $0x80, s15, s13, $0xb8;
	[tilespmem:$0x1F800] =	vst v63  }
.Ltmp51:
0x307: {  	_ = 	snop;
	(pc) =	sbr.rel @p1 .LBB2_76-.Ltmp51, $4  }
.Ltmp52:
0x308: {  	_ = 	snop;
	(pc) =	sbr.rel @!p1 .LBB2_75-.Ltmp52, $4  }
0x309: {  	[tilespmem:s30], [sflag:$0x4] =	stream.indirect.gather [hbm4b:s8+s13], $0x80, s10, s13, $0xb8;
	[tilespmem:$0x1F800] =	vst v63  }
0x30a: {  	_ = 	snop  }
0x30b: {  	[spmem:s1] =	stream.indirect.scatter.add.f32 [tilespmem:s14], [sflag:$0x5], $0x80, s9, s20, $0xb8;
	[tilespmem:$0x1F800] =	vst v63  }
0x30c: {  	_ = 	snop  }
.LBB2_31:
0x30d: {  	_ =	swait.ge [sflag:s17], $0x2000  }
0x30e: {  	[sflag:s17] =	ssyncset.done $0x0  }
0x30f: {  	[sflag:s17] =	ssyncadd.s32 $0xFFFFE000  }
0x310: {  	_ =	swait.ge [sflag:s18], $0x2000  }
0x311: {  	[sflag:s18] =	ssyncset.done $0x0  }
0x312: {  	[sflag:s18] =	ssyncadd.s32 $0xFFFFE000  }
0x313: {  	[spmem:s1] =	stream.indirect.scatter.add.f32 [tilespmem:s21], [sflag:$0x6], $0x80, s22, s20, $0xb8;
	[tilespmem:$0x1F800] =	vst v63  }
0x314: {  	_ =	swait.ge [sflag:s19], $0x4000  }
0x315: {  	[sflag:s19] =	ssyncset.done $0x0  }
0x316: {  	[sflag:s19] =	ssyncadd.s32 $0xFFFFC000  }
0x317: {  	_ =	swait.ge [sflag:s26], $0x4000  }
0x318: {  	[sflag:s26] =	ssyncset.done $0x0  }
0x319: {  	s9 =	simm.s32 $0x0;
	s10 =	rddreg [dreg:$0x10];
	[sflag:s26] =	ssyncadd.s32 $0xFFFFC000  }
0x31a: {  	[tilespmem:s9], [sflag:$0x7] =	stream.linear.gather [hbm4b:s10+s9], $0x1400, $0x38;
	[tilespmem:$0x1F800] =	vst v63  }
0x31b: {  	_ =	swait.ge [sflag:s6], $0x1400  }
0x31c: {  	[sflag:s6] =	ssyncset.done $0x0  }
0x31d: {  	s23 =	rddreg [dreg:$0x11];
	[sflag:s6] =	ssyncadd.s32 $0xFFFFEC00  }
0x31e: {  	[tilespmem:s12], [sflag:$0x7] =	stream.linear.gather [hbm4b:s23+s9], $0x1400, $0x38;
	[tilespmem:$0x1F800] =	vst v63  }
0x31f: {  	_ =	swait.ge [sflag:s6], $0x1400  }
.Ltmp53:
0x320: {  	[sflag:s6] =	ssyncset.done $0x0;
	(pc) =	sbr.rel .LBB2_32-.Ltmp53, $4  }
0x321: {  	[sflag:s6] =	ssyncadd.s32 $0xFFFFEC00  }
0x322: {  	[tilespmem:s14], [sflag:$0x1] =	stream.indirect.gather [hbm4b:s5+s13], $0x80, s12, s13, $0xb8;
	[tilespmem:$0x1F800] =	vst v63  }
0x323: {  	s24 =	simm.s32 $0x1440;
	s10 =	simm.s32 $0x14C0;
	s23 =	simm.s32 $0x0  }
0x324: {  	[tilespmem:s16], [sflag:$0x2] =	stream.indirect.gather [hbm4b:s5+s13], $0x80, s24, s13, $0xb8;
	[tilespmem:$0x1F800] =	vst v63  }
.LBB2_35:
0x325: {  	[spmem:s1] =	stream.indirect.scatter.add.f32 [tilespmem:s14], [sflag:$0x5], $0x80, s22, s20, $0xb8;
	[tilespmem:$0x1F800] =	vst v63  }
.LBB2_38:
0x326: {  	_ =	swait.ge [sflag:s17], $0x2000  }
0x327: {  	[sflag:s17] =	ssyncset.done $0x0  }
0x328: {  	[sflag:s17] =	ssyncadd.s32 $0xFFFFE000  }
0x329: {  	_ =	swait.ge [sflag:s18], $0x2000  }
0x32a: {  	[sflag:s18] =	ssyncset.done $0x0  }
0x32b: {  	[sflag:s18] =	ssyncadd.s32 $0xFFFFE000  }
0x32c: {  	_ =	swait.ge [sflag:s19], $0x4000  }
0x32d: {  	[sflag:s19] =	ssyncset.done $0x0  }
0x32e: {  	s15 =	sadd.s32 $0xFFFFFFC0, s10;
	[sflag:s19] =	ssyncadd.s32 $0xFFFFC000  }
0x32f: {  	[tilespmem:s14], [sflag:$0x1] =	stream.indirect.gather [hbm4b:s5+s13], $0x80, s15, s13, $0xb8;
	[tilespmem:$0x1F800] =	vst v63  }
0x330: {  	_ = 	snop  }
0x331: {  	[tilespmem:s16], [sflag:$0x2] =	stream.indirect.gather [hbm4b:s5+s13], $0x80, s10, s13, $0xb8;
	[tilespmem:$0x1F800] =	vst v63  }
0x332: {  	_ = 	snop  }
0x333: {  	[spmem:s1] =	stream.indirect.scatter.add.f32 [tilespmem:s21], [sflag:$0x6], $0x80, s9, s20, $0xb8;
	[tilespmem:$0x1F800] =	vst v63  }
.LBB2_39:
0x334: {  	s23 =	sadd.s32 $0x1, s23  }
0x335: {  	p1 =	seq.s32 s23, $0x27  }
.Ltmp54:
0x336: {  	_ = 	snop;
	(pc) =	sbr.rel @p1 .LBB2_40-.Ltmp54, $2  }
0x337: {  	_ =	sdelay $0x2  }
0x338: {  	s9 =	sadd.s32 $0x80, s9;
	s10 =	sadd.s32 $0x80, s10  }
.LBB2_32:
0x339: {  	s24 =	sand.u32 $0x1, s23  }
0x33a: {  	p1 =	seq.s32 s24, $0x1  }
.Ltmp55:
0x33b: {  	_ = 	snop;
	(pc) =	sbr.rel @p1 .LBB2_38-.Ltmp55, $1  }
0x33c: {  	_ =	sdelay $0x3  }
0x33d: {  	_ =	swait.ge [sflag:s28], $0x2000;
	p1 =	seq.s32 s23, $0x0  }
.Ltmp56:
0x33e: {  	[sflag:s28] =	ssyncset.done $0x0;
	(pc) =	sbr.rel @p1 .LBB2_37-.Ltmp56, $4  }
0x33f: {  	[sflag:s28] =	ssyncadd.s32 $0xFFFFE000  }
0x340: {  	_ =	swait.ge [sflag:s29], $0x2000  }
0x341: {  	[sflag:s29] =	ssyncset.done $0x0  }
0x342: {  	[sflag:s29] =	ssyncadd.s32 $0xFFFFE000  }
0x343: {  	p1 =	sne.s32 s23, $0x27  }
.Ltmp57:
0x344: {  	_ = 	snop;
	(pc) =	sbr.rel @!p1 .LBB2_35-.Ltmp57, $1  }
0x345: {  	_ =	sdelay $0x3  }
0x346: {  	_ =	swait.ge [sflag:s26], $0x4000  }
0x347: {  	[sflag:s26] =	ssyncset.done $0x0  }
0x348: {  	[sflag:s26] =	ssyncadd.s32 $0xFFFFC000  }
.LBB2_37:
0x349: {  	s15 =	sadd.s32 $0xFFFFFFC0, s10;
	p1 =	seq.s32 s24, $0x0  }
0x34a: {  	[tilespmem:s21], [sflag:$0x3] =	stream.indirect.gather [hbm4b:s5+s13], $0x80, s15, s13, $0xb8;
	[tilespmem:$0x1F800] =	vst v63  }
.Ltmp58:
0x34b: {  	_ = 	snop;
	(pc) =	sbr.rel @p1 .LBB2_39-.Ltmp58, $4  }
.Ltmp59:
0x34c: {  	_ = 	snop;
	(pc) =	sbr.rel @!p1 .LBB2_38-.Ltmp59, $4  }
0x34d: {  	[tilespmem:s30], [sflag:$0x4] =	stream.indirect.gather [hbm4b:s5+s13], $0x80, s10, s13, $0xb8;
	[tilespmem:$0x1F800] =	vst v63  }
0x34e: {  	_ = 	snop  }
0x34f: {  	[spmem:s1] =	stream.indirect.scatter.add.f32 [tilespmem:s14], [sflag:$0x5], $0x80, s9, s20, $0xb8;
	[tilespmem:$0x1F800] =	vst v63  }
0x350: {  	_ = 	snop  }
.LBB2_40:
.Ltmp60:
0x351: {  	(pc) =	sbr.rel .LBB2_78-.Ltmp60, $2  }
0x352: {  	_ =	sdelay $0x2  }
0x353: {  	s9 =	rddreg [dreg:$0x5]  }
.LBB2_79:
0x354: {  	_ =	sfence.sel $0x180000  }
0x355: {  	[bflag:$0x0] =	sbarrier.arrive $0xFFFF  }
0x356: {  	_ =	strace $0x9000004A  }
0x357: {  	s0 =	stileid.u32;
	[bflag:$0x2] =	sbarrier.arrive $0xFFFF  }
0x358: {  	p0 =	sne.s32 s0, $0x0;
	s0 =	rddreg [dreg:$0x3]  }
0x359: {  	s0 =	sadd.s32 @!p0 $0x100000, s0  }
0x35a: {  	[sflag:s0] =	ssyncadd.tile.s32 @!p0 $0x1;
	_ =	shalt  }
.Lfunc_end2:
_tile_overlayer_lowered:
.L_overlay_start_2:
0x35b: {  	(tag) =	ssettag $0x2  }
0x35c: {  	s0 =	rddreg [dreg:$0x0];
	s2 =	stileid.u32  }
0x35d: {  	s1 =	rddreg [dreg:$0x1];
	p0 =	sne.s32 s2, $0x0  }
0x35e: {  	s3 =	rddreg [dreg:$0x2];
	[bflag:$0x3] =	sbarrier.arrive $0xFFFF;
	s2 =	simm.s32 @!p0 $0x1C07  }
0x35f: {  	[timem:s3], [sflag:s2] =	dma.local @!p0 [hbm:s0], s1  }
0x360: {  	s0 =	simm.s32 @!p0 $0x7  }
0x361: {  	_ =	swait.ge @!p0 [sflag:s0], s1  }
0x362: {  	s1 =	ssub.s32 @!p0 $0x0, s1;
	[sflag:s0] =	ssyncset.done @!p0 $0x0  }
0x363: {  	[sflag:s0] =	ssyncadd.s32 @!p0 s1  }
0x364: {  	[bflag:$0x3] =	sbarrier.arrive $0xFFFF  }
0x365: {  	_ =	shalt  }

// kernel: kernel.8.cloned.1.call-start
scs
__scs_entry_jumppad:
0x0: {  	(pc) =	sbr.rel $0x88, $3  }
0x1: {  	(tag) =	ssettag $0x0;
	lr =	simm.s32 $0x1  }
0x2: {  	[smem:$0x3F97] =	sst lr;
	_ =	strace $0xD0000000  }
0x3: {  	_ = 	snop  }
0x4: {  	_ = 	snop  }
0x5: {  	_ = 	snop  }
0x6: {  	_ = 	snop  }
0x7: {  	_ = 	snop  }
__scs_overlays_trampoline_lowered:
0x8: {  	[smem:$0x3FA6] =	sst s0  }
0x9: {  	[smem:$0x3FA7] =	sst s1  }
0xa: {  	[smem:$0x3FA8] =	sst s2  }
0xb: {  	[smem:$0x3FA9] =	sst s3  }
0xc: {  	[smem:$0x3FAA] =	sst s4  }
0xd: {  	[smem:$0x3FAB] =	sst s5  }
0xe: {  	[smem:$0x3FAC] =	sst s6  }
0xf: {  	[smem:$0x3FAD] =	sst s7  }
0x10: {  	[smem:$0x3FAE] =	sst s8  }
0x11: {  	[smem:$0x3FAF] =	sst s9;
	s0 =	simm.s32 @!p0 $0x0  }
0x12: {  	s1 =	sld [smem:$0x3F95];
	s0 =	simm.s32 @p0 $0x1  }
0x13: {  	[smem:$0x3FB0] =	sst s0;
	s0 =	simm.s32 @!p1 $0x0  }
0x14: {  	s2 =	sld [smem:$0x3F94];
	s0 =	simm.s32 @p1 $0x1  }
0x15: {  	[smem:$0x3FB1] =	sst s0;
	s0 =	simm.s32 @!p2 $0x0  }
0x16: {  	s3 =	sld [smem:$0x3FDB];
	s0 =	simm.s32 @p2 $0x1  }
0x17: {  	s4 =	simm.s32 $0x1BF5;
	[smem:$0x3FB3] =	sst s0  }
0x18: {  	s0 =	sld [smem:$0x3F96];
	_ =	swait.ge [sflag:s4], $0x0  }
0x19: {  	s7 =	sld [smem:$0x3F97]  }
0x1a: {  	s8 =	sadd.s32 $0xFFFFE003, lr  }
0x1b: {  	s9 =	sadd.s32 $0xFFFFFEF7, lr;
	s5 =	simm.s32 $0xFFFFFFFF;
	p2 =	slt.u32 s8, $0xFFFFF086  }
0x1c: {  	p1 =	slt.u32 s9, $0xF7A;
	s5 =	simm.s32 @!p2 $0x0  }
0x1d: {  	s5 =	simm.s32 @p1 $0x1;
	p0 =	seq.s32 s7, s2  }
0x1e: {  	s7 =	smul.u32 @!p0 $0xF7A, s2;
	p2 =	seq.s32 @!p0 s5, $0x0  }
0x1f: {  	s9 =	smul.u32 $0xF7A, s1;
	s8 =	simm.s32 @!p0 $0x1BF5;
	p2 =	por !p2, p0  }
0x20: {  	[sflag:s8] =	ssyncset.s32 @!p0 $0xFFFFF086;
	s6 =	sadd.s32 @!p0 s3, s7;
	s7 =	simm.s32 @!p0 $0x108  }
0x21: {  	s3 =	sadd.s32 s3, s9;
	s6 =	sadd.s32 @!p0 $0x88, s6;
	s7 =	simm.s32 @p2 $0x1082  }
0x22: {  	[simem:s7], [sflag:s8] =	dma.local @!p0 [hbm:s6], $0xF7A  }
0x23: {  	s9 =	sor.u32 $0xD0000000, s2;
	s6 =	simm.s32 $0x108;
	_ =	swait.ge @!p0 [sflag:s8], $0x0  }
0x24: {  	s3 =	sadd.s32 $0x88, s3;
	s6 =	simm.s32 @!p1 $0x1082;
	[sflag:s4] =	ssyncset.s32 $0xFFFFF086  }
0x25: {  	[simem:s6], [sflag:s4] =	dma.local [hbm:s3], $0xF7A  }
0x26: {  	[smem:$0x3F97] =	sst s1;
	(tag) =	ssettag s2;
	_ =	strace s9  }
0x27: {  	s1 =	sld [smem:$0x3FA7]  }
0x28: {  	s2 =	sld [smem:$0x3FA8]  }
0x29: {  	s4 =	sld [smem:$0x3FAA]  }
0x2a: {  	p0 =	seq.s32 s5, $0x0;
	s5 =	sld [smem:$0x3FAB]  }
0x2b: {  	s6 =	sld [smem:$0x3FAC]  }
0x2c: {  	s7 =	sld [smem:$0x3FAD]  }
0x2d: {  	s3 =	simm.s32 $0x108;
	s8 =	sld [smem:$0x3FAE]  }
0x2e: {  	s3 =	simm.s32 @!p0 $0x1082;
	s9 =	sld [smem:$0x3FAF]  }
0x2f: {  	lr =	sadd.s32 s0, s3;
	s0 =	sld [smem:$0x3FA6]  }
0x30: {  	s3 =	sld [smem:$0x3FA9]  }
0x31: {  	[smem:$0x3FB2] =	sst s10  }
0x32: {  	s10 =	sld [smem:$0x3FB0];
	_ =	sdelay $0x3  }
0x33: {  	p0 =	seq.s32 s10, $0x1;
	s10 =	sld [smem:$0x3FB2];
	_ =	sdelay $0x3  }
0x34: {  	[smem:$0x3FB2] =	sst s10  }
0x35: {  	s10 =	sld [smem:$0x3FB1];
	_ =	sdelay $0x3  }
0x36: {  	p1 =	seq.s32 s10, $0x1;
	s10 =	sld [smem:$0x3FB2];
	_ =	sdelay $0x3  }
0x37: {  	[smem:$0x3FB2] =	sst s10  }
0x38: {  	s10 =	sld [smem:$0x3FB3]  }
0x39: {  	_ = 	snop;
	(pc) =	sbr.ind lr, $3  }
0x3a: {  	_ = 	snop  }
0x3b: {  	_ = 	snop  }
0x3c: {  	p2 =	seq.s32 s10, $0x1;
	s10 =	sld [smem:$0x3FB2]  }
0x3d: {  	_ =	shalt  }
0x3e: {  	_ =	shalt  }
0x3f: {  	_ =	shalt  }
0x40: {  	_ =	shalt  }
0x41: {  	_ =	shalt  }
0x42: {  	_ =	shalt  }
0x43: {  	_ =	shalt  }
0x44: {  	_ =	shalt  }
0x45: {  	_ =	shalt  }
0x46: {  	_ =	shalt  }
0x47: {  	_ =	shalt  }
0x48: {  	_ =	shalt  }
0x49: {  	_ =	shalt  }
0x4a: {  	_ =	shalt  }
0x4b: {  	_ =	shalt  }
0x4c: {  	_ =	shalt  }
0x4d: {  	_ =	shalt  }
0x4e: {  	_ =	shalt  }
0x4f: {  	_ =	shalt  }
0x50: {  	_ =	shalt  }
0x51: {  	_ =	shalt  }
0x52: {  	_ =	shalt  }
0x53: {  	_ =	shalt  }
0x54: {  	_ =	shalt  }
0x55: {  	_ =	shalt  }
0x56: {  	_ =	shalt  }
0x57: {  	_ =	shalt  }
0x58: {  	_ =	shalt  }
0x59: {  	_ =	shalt  }
0x5a: {  	_ =	shalt  }
0x5b: {  	_ =	shalt  }
0x5c: {  	_ =	shalt  }
0x5d: {  	_ =	shalt  }
0x5e: {  	_ =	shalt  }
0x5f: {  	_ =	shalt  }
0x60: {  	_ =	shalt  }
0x61: {  	_ =	shalt  }
0x62: {  	_ =	shalt  }
0x63: {  	_ =	shalt  }
0x64: {  	_ =	shalt  }
0x65: {  	_ =	shalt  }
0x66: {  	_ =	shalt  }
0x67: {  	_ =	shalt  }
0x68: {  	_ =	shalt  }
0x69: {  	_ =	shalt  }
0x6a: {  	_ =	shalt  }
0x6b: {  	_ =	shalt  }
0x6c: {  	_ =	shalt  }
0x6d: {  	_ =	shalt  }
0x6e: {  	_ =	shalt  }
0x6f: {  	_ =	shalt  }
0x70: {  	_ =	shalt  }
0x71: {  	_ =	shalt  }
0x72: {  	_ =	shalt  }
0x73: {  	_ =	shalt  }
0x74: {  	_ =	shalt  }
0x75: {  	_ =	shalt  }
0x76: {  	_ =	shalt  }
0x77: {  	_ =	shalt  }
0x78: {  	_ =	shalt  }
0x79: {  	_ =	shalt  }
0x7a: {  	_ =	shalt  }
0x7b: {  	_ =	shalt  }
0x7c: {  	_ =	shalt  }
0x7d: {  	_ =	shalt  }
0x7e: {  	_ =	shalt  }
0x7f: {  	_ =	shalt  }
0x80: {  	_ =	shalt  }
0x81: {  	_ =	shalt  }
0x82: {  	_ =	shalt  }
0x83: {  	_ =	shalt  }
0x84: {  	_ =	shalt  }
0x85: {  	_ =	shalt  }
0x86: {  	_ =	shalt  }
0x87: {  	_ =	shalt  }
.Lfunc_end0:
.L_simem_size_0:
called_computation_lowered:
.L_overlay_start_0:
0x88: {  	s2 =	sld [smem:$0x3FD9]  }
0x89: {  	s3 =	sld [smem:$0x3FFE];
	_ =	sdelay $0x1  }
0x8a: {  	s1 =	srdreg.scid  }
0x8b: {  	s0 =	sand.u32 $0x1, s1  }
0x8c: {  	s16 =	sshll.u32 s0, $0xA;
	s2 =	sadd.s32 s3, s2  }
0x8d: {  	s2 =	sadd.s32 s2, s16  }
0x8e: {  	[smem:$0x3FBE] =	sst s2  }
0x8f: {  	_ = 	snop  }
0x90: {  	(tm) =	ssettm $0x1  }
0x91: {  	s17 =	sld [smem:$0x3FFB];
	_ =	sdelay $0x3  }
0x92: {  	_ =	strace s17  }
0x93: {  	s2 =	sld [smem:$0x3FFC];
	_ =	sdelay $0x3  }
0x94: {  	_ =	strace s2  }
0x95: {  	s2 =	sld [smem:$0x3FFD];
	_ =	sdelay $0x3  }
0x96: {  	_ =	strace s2  }
0x97: {  	_ =	strace $0x8FFFFFFF  }
0x98: {  	s18 =	sld [smem:$0x3FDB];
	_ =	sdelay $0x1  }
0x99: {  	s19 =	simm.s32 $_scs_section_size  }
0x9a: {  	s4 =	simm.s32 $_size__tile_overlayer_lowered;
	s5 =	simm.s32 $_tile_overlayer_lowered  }
0x9b: {  	s22 =	simm.s32 $0x1BFF;
	s21 =	sshll.u32 s5, $0x1;
	s2 =	sadd.s32 s19, s18  }
0x9c: {  	s6 =	simm.s32 $0x0;
	s20 =	sshll.u32 s4, $0x1;
	s4 =	sadd.s32 s21, s2  }
0x9d: {  	[timem:s6], [sflag:s22] =	dma.local [hbm:s4], s20  }
0x9e: {  	_ =	swait.ge [sflag:s22], s20  }
0x9f: {  	s3 =	ssub.s32 $0x0, s20;
	[sflag:s22] =	ssyncset.done $0x0  }
0xa0: {  	[sflag:s22] =	ssyncadd.s32 s3;
	_ =	sdelay $0x1  }
0xa1: {  	s23 =	simm.s32 $0x1B8B  }
0xa2: {  	_ =	swait.ge [sflag:s23], $0x1  }
0xa3: {  	[sflag:s23] =	ssyncset.done $0x0  }
0xa4: {  	s25 =	simm.s32 $0x1B8E;
	s24 =	sld [smem:$0x3FFE];
	[sflag:s23] =	ssyncadd.s32 $0xFFFFFFFF  }
0xa5: {  	s26 =	simm.s32 $execute0_lowered;
	[smem:$0x3FD2] =	sst s25  }
0xa6: {  	s4 =	sshll.u32 s26, $0x1;
	_ =	strace $0x80000046;
	[dreg:$0x1] =	wrdreg $0xFFFFFFFF  }
0xa7: {  	s28 =	simm.s32 $_size_execute0_lowered;
	s2 =	sadd.s32 s2, s4;
	[dreg:$0x0] =	wrdreg $0x0  }
0xa8: {  	s4 =	sshll.u32 s28, $0x1;
	[dreg:$0x2] =	wrdreg s2  }
0xa9: {  	[dreg:$0x3] =	wrdreg s4  }
0xaa: {  	[dreg:$0x4] =	wrdreg $0xC0  }
0xab: {  	_ =	task [dreg:s6], $0x5FFFF  }
0xac: {  	[dreg:$0x1] =	wrdreg $0xFFFFFFFF  }
0xad: {  	[dreg:$0x0] =	wrdreg $0x60  }
0xae: {  	[dreg:$0x2] =	wrdreg s24  }
0xaf: {  	[dreg:$0x3] =	wrdreg $0x2B000  }
0xb0: {  	[dreg:$0x4] =	wrdreg $0x9  }
0xb1: {  	_ =	task.clear_ibuf [dreg:s6], $0x5FFFF;
	_ =	strace $0x90000046  }
0xb2: {  	s29 =	simm.s32 $0x9;
	_ =	strace $0x80000048  }
0xb3: {  	_ =	swait.ge [sflag:s29], $0x1  }
0xb4: {  	[sflag:s29] =	ssyncadd.s32 $0xFFFFFFFF  }
0xb5: {  	_ =	strace $0x90000048  }
0xb6: {  	_ =	sfence  }
0xb7: {  	s30 =	sld [smem:$0x0];
	_ =	sdelay $0x2  }
0xb8: {  	s31 =	sshll.u32 s1, $0xD;
	s1 =	sshrl.u32 s1, $0x2  }
0xb9: {  	s3 =	sand.u32 $0x4000, s31;
	s1 =	sadd.s32 s1, s30  }
0xba: {  	s0 =	sor.u32 s3, s0;
	s1 =	sshll.u32 s1, $0x11  }
0xbb: {  	s0 =	sor.u32 s1, s0  }
0xbc: {  	s0 =	sadd.s32 $0x8F2B, s0  }
0xbd: {  	[sflag:s0] =	ssyncadd.remote.s32 $0x1  }
0xbe: {  	_ =	sfence.sel $0xFFFF  }
0xbf: {  	[dreg:$0x0] =	wrdreg $0xFFFFFFFF;
	(pc) =	sbr.abs _section_cstart, $3  }
0xc0: {  	[dreg:$0x1] =	wrdreg $0xFFFFFFFF  }
0xc1: {  	_ =	task.clear_ibuf [dreg:s6], $0x2FFFF;
	_ =	strace $0x9FFFFFFF  }
0xc2: {  	(tm) =	ssettm $0x7FFFFFFF  }
0xc3: {  	_ =	shalt  }
tec
execute0_lowered:
.L_overlay_start_1:
0x0: {  	(tag) =	ssettag $0x1  }
0x1: {  	s4 =	rddreg [dreg:$0x0];
	s0 =	srdreg.scid  }
0x2: {  	s2 =	rddreg [dreg:$0x1];
	s1 =	stileid.u32;
	s3 =	simm.s32 $0x0  }
0x3: {  	s10 =	simm.s32 $0x1;
	s11 =	simm.s32 $0x80;
	s12 =	simm.s32 $0x2800  }
0x4: {  	s15 =	simm.s32 $0x20;
	s16 =	simm.s32 $0x10;
	s7 =	smul.u32 $0x2800, s1  }
0x5: {  	s5 =	sand.u32 $0x1, s0;
	s0 =	rddreg [dreg:$0x2];
	s8 =	smul.u32 $0x500, s1  }
0x6: {  	s17 =	simm.s32 $0x0;
	[smem:$0x7FF] =	sst s3;
	s9 =	smul.u32 $0xA00, s1  }
0x7: {  	p0 =	seq.s32 s1, $0xF;
	s13 =	sshll.u32 s1, $0x6;
	s6 =	smul.u32 $0x28000, s5  }
0x8: {  	_ =	strace $0x80000047;
	s29 =	sshll.u32 s5, $0x7;
	s5 =	ssub.s32 $0x2, s5  }
0x9: {  	s13 =	sor.u32 $0x1C01, s13;
	s30 =	sshrl.u32 s5, $0x1;
	s31 =	sshrl.u32 s9, $0x2  }
0xa: {  	s9 =	simm.s32 $0x2880;
	s6 =	sadd.s32 s7, s6;
	s7 =	sor.u32 s29, s8  }
0xb: {  	s8 =	ssub.s32 s5, s30;
	s5 =	sadd.s32 s31, s2;
	s6 =	sshrl.u32 s6, $0x3  }
0xc: {  	s7 =	sshrl.u32 s7, $0x3;
	s8 =	smax.u32 s8, $0x1;
	s14 =	sshrl.u32 s5, $0x3  }
0xd: {  	s6 =	sadd.s32 s6, s4;
	s7 =	sadd.s32 s7, s4;
	s4 =	simm.s32 $0x32  }
0xe: {  	v0 =	vimm.f32 $1.000000000e+00;
	v1 =	vimm.f32 $0.0e+00;
	s6 =	sadd.s32 $0x3200, s6;
	s4 =	simm.s32 @!p0 $0x50;
	s7 =	sadd.s32 $0xD200, s7  }
.LBB2_1:
0xf: {  	[tilespmem:$0x2800] =	vst v0  }
0x10: {  	[tilespmem:$0x2810] =	vst v0  }
0x11: {  	[tilespmem:$0x2820] =	vst v0  }
0x12: {  	[tilespmem:$0x2830] =	vst v0  }
0x13: {  	[tilespmem:$0x2840] =	vst v0  }
0x14: {  	[tilespmem:$0x2850] =	vst v0  }
0x15: {  	[tilespmem:$0x2860] =	vst v0  }
0x16: {  	[tilespmem:$0x2870] =	vst v0  }
0x17: {  	[tilespmem:$0x2880] =	vst v1  }
0x18: {  	[tilespmem:$0x2890] =	vst v1  }
0x19: {  	[tilespmem:$0x28A0] =	vst v1  }
0x1a: {  	[tilespmem:$0x28B0] =	vst v1  }
0x1b: {  	[tilespmem:$0x28C0] =	vst v1  }
0x1c: {  	[tilespmem:$0x28D0] =	vst v1  }
0x1d: {  	[tilespmem:$0x28E0] =	vst v1  }
0x1e: {  	[tilespmem:$0x28F0] =	vst v1  }
0x1f: {  	[tilespmem:$0x2900] =	vst v1  }
0x20: {  	[tilespmem:$0x2910] =	vst v1  }
0x21: {  	[tilespmem:$0x2920] =	vst v1  }
0x22: {  	[tilespmem:$0x2930] =	vst v1  }
0x23: {  	[tilespmem:$0x2940] =	vst v1  }
0x24: {  	[tilespmem:$0x2950] =	vst v1  }
0x25: {  	[tilespmem:$0x2960] =	vst v1  }
0x26: {  	[tilespmem:$0x2970] =	vst v1  }
0x27: {  	[tilespmem:$0x2980] =	vst v1  }
0x28: {  	[tilespmem:$0x2990] =	vst v1  }
0x29: {  	[tilespmem:$0x29A0] =	vst v1  }
0x2a: {  	[tilespmem:$0x29B0] =	vst v1  }
0x2b: {  	[tilespmem:$0x29C0] =	vst v1  }
0x2c: {  	[tilespmem:$0x29D0] =	vst v1  }
0x2d: {  	[tilespmem:$0x29E0] =	vst v1  }
0x2e: {  	[tilespmem:$0x29F0] =	vst v1  }
0x2f: {  	[tilespmem:$0x2A00] =	vst v1  }
0x30: {  	[tilespmem:$0x2A10] =	vst v1  }
0x31: {  	[tilespmem:$0x2A20] =	vst v1  }
0x32: {  	[tilespmem:$0x2A30] =	vst v1  }
0x33: {  	[tilespmem:$0x2A40] =	vst v1  }
0x34: {  	[tilespmem:$0x2A50] =	vst v1  }
0x35: {  	[tilespmem:$0x2A60] =	vst v1  }
0x36: {  	[tilespmem:$0x2A70] =	vst v1  }
0x37: {  	[tilespmem:$0x2A80] =	vst v1  }
0x38: {  	[tilespmem:$0x2A90] =	vst v1  }
0x39: {  	[tilespmem:$0x2AA0] =	vst v1  }
0x3a: {  	[tilespmem:$0x2AB0] =	vst v1  }
0x3b: {  	[tilespmem:$0x2AC0] =	vst v1  }
0x3c: {  	[tilespmem:$0x2AD0] =	vst v1  }
0x3d: {  	[tilespmem:$0x2AE0] =	vst v1  }
0x3e: {  	[tilespmem:$0x2AF0] =	vst v1  }
0x3f: {  	[spmem:s5] =	stream.linear.scatter [tilespmem:s9], [sflag:$0x1], $0x280, $0x38;
	[tilespmem:$0x2D80] =	vst v63  }
0x40: {  	_ =	swait.ge [sflag:s10], $0x280  }
0x41: {  	[sflag:s10] =	ssyncset.done $0x0  }
0x42: {  	[sflag:s10] =	ssyncadd.s32 $0xFFFFFD80  }
0x43: {  	[tilespmem:s3], [sflag:$0x1] =	stream.linear.gather [hbm4b:s6+s3], $0x2800, $0x38;
	[tilespmem:$0x2D80] =	vst v63  }
0x44: {  	_ =	swait.ge [sflag:s10], $0x2800  }
0x45: {  	p0 =	sne.s32 s4, $0x1;
	[sflag:s10] =	ssyncset.done $0x0  }
.Ltmp0:
0x46: {  	[sflag:s10] =	ssyncadd.s32 $0xFFFFD800;
	(pc) =	sbr.rel @!p0 .LBB2_3-.Ltmp0, $4  }
0x47: {  	[bflag:$0x0] =	sbarrier.arrive $0xFFFF  }
0x48: {  	[spmem:s2] =	stream.indirect.scatter.add.f32 [tilespmem:s12], [sflag:$0x1], $0x1, s3, s11, $0xb8;
	[tilespmem:$0x2D80] =	vst v63  }
0x49: {  	_ =	swait.ge [sflag:s10], $0x80  }
0x4a: {  	s18 =	sadd.s32 $0xFFFFFFFF, s4;
	s19 =	simm.s32 $0x0;
	[sflag:s10] =	ssyncset.done $0x0  }
.LBB2_2:
0x4b: {  	p0 =	sne.s32 s18, $0x1;
	[sflag:s10] =	ssyncadd.s32 $0xFFFFFF80;
	s19 =	sadd.s32 $0x80, s19  }
.Ltmp1:
0x4c: {  	s18 =	sadd.s32 $0xFFFFFFFF, s18;
	(pc) =	sbr.rel @p0 .LBB2_2-.Ltmp1, $4  }
0x4d: {  	_ = 	snop  }
0x4e: {  	[spmem:s2] =	stream.indirect.scatter.add.f32 [tilespmem:s12], [sflag:$0x1], $0x1, s19, s11, $0xb8;
	[tilespmem:$0x2D80] =	vst v63  }
0x4f: {  	_ =	swait.ge [sflag:s10], $0x80  }
0x50: {  	[sflag:s10] =	ssyncset.done $0x0  }
.LBB2_3:
0x51: {  	s17 =	sadd.s32 $0x1, s17  }
0x52: {  	[sflag:s10] =	ssyncadd.s32 $0xFFFFFF80;
	p0 =	sne.s32 s17, s8  }
.Ltmp2:
0x53: {  	[bflag:$0x0] =	sbarrier.arrive $0xFFFF;
	(pc) =	sbr.rel @p0 .LBB2_1-.Ltmp2, $4  }
0x54: {  	[hbm:s7@s15], [sflag:s13] =	dma.strided [spmem:s14@s16], $0x50, s10, $0x10   }
0x55: {  	_ =	swait.ge [sflag:s10], $0x50  }
0x56: {  	[sflag:s10] =	ssyncset.done $0x0  }
0x57: {  	[sflag:s10] =	ssyncadd.s32 $0xFFFFFFB0  }
0x58: {  	_ =	sfence.sel $0x180000  }
0x59: {  	[bflag:$0x0] =	sbarrier.arrive $0xFFFF  }
0x5a: {  	p0 =	sne.s32 s1, $0x0;
	_ =	strace $0x90000047  }
0x5b: {  	s0 =	sadd.s32 @!p0 $0x100000, s0;
	[bflag:$0x2] =	sbarrier.arrive $0xFFFF  }
0x5c: {  	[sflag:s0] =	ssyncadd.tile.s32 @!p0 $0x1;
	_ =	shalt  }
.Lfunc_end2:
_tile_overlayer_lowered:
.L_overlay_start_2:
0x5d: {  	(tag) =	ssettag $0x2  }
0x5e: {  	s0 =	rddreg [dreg:$0x0];
	s2 =	stileid.u32  }
0x5f: {  	s1 =	rddreg [dreg:$0x1];
	p0 =	sne.s32 s2, $0x0  }
0x60: {  	s3 =	rddreg [dreg:$0x2];
	[bflag:$0x3] =	sbarrier.arrive $0xFFFF;
	s2 =	simm.s32 @!p0 $0x1C01  }
0x61: {  	[timem:s3], [sflag:s2] =	dma.local @!p0 [hbm:s0], s1  }
0x62: {  	s0 =	simm.s32 @!p0 $0x1  }
0x63: {  	_ =	swait.ge @!p0 [sflag:s0], s1  }
0x64: {  	s1 =	ssub.s32 @!p0 $0x0, s1;
	[sflag:s0] =	ssyncset.done @!p0 $0x0  }
0x65: {  	[sflag:s0] =	ssyncadd.s32 @!p0 s1  }
0x66: {  	[bflag:$0x3] =	sbarrier.arrive $0xFFFF  }
0x67: {  	_ =	shalt  }

</sc_bundles>
